<compile_context>
chip_gen: v7x
topology: tpu7x:2x2x1
jax: 0.10.2.dev20260603
libtpu: 0.0.44.dev20260713+nightly
codegen_flags: <defaults>
</compile_context>

<pallas_src>
import functools

import jax
import jax.numpy as jnp
from jax import lax
from jax.experimental import pallas as pl
from jax.experimental.pallas import tpu as pltpu
from jax.experimental.pallas import tpu_sc as plsc

N = 10000
E = 320000
D = 128
HID = 256
H = 4
C = 64
B = 64
NEG_SLOPE = 0.2

NC = 2
NS = 16
NW = NC * NS

GG = 80
NPAD = 10240
BN = 1000
BE = 1000

_f32 = jnp.float32



def _ln(h, g, b, eps=1e-5):
  mu = jnp.mean(h, axis=-1, keepdims=True)
  var = jnp.mean((h - mu) ** 2, axis=-1, keepdims=True)
  return (h - mu) / jnp.sqrt(var + eps) * g + b


def _encoder_body(x_ref, w_ref, b_ref, g_ref, bb_ref, o_ref):
  h = jnp.dot(x_ref[...], w_ref[...], preferred_element_type=_f32)
  h = h + b_ref[...]
  h = _ln(h, g_ref[...], bb_ref[...])
  o_ref[...] = jnp.maximum(h, 0.0)


def _encoder(x, enc_W, enc_b, enc_ln_g, enc_ln_b):
  return pl.pallas_call(
      _encoder_body,
      grid=(N // BN,),
      in_specs=[
          pl.BlockSpec((BN, D), lambda i: (i, 0)),
          pl.BlockSpec((D, HID), lambda i: (0, 0)),
          pl.BlockSpec((1, HID), lambda i: (0, 0)),
          pl.BlockSpec((1, HID), lambda i: (0, 0)),
          pl.BlockSpec((1, HID), lambda i: (0, 0)),
      ],
      out_specs=pl.BlockSpec((BN, HID), lambda i: (i, 0)),
      out_shape=jax.ShapeDtypeStruct((N, HID), _f32),
  )(x, enc_W, enc_b.reshape(1, HID), enc_ln_g.reshape(1, HID),
    enc_ln_b.reshape(1, HID))


def _xlxr_body(h_ref, wl_ref, wr_ref, xl_ref, xr_ref):
  h = h_ref[...]
  xl_ref[...] = jnp.dot(h, wl_ref[...], preferred_element_type=_f32)
  xr_ref[...] = jnp.dot(h, wr_ref[...], preferred_element_type=_f32)


def _xlxr(h, Wl, Wr):
  return pl.pallas_call(
      _xlxr_body,
      grid=(N // BN,),
      in_specs=[
          pl.BlockSpec((BN, HID), lambda i: (i, 0)),
          pl.BlockSpec((HID, H * C), lambda i: (0, 0)),
          pl.BlockSpec((HID, H * C), lambda i: (0, 0)),
      ],
      out_specs=[
          pl.BlockSpec((BN, H * C), lambda i: (i, 0)),
          pl.BlockSpec((BN, H * C), lambda i: (i, 0)),
      ],
      out_shape=[
          jax.ShapeDtypeStruct((N, H * C), _f32),
          jax.ShapeDtypeStruct((N, H * C), _f32),
      ],
  )(h, Wl, Wr)


def _edge_body(xls_ref, xrd_ref, ea_ref, dst_ref, we_ref, att_ref, msg_ref,
               aexp_ref):
  ee = jnp.dot(ea_ref[...], we_ref[...], preferred_element_type=_f32)
  e = xls_ref[...] + xrd_ref[...] + ee
  e = jnp.where(e > 0, e, NEG_SLOPE * e)
  ea = e * att_ref[...]
  parts = [jnp.sum(ea[:, h * C:(h + 1) * C], axis=1, keepdims=True)
           for h in range(H)]
  aexp = jnp.exp(jnp.concatenate(parts, axis=1))
  scale = jnp.concatenate(
      [jnp.broadcast_to(aexp[:, h:h + 1], (BE, C)) for h in range(H)], axis=1)
  msg_ref[...] = xls_ref[...] * scale
  lane16 = jnp.concatenate([aexp, jnp.zeros((BE, 16 - H), _f32)], axis=1)
  tile8 = jnp.concatenate([lane16] * 8, axis=1)
  slot = jnp.bitwise_and(dst_ref[...], 7)
  lane_group = lax.broadcasted_iota(jnp.int32, (BE, 128), 1) // 16
  aexp_ref[...] = jnp.where(lane_group == slot, tile8, 0.0)


def _edge_pass(xls, xrd, edge_attr, dst_col, We, att_flat):
  return pl.pallas_call(
      _edge_body,
      grid=(E // BE,),
      in_specs=[
          pl.BlockSpec((BE, H * C), lambda i: (i, 0)),
          pl.BlockSpec((BE, H * C), lambda i: (i, 0)),
          pl.BlockSpec((BE, D), lambda i: (i, 0)),
          pl.BlockSpec((BE, 1), lambda i: (i, 0)),
          pl.BlockSpec((D, H * C), lambda i: (0, 0)),
          pl.BlockSpec((1, H * C), lambda i: (0, 0)),
      ],
      out_specs=[
          pl.BlockSpec((BE, H * C), lambda i: (i, 0)),
          pl.BlockSpec((BE, 128), lambda i: (i, 0)),
      ],
      out_shape=[
          jax.ShapeDtypeStruct((E, H * C), _f32),
          jax.ShapeDtypeStruct((E, 128), _f32),
      ],
  )(xls, xrd, edge_attr, dst_col, We, att_flat)


def _finalize_body(out_ref, asum_ref, bias_ref, g_ref, b_ref, hprev_ref,
                   h_ref):
  inv = 1.0 / (asum_ref[...][:, :H] + 1e-16)
  scale = jnp.concatenate(
      [jnp.broadcast_to(inv[:, h:h + 1], (BN, C)) for h in range(H)], axis=1)
  o = out_ref[...] * scale + bias_ref[...]
  o = _ln(o, g_ref[...], b_ref[...])
  h_ref[...] = hprev_ref[...] + jnp.maximum(o, 0.0)


def _finalize(out_raw, asum, bias, ln_g, ln_b, h_prev):
  return pl.pallas_call(
      _finalize_body,
      grid=(N // BN,),
      in_specs=[
          pl.BlockSpec((BN, H * C), lambda i: (i, 0)),
          pl.BlockSpec((BN, 16), lambda i: (i, 0)),
          pl.BlockSpec((1, H * C), lambda i: (0, 0)),
          pl.BlockSpec((1, HID), lambda i: (0, 0)),
          pl.BlockSpec((1, HID), lambda i: (0, 0)),
          pl.BlockSpec((BN, HID), lambda i: (i, 0)),
      ],
      out_specs=pl.BlockSpec((BN, HID), lambda i: (i, 0)),
      out_shape=jax.ShapeDtypeStruct((N, HID), _f32),
  )(out_raw, asum, bias.reshape(1, H * C), ln_g.reshape(1, HID),
    ln_b.reshape(1, HID), h_prev)


def _pool_body(h_ref, bi_ref, o_ref, sums, cnts):
  i = pl.program_id(0)

  @pl.when(i == 0)
  def _():
    sums[...] = jnp.zeros_like(sums)
    cnts[...] = jnp.zeros_like(cnts)

  oh = (bi_ref[...] == lax.broadcasted_iota(jnp.int32, (BN, B), 1))
  oh = oh.astype(_f32)
  sums[...] += lax.dot_general(oh, h_ref[...], (((0,), (0,)), ((), ())),
                               preferred_element_type=_f32)
  cnts[...] += jnp.sum(oh, axis=0, keepdims=True)

  @pl.when(i == N // BN - 1)
  def _():
    o_ref[...] = sums[...] / jnp.maximum(cnts[...], 1.0).reshape(B, 1)


def _pool(h, batch_idx):
  return pl.pallas_call(
      _pool_body,
      grid=(N // BN,),
      in_specs=[
          pl.BlockSpec((BN, HID), lambda i: (i, 0)),
          pl.BlockSpec((BN, 1), lambda i: (i, 0)),
      ],
      out_specs=pl.BlockSpec((B, HID), lambda i: (0, 0)),
      out_shape=jax.ShapeDtypeStruct((B, HID), _f32),
      scratch_shapes=[
          pltpu.VMEM((B, HID), _f32),
          pltpu.VMEM((1, B), _f32),
      ],
  )(h, batch_idx.reshape(N, 1))



_EPW = E // NW
_EPT = E // NS
_RPT = NPAD // NS


def _gather_body(xl_hbm, xr_hbm, src_hbm, dst_hbm, xls_hbm, xrd_hbm,
                 idx_s, idx_d, rows_a, rows_b, sem_a, sem_b):
  wid = lax.axis_index("s") * NC + lax.axis_index("c")

  def body(i, carry):
    base = wid * _EPW + i * GG
    pltpu.sync_copy(src_hbm.at[pl.ds(base, GG)], idx_s)
    pltpu.sync_copy(dst_hbm.at[pl.ds(base, GG)], idx_d)
    a = pltpu.async_copy(xl_hbm.at[idx_s], rows_a, sem_a)
    b = pltpu.async_copy(xr_hbm.at[idx_d], rows_b, sem_b)
    a.wait()
    b.wait()
    pltpu.sync_copy(rows_a, xls_hbm.at[pl.ds(base, GG)])
    pltpu.sync_copy(rows_b, xrd_hbm.at[pl.ds(base, GG)])
    return carry

  lax.fori_loop(0, _EPW // GG, body, 0, unroll=False)


@functools.cache
def _sc_gather_kernel():
  return pl.kernel(
      _gather_body,
      out_type=(
          jax.ShapeDtypeStruct((E, H * C), _f32),
          jax.ShapeDtypeStruct((E, H * C), _f32),
      ),
      mesh=plsc.VectorSubcoreMesh(
          core_axis_name="c", subcore_axis_name="s",
          num_cores=NC, num_subcores=NS),
      scratch_types=[
          pltpu.VMEM((GG,), jnp.int32),
          pltpu.VMEM((GG,), jnp.int32),
          pltpu.VMEM((GG, H * C), _f32),
          pltpu.VMEM((GG, H * C), _f32),
          pltpu.SemaphoreType.DMA,
          pltpu.SemaphoreType.DMA,
      ],
  )


def _sc_gather(*args):
  return _sc_gather_kernel()(*args)


_APK = NPAD // 8
_APT = _APK // NS


def _scatter_body(msg_hbm, aexp_hbm, dst_hbm, z_hbm, out_hbm, asum_hbm,
                  idx_v, idx2_v, rows_v, aexp_v, acc, asum_acc, sem):
  cid = lax.axis_index("c")
  tid = lax.axis_index("s")
  r0 = tid * _RPT

  def zinit(j, carry):
    rr = r0 + j * GG
    pltpu.sync_copy(z_hbm.at[pl.ds(rr, GG)], rows_v)
    pltpu.sync_copy(rows_v, acc.at[pl.ds(rr, GG)])
    return carry

  lax.fori_loop(0, _RPT // GG, zinit, 0, unroll=False)
  pltpu.sync_copy(z_hbm.at[pl.ds(tid * _APT, _APT)], aexp_v)
  pltpu.sync_copy(aexp_v, asum_acc.at[pl.ds(tid * _APT, _APT)])
  plsc.subcore_barrier()

  def body(i, carry):
    base = tid * _EPT + i * GG
    pltpu.sync_copy(dst_hbm.at[pl.ds(base, GG)], idx_v)
    pltpu.sync_copy(msg_hbm.at[pl.ds(base, GG), pl.ds(cid * 128, 128)],
                    rows_v)
    pltpu.sync_copy(rows_v, acc.at[idx_v], add=True)

    @pl.when(cid == 0)
    def _():
      pltpu.sync_copy(aexp_hbm.at[pl.ds(base, GG)], aexp_v)
      for k in range(GG // 16):
        sl = pl.ds(k * 16, 16)
        idx2_v[sl] = jax.lax.shift_right_logical(idx_v[sl], 3)
      pltpu.sync_copy(aexp_v, asum_acc.at[idx2_v], add=True)

    return carry

  lax.fori_loop(0, _EPT // GG, body, 0, unroll=False)
  plsc.subcore_barrier()

  def flush(j, carry):
    rr = r0 + j * GG
    pltpu.sync_copy(acc.at[pl.ds(rr, GG)], rows_v)
    pltpu.sync_copy(rows_v, out_hbm.at[pl.ds(rr, GG), pl.ds(cid * 128, 128)])
    return carry

  lax.fori_loop(0, _RPT // GG, flush, 0, unroll=False)

  @pl.when(cid == 0)
  def _():
    pltpu.sync_copy(asum_acc.at[pl.ds(tid * _APT, _APT)], aexp_v)
    pltpu.sync_copy(aexp_v, asum_hbm.at[pl.ds(tid * _APT, _APT)])


@functools.cache
def _sc_scatter_kernel():
  return pl.kernel(
      _scatter_body,
      out_type=(
          jax.ShapeDtypeStruct((NPAD, H * C), _f32),
          jax.ShapeDtypeStruct((_APK, 128), _f32),
      ),
      mesh=plsc.VectorSubcoreMesh(
          core_axis_name="c", subcore_axis_name="s",
          num_cores=NC, num_subcores=NS),
      scratch_types=[
          pltpu.VMEM((GG,), jnp.int32),
          pltpu.VMEM((GG,), jnp.int32),
          pltpu.VMEM((GG, 128), _f32),
          pltpu.VMEM((GG, 128), _f32),
          pltpu.VMEM_SHARED((NPAD, 128), _f32),
          pltpu.VMEM_SHARED((_APK, 128), _f32),
          pltpu.SemaphoreType.DMA,
      ],
  )


def _sc_scatter(*args):
  return _sc_scatter_kernel()(*args)



def kernel(x, edge_index, edge_attr, batch_idx, enc_W, enc_b, enc_ln_g,
           enc_ln_b, Wl, Wr, We, att, bias, ln_g, ln_b):
  src = edge_index[0]
  dst = edge_index[1]
  dst_col = dst.reshape(E, 1)
  zeros_n = jnp.zeros((NPAD, 128), _f32)

  h = _encoder(x, enc_W, enc_b, enc_ln_g, enc_ln_b)
  for l in range(3):
    xl, xr = _xlxr(h, Wl[l], Wr[l])
    xls, xrd = _sc_gather(xl, xr, src, dst)
    msg, aexp = _edge_pass(xls, xrd, edge_attr, dst_col, We[l],
                           att[l].reshape(1, H * C))
    out_raw, asum_pk = _sc_scatter(msg, aexp, dst, zeros_n)
    asum = asum_pk.reshape(NPAD, 16)[:N]
    h = _finalize(out_raw[:N], asum, bias[l], ln_g[l], ln_b[l], h)
  return _pool(h, batch_idx)

# --- scband reference (transcript-rebuilt; emitter-appended) ---
"""Pipeline reference for scband-motif-gnn-8916352106710 (READ-ONLY COPY).

The authoritative reference and input builder live on the scoring server;
editing this copy changes nothing except your own understanding.
"""

import jax, jax.numpy as jnp
import numpy as np

N = 10000
E = 320000
D = 128
HID = 256
H = 4
C = 64
L = 3
B = 64
NEG_SLOPE = 0.2


def setup_inputs(seed: int = 0) -> dict:
    key = jax.random.key(seed)
    ks = jax.random.split(key, 16)
    s = 0.05
    inp = {
        "x": jax.random.normal(ks[0], (N, D), jnp.float32),
        "edge_index": jax.random.randint(ks[1], (2, E), 0, N),
        "edge_attr": jax.random.normal(ks[2], (E, D), jnp.float32),
        "batch_idx": jnp.sort(jax.random.randint(ks[3], (N,), 0, B)),
        # node encoder: Linear(D, HID) + LayerNorm(HID)
        "enc_W": jax.random.normal(ks[4], (D, HID), jnp.float32) * s,
        "enc_b": jnp.zeros((HID,), jnp.float32),
        "enc_ln_g": jnp.ones((HID,), jnp.float32),
        "enc_ln_b": jnp.zeros((HID,), jnp.float32),
        # L GATv2Conv layers, params stacked on leading axis
        "Wl": jax.random.normal(ks[5], (L, HID, H * C), jnp.float32) * s,
        "Wr": jax.random.normal(ks[6], (L, HID, H * C), jnp.float32) * s,
        "We": jax.random.normal(ks[7], (L, D, H * C), jnp.float32) * s,
        "att": jax.random.normal(ks[8], (L, H, C), jnp.float32) * s,
        "bias": jnp.zeros((L, H * C), jnp.float32),
        "ln_g": jnp.ones((L, HID), jnp.float32),
        "ln_b": jnp.zeros((L, HID), jnp.float32),
    }
    return inp


def _layer_norm(x, g, b, eps=1e-5):
    mu = jnp.mean(x, axis=-1, keepdims=True)
    var = jnp.mean((x - mu) ** 2, axis=-1, keepdims=True)
    return (x - mu) / jnp.sqrt(var + eps) * g + b


def _gatv2_conv(x, edge_index, edge_attr, Wl, Wr, We, att, bias):
    src = edge_index[0]
    dst = edge_index[1]
    xl = (x @ Wl).reshape(N, H, C)
    xr = (x @ Wr).reshape(N, H, C)
    ee = (edge_attr @ We).reshape(E, H, C)
    e = xl[src] + xr[dst] + ee
    e = jnp.where(e > 0, e, NEG_SLOPE * e)  # LeakyReLU(0.2)
    alpha = jnp.sum(e * att[None, :, :], axis=-1)  # [E, H]
    amax = jax.ops.segment_max(alpha, dst, num_segments=N)
    amax = jnp.where(jnp.isfinite(amax), amax, 0.0)
    aexp = jnp.exp(alpha - amax[dst])
    asum = jax.ops.segment_sum(aexp, dst, num_segments=N)
    alpha_n = aexp / (asum[dst] + 1e-16)  # softmax over incoming edges per dst
    msg = xl[src] * alpha_n[:, :, None]
    out = jax.ops.segment_sum(msg, dst, num_segments=N)
    return out.reshape(N, H * C) + bias


def reference(x, edge_index, edge_attr, batch_idx, enc_W, enc_b, enc_ln_g, enc_ln_b, Wl, Wr, We, att, bias, ln_g, ln_b):
    # node encoder (dropout is identity at eval)
    h = x @ enc_W + enc_b
    h = _layer_norm(h, enc_ln_g, enc_ln_b)
    h = jax.nn.relu(h)
    for l in range(L):
        h_new = _gatv2_conv(h, edge_index, edge_attr, Wl[l], Wr[l], We[l], att[l], bias[l])
        h_new = _layer_norm(h_new, ln_g[l], ln_b[l])
        h_new = jax.nn.relu(h_new)
        h = h + h_new
    # global mean pool over graphs
    sums = jax.ops.segment_sum(h, batch_idx, num_segments=B)
    cnts = jax.ops.segment_sum(jnp.ones((N,), h.dtype), batch_idx, num_segments=B)
    graph_features = sums / jnp.maximum(cnts, 1.0)[:, None]
    return graph_features

if __name__ == "__main__":
    import jax
    _d = setup_inputs()
    print(jax.jit(kernel)(*tuple(_d.values())))

</pallas_src>

<mosaic_0001>
#map = affine_map<(d0, d1) -> (0, 0)>
#map1 = affine_map<(d0, d1) -> (0)>
module attributes {stable_mosaic.version = 14 : i64} {
  func.func @_gather_body(%arg0: i32, %arg1: i32, %arg2: memref<10000x256xf32, #tpu.memory_space<hbm>>, %arg3: memref<10000x256xf32, #tpu.memory_space<hbm>>, %arg4: memref<320000xi32, #tpu.memory_space<hbm>>, %arg5: memref<320000xi32, #tpu.memory_space<hbm>>, %arg6: memref<320000x256xf32, #tpu.memory_space<hbm>>, %arg7: memref<320000x256xf32, #tpu.memory_space<hbm>>, %arg8: memref<80xi32, #tpu.memory_space<vmem>>, %arg9: memref<80xi32, #tpu.memory_space<vmem>>, %arg10: memref<80x256xf32, #tpu.memory_space<vmem>>, %arg11: memref<80x256xf32, #tpu.memory_space<vmem>>, %arg12: memref<!tpu.dma_semaphore, #tpu.memory_space<semaphore_mem>>, %arg13: memref<!tpu.dma_semaphore, #tpu.memory_space<semaphore_mem>>) attributes {dimension_semantics = [#tpu.dimension_semantics<core_parallel>, #tpu.dimension_semantics<subcore_parallel>], iteration_bounds = array<i64: 2, 16>, scalar_prefetch = 0 : i64, scratch_operands = 6 : i64, tpu.core_type = #tpu.core_type<sc_vector_subcore>, window_params = [{transform_indices = #map}, {transform_indices = #map}, {transform_indices = #map1}, {transform_indices = #map1}, {transform_indices = #map}, {transform_indices = #map}]} {
    %mul3A = arith.constant 2 : i32
    %mul3A_0 = arith.muli %arg1, %mul3A : i32
    %add3A = arith.addi %mul3A_0, %arg0 : i32
    %scan3A = arith.constant 0 : i32
    %scan3A_1 = arith.constant 0 : i32
    %scan3A_2 = arith.constant 125 : i32
    %scan3A_3 = arith.addi %scan3A_1, %scan3A_2 : i32
    %scan3A_4 = arith.constant 1 : i32
    scf.for %scan3A_6 = %scan3A_1 to %scan3A_3 step %scan3A_4  : i32 {
      %mul3A_7 = arith.constant 10000 : i32
      %mul3A_8 = arith.muli %add3A, %mul3A_7 : i32
      %mul3A_9 = arith.constant 80 : i32
      %mul3A_10 = arith.muli %scan3A_6, %mul3A_9 : i32
      %add3A_11 = arith.addi %mul3A_8, %mul3A_10 : i32
      "tpu.region"() ({
        %run_scoped3A = tpu.sem_alloc : memref<!tpu.dma_semaphore, #tpu.memory_space<semaphore_mem>>
        %dma_start3A_22 = tpu.memref_slice %arg4[%add3A_11] : memref<320000xi32, #tpu.memory_space<hbm>> -> memref<80xi32, #tpu.memory_space<hbm>>
        %dma_start3A_23 = tpu.memref_slice %arg4[%add3A_11] : memref<320000xi32, #tpu.memory_space<hbm>> -> memref<80xi32, #tpu.memory_space<hbm>>
        tpu.enqueue_dma source(%dma_start3A_23 : memref<80xi32, #tpu.memory_space<hbm>>) target(%arg8 : memref<80xi32, #tpu.memory_space<vmem>>) target_semaphore(%run_scoped3A : memref<!tpu.dma_semaphore, #tpu.memory_space<semaphore_mem>>)
        %dma_wait3A_24 = tpu.memref_slice %arg4[%add3A_11] : memref<320000xi32, #tpu.memory_space<hbm>> -> memref<80xi32, #tpu.memory_space<hbm>>
        %dma_wait3A_25 = tpu.memref_slice %arg4[%add3A_11] : memref<320000xi32, #tpu.memory_space<hbm>> -> memref<80xi32, #tpu.memory_space<hbm>>
        tpu.wait_dma2 semaphore(%run_scoped3A : memref<!tpu.dma_semaphore, #tpu.memory_space<semaphore_mem>>) src(%dma_wait3A_25 : memref<80xi32, #tpu.memory_space<hbm>>) dst(%arg8 : memref<80xi32, #tpu.memory_space<vmem>>)
        tpu.yield
      }) : () -> ()
      "tpu.region"() ({
        %run_scoped3A = tpu.sem_alloc : memref<!tpu.dma_semaphore, #tpu.memory_space<semaphore_mem>>
        %dma_start3A_22 = tpu.memref_slice %arg5[%add3A_11] : memref<320000xi32, #tpu.memory_space<hbm>> -> memref<80xi32, #tpu.memory_space<hbm>>
        %dma_start3A_23 = tpu.memref_slice %arg5[%add3A_11] : memref<320000xi32, #tpu.memory_space<hbm>> -> memref<80xi32, #tpu.memory_space<hbm>>
        tpu.enqueue_dma source(%dma_start3A_23 : memref<80xi32, #tpu.memory_space<hbm>>) target(%arg9 : memref<80xi32, #tpu.memory_space<vmem>>) target_semaphore(%run_scoped3A : memref<!tpu.dma_semaphore, #tpu.memory_space<semaphore_mem>>)
        %dma_wait3A_24 = tpu.memref_slice %arg5[%add3A_11] : memref<320000xi32, #tpu.memory_space<hbm>> -> memref<80xi32, #tpu.memory_space<hbm>>
        %dma_wait3A_25 = tpu.memref_slice %arg5[%add3A_11] : memref<320000xi32, #tpu.memory_space<hbm>> -> memref<80xi32, #tpu.memory_space<hbm>>
        tpu.wait_dma2 semaphore(%run_scoped3A : memref<!tpu.dma_semaphore, #tpu.memory_space<semaphore_mem>>) src(%dma_wait3A_25 : memref<80xi32, #tpu.memory_space<hbm>>) dst(%arg9 : memref<80xi32, #tpu.memory_space<vmem>>)
        tpu.yield
      }) : () -> ()
      %dma_start3A = arith.constant 0 : i32
      %dma_start3A_12 = arith.constant 0 : i32
      %dma_start3A_13 = tpu.memref_slice %arg2[%dma_start3A, %dma_start3A_12] : memref<10000x256xf32, #tpu.memory_space<hbm>> -> memref<10000x256xf32, #tpu.memory_space<hbm>>
      tpu.enqueue_indirect_dma source(%dma_start3A_13 : memref<10000x256xf32, #tpu.memory_space<hbm>>) target(%arg10 : memref<80x256xf32, #tpu.memory_space<vmem>>) offsets(%arg8 : memref<80xi32, #tpu.memory_space<vmem>>) semaphore(%arg12 : memref<!tpu.dma_semaphore, #tpu.memory_space<semaphore_mem>>)
      %dma_start3A_14 = arith.constant 0 : i32
      %dma_start3A_15 = arith.constant 0 : i32
      %dma_start3A_16 = tpu.memref_slice %arg3[%dma_start3A_14, %dma_start3A_15] : memref<10000x256xf32, #tpu.memory_space<hbm>> -> memref<10000x256xf32, #tpu.memory_space<hbm>>
      tpu.enqueue_indirect_dma source(%dma_start3A_16 : memref<10000x256xf32, #tpu.memory_space<hbm>>) target(%arg11 : memref<80x256xf32, #tpu.memory_space<vmem>>) offsets(%arg9 : memref<80xi32, #tpu.memory_space<vmem>>) semaphore(%arg13 : memref<!tpu.dma_semaphore, #tpu.memory_space<semaphore_mem>>)
      %dma_wait3A = arith.constant 0 : i32
      %dma_wait3A_17 = arith.constant 0 : i32
      %dma_wait3A_18 = tpu.memref_slice %arg2[%dma_wait3A, %dma_wait3A_17] : memref<10000x256xf32, #tpu.memory_space<hbm>> -> memref<10000x256xf32, #tpu.memory_space<hbm>>
      tpu.wait_indirect_dma semaphore(%arg12 : memref<!tpu.dma_semaphore, #tpu.memory_space<semaphore_mem>>) src(%dma_wait3A_18 : memref<10000x256xf32, #tpu.memory_space<hbm>>) dst(%arg10 : memref<80x256xf32, #tpu.memory_space<vmem>>)
      %dma_wait3A_19 = arith.constant 0 : i32
      %dma_wait3A_20 = arith.constant 0 : i32
      %dma_wait3A_21 = tpu.memref_slice %arg3[%dma_wait3A_19, %dma_wait3A_20] : memref<10000x256xf32, #tpu.memory_space<hbm>> -> memref<10000x256xf32, #tpu.memory_space<hbm>>
      tpu.wait_indirect_dma semaphore(%arg13 : memref<!tpu.dma_semaphore, #tpu.memory_space<semaphore_mem>>) src(%dma_wait3A_21 : memref<10000x256xf32, #tpu.memory_space<hbm>>) dst(%arg11 : memref<80x256xf32, #tpu.memory_space<vmem>>)
      "tpu.region"() ({
        %run_scoped3A = tpu.sem_alloc : memref<!tpu.dma_semaphore, #tpu.memory_space<semaphore_mem>>
        %dma_start3A_22 = arith.constant 0 : i32
        %dma_start3A_23 = tpu.memref_slice %arg6[%add3A_11, %dma_start3A_22] : memref<320000x256xf32, #tpu.memory_space<hbm>> -> memref<80x256xf32, #tpu.memory_space<hbm>>
        %dma_start3A_24 = arith.constant 0 : i32
        %dma_start3A_25 = tpu.memref_slice %arg6[%add3A_11, %dma_start3A_24] : memref<320000x256xf32, #tpu.memory_space<hbm>> -> memref<80x256xf32, #tpu.memory_space<hbm>>
        tpu.enqueue_dma source(%arg10 : memref<80x256xf32, #tpu.memory_space<vmem>>) target(%dma_start3A_25 : memref<80x256xf32, #tpu.memory_space<hbm>>) target_semaphore(%run_scoped3A : memref<!tpu.dma_semaphore, #tpu.memory_space<semaphore_mem>>)
        %dma_wait3A_26 = arith.constant 0 : i32
        %dma_wait3A_27 = tpu.memref_slice %arg6[%add3A_11, %dma_wait3A_26] : memref<320000x256xf32, #tpu.memory_space<hbm>> -> memref<80x256xf32, #tpu.memory_space<hbm>>
        %dma_wait3A_28 = arith.constant 0 : i32
        %dma_wait3A_29 = tpu.memref_slice %arg6[%add3A_11, %dma_wait3A_28] : memref<320000x256xf32, #tpu.memory_space<hbm>> -> memref<80x256xf32, #tpu.memory_space<hbm>>
        tpu.wait_dma2 semaphore(%run_scoped3A : memref<!tpu.dma_semaphore, #tpu.memory_space<semaphore_mem>>) src(%arg10 : memref<80x256xf32, #tpu.memory_space<vmem>>) dst(%dma_wait3A_29 : memref<80x256xf32, #tpu.memory_space<hbm>>)
        tpu.yield
      }) : () -> ()
      "tpu.region"() ({
        %run_scoped3A = tpu.sem_alloc : memref<!tpu.dma_semaphore, #tpu.memory_space<semaphore_mem>>
        %dma_start3A_22 = arith.constant 0 : i32
        %dma_start3A_23 = tpu.memref_slice %arg7[%add3A_11, %dma_start3A_22] : memref<320000x256xf32, #tpu.memory_space<hbm>> -> memref<80x256xf32, #tpu.memory_space<hbm>>
        %dma_start3A_24 = arith.constant 0 : i32
        %dma_start3A_25 = tpu.memref_slice %arg7[%add3A_11, %dma_start3A_24] : memref<320000x256xf32, #tpu.memory_space<hbm>> -> memref<80x256xf32, #tpu.memory_space<hbm>>
        tpu.enqueue_dma source(%arg11 : memref<80x256xf32, #tpu.memory_space<vmem>>) target(%dma_start3A_25 : memref<80x256xf32, #tpu.memory_space<hbm>>) target_semaphore(%run_scoped3A : memref<!tpu.dma_semaphore, #tpu.memory_space<semaphore_mem>>)
        %dma_wait3A_26 = arith.constant 0 : i32
        %dma_wait3A_27 = tpu.memref_slice %arg7[%add3A_11, %dma_wait3A_26] : memref<320000x256xf32, #tpu.memory_space<hbm>> -> memref<80x256xf32, #tpu.memory_space<hbm>>
        %dma_wait3A_28 = arith.constant 0 : i32
        %dma_wait3A_29 = tpu.memref_slice %arg7[%add3A_11, %dma_wait3A_28] : memref<320000x256xf32, #tpu.memory_space<hbm>> -> memref<80x256xf32, #tpu.memory_space<hbm>>
        tpu.wait_dma2 semaphore(%run_scoped3A : memref<!tpu.dma_semaphore, #tpu.memory_space<semaphore_mem>>) src(%arg11 : memref<80x256xf32, #tpu.memory_space<vmem>>) dst(%dma_wait3A_29 : memref<80x256xf32, #tpu.memory_space<hbm>>)
        tpu.yield
      }) : () -> ()
    }
    %scan3A_5 = arith.constant 125 : i32
    return
  }
}

#map = affine_map<(d0, d1) -> (0, 0)>
#map1 = affine_map<(d0, d1) -> (0)>
module attributes {stable_mosaic.version = 14 : i64} {
  func.func @_scatter_body(%arg0: i32, %arg1: i32, %arg2: memref<320000x256xf32, #tpu.memory_space<hbm>>, %arg3: memref<320000x128xf32, #tpu.memory_space<hbm>>, %arg4: memref<320000xi32, #tpu.memory_space<hbm>>, %arg5: memref<10240x128xf32, #tpu.memory_space<hbm>>, %arg6: memref<10240x256xf32, #tpu.memory_space<hbm>>, %arg7: memref<1280x128xf32, #tpu.memory_space<hbm>>, %arg8: memref<80xi32, #tpu.memory_space<vmem>>, %arg9: memref<80xi32, #tpu.memory_space<vmem>>, %arg10: memref<80x128xf32, #tpu.memory_space<vmem>>, %arg11: memref<80x128xf32, #tpu.memory_space<vmem>>, %arg12: memref<10240x128xf32, #tpu.memory_space<vmem_shared>>, %arg13: memref<1280x128xf32, #tpu.memory_space<vmem_shared>>, %arg14: memref<!tpu.dma_semaphore, #tpu.memory_space<semaphore_mem>>) attributes {dimension_semantics = [#tpu.dimension_semantics<core_parallel>, #tpu.dimension_semantics<subcore_parallel>], iteration_bounds = array<i64: 2, 16>, scalar_prefetch = 0 : i64, scratch_operands = 7 : i64, tpu.core_type = #tpu.core_type<sc_vector_subcore>, window_params = [{transform_indices = #map}, {transform_indices = #map}, {transform_indices = #map1}, {transform_indices = #map}, {transform_indices = #map}, {transform_indices = #map}]} {
    %mul3A = arith.constant 640 : i32
    %mul3A_0 = arith.muli %arg1, %mul3A : i32
    %scan3A = arith.constant 0 : i32
    %scan3A_1 = arith.constant 0 : i32
    %scan3A_2 = arith.constant 8 : i32
    %scan3A_3 = arith.addi %scan3A_1, %scan3A_2 : i32
    %scan3A_4 = arith.constant 1 : i32
    scf.for %scan3A_25 = %scan3A_1 to %scan3A_3 step %scan3A_4  : i32 {
      %mul3A_26 = arith.constant 80 : i32
      %mul3A_27 = arith.muli %scan3A_25, %mul3A_26 : i32
      %add3A = arith.addi %mul3A_0, %mul3A_27 : i32
      "tpu.region"() ({
        %run_scoped3A = tpu.sem_alloc : memref<!tpu.dma_semaphore, #tpu.memory_space<semaphore_mem>>
        %dma_start3A = arith.constant 0 : i32
        %dma_start3A_28 = tpu.memref_slice %arg5[%add3A, %dma_start3A] : memref<10240x128xf32, #tpu.memory_space<hbm>> -> memref<80x128xf32, #tpu.memory_space<hbm>>
        %dma_start3A_29 = arith.constant 0 : i32
        %dma_start3A_30 = tpu.memref_slice %arg5[%add3A, %dma_start3A_29] : memref<10240x128xf32, #tpu.memory_space<hbm>> -> memref<80x128xf32, #tpu.memory_space<hbm>>
        tpu.enqueue_dma source(%dma_start3A_30 : memref<80x128xf32, #tpu.memory_space<hbm>>) target(%arg10 : memref<80x128xf32, #tpu.memory_space<vmem>>) target_semaphore(%run_scoped3A : memref<!tpu.dma_semaphore, #tpu.memory_space<semaphore_mem>>)
        %dma_wait3A = arith.constant 0 : i32
        %dma_wait3A_31 = tpu.memref_slice %arg5[%add3A, %dma_wait3A] : memref<10240x128xf32, #tpu.memory_space<hbm>> -> memref<80x128xf32, #tpu.memory_space<hbm>>
        %dma_wait3A_32 = arith.constant 0 : i32
        %dma_wait3A_33 = tpu.memref_slice %arg5[%add3A, %dma_wait3A_32] : memref<10240x128xf32, #tpu.memory_space<hbm>> -> memref<80x128xf32, #tpu.memory_space<hbm>>
        tpu.wait_dma2 semaphore(%run_scoped3A : memref<!tpu.dma_semaphore, #tpu.memory_space<semaphore_mem>>) src(%dma_wait3A_33 : memref<80x128xf32, #tpu.memory_space<hbm>>) dst(%arg10 : memref<80x128xf32, #tpu.memory_space<vmem>>)
        tpu.yield
      }) : () -> ()
      "tpu.region"() ({
        %run_scoped3A = tpu.sem_alloc : memref<!tpu.dma_semaphore, #tpu.memory_space<semaphore_mem>>
        %dma_start3A = arith.constant 0 : i32
        %dma_start3A_28 = tpu.memref_slice %arg12[%add3A, %dma_start3A] : memref<10240x128xf32, #tpu.memory_space<vmem_shared>> -> memref<80x128xf32, #tpu.memory_space<vmem_shared>>
        %dma_start3A_29 = arith.constant 0 : i32
        %dma_start3A_30 = tpu.memref_slice %arg12[%add3A, %dma_start3A_29] : memref<10240x128xf32, #tpu.memory_space<vmem_shared>> -> memref<80x128xf32, #tpu.memory_space<vmem_shared>>
        tpu.enqueue_dma source(%arg10 : memref<80x128xf32, #tpu.memory_space<vmem>>) target(%dma_start3A_30 : memref<80x128xf32, #tpu.memory_space<vmem_shared>>) target_semaphore(%run_scoped3A : memref<!tpu.dma_semaphore, #tpu.memory_space<semaphore_mem>>)
        %dma_wait3A = arith.constant 0 : i32
        %dma_wait3A_31 = tpu.memref_slice %arg12[%add3A, %dma_wait3A] : memref<10240x128xf32, #tpu.memory_space<vmem_shared>> -> memref<80x128xf32, #tpu.memory_space<vmem_shared>>
        %dma_wait3A_32 = arith.constant 0 : i32
        %dma_wait3A_33 = tpu.memref_slice %arg12[%add3A, %dma_wait3A_32] : memref<10240x128xf32, #tpu.memory_space<vmem_shared>> -> memref<80x128xf32, #tpu.memory_space<vmem_shared>>
        tpu.wait_dma2 semaphore(%run_scoped3A : memref<!tpu.dma_semaphore, #tpu.memory_space<semaphore_mem>>) src(%arg10 : memref<80x128xf32, #tpu.memory_space<vmem>>) dst(%dma_wait3A_33 : memref<80x128xf32, #tpu.memory_space<vmem_shared>>)
        tpu.yield
      }) : () -> ()
    }
    %scan3A_5 = arith.constant 8 : i32
    %mul3A_6 = arith.constant 80 : i32
    %mul3A_7 = arith.muli %arg1, %mul3A_6 : i32
    "tpu.region"() ({
      %run_scoped3A = tpu.sem_alloc : memref<!tpu.dma_semaphore, #tpu.memory_space<semaphore_mem>>
      %dma_start3A = arith.constant 0 : i32
      %dma_start3A_25 = tpu.memref_slice %arg5[%mul3A_7, %dma_start3A] : memref<10240x128xf32, #tpu.memory_space<hbm>> -> memref<80x128xf32, #tpu.memory_space<hbm>>
      %dma_start3A_26 = arith.constant 0 : i32
      %dma_start3A_27 = tpu.memref_slice %arg5[%mul3A_7, %dma_start3A_26] : memref<10240x128xf32, #tpu.memory_space<hbm>> -> memref<80x128xf32, #tpu.memory_space<hbm>>
      tpu.enqueue_dma source(%dma_start3A_27 : memref<80x128xf32, #tpu.memory_space<hbm>>) target(%arg11 : memref<80x128xf32, #tpu.memory_space<vmem>>) target_semaphore(%run_scoped3A : memref<!tpu.dma_semaphore, #tpu.memory_space<semaphore_mem>>)
      %dma_wait3A = arith.constant 0 : i32
      %dma_wait3A_28 = tpu.memref_slice %arg5[%mul3A_7, %dma_wait3A] : memref<10240x128xf32, #tpu.memory_space<hbm>> -> memref<80x128xf32, #tpu.memory_space<hbm>>
      %dma_wait3A_29 = arith.constant 0 : i32
      %dma_wait3A_30 = tpu.memref_slice %arg5[%mul3A_7, %dma_wait3A_29] : memref<10240x128xf32, #tpu.memory_space<hbm>> -> memref<80x128xf32, #tpu.memory_space<hbm>>
      tpu.wait_dma2 semaphore(%run_scoped3A : memref<!tpu.dma_semaphore, #tpu.memory_space<semaphore_mem>>) src(%dma_wait3A_30 : memref<80x128xf32, #tpu.memory_space<hbm>>) dst(%arg11 : memref<80x128xf32, #tpu.memory_space<vmem>>)
      tpu.yield
    }) : () -> ()
    %mul3A_8 = arith.constant 80 : i32
    %mul3A_9 = arith.muli %arg1, %mul3A_8 : i32
    "tpu.region"() ({
      %run_scoped3A = tpu.sem_alloc : memref<!tpu.dma_semaphore, #tpu.memory_space<semaphore_mem>>
      %dma_start3A = arith.constant 0 : i32
      %dma_start3A_25 = tpu.memref_slice %arg13[%mul3A_9, %dma_start3A] : memref<1280x128xf32, #tpu.memory_space<vmem_shared>> -> memref<80x128xf32, #tpu.memory_space<vmem_shared>>
      %dma_start3A_26 = arith.constant 0 : i32
      %dma_start3A_27 = tpu.memref_slice %arg13[%mul3A_9, %dma_start3A_26] : memref<1280x128xf32, #tpu.memory_space<vmem_shared>> -> memref<80x128xf32, #tpu.memory_space<vmem_shared>>
      tpu.enqueue_dma source(%arg11 : memref<80x128xf32, #tpu.memory_space<vmem>>) target(%dma_start3A_27 : memref<80x128xf32, #tpu.memory_space<vmem_shared>>) target_semaphore(%run_scoped3A : memref<!tpu.dma_semaphore, #tpu.memory_space<semaphore_mem>>)
      %dma_wait3A = arith.constant 0 : i32
      %dma_wait3A_28 = tpu.memref_slice %arg13[%mul3A_9, %dma_wait3A] : memref<1280x128xf32, #tpu.memory_space<vmem_shared>> -> memref<80x128xf32, #tpu.memory_space<vmem_shared>>
      %dma_wait3A_29 = arith.constant 0 : i32
      %dma_wait3A_30 = tpu.memref_slice %arg13[%mul3A_9, %dma_wait3A_29] : memref<1280x128xf32, #tpu.memory_space<vmem_shared>> -> memref<80x128xf32, #tpu.memory_space<vmem_shared>>
      tpu.wait_dma2 semaphore(%run_scoped3A : memref<!tpu.dma_semaphore, #tpu.memory_space<semaphore_mem>>) src(%arg11 : memref<80x128xf32, #tpu.memory_space<vmem>>) dst(%dma_wait3A_30 : memref<80x128xf32, #tpu.memory_space<vmem_shared>>)
      tpu.yield
    }) : () -> ()
    %barrier3A = arith.constant 0 : index
    tpu.barrier barrier_id(%barrier3A)
    %scan3A_10 = arith.constant 0 : i32
    %scan3A_11 = arith.constant 0 : i32
    %scan3A_12 = arith.constant 250 : i32
    %scan3A_13 = arith.addi %scan3A_11, %scan3A_12 : i32
    %scan3A_14 = arith.constant 1 : i32
    scf.for %scan3A_25 = %scan3A_11 to %scan3A_13 step %scan3A_14  : i32 {
      %mul3A_26 = arith.constant 20000 : i32
      %mul3A_27 = arith.muli %arg1, %mul3A_26 : i32
      %mul3A_28 = arith.constant 80 : i32
      %mul3A_29 = arith.muli %scan3A_25, %mul3A_28 : i32
      %add3A = arith.addi %mul3A_27, %mul3A_29 : i32
      "tpu.region"() ({
        %run_scoped3A = tpu.sem_alloc : memref<!tpu.dma_semaphore, #tpu.memory_space<semaphore_mem>>
        %dma_start3A = tpu.memref_slice %arg4[%add3A] : memref<320000xi32, #tpu.memory_space<hbm>> -> memref<80xi32, #tpu.memory_space<hbm>>
        %dma_start3A_37 = tpu.memref_slice %arg4[%add3A] : memref<320000xi32, #tpu.memory_space<hbm>> -> memref<80xi32, #tpu.memory_space<hbm>>
        tpu.enqueue_dma source(%dma_start3A_37 : memref<80xi32, #tpu.memory_space<hbm>>) target(%arg8 : memref<80xi32, #tpu.memory_space<vmem>>) target_semaphore(%run_scoped3A : memref<!tpu.dma_semaphore, #tpu.memory_space<semaphore_mem>>)
        %dma_wait3A = tpu.memref_slice %arg4[%add3A] : memref<320000xi32, #tpu.memory_space<hbm>> -> memref<80xi32, #tpu.memory_space<hbm>>
        %dma_wait3A_38 = tpu.memref_slice %arg4[%add3A] : memref<320000xi32, #tpu.memory_space<hbm>> -> memref<80xi32, #tpu.memory_space<hbm>>
        tpu.wait_dma2 semaphore(%run_scoped3A : memref<!tpu.dma_semaphore, #tpu.memory_space<semaphore_mem>>) src(%dma_wait3A_38 : memref<80xi32, #tpu.memory_space<hbm>>) dst(%arg8 : memref<80xi32, #tpu.memory_space<vmem>>)
        tpu.yield
      }) : () -> ()
      %mul3A_30 = arith.constant 128 : i32
      %mul3A_31 = arith.muli %arg0, %mul3A_30 : i32
      "tpu.region"() ({
        %run_scoped3A = tpu.sem_alloc : memref<!tpu.dma_semaphore, #tpu.memory_space<semaphore_mem>>
        %dma_start3A = tpu.memref_slice %arg2[%add3A, %mul3A_31] : memref<320000x256xf32, #tpu.memory_space<hbm>> -> memref<80x128xf32, #tpu.memory_space<hbm>>
        %dma_start3A_37 = tpu.memref_slice %arg2[%add3A, %mul3A_31] : memref<320000x256xf32, #tpu.memory_space<hbm>> -> memref<80x128xf32, #tpu.memory_space<hbm>>
        tpu.enqueue_dma source(%dma_start3A_37 : memref<80x128xf32, #tpu.memory_space<hbm>>) target(%arg10 : memref<80x128xf32, #tpu.memory_space<vmem>>) target_semaphore(%run_scoped3A : memref<!tpu.dma_semaphore, #tpu.memory_space<semaphore_mem>>)
        %dma_wait3A = tpu.memref_slice %arg2[%add3A, %mul3A_31] : memref<320000x256xf32, #tpu.memory_space<hbm>> -> memref<80x128xf32, #tpu.memory_space<hbm>>
        %dma_wait3A_38 = tpu.memref_slice %arg2[%add3A, %mul3A_31] : memref<320000x256xf32, #tpu.memory_space<hbm>> -> memref<80x128xf32, #tpu.memory_space<hbm>>
        tpu.wait_dma2 semaphore(%run_scoped3A : memref<!tpu.dma_semaphore, #tpu.memory_space<semaphore_mem>>) src(%dma_wait3A_38 : memref<80x128xf32, #tpu.memory_space<hbm>>) dst(%arg10 : memref<80x128xf32, #tpu.memory_space<vmem>>)
        tpu.yield
      }) : () -> ()
      "tpu.region"() ({
        %run_scoped3A = tpu.sem_alloc : memref<!tpu.dma_semaphore, #tpu.memory_space<semaphore_mem>>
        %dma_start3A = arith.constant 0 : i32
        %dma_start3A_37 = arith.constant 0 : i32
        %dma_start3A_38 = tpu.memref_slice %arg12[%dma_start3A, %dma_start3A_37] : memref<10240x128xf32, #tpu.memory_space<vmem_shared>> -> memref<10240x128xf32, #tpu.memory_space<vmem_shared>>
        tpu.enqueue_indirect_dma source(%arg10 : memref<80x128xf32, #tpu.memory_space<vmem>>) target(%dma_start3A_38 : memref<10240x128xf32, #tpu.memory_space<vmem_shared>>) offsets(%arg8 : memref<80xi32, #tpu.memory_space<vmem>>) semaphore(%run_scoped3A : memref<!tpu.dma_semaphore, #tpu.memory_space<semaphore_mem>>) {add = true}
        %dma_wait3A = arith.constant 0 : i32
        %dma_wait3A_39 = arith.constant 0 : i32
        %dma_wait3A_40 = tpu.memref_slice %arg12[%dma_wait3A, %dma_wait3A_39] : memref<10240x128xf32, #tpu.memory_space<vmem_shared>> -> memref<10240x128xf32, #tpu.memory_space<vmem_shared>>
        tpu.wait_indirect_dma semaphore(%run_scoped3A : memref<!tpu.dma_semaphore, #tpu.memory_space<semaphore_mem>>) src(%arg10 : memref<80x128xf32, #tpu.memory_space<vmem>>) dst(%dma_wait3A_40 : memref<10240x128xf32, #tpu.memory_space<vmem_shared>>)
        tpu.yield
      }) : () -> ()
      %eq3A_32 = arith.constant 0 : i32
      %eq3A_33 = arith.cmpi eq, %arg0, %eq3A_32 : i32
      %convert_element_type3A_34 = arith.extui %eq3A_33 : i1 to i32
      %cond3A_35 = arith.constant 0 : i32
      %cond3A_36 = arith.cmpi ne, %convert_element_type3A_34, %cond3A_35 : i32
      scf.if %cond3A_36 {
        "tpu.region"() ({
          %run_scoped3A = tpu.sem_alloc : memref<!tpu.dma_semaphore, #tpu.memory_space<semaphore_mem>>
          %dma_start3A = arith.constant 0 : i32
          %dma_start3A_84 = tpu.memref_slice %arg3[%add3A, %dma_start3A] : memref<320000x128xf32, #tpu.memory_space<hbm>> -> memref<80x128xf32, #tpu.memory_space<hbm>>
          %dma_start3A_85 = arith.constant 0 : i32
          %dma_start3A_86 = tpu.memref_slice %arg3[%add3A, %dma_start3A_85] : memref<320000x128xf32, #tpu.memory_space<hbm>> -> memref<80x128xf32, #tpu.memory_space<hbm>>
          tpu.enqueue_dma source(%dma_start3A_86 : memref<80x128xf32, #tpu.memory_space<hbm>>) target(%arg11 : memref<80x128xf32, #tpu.memory_space<vmem>>) target_semaphore(%run_scoped3A : memref<!tpu.dma_semaphore, #tpu.memory_space<semaphore_mem>>)
          %dma_wait3A = arith.constant 0 : i32
          %dma_wait3A_87 = tpu.memref_slice %arg3[%add3A, %dma_wait3A] : memref<320000x128xf32, #tpu.memory_space<hbm>> -> memref<80x128xf32, #tpu.memory_space<hbm>>
          %dma_wait3A_88 = arith.constant 0 : i32
          %dma_wait3A_89 = tpu.memref_slice %arg3[%add3A, %dma_wait3A_88] : memref<320000x128xf32, #tpu.memory_space<hbm>> -> memref<80x128xf32, #tpu.memory_space<hbm>>
          tpu.wait_dma2 semaphore(%run_scoped3A : memref<!tpu.dma_semaphore, #tpu.memory_space<semaphore_mem>>) src(%dma_wait3A_89 : memref<80x128xf32, #tpu.memory_space<hbm>>) dst(%arg11 : memref<80x128xf32, #tpu.memory_space<vmem>>)
          tpu.yield
        }) : () -> ()
        %get3A = arith.constant 0 : index
        %get3A_37 = tpu.vector_load %arg8[%get3A] {strides = array<i32>} : memref<80xi32, #tpu.memory_space<vmem>>, vector<16xi32>,
        %get3A_38 = vector.shape_cast %get3A_37 : vector<16xi32> to vector<16xi32>
        %shift_right_logical3A = arith.constant 3 : i32
        %shift_right_logical3A_39 = vector.broadcast %shift_right_logical3A : i32 to vector<16xi32>
        %shift_right_logical3A_40 = arith.shrui %get3A_38, %shift_right_logical3A_39 : vector<16xi32>
        %swap3A = arith.constant 0 : index
        %swap3A_41 = tpu.vector_load %arg9[%swap3A] {strides = array<i32>} : memref<80xi32, #tpu.memory_space<vmem>>, vector<16xi32>,
        %swap3A_42 = vector.shape_cast %swap3A_41 : vector<16xi32> to vector<16xi32>
        %swap3A_43 = vector.shape_cast %shift_right_logical3A_40 : vector<16xi32> to vector<16xi32>
        tpu.vector_store %arg9[%swap3A], %swap3A_43 {strides = array<i32>} : memref<80xi32, #tpu.memory_space<vmem>>, vector<16xi32>,
        %get3A_44 = arith.constant 16 : index
        %get3A_45 = tpu.vector_load %arg8[%get3A_44] {strides = array<i32>} : memref<80xi32, #tpu.memory_space<vmem>>, vector<16xi32>,
        %get3A_46 = vector.shape_cast %get3A_45 : vector<16xi32> to vector<16xi32>
        %shift_right_logical3A_47 = arith.constant 3 : i32
        %shift_right_logical3A_48 = vector.broadcast %shift_right_logical3A_47 : i32 to vector<16xi32>
        %shift_right_logical3A_49 = arith.shrui %get3A_46, %shift_right_logical3A_48 : vector<16xi32>
        %swap3A_50 = arith.constant 16 : index
        %swap3A_51 = tpu.vector_load %arg9[%swap3A_50] {strides = array<i32>} : memref<80xi32, #tpu.memory_space<vmem>>, vector<16xi32>,
        %swap3A_52 = vector.shape_cast %swap3A_51 : vector<16xi32> to vector<16xi32>
        %swap3A_53 = vector.shape_cast %shift_right_logical3A_49 : vector<16xi32> to vector<16xi32>
        tpu.vector_store %arg9[%swap3A_50], %swap3A_53 {strides = array<i32>} : memref<80xi32, #tpu.memory_space<vmem>>, vector<16xi32>,
        %get3A_54 = arith.constant 32 : index
        %get3A_55 = tpu.vector_load %arg8[%get3A_54] {strides = array<i32>} : memref<80xi32, #tpu.memory_space<vmem>>, vector<16xi32>,
        %get3A_56 = vector.shape_cast %get3A_55 : vector<16xi32> to vector<16xi32>
        %shift_right_logical3A_57 = arith.constant 3 : i32
        %shift_right_logical3A_58 = vector.broadcast %shift_right_logical3A_57 : i32 to vector<16xi32>
        %shift_right_logical3A_59 = arith.shrui %get3A_56, %shift_right_logical3A_58 : vector<16xi32>
        %swap3A_60 = arith.constant 32 : index
        %swap3A_61 = tpu.vector_load %arg9[%swap3A_60] {strides = array<i32>} : memref<80xi32, #tpu.memory_space<vmem>>, vector<16xi32>,
        %swap3A_62 = vector.shape_cast %swap3A_61 : vector<16xi32> to vector<16xi32>
        %swap3A_63 = vector.shape_cast %shift_right_logical3A_59 : vector<16xi32> to vector<16xi32>
        tpu.vector_store %arg9[%swap3A_60], %swap3A_63 {strides = array<i32>} : memref<80xi32, #tpu.memory_space<vmem>>, vector<16xi32>,
        %get3A_64 = arith.constant 48 : index
        %get3A_65 = tpu.vector_load %arg8[%get3A_64] {strides = array<i32>} : memref<80xi32, #tpu.memory_space<vmem>>, vector<16xi32>,
        %get3A_66 = vector.shape_cast %get3A_65 : vector<16xi32> to vector<16xi32>
        %shift_right_logical3A_67 = arith.constant 3 : i32
        %shift_right_logical3A_68 = vector.broadcast %shift_right_logical3A_67 : i32 to vector<16xi32>
        %shift_right_logical3A_69 = arith.shrui %get3A_66, %shift_right_logical3A_68 : vector<16xi32>
        %swap3A_70 = arith.constant 48 : index
        %swap3A_71 = tpu.vector_load %arg9[%swap3A_70] {strides = array<i32>} : memref<80xi32, #tpu.memory_space<vmem>>, vector<16xi32>,
        %swap3A_72 = vector.shape_cast %swap3A_71 : vector<16xi32> to vector<16xi32>
        %swap3A_73 = vector.shape_cast %shift_right_logical3A_69 : vector<16xi32> to vector<16xi32>
        tpu.vector_store %arg9[%swap3A_70], %swap3A_73 {strides = array<i32>} : memref<80xi32, #tpu.memory_space<vmem>>, vector<16xi32>,
        %get3A_74 = arith.constant 64 : index
        %get3A_75 = tpu.vector_load %arg8[%get3A_74] {strides = array<i32>} : memref<80xi32, #tpu.memory_space<vmem>>, vector<16xi32>,
        %get3A_76 = vector.shape_cast %get3A_75 : vector<16xi32> to vector<16xi32>
        %shift_right_logical3A_77 = arith.constant 3 : i32
        %shift_right_logical3A_78 = vector.broadcast %shift_right_logical3A_77 : i32 to vector<16xi32>
        %shift_right_logical3A_79 = arith.shrui %get3A_76, %shift_right_logical3A_78 : vector<16xi32>
        %swap3A_80 = arith.constant 64 : index
        %swap3A_81 = tpu.vector_load %arg9[%swap3A_80] {strides = array<i32>} : memref<80xi32, #tpu.memory_space<vmem>>, vector<16xi32>,
        %swap3A_82 = vector.shape_cast %swap3A_81 : vector<16xi32> to vector<16xi32>
        %swap3A_83 = vector.shape_cast %shift_right_logical3A_79 : vector<16xi32> to vector<16xi32>
        tpu.vector_store %arg9[%swap3A_80], %swap3A_83 {strides = array<i32>} : memref<80xi32, #tpu.memory_space<vmem>>, vector<16xi32>,
        "tpu.region"() ({
          %run_scoped3A = tpu.sem_alloc : memref<!tpu.dma_semaphore, #tpu.memory_space<semaphore_mem>>
          %dma_start3A = arith.constant 0 : i32
          %dma_start3A_84 = arith.constant 0 : i32
          %dma_start3A_85 = tpu.memref_slice %arg13[%dma_start3A, %dma_start3A_84] : memref<1280x128xf32, #tpu.memory_space<vmem_shared>> -> memref<1280x128xf32, #tpu.memory_space<vmem_shared>>
          tpu.enqueue_indirect_dma source(%arg11 : memref<80x128xf32, #tpu.memory_space<vmem>>) target(%dma_start3A_85 : memref<1280x128xf32, #tpu.memory_space<vmem_shared>>) offsets(%arg9 : memref<80xi32, #tpu.memory_space<vmem>>) semaphore(%run_scoped3A : memref<!tpu.dma_semaphore, #tpu.memory_space<semaphore_mem>>) {add = true}
          %dma_wait3A = arith.constant 0 : i32
          %dma_wait3A_86 = arith.constant 0 : i32
          %dma_wait3A_87 = tpu.memref_slice %arg13[%dma_wait3A, %dma_wait3A_86] : memref<1280x128xf32, #tpu.memory_space<vmem_shared>> -> memref<1280x128xf32, #tpu.memory_space<vmem_shared>>
          tpu.wait_indirect_dma semaphore(%run_scoped3A : memref<!tpu.dma_semaphore, #tpu.memory_space<semaphore_mem>>) src(%arg11 : memref<80x128xf32, #tpu.memory_space<vmem>>) dst(%dma_wait3A_87 : memref<1280x128xf32, #tpu.memory_space<vmem_shared>>)
          tpu.yield
        }) : () -> ()
      } else {
      }
    }
    %scan3A_15 = arith.constant 250 : i32
    %barrier3A_16 = arith.constant 0 : index
    tpu.barrier barrier_id(%barrier3A_16)
    %scan3A_17 = arith.constant 0 : i32
    %scan3A_18 = arith.constant 0 : i32
    %scan3A_19 = arith.constant 8 : i32
    %scan3A_20 = arith.addi %scan3A_18, %scan3A_19 : i32
    %scan3A_21 = arith.constant 1 : i32
    scf.for %scan3A_25 = %scan3A_18 to %scan3A_20 step %scan3A_21  : i32 {
      %mul3A_26 = arith.constant 80 : i32
      %mul3A_27 = arith.muli %scan3A_25, %mul3A_26 : i32
      %add3A = arith.addi %mul3A_0, %mul3A_27 : i32
      "tpu.region"() ({
        %run_scoped3A = tpu.sem_alloc : memref<!tpu.dma_semaphore, #tpu.memory_space<semaphore_mem>>
        %dma_start3A = arith.constant 0 : i32
        %dma_start3A_30 = tpu.memref_slice %arg12[%add3A, %dma_start3A] : memref<10240x128xf32, #tpu.memory_space<vmem_shared>> -> memref<80x128xf32, #tpu.memory_space<vmem_shared>>
        %dma_start3A_31 = arith.constant 0 : i32
        %dma_start3A_32 = tpu.memref_slice %arg12[%add3A, %dma_start3A_31] : memref<10240x128xf32, #tpu.memory_space<vmem_shared>> -> memref<80x128xf32, #tpu.memory_space<vmem_shared>>
        tpu.enqueue_dma source(%dma_start3A_32 : memref<80x128xf32, #tpu.memory_space<vmem_shared>>) target(%arg10 : memref<80x128xf32, #tpu.memory_space<vmem>>) target_semaphore(%run_scoped3A : memref<!tpu.dma_semaphore, #tpu.memory_space<semaphore_mem>>)
        %dma_wait3A = arith.constant 0 : i32
        %dma_wait3A_33 = tpu.memref_slice %arg12[%add3A, %dma_wait3A] : memref<10240x128xf32, #tpu.memory_space<vmem_shared>> -> memref<80x128xf32, #tpu.memory_space<vmem_shared>>
        %dma_wait3A_34 = arith.constant 0 : i32
        %dma_wait3A_35 = tpu.memref_slice %arg12[%add3A, %dma_wait3A_34] : memref<10240x128xf32, #tpu.memory_space<vmem_shared>> -> memref<80x128xf32, #tpu.memory_space<vmem_shared>>
        tpu.wait_dma2 semaphore(%run_scoped3A : memref<!tpu.dma_semaphore, #tpu.memory_space<semaphore_mem>>) src(%dma_wait3A_35 : memref<80x128xf32, #tpu.memory_space<vmem_shared>>) dst(%arg10 : memref<80x128xf32, #tpu.memory_space<vmem>>)
        tpu.yield
      }) : () -> ()
      %mul3A_28 = arith.constant 128 : i32
      %mul3A_29 = arith.muli %arg0, %mul3A_28 : i32
      "tpu.region"() ({
        %run_scoped3A = tpu.sem_alloc : memref<!tpu.dma_semaphore, #tpu.memory_space<semaphore_mem>>
        %dma_start3A = tpu.memref_slice %arg6[%add3A, %mul3A_29] : memref<10240x256xf32, #tpu.memory_space<hbm>> -> memref<80x128xf32, #tpu.memory_space<hbm>>
        %dma_start3A_30 = tpu.memref_slice %arg6[%add3A, %mul3A_29] : memref<10240x256xf32, #tpu.memory_space<hbm>> -> memref<80x128xf32, #tpu.memory_space<hbm>>
        tpu.enqueue_dma source(%arg10 : memref<80x128xf32, #tpu.memory_space<vmem>>) target(%dma_start3A_30 : memref<80x128xf32, #tpu.memory_space<hbm>>) target_semaphore(%run_scoped3A : memref<!tpu.dma_semaphore, #tpu.memory_space<semaphore_mem>>)
        %dma_wait3A = tpu.memref_slice %arg6[%add3A, %mul3A_29] : memref<10240x256xf32, #tpu.memory_space<hbm>> -> memref<80x128xf32, #tpu.memory_space<hbm>>
        %dma_wait3A_31 = tpu.memref_slice %arg6[%add3A, %mul3A_29] : memref<10240x256xf32, #tpu.memory_space<hbm>> -> memref<80x128xf32, #tpu.memory_space<hbm>>
        tpu.wait_dma2 semaphore(%run_scoped3A : memref<!tpu.dma_semaphore, #tpu.memory_space<semaphore_mem>>) src(%arg10 : memref<80x128xf32, #tpu.memory_space<vmem>>) dst(%dma_wait3A_31 : memref<80x128xf32, #tpu.memory_space<hbm>>)
        tpu.yield
      }) : () -> ()
    }
    %scan3A_22 = arith.constant 8 : i32
    %eq3A = arith.constant 0 : i32
    %eq3A_23 = arith.cmpi eq, %arg0, %eq3A : i32
    %convert_element_type3A = arith.extui %eq3A_23 : i1 to i32
    %cond3A = arith.constant 0 : i32
    %cond3A_24 = arith.cmpi ne, %convert_element_type3A, %cond3A : i32
    scf.if %cond3A_24 {
      %mul3A_25 = arith.constant 80 : i32
      %mul3A_26 = arith.muli %arg1, %mul3A_25 : i32
      "tpu.region"() ({
        %run_scoped3A = tpu.sem_alloc : memref<!tpu.dma_semaphore, #tpu.memory_space<semaphore_mem>>
        %dma_start3A = arith.constant 0 : i32
        %dma_start3A_29 = tpu.memref_slice %arg13[%mul3A_26, %dma_start3A] : memref<1280x128xf32, #tpu.memory_space<vmem_shared>> -> memref<80x128xf32, #tpu.memory_space<vmem_shared>>
        %dma_start3A_30 = arith.constant 0 : i32
        %dma_start3A_31 = tpu.memref_slice %arg13[%mul3A_26, %dma_start3A_30] : memref<1280x128xf32, #tpu.memory_space<vmem_shared>> -> memref<80x128xf32, #tpu.memory_space<vmem_shared>>
        tpu.enqueue_dma source(%dma_start3A_31 : memref<80x128xf32, #tpu.memory_space<vmem_shared>>) target(%arg11 : memref<80x128xf32, #tpu.memory_space<vmem>>) target_semaphore(%run_scoped3A : memref<!tpu.dma_semaphore, #tpu.memory_space<semaphore_mem>>)
        %dma_wait3A = arith.constant 0 : i32
        %dma_wait3A_32 = tpu.memref_slice %arg13[%mul3A_26, %dma_wait3A] : memref<1280x128xf32, #tpu.memory_space<vmem_shared>> -> memref<80x128xf32, #tpu.memory_space<vmem_shared>>
        %dma_wait3A_33 = arith.constant 0 : i32
        %dma_wait3A_34 = tpu.memref_slice %arg13[%mul3A_26, %dma_wait3A_33] : memref<1280x128xf32, #tpu.memory_space<vmem_shared>> -> memref<80x128xf32, #tpu.memory_space<vmem_shared>>
        tpu.wait_dma2 semaphore(%run_scoped3A : memref<!tpu.dma_semaphore, #tpu.memory_space<semaphore_mem>>) src(%dma_wait3A_34 : memref<80x128xf32, #tpu.memory_space<vmem_shared>>) dst(%arg11 : memref<80x128xf32, #tpu.memory_space<vmem>>)
        tpu.yield
      }) : () -> ()
      %mul3A_27 = arith.constant 80 : i32
      %mul3A_28 = arith.muli %arg1, %mul3A_27 : i32
      "tpu.region"() ({
        %run_scoped3A = tpu.sem_alloc : memref<!tpu.dma_semaphore, #tpu.memory_space<semaphore_mem>>
        %dma_start3A = arith.constant 0 : i32
        %dma_start3A_29 = tpu.memref_slice %arg7[%mul3A_28, %dma_start3A] : memref<1280x128xf32, #tpu.memory_space<hbm>> -> memref<80x128xf32, #tpu.memory_space<hbm>>
        %dma_start3A_30 = arith.constant 0 : i32
        %dma_start3A_31 = tpu.memref_slice %arg7[%mul3A_28, %dma_start3A_30] : memref<1280x128xf32, #tpu.memory_space<hbm>> -> memref<80x128xf32, #tpu.memory_space<hbm>>
        tpu.enqueue_dma source(%arg11 : memref<80x128xf32, #tpu.memory_space<vmem>>) target(%dma_start3A_31 : memref<80x128xf32, #tpu.memory_space<hbm>>) target_semaphore(%run_scoped3A : memref<!tpu.dma_semaphore, #tpu.memory_space<semaphore_mem>>)
        %dma_wait3A = arith.constant 0 : i32
        %dma_wait3A_32 = tpu.memref_slice %arg7[%mul3A_28, %dma_wait3A] : memref<1280x128xf32, #tpu.memory_space<hbm>> -> memref<80x128xf32, #tpu.memory_space<hbm>>
        %dma_wait3A_33 = arith.constant 0 : i32
        %dma_wait3A_34 = tpu.memref_slice %arg7[%mul3A_28, %dma_wait3A_33] : memref<1280x128xf32, #tpu.memory_space<hbm>> -> memref<80x128xf32, #tpu.memory_space<hbm>>
        tpu.wait_dma2 semaphore(%run_scoped3A : memref<!tpu.dma_semaphore, #tpu.memory_space<semaphore_mem>>) src(%arg11 : memref<80x128xf32, #tpu.memory_space<vmem>>) dst(%dma_wait3A_34 : memref<80x128xf32, #tpu.memory_space<hbm>>)
        tpu.yield
      }) : () -> ()
    } else {
    }
    return
  }
}

#map = affine_map<(d0, d1) -> (0, 0)>
#map1 = affine_map<(d0, d1) -> (0)>
module attributes {stable_mosaic.version = 14 : i64} {
  func.func @_gather_body(%arg0: i32, %arg1: i32, %arg2: memref<10000x256xf32, #tpu.memory_space<hbm>>, %arg3: memref<10000x256xf32, #tpu.memory_space<hbm>>, %arg4: memref<320000xi32, #tpu.memory_space<hbm>>, %arg5: memref<320000xi32, #tpu.memory_space<hbm>>, %arg6: memref<320000x256xf32, #tpu.memory_space<hbm>>, %arg7: memref<320000x256xf32, #tpu.memory_space<hbm>>, %arg8: memref<80xi32, #tpu.memory_space<vmem>>, %arg9: memref<80xi32, #tpu.memory_space<vmem>>, %arg10: memref<80x256xf32, #tpu.memory_space<vmem>>, %arg11: memref<80x256xf32, #tpu.memory_space<vmem>>, %arg12: memref<!tpu.dma_semaphore, #tpu.memory_space<semaphore_mem>>, %arg13: memref<!tpu.dma_semaphore, #tpu.memory_space<semaphore_mem>>) attributes {dimension_semantics = [#tpu.dimension_semantics<core_parallel>, #tpu.dimension_semantics<subcore_parallel>], iteration_bounds = array<i64: 2, 16>, scalar_prefetch = 0 : i64, scratch_operands = 6 : i64, tpu.core_type = #tpu.core_type<sc_vector_subcore>, window_params = [{transform_indices = #map}, {transform_indices = #map}, {transform_indices = #map1}, {transform_indices = #map1}, {transform_indices = #map}, {transform_indices = #map}]} {
    %mul3A = arith.constant 2 : i32
    %mul3A_0 = arith.muli %arg1, %mul3A : i32
    %add3A = arith.addi %mul3A_0, %arg0 : i32
    %scan3A = arith.constant 0 : i32
    %scan3A_1 = arith.constant 0 : i32
    %scan3A_2 = arith.constant 125 : i32
    %scan3A_3 = arith.addi %scan3A_1, %scan3A_2 : i32
    %scan3A_4 = arith.constant 1 : i32
    scf.for %scan3A_6 = %scan3A_1 to %scan3A_3 step %scan3A_4  : i32 {
      %mul3A_7 = arith.constant 10000 : i32
      %mul3A_8 = arith.muli %add3A, %mul3A_7 : i32
      %mul3A_9 = arith.constant 80 : i32
      %mul3A_10 = arith.muli %scan3A_6, %mul3A_9 : i32
      %add3A_11 = arith.addi %mul3A_8, %mul3A_10 : i32
      "tpu.region"() ({
        %run_scoped3A = tpu.sem_alloc : memref<!tpu.dma_semaphore, #tpu.memory_space<semaphore_mem>>
        %dma_start3A_22 = tpu.memref_slice %arg4[%add3A_11] : memref<320000xi32, #tpu.memory_space<hbm>> -> memref<80xi32, #tpu.memory_space<hbm>>
        %dma_start3A_23 = tpu.memref_slice %arg4[%add3A_11] : memref<320000xi32, #tpu.memory_space<hbm>> -> memref<80xi32, #tpu.memory_space<hbm>>
        tpu.enqueue_dma source(%dma_start3A_23 : memref<80xi32, #tpu.memory_space<hbm>>) target(%arg8 : memref<80xi32, #tpu.memory_space<vmem>>) target_semaphore(%run_scoped3A : memref<!tpu.dma_semaphore, #tpu.memory_space<semaphore_mem>>)
        %dma_wait3A_24 = tpu.memref_slice %arg4[%add3A_11] : memref<320000xi32, #tpu.memory_space<hbm>> -> memref<80xi32, #tpu.memory_space<hbm>>
        %dma_wait3A_25 = tpu.memref_slice %arg4[%add3A_11] : memref<320000xi32, #tpu.memory_space<hbm>> -> memref<80xi32, #tpu.memory_space<hbm>>
        tpu.wait_dma2 semaphore(%run_scoped3A : memref<!tpu.dma_semaphore, #tpu.memory_space<semaphore_mem>>) src(%dma_wait3A_25 : memref<80xi32, #tpu.memory_space<hbm>>) dst(%arg8 : memref<80xi32, #tpu.memory_space<vmem>>)
        tpu.yield
      }) : () -> ()
      "tpu.region"() ({
        %run_scoped3A = tpu.sem_alloc : memref<!tpu.dma_semaphore, #tpu.memory_space<semaphore_mem>>
        %dma_start3A_22 = tpu.memref_slice %arg5[%add3A_11] : memref<320000xi32, #tpu.memory_space<hbm>> -> memref<80xi32, #tpu.memory_space<hbm>>
        %dma_start3A_23 = tpu.memref_slice %arg5[%add3A_11] : memref<320000xi32, #tpu.memory_space<hbm>> -> memref<80xi32, #tpu.memory_space<hbm>>
        tpu.enqueue_dma source(%dma_start3A_23 : memref<80xi32, #tpu.memory_space<hbm>>) target(%arg9 : memref<80xi32, #tpu.memory_space<vmem>>) target_semaphore(%run_scoped3A : memref<!tpu.dma_semaphore, #tpu.memory_space<semaphore_mem>>)
        %dma_wait3A_24 = tpu.memref_slice %arg5[%add3A_11] : memref<320000xi32, #tpu.memory_space<hbm>> -> memref<80xi32, #tpu.memory_space<hbm>>
        %dma_wait3A_25 = tpu.memref_slice %arg5[%add3A_11] : memref<320000xi32, #tpu.memory_space<hbm>> -> memref<80xi32, #tpu.memory_space<hbm>>
        tpu.wait_dma2 semaphore(%run_scoped3A : memref<!tpu.dma_semaphore, #tpu.memory_space<semaphore_mem>>) src(%dma_wait3A_25 : memref<80xi32, #tpu.memory_space<hbm>>) dst(%arg9 : memref<80xi32, #tpu.memory_space<vmem>>)
        tpu.yield
      }) : () -> ()
      %dma_start3A = arith.constant 0 : i32
      %dma_start3A_12 = arith.constant 0 : i32
      %dma_start3A_13 = tpu.memref_slice %arg2[%dma_start3A, %dma_start3A_12] : memref<10000x256xf32, #tpu.memory_space<hbm>> -> memref<10000x256xf32, #tpu.memory_space<hbm>>
      tpu.enqueue_indirect_dma source(%dma_start3A_13 : memref<10000x256xf32, #tpu.memory_space<hbm>>) target(%arg10 : memref<80x256xf32, #tpu.memory_space<vmem>>) offsets(%arg8 : memref<80xi32, #tpu.memory_space<vmem>>) semaphore(%arg12 : memref<!tpu.dma_semaphore, #tpu.memory_space<semaphore_mem>>)
      %dma_start3A_14 = arith.constant 0 : i32
      %dma_start3A_15 = arith.constant 0 : i32
      %dma_start3A_16 = tpu.memref_slice %arg3[%dma_start3A_14, %dma_start3A_15] : memref<10000x256xf32, #tpu.memory_space<hbm>> -> memref<10000x256xf32, #tpu.memory_space<hbm>>
      tpu.enqueue_indirect_dma source(%dma_start3A_16 : memref<10000x256xf32, #tpu.memory_space<hbm>>) target(%arg11 : memref<80x256xf32, #tpu.memory_space<vmem>>) offsets(%arg9 : memref<80xi32, #tpu.memory_space<vmem>>) semaphore(%arg13 : memref<!tpu.dma_semaphore, #tpu.memory_space<semaphore_mem>>)
      %dma_wait3A = arith.constant 0 : i32
      %dma_wait3A_17 = arith.constant 0 : i32
      %dma_wait3A_18 = tpu.memref_slice %arg2[%dma_wait3A, %dma_wait3A_17] : memref<10000x256xf32, #tpu.memory_space<hbm>> -> memref<10000x256xf32, #tpu.memory_space<hbm>>
      tpu.wait_indirect_dma semaphore(%arg12 : memref<!tpu.dma_semaphore, #tpu.memory_space<semaphore_mem>>) src(%dma_wait3A_18 : memref<10000x256xf32, #tpu.memory_space<hbm>>) dst(%arg10 : memref<80x256xf32, #tpu.memory_space<vmem>>)
      %dma_wait3A_19 = arith.constant 0 : i32
      %dma_wait3A_20 = arith.constant 0 : i32
      %dma_wait3A_21 = tpu.memref_slice %arg3[%dma_wait3A_19, %dma_wait3A_20] : memref<10000x256xf32, #tpu.memory_space<hbm>> -> memref<10000x256xf32, #tpu.memory_space<hbm>>
      tpu.wait_indirect_dma semaphore(%arg13 : memref<!tpu.dma_semaphore, #tpu.memory_space<semaphore_mem>>) src(%dma_wait3A_21 : memref<10000x256xf32, #tpu.memory_space<hbm>>) dst(%arg11 : memref<80x256xf32, #tpu.memory_space<vmem>>)
      "tpu.region"() ({
        %run_scoped3A = tpu.sem_alloc : memref<!tpu.dma_semaphore, #tpu.memory_space<semaphore_mem>>
        %dma_start3A_22 = arith.constant 0 : i32
        %dma_start3A_23 = tpu.memref_slice %arg6[%add3A_11, %dma_start3A_22] : memref<320000x256xf32, #tpu.memory_space<hbm>> -> memref<80x256xf32, #tpu.memory_space<hbm>>
        %dma_start3A_24 = arith.constant 0 : i32
        %dma_start3A_25 = tpu.memref_slice %arg6[%add3A_11, %dma_start3A_24] : memref<320000x256xf32, #tpu.memory_space<hbm>> -> memref<80x256xf32, #tpu.memory_space<hbm>>
        tpu.enqueue_dma source(%arg10 : memref<80x256xf32, #tpu.memory_space<vmem>>) target(%dma_start3A_25 : memref<80x256xf32, #tpu.memory_space<hbm>>) target_semaphore(%run_scoped3A : memref<!tpu.dma_semaphore, #tpu.memory_space<semaphore_mem>>)
        %dma_wait3A_26 = arith.constant 0 : i32
        %dma_wait3A_27 = tpu.memref_slice %arg6[%add3A_11, %dma_wait3A_26] : memref<320000x256xf32, #tpu.memory_space<hbm>> -> memref<80x256xf32, #tpu.memory_space<hbm>>
        %dma_wait3A_28 = arith.constant 0 : i32
        %dma_wait3A_29 = tpu.memref_slice %arg6[%add3A_11, %dma_wait3A_28] : memref<320000x256xf32, #tpu.memory_space<hbm>> -> memref<80x256xf32, #tpu.memory_space<hbm>>
        tpu.wait_dma2 semaphore(%run_scoped3A : memref<!tpu.dma_semaphore, #tpu.memory_space<semaphore_mem>>) src(%arg10 : memref<80x256xf32, #tpu.memory_space<vmem>>) dst(%dma_wait3A_29 : memref<80x256xf32, #tpu.memory_space<hbm>>)
        tpu.yield
      }) : () -> ()
      "tpu.region"() ({
        %run_scoped3A = tpu.sem_alloc : memref<!tpu.dma_semaphore, #tpu.memory_space<semaphore_mem>>
        %dma_start3A_22 = arith.constant 0 : i32
        %dma_start3A_23 = tpu.memref_slice %arg7[%add3A_11, %dma_start3A_22] : memref<320000x256xf32, #tpu.memory_space<hbm>> -> memref<80x256xf32, #tpu.memory_space<hbm>>
        %dma_start3A_24 = arith.constant 0 : i32
        %dma_start3A_25 = tpu.memref_slice %arg7[%add3A_11, %dma_start3A_24] : memref<320000x256xf32, #tpu.memory_space<hbm>> -> memref<80x256xf32, #tpu.memory_space<hbm>>
        tpu.enqueue_dma source(%arg11 : memref<80x256xf32, #tpu.memory_space<vmem>>) target(%dma_start3A_25 : memref<80x256xf32, #tpu.memory_space<hbm>>) target_semaphore(%run_scoped3A : memref<!tpu.dma_semaphore, #tpu.memory_space<semaphore_mem>>)
        %dma_wait3A_26 = arith.constant 0 : i32
        %dma_wait3A_27 = tpu.memref_slice %arg7[%add3A_11, %dma_wait3A_26] : memref<320000x256xf32, #tpu.memory_space<hbm>> -> memref<80x256xf32, #tpu.memory_space<hbm>>
        %dma_wait3A_28 = arith.constant 0 : i32
        %dma_wait3A_29 = tpu.memref_slice %arg7[%add3A_11, %dma_wait3A_28] : memref<320000x256xf32, #tpu.memory_space<hbm>> -> memref<80x256xf32, #tpu.memory_space<hbm>>
        tpu.wait_dma2 semaphore(%run_scoped3A : memref<!tpu.dma_semaphore, #tpu.memory_space<semaphore_mem>>) src(%arg11 : memref<80x256xf32, #tpu.memory_space<vmem>>) dst(%dma_wait3A_29 : memref<80x256xf32, #tpu.memory_space<hbm>>)
        tpu.yield
      }) : () -> ()
    }
    %scan3A_5 = arith.constant 125 : i32
    return
  }
}

#map = affine_map<(d0, d1) -> (0, 0)>
#map1 = affine_map<(d0, d1) -> (0)>
module attributes {stable_mosaic.version = 14 : i64} {
  func.func @_scatter_body(%arg0: i32, %arg1: i32, %arg2: memref<320000x256xf32, #tpu.memory_space<hbm>>, %arg3: memref<320000x128xf32, #tpu.memory_space<hbm>>, %arg4: memref<320000xi32, #tpu.memory_space<hbm>>, %arg5: memref<10240x128xf32, #tpu.memory_space<hbm>>, %arg6: memref<10240x256xf32, #tpu.memory_space<hbm>>, %arg7: memref<1280x128xf32, #tpu.memory_space<hbm>>, %arg8: memref<80xi32, #tpu.memory_space<vmem>>, %arg9: memref<80xi32, #tpu.memory_space<vmem>>, %arg10: memref<80x128xf32, #tpu.memory_space<vmem>>, %arg11: memref<80x128xf32, #tpu.memory_space<vmem>>, %arg12: memref<10240x128xf32, #tpu.memory_space<vmem_shared>>, %arg13: memref<1280x128xf32, #tpu.memory_space<vmem_shared>>, %arg14: memref<!tpu.dma_semaphore, #tpu.memory_space<semaphore_mem>>) attributes {dimension_semantics = [#tpu.dimension_semantics<core_parallel>, #tpu.dimension_semantics<subcore_parallel>], iteration_bounds = array<i64: 2, 16>, scalar_prefetch = 0 : i64, scratch_operands = 7 : i64, tpu.core_type = #tpu.core_type<sc_vector_subcore>, window_params = [{transform_indices = #map}, {transform_indices = #map}, {transform_indices = #map1}, {transform_indices = #map}, {transform_indices = #map}, {transform_indices = #map}]} {
    %mul3A = arith.constant 640 : i32
    %mul3A_0 = arith.muli %arg1, %mul3A : i32
    %scan3A = arith.constant 0 : i32
    %scan3A_1 = arith.constant 0 : i32
    %scan3A_2 = arith.constant 8 : i32
    %scan3A_3 = arith.addi %scan3A_1, %scan3A_2 : i32
    %scan3A_4 = arith.constant 1 : i32
    scf.for %scan3A_25 = %scan3A_1 to %scan3A_3 step %scan3A_4  : i32 {
      %mul3A_26 = arith.constant 80 : i32
      %mul3A_27 = arith.muli %scan3A_25, %mul3A_26 : i32
      %add3A = arith.addi %mul3A_0, %mul3A_27 : i32
      "tpu.region"() ({
        %run_scoped3A = tpu.sem_alloc : memref<!tpu.dma_semaphore, #tpu.memory_space<semaphore_mem>>
        %dma_start3A = arith.constant 0 : i32
        %dma_start3A_28 = tpu.memref_slice %arg5[%add3A, %dma_start3A] : memref<10240x128xf32, #tpu.memory_space<hbm>> -> memref<80x128xf32, #tpu.memory_space<hbm>>
        %dma_start3A_29 = arith.constant 0 : i32
        %dma_start3A_30 = tpu.memref_slice %arg5[%add3A, %dma_start3A_29] : memref<10240x128xf32, #tpu.memory_space<hbm>> -> memref<80x128xf32, #tpu.memory_space<hbm>>
        tpu.enqueue_dma source(%dma_start3A_30 : memref<80x128xf32, #tpu.memory_space<hbm>>) target(%arg10 : memref<80x128xf32, #tpu.memory_space<vmem>>) target_semaphore(%run_scoped3A : memref<!tpu.dma_semaphore, #tpu.memory_space<semaphore_mem>>)
        %dma_wait3A = arith.constant 0 : i32
        %dma_wait3A_31 = tpu.memref_slice %arg5[%add3A, %dma_wait3A] : memref<10240x128xf32, #tpu.memory_space<hbm>> -> memref<80x128xf32, #tpu.memory_space<hbm>>
        %dma_wait3A_32 = arith.constant 0 : i32
        %dma_wait3A_33 = tpu.memref_slice %arg5[%add3A, %dma_wait3A_32] : memref<10240x128xf32, #tpu.memory_space<hbm>> -> memref<80x128xf32, #tpu.memory_space<hbm>>
        tpu.wait_dma2 semaphore(%run_scoped3A : memref<!tpu.dma_semaphore, #tpu.memory_space<semaphore_mem>>) src(%dma_wait3A_33 : memref<80x128xf32, #tpu.memory_space<hbm>>) dst(%arg10 : memref<80x128xf32, #tpu.memory_space<vmem>>)
        tpu.yield
      }) : () -> ()
      "tpu.region"() ({
        %run_scoped3A = tpu.sem_alloc : memref<!tpu.dma_semaphore, #tpu.memory_space<semaphore_mem>>
        %dma_start3A = arith.constant 0 : i32
        %dma_start3A_28 = tpu.memref_slice %arg12[%add3A, %dma_start3A] : memref<10240x128xf32, #tpu.memory_space<vmem_shared>> -> memref<80x128xf32, #tpu.memory_space<vmem_shared>>
        %dma_start3A_29 = arith.constant 0 : i32
        %dma_start3A_30 = tpu.memref_slice %arg12[%add3A, %dma_start3A_29] : memref<10240x128xf32, #tpu.memory_space<vmem_shared>> -> memref<80x128xf32, #tpu.memory_space<vmem_shared>>
        tpu.enqueue_dma source(%arg10 : memref<80x128xf32, #tpu.memory_space<vmem>>) target(%dma_start3A_30 : memref<80x128xf32, #tpu.memory_space<vmem_shared>>) target_semaphore(%run_scoped3A : memref<!tpu.dma_semaphore, #tpu.memory_space<semaphore_mem>>)
        %dma_wait3A = arith.constant 0 : i32
        %dma_wait3A_31 = tpu.memref_slice %arg12[%add3A, %dma_wait3A] : memref<10240x128xf32, #tpu.memory_space<vmem_shared>> -> memref<80x128xf32, #tpu.memory_space<vmem_shared>>
        %dma_wait3A_32 = arith.constant 0 : i32
        %dma_wait3A_33 = tpu.memref_slice %arg12[%add3A, %dma_wait3A_32] : memref<10240x128xf32, #tpu.memory_space<vmem_shared>> -> memref<80x128xf32, #tpu.memory_space<vmem_shared>>
        tpu.wait_dma2 semaphore(%run_scoped3A : memref<!tpu.dma_semaphore, #tpu.memory_space<semaphore_mem>>) src(%arg10 : memref<80x128xf32, #tpu.memory_space<vmem>>) dst(%dma_wait3A_33 : memref<80x128xf32, #tpu.memory_space<vmem_shared>>)
        tpu.yield
      }) : () -> ()
    }
    %scan3A_5 = arith.constant 8 : i32
    %mul3A_6 = arith.constant 80 : i32
    %mul3A_7 = arith.muli %arg1, %mul3A_6 : i32
    "tpu.region"() ({
      %run_scoped3A = tpu.sem_alloc : memref<!tpu.dma_semaphore, #tpu.memory_space<semaphore_mem>>
      %dma_start3A = arith.constant 0 : i32
      %dma_start3A_25 = tpu.memref_slice %arg5[%mul3A_7, %dma_start3A] : memref<10240x128xf32, #tpu.memory_space<hbm>> -> memref<80x128xf32, #tpu.memory_space<hbm>>
      %dma_start3A_26 = arith.constant 0 : i32
      %dma_start3A_27 = tpu.memref_slice %arg5[%mul3A_7, %dma_start3A_26] : memref<10240x128xf32, #tpu.memory_space<hbm>> -> memref<80x128xf32, #tpu.memory_space<hbm>>
      tpu.enqueue_dma source(%dma_start3A_27 : memref<80x128xf32, #tpu.memory_space<hbm>>) target(%arg11 : memref<80x128xf32, #tpu.memory_space<vmem>>) target_semaphore(%run_scoped3A : memref<!tpu.dma_semaphore, #tpu.memory_space<semaphore_mem>>)
      %dma_wait3A = arith.constant 0 : i32
      %dma_wait3A_28 = tpu.memref_slice %arg5[%mul3A_7, %dma_wait3A] : memref<10240x128xf32, #tpu.memory_space<hbm>> -> memref<80x128xf32, #tpu.memory_space<hbm>>
      %dma_wait3A_29 = arith.constant 0 : i32
      %dma_wait3A_30 = tpu.memref_slice %arg5[%mul3A_7, %dma_wait3A_29] : memref<10240x128xf32, #tpu.memory_space<hbm>> -> memref<80x128xf32, #tpu.memory_space<hbm>>
      tpu.wait_dma2 semaphore(%run_scoped3A : memref<!tpu.dma_semaphore, #tpu.memory_space<semaphore_mem>>) src(%dma_wait3A_30 : memref<80x128xf32, #tpu.memory_space<hbm>>) dst(%arg11 : memref<80x128xf32, #tpu.memory_space<vmem>>)
      tpu.yield
    }) : () -> ()
    %mul3A_8 = arith.constant 80 : i32
    %mul3A_9 = arith.muli %arg1, %mul3A_8 : i32
    "tpu.region"() ({
      %run_scoped3A = tpu.sem_alloc : memref<!tpu.dma_semaphore, #tpu.memory_space<semaphore_mem>>
      %dma_start3A = arith.constant 0 : i32
      %dma_start3A_25 = tpu.memref_slice %arg13[%mul3A_9, %dma_start3A] : memref<1280x128xf32, #tpu.memory_space<vmem_shared>> -> memref<80x128xf32, #tpu.memory_space<vmem_shared>>
      %dma_start3A_26 = arith.constant 0 : i32
      %dma_start3A_27 = tpu.memref_slice %arg13[%mul3A_9, %dma_start3A_26] : memref<1280x128xf32, #tpu.memory_space<vmem_shared>> -> memref<80x128xf32, #tpu.memory_space<vmem_shared>>
      tpu.enqueue_dma source(%arg11 : memref<80x128xf32, #tpu.memory_space<vmem>>) target(%dma_start3A_27 : memref<80x128xf32, #tpu.memory_space<vmem_shared>>) target_semaphore(%run_scoped3A : memref<!tpu.dma_semaphore, #tpu.memory_space<semaphore_mem>>)
      %dma_wait3A = arith.constant 0 : i32
      %dma_wait3A_28 = tpu.memref_slice %arg13[%mul3A_9, %dma_wait3A] : memref<1280x128xf32, #tpu.memory_space<vmem_shared>> -> memref<80x128xf32, #tpu.memory_space<vmem_shared>>
      %dma_wait3A_29 = arith.constant 0 : i32
      %dma_wait3A_30 = tpu.memref_slice %arg13[%mul3A_9, %dma_wait3A_29] : memref<1280x128xf32, #tpu.memory_space<vmem_shared>> -> memref<80x128xf32, #tpu.memory_space<vmem_shared>>
      tpu.wait_dma2 semaphore(%run_scoped3A : memref<!tpu.dma_semaphore, #tpu.memory_space<semaphore_mem>>) src(%arg11 : memref<80x128xf32, #tpu.memory_space<vmem>>) dst(%dma_wait3A_30 : memref<80x128xf32, #tpu.memory_space<vmem_shared>>)
      tpu.yield
    }) : () -> ()
    %barrier3A = arith.constant 0 : index
    tpu.barrier barrier_id(%barrier3A)
    %scan3A_10 = arith.constant 0 : i32
    %scan3A_11 = arith.constant 0 : i32
    %scan3A_12 = arith.constant 250 : i32
    %scan3A_13 = arith.addi %scan3A_11, %scan3A_12 : i32
    %scan3A_14 = arith.constant 1 : i32
    scf.for %scan3A_25 = %scan3A_11 to %scan3A_13 step %scan3A_14  : i32 {
      %mul3A_26 = arith.constant 20000 : i32
      %mul3A_27 = arith.muli %arg1, %mul3A_26 : i32
      %mul3A_28 = arith.constant 80 : i32
      %mul3A_29 = arith.muli %scan3A_25, %mul3A_28 : i32
      %add3A = arith.addi %mul3A_27, %mul3A_29 : i32
      "tpu.region"() ({
        %run_scoped3A = tpu.sem_alloc : memref<!tpu.dma_semaphore, #tpu.memory_space<semaphore_mem>>
        %dma_start3A = tpu.memref_slice %arg4[%add3A] : memref<320000xi32, #tpu.memory_space<hbm>> -> memref<80xi32, #tpu.memory_space<hbm>>
        %dma_start3A_37 = tpu.memref_slice %arg4[%add3A] : memref<320000xi32, #tpu.memory_space<hbm>> -> memref<80xi32, #tpu.memory_space<hbm>>
        tpu.enqueue_dma source(%dma_start3A_37 : memref<80xi32, #tpu.memory_space<hbm>>) target(%arg8 : memref<80xi32, #tpu.memory_space<vmem>>) target_semaphore(%run_scoped3A : memref<!tpu.dma_semaphore, #tpu.memory_space<semaphore_mem>>)
        %dma_wait3A = tpu.memref_slice %arg4[%add3A] : memref<320000xi32, #tpu.memory_space<hbm>> -> memref<80xi32, #tpu.memory_space<hbm>>
        %dma_wait3A_38 = tpu.memref_slice %arg4[%add3A] : memref<320000xi32, #tpu.memory_space<hbm>> -> memref<80xi32, #tpu.memory_space<hbm>>
        tpu.wait_dma2 semaphore(%run_scoped3A : memref<!tpu.dma_semaphore, #tpu.memory_space<semaphore_mem>>) src(%dma_wait3A_38 : memref<80xi32, #tpu.memory_space<hbm>>) dst(%arg8 : memref<80xi32, #tpu.memory_space<vmem>>)
        tpu.yield
      }) : () -> ()
      %mul3A_30 = arith.constant 128 : i32
      %mul3A_31 = arith.muli %arg0, %mul3A_30 : i32
      "tpu.region"() ({
        %run_scoped3A = tpu.sem_alloc : memref<!tpu.dma_semaphore, #tpu.memory_space<semaphore_mem>>
        %dma_start3A = tpu.memref_slice %arg2[%add3A, %mul3A_31] : memref<320000x256xf32, #tpu.memory_space<hbm>> -> memref<80x128xf32, #tpu.memory_space<hbm>>
        %dma_start3A_37 = tpu.memref_slice %arg2[%add3A, %mul3A_31] : memref<320000x256xf32, #tpu.memory_space<hbm>> -> memref<80x128xf32, #tpu.memory_space<hbm>>
        tpu.enqueue_dma source(%dma_start3A_37 : memref<80x128xf32, #tpu.memory_space<hbm>>) target(%arg10 : memref<80x128xf32, #tpu.memory_space<vmem>>) target_semaphore(%run_scoped3A : memref<!tpu.dma_semaphore, #tpu.memory_space<semaphore_mem>>)
        %dma_wait3A = tpu.memref_slice %arg2[%add3A, %mul3A_31] : memref<320000x256xf32, #tpu.memory_space<hbm>> -> memref<80x128xf32, #tpu.memory_space<hbm>>
        %dma_wait3A_38 = tpu.memref_slice %arg2[%add3A, %mul3A_31] : memref<320000x256xf32, #tpu.memory_space<hbm>> -> memref<80x128xf32, #tpu.memory_space<hbm>>
        tpu.wait_dma2 semaphore(%run_scoped3A : memref<!tpu.dma_semaphore, #tpu.memory_space<semaphore_mem>>) src(%dma_wait3A_38 : memref<80x128xf32, #tpu.memory_space<hbm>>) dst(%arg10 : memref<80x128xf32, #tpu.memory_space<vmem>>)
        tpu.yield
      }) : () -> ()
      "tpu.region"() ({
        %run_scoped3A = tpu.sem_alloc : memref<!tpu.dma_semaphore, #tpu.memory_space<semaphore_mem>>
        %dma_start3A = arith.constant 0 : i32
        %dma_start3A_37 = arith.constant 0 : i32
        %dma_start3A_38 = tpu.memref_slice %arg12[%dma_start3A, %dma_start3A_37] : memref<10240x128xf32, #tpu.memory_space<vmem_shared>> -> memref<10240x128xf32, #tpu.memory_space<vmem_shared>>
        tpu.enqueue_indirect_dma source(%arg10 : memref<80x128xf32, #tpu.memory_space<vmem>>) target(%dma_start3A_38 : memref<10240x128xf32, #tpu.memory_space<vmem_shared>>) offsets(%arg8 : memref<80xi32, #tpu.memory_space<vmem>>) semaphore(%run_scoped3A : memref<!tpu.dma_semaphore, #tpu.memory_space<semaphore_mem>>) {add = true}
        %dma_wait3A = arith.constant 0 : i32
        %dma_wait3A_39 = arith.constant 0 : i32
        %dma_wait3A_40 = tpu.memref_slice %arg12[%dma_wait3A, %dma_wait3A_39] : memref<10240x128xf32, #tpu.memory_space<vmem_shared>> -> memref<10240x128xf32, #tpu.memory_space<vmem_shared>>
        tpu.wait_indirect_dma semaphore(%run_scoped3A : memref<!tpu.dma_semaphore, #tpu.memory_space<semaphore_mem>>) src(%arg10 : memref<80x128xf32, #tpu.memory_space<vmem>>) dst(%dma_wait3A_40 : memref<10240x128xf32, #tpu.memory_space<vmem_shared>>)
        tpu.yield
      }) : () -> ()
      %eq3A_32 = arith.constant 0 : i32
      %eq3A_33 = arith.cmpi eq, %arg0, %eq3A_32 : i32
      %convert_element_type3A_34 = arith.extui %eq3A_33 : i1 to i32
      %cond3A_35 = arith.constant 0 : i32
      %cond3A_36 = arith.cmpi ne, %convert_element_type3A_34, %cond3A_35 : i32
      scf.if %cond3A_36 {
        "tpu.region"() ({
          %run_scoped3A = tpu.sem_alloc : memref<!tpu.dma_semaphore, #tpu.memory_space<semaphore_mem>>
          %dma_start3A = arith.constant 0 : i32
          %dma_start3A_84 = tpu.memref_slice %arg3[%add3A, %dma_start3A] : memref<320000x128xf32, #tpu.memory_space<hbm>> -> memref<80x128xf32, #tpu.memory_space<hbm>>
          %dma_start3A_85 = arith.constant 0 : i32
          %dma_start3A_86 = tpu.memref_slice %arg3[%add3A, %dma_start3A_85] : memref<320000x128xf32, #tpu.memory_space<hbm>> -> memref<80x128xf32, #tpu.memory_space<hbm>>
          tpu.enqueue_dma source(%dma_start3A_86 : memref<80x128xf32, #tpu.memory_space<hbm>>) target(%arg11 : memref<80x128xf32, #tpu.memory_space<vmem>>) target_semaphore(%run_scoped3A : memref<!tpu.dma_semaphore, #tpu.memory_space<semaphore_mem>>)
          %dma_wait3A = arith.constant 0 : i32
          %dma_wait3A_87 = tpu.memref_slice %arg3[%add3A, %dma_wait3A] : memref<320000x128xf32, #tpu.memory_space<hbm>> -> memref<80x128xf32, #tpu.memory_space<hbm>>
          %dma_wait3A_88 = arith.constant 0 : i32
          %dma_wait3A_89 = tpu.memref_slice %arg3[%add3A, %dma_wait3A_88] : memref<320000x128xf32, #tpu.memory_space<hbm>> -> memref<80x128xf32, #tpu.memory_space<hbm>>
          tpu.wait_dma2 semaphore(%run_scoped3A : memref<!tpu.dma_semaphore, #tpu.memory_space<semaphore_mem>>) src(%dma_wait3A_89 : memref<80x128xf32, #tpu.memory_space<hbm>>) dst(%arg11 : memref<80x128xf32, #tpu.memory_space<vmem>>)
          tpu.yield
        }) : () -> ()
        %get3A = arith.constant 0 : index
        %get3A_37 = tpu.vector_load %arg8[%get3A] {strides = array<i32>} : memref<80xi32, #tpu.memory_space<vmem>>, vector<16xi32>,
        %get3A_38 = vector.shape_cast %get3A_37 : vector<16xi32> to vector<16xi32>
        %shift_right_logical3A = arith.constant 3 : i32
        %shift_right_logical3A_39 = vector.broadcast %shift_right_logical3A : i32 to vector<16xi32>
        %shift_right_logical3A_40 = arith.shrui %get3A_38, %shift_right_logical3A_39 : vector<16xi32>
        %swap3A = arith.constant 0 : index
        %swap3A_41 = tpu.vector_load %arg9[%swap3A] {strides = array<i32>} : memref<80xi32, #tpu.memory_space<vmem>>, vector<16xi32>,
        %swap3A_42 = vector.shape_cast %swap3A_41 : vector<16xi32> to vector<16xi32>
        %swap3A_43 = vector.shape_cast %shift_right_logical3A_40 : vector<16xi32> to vector<16xi32>
        tpu.vector_store %arg9[%swap3A], %swap3A_43 {strides = array<i32>} : memref<80xi32, #tpu.memory_space<vmem>>, vector<16xi32>,
        %get3A_44 = arith.constant 16 : index
        %get3A_45 = tpu.vector_load %arg8[%get3A_44] {strides = array<i32>} : memref<80xi32, #tpu.memory_space<vmem>>, vector<16xi32>,
        %get3A_46 = vector.shape_cast %get3A_45 : vector<16xi32> to vector<16xi32>
        %shift_right_logical3A_47 = arith.constant 3 : i32
        %shift_right_logical3A_48 = vector.broadcast %shift_right_logical3A_47 : i32 to vector<16xi32>
        %shift_right_logical3A_49 = arith.shrui %get3A_46, %shift_right_logical3A_48 : vector<16xi32>
        %swap3A_50 = arith.constant 16 : index
        %swap3A_51 = tpu.vector_load %arg9[%swap3A_50] {strides = array<i32>} : memref<80xi32, #tpu.memory_space<vmem>>, vector<16xi32>,
        %swap3A_52 = vector.shape_cast %swap3A_51 : vector<16xi32> to vector<16xi32>
        %swap3A_53 = vector.shape_cast %shift_right_logical3A_49 : vector<16xi32> to vector<16xi32>
        tpu.vector_store %arg9[%swap3A_50], %swap3A_53 {strides = array<i32>} : memref<80xi32, #tpu.memory_space<vmem>>, vector<16xi32>,
        %get3A_54 = arith.constant 32 : index
        %get3A_55 = tpu.vector_load %arg8[%get3A_54] {strides = array<i32>} : memref<80xi32, #tpu.memory_space<vmem>>, vector<16xi32>,
        %get3A_56 = vector.shape_cast %get3A_55 : vector<16xi32> to vector<16xi32>
        %shift_right_logical3A_57 = arith.constant 3 : i32
        %shift_right_logical3A_58 = vector.broadcast %shift_right_logical3A_57 : i32 to vector<16xi32>
        %shift_right_logical3A_59 = arith.shrui %get3A_56, %shift_right_logical3A_58 : vector<16xi32>
        %swap3A_60 = arith.constant 32 : index
        %swap3A_61 = tpu.vector_load %arg9[%swap3A_60] {strides = array<i32>} : memref<80xi32, #tpu.memory_space<vmem>>, vector<16xi32>,
        %swap3A_62 = vector.shape_cast %swap3A_61 : vector<16xi32> to vector<16xi32>
        %swap3A_63 = vector.shape_cast %shift_right_logical3A_59 : vector<16xi32> to vector<16xi32>
        tpu.vector_store %arg9[%swap3A_60], %swap3A_63 {strides = array<i32>} : memref<80xi32, #tpu.memory_space<vmem>>, vector<16xi32>,
        %get3A_64 = arith.constant 48 : index
        %get3A_65 = tpu.vector_load %arg8[%get3A_64] {strides = array<i32>} : memref<80xi32, #tpu.memory_space<vmem>>, vector<16xi32>,
        %get3A_66 = vector.shape_cast %get3A_65 : vector<16xi32> to vector<16xi32>
        %shift_right_logical3A_67 = arith.constant 3 : i32
        %shift_right_logical3A_68 = vector.broadcast %shift_right_logical3A_67 : i32 to vector<16xi32>
        %shift_right_logical3A_69 = arith.shrui %get3A_66, %shift_right_logical3A_68 : vector<16xi32>
        %swap3A_70 = arith.constant 48 : index
        %swap3A_71 = tpu.vector_load %arg9[%swap3A_70] {strides = array<i32>} : memref<80xi32, #tpu.memory_space<vmem>>, vector<16xi32>,
        %swap3A_72 = vector.shape_cast %swap3A_71 : vector<16xi32> to vector<16xi32>
        %swap3A_73 = vector.shape_cast %shift_right_logical3A_69 : vector<16xi32> to vector<16xi32>
        tpu.vector_store %arg9[%swap3A_70], %swap3A_73 {strides = array<i32>} : memref<80xi32, #tpu.memory_space<vmem>>, vector<16xi32>,
        %get3A_74 = arith.constant 64 : index
        %get3A_75 = tpu.vector_load %arg8[%get3A_74] {strides = array<i32>} : memref<80xi32, #tpu.memory_space<vmem>>, vector<16xi32>,
        %get3A_76 = vector.shape_cast %get3A_75 : vector<16xi32> to vector<16xi32>
        %shift_right_logical3A_77 = arith.constant 3 : i32
        %shift_right_logical3A_78 = vector.broadcast %shift_right_logical3A_77 : i32 to vector<16xi32>
        %shift_right_logical3A_79 = arith.shrui %get3A_76, %shift_right_logical3A_78 : vector<16xi32>
        %swap3A_80 = arith.constant 64 : index
        %swap3A_81 = tpu.vector_load %arg9[%swap3A_80] {strides = array<i32>} : memref<80xi32, #tpu.memory_space<vmem>>, vector<16xi32>,
        %swap3A_82 = vector.shape_cast %swap3A_81 : vector<16xi32> to vector<16xi32>
        %swap3A_83 = vector.shape_cast %shift_right_logical3A_79 : vector<16xi32> to vector<16xi32>
        tpu.vector_store %arg9[%swap3A_80], %swap3A_83 {strides = array<i32>} : memref<80xi32, #tpu.memory_space<vmem>>, vector<16xi32>,
        "tpu.region"() ({
          %run_scoped3A = tpu.sem_alloc : memref<!tpu.dma_semaphore, #tpu.memory_space<semaphore_mem>>
          %dma_start3A = arith.constant 0 : i32
          %dma_start3A_84 = arith.constant 0 : i32
          %dma_start3A_85 = tpu.memref_slice %arg13[%dma_start3A, %dma_start3A_84] : memref<1280x128xf32, #tpu.memory_space<vmem_shared>> -> memref<1280x128xf32, #tpu.memory_space<vmem_shared>>
          tpu.enqueue_indirect_dma source(%arg11 : memref<80x128xf32, #tpu.memory_space<vmem>>) target(%dma_start3A_85 : memref<1280x128xf32, #tpu.memory_space<vmem_shared>>) offsets(%arg9 : memref<80xi32, #tpu.memory_space<vmem>>) semaphore(%run_scoped3A : memref<!tpu.dma_semaphore, #tpu.memory_space<semaphore_mem>>) {add = true}
          %dma_wait3A = arith.constant 0 : i32
          %dma_wait3A_86 = arith.constant 0 : i32
          %dma_wait3A_87 = tpu.memref_slice %arg13[%dma_wait3A, %dma_wait3A_86] : memref<1280x128xf32, #tpu.memory_space<vmem_shared>> -> memref<1280x128xf32, #tpu.memory_space<vmem_shared>>
          tpu.wait_indirect_dma semaphore(%run_scoped3A : memref<!tpu.dma_semaphore, #tpu.memory_space<semaphore_mem>>) src(%arg11 : memref<80x128xf32, #tpu.memory_space<vmem>>) dst(%dma_wait3A_87 : memref<1280x128xf32, #tpu.memory_space<vmem_shared>>)
          tpu.yield
        }) : () -> ()
      } else {
      }
    }
    %scan3A_15 = arith.constant 250 : i32
    %barrier3A_16 = arith.constant 0 : index
    tpu.barrier barrier_id(%barrier3A_16)
    %scan3A_17 = arith.constant 0 : i32
    %scan3A_18 = arith.constant 0 : i32
    %scan3A_19 = arith.constant 8 : i32
    %scan3A_20 = arith.addi %scan3A_18, %scan3A_19 : i32
    %scan3A_21 = arith.constant 1 : i32
    scf.for %scan3A_25 = %scan3A_18 to %scan3A_20 step %scan3A_21  : i32 {
      %mul3A_26 = arith.constant 80 : i32
      %mul3A_27 = arith.muli %scan3A_25, %mul3A_26 : i32
      %add3A = arith.addi %mul3A_0, %mul3A_27 : i32
      "tpu.region"() ({
        %run_scoped3A = tpu.sem_alloc : memref<!tpu.dma_semaphore, #tpu.memory_space<semaphore_mem>>
        %dma_start3A = arith.constant 0 : i32
        %dma_start3A_30 = tpu.memref_slice %arg12[%add3A, %dma_start3A] : memref<10240x128xf32, #tpu.memory_space<vmem_shared>> -> memref<80x128xf32, #tpu.memory_space<vmem_shared>>
        %dma_start3A_31 = arith.constant 0 : i32
        %dma_start3A_32 = tpu.memref_slice %arg12[%add3A, %dma_start3A_31] : memref<10240x128xf32, #tpu.memory_space<vmem_shared>> -> memref<80x128xf32, #tpu.memory_space<vmem_shared>>
        tpu.enqueue_dma source(%dma_start3A_32 : memref<80x128xf32, #tpu.memory_space<vmem_shared>>) target(%arg10 : memref<80x128xf32, #tpu.memory_space<vmem>>) target_semaphore(%run_scoped3A : memref<!tpu.dma_semaphore, #tpu.memory_space<semaphore_mem>>)
        %dma_wait3A = arith.constant 0 : i32
        %dma_wait3A_33 = tpu.memref_slice %arg12[%add3A, %dma_wait3A] : memref<10240x128xf32, #tpu.memory_space<vmem_shared>> -> memref<80x128xf32, #tpu.memory_space<vmem_shared>>
        %dma_wait3A_34 = arith.constant 0 : i32
        %dma_wait3A_35 = tpu.memref_slice %arg12[%add3A, %dma_wait3A_34] : memref<10240x128xf32, #tpu.memory_space<vmem_shared>> -> memref<80x128xf32, #tpu.memory_space<vmem_shared>>
        tpu.wait_dma2 semaphore(%run_scoped3A : memref<!tpu.dma_semaphore, #tpu.memory_space<semaphore_mem>>) src(%dma_wait3A_35 : memref<80x128xf32, #tpu.memory_space<vmem_shared>>) dst(%arg10 : memref<80x128xf32, #tpu.memory_space<vmem>>)
        tpu.yield
      }) : () -> ()
      %mul3A_28 = arith.constant 128 : i32
      %mul3A_29 = arith.muli %arg0, %mul3A_28 : i32
      "tpu.region"() ({
        %run_scoped3A = tpu.sem_alloc : memref<!tpu.dma_semaphore, #tpu.memory_space<semaphore_mem>>
        %dma_start3A = tpu.memref_slice %arg6[%add3A, %mul3A_29] : memref<10240x256xf32, #tpu.memory_space<hbm>> -> memref<80x128xf32, #tpu.memory_space<hbm>>
        %dma_start3A_30 = tpu.memref_slice %arg6[%add3A, %mul3A_29] : memref<10240x256xf32, #tpu.memory_space<hbm>> -> memref<80x128xf32, #tpu.memory_space<hbm>>
        tpu.enqueue_dma source(%arg10 : memref<80x128xf32, #tpu.memory_space<vmem>>) target(%dma_start3A_30 : memref<80x128xf32, #tpu.memory_space<hbm>>) target_semaphore(%run_scoped3A : memref<!tpu.dma_semaphore, #tpu.memory_space<semaphore_mem>>)
        %dma_wait3A = tpu.memref_slice %arg6[%add3A, %mul3A_29] : memref<10240x256xf32, #tpu.memory_space<hbm>> -> memref<80x128xf32, #tpu.memory_space<hbm>>
        %dma_wait3A_31 = tpu.memref_slice %arg6[%add3A, %mul3A_29] : memref<10240x256xf32, #tpu.memory_space<hbm>> -> memref<80x128xf32, #tpu.memory_space<hbm>>
        tpu.wait_dma2 semaphore(%run_scoped3A : memref<!tpu.dma_semaphore, #tpu.memory_space<semaphore_mem>>) src(%arg10 : memref<80x128xf32, #tpu.memory_space<vmem>>) dst(%dma_wait3A_31 : memref<80x128xf32, #tpu.memory_space<hbm>>)
        tpu.yield
      }) : () -> ()
    }
    %scan3A_22 = arith.constant 8 : i32
    %eq3A = arith.constant 0 : i32
    %eq3A_23 = arith.cmpi eq, %arg0, %eq3A : i32
    %convert_element_type3A = arith.extui %eq3A_23 : i1 to i32
    %cond3A = arith.constant 0 : i32
    %cond3A_24 = arith.cmpi ne, %convert_element_type3A, %cond3A : i32
    scf.if %cond3A_24 {
      %mul3A_25 = arith.constant 80 : i32
      %mul3A_26 = arith.muli %arg1, %mul3A_25 : i32
      "tpu.region"() ({
        %run_scoped3A = tpu.sem_alloc : memref<!tpu.dma_semaphore, #tpu.memory_space<semaphore_mem>>
        %dma_start3A = arith.constant 0 : i32
        %dma_start3A_29 = tpu.memref_slice %arg13[%mul3A_26, %dma_start3A] : memref<1280x128xf32, #tpu.memory_space<vmem_shared>> -> memref<80x128xf32, #tpu.memory_space<vmem_shared>>
        %dma_start3A_30 = arith.constant 0 : i32
        %dma_start3A_31 = tpu.memref_slice %arg13[%mul3A_26, %dma_start3A_30] : memref<1280x128xf32, #tpu.memory_space<vmem_shared>> -> memref<80x128xf32, #tpu.memory_space<vmem_shared>>
        tpu.enqueue_dma source(%dma_start3A_31 : memref<80x128xf32, #tpu.memory_space<vmem_shared>>) target(%arg11 : memref<80x128xf32, #tpu.memory_space<vmem>>) target_semaphore(%run_scoped3A : memref<!tpu.dma_semaphore, #tpu.memory_space<semaphore_mem>>)
        %dma_wait3A = arith.constant 0 : i32
        %dma_wait3A_32 = tpu.memref_slice %arg13[%mul3A_26, %dma_wait3A] : memref<1280x128xf32, #tpu.memory_space<vmem_shared>> -> memref<80x128xf32, #tpu.memory_space<vmem_shared>>
        %dma_wait3A_33 = arith.constant 0 : i32
        %dma_wait3A_34 = tpu.memref_slice %arg13[%mul3A_26, %dma_wait3A_33] : memref<1280x128xf32, #tpu.memory_space<vmem_shared>> -> memref<80x128xf32, #tpu.memory_space<vmem_shared>>
        tpu.wait_dma2 semaphore(%run_scoped3A : memref<!tpu.dma_semaphore, #tpu.memory_space<semaphore_mem>>) src(%dma_wait3A_34 : memref<80x128xf32, #tpu.memory_space<vmem_shared>>) dst(%arg11 : memref<80x128xf32, #tpu.memory_space<vmem>>)
        tpu.yield
      }) : () -> ()
      %mul3A_27 = arith.constant 80 : i32
      %mul3A_28 = arith.muli %arg1, %mul3A_27 : i32
      "tpu.region"() ({
        %run_scoped3A = tpu.sem_alloc : memref<!tpu.dma_semaphore, #tpu.memory_space<semaphore_mem>>
        %dma_start3A = arith.constant 0 : i32
        %dma_start3A_29 = tpu.memref_slice %arg7[%mul3A_28, %dma_start3A] : memref<1280x128xf32, #tpu.memory_space<hbm>> -> memref<80x128xf32, #tpu.memory_space<hbm>>
        %dma_start3A_30 = arith.constant 0 : i32
        %dma_start3A_31 = tpu.memref_slice %arg7[%mul3A_28, %dma_start3A_30] : memref<1280x128xf32, #tpu.memory_space<hbm>> -> memref<80x128xf32, #tpu.memory_space<hbm>>
        tpu.enqueue_dma source(%arg11 : memref<80x128xf32, #tpu.memory_space<vmem>>) target(%dma_start3A_31 : memref<80x128xf32, #tpu.memory_space<hbm>>) target_semaphore(%run_scoped3A : memref<!tpu.dma_semaphore, #tpu.memory_space<semaphore_mem>>)
        %dma_wait3A = arith.constant 0 : i32
        %dma_wait3A_32 = tpu.memref_slice %arg7[%mul3A_28, %dma_wait3A] : memref<1280x128xf32, #tpu.memory_space<hbm>> -> memref<80x128xf32, #tpu.memory_space<hbm>>
        %dma_wait3A_33 = arith.constant 0 : i32
        %dma_wait3A_34 = tpu.memref_slice %arg7[%mul3A_28, %dma_wait3A_33] : memref<1280x128xf32, #tpu.memory_space<hbm>> -> memref<80x128xf32, #tpu.memory_space<hbm>>
        tpu.wait_dma2 semaphore(%run_scoped3A : memref<!tpu.dma_semaphore, #tpu.memory_space<semaphore_mem>>) src(%arg11 : memref<80x128xf32, #tpu.memory_space<vmem>>) dst(%dma_wait3A_34 : memref<80x128xf32, #tpu.memory_space<hbm>>)
        tpu.yield
      }) : () -> ()
    } else {
    }
    return
  }
}

#map = affine_map<(d0, d1) -> (0, 0)>
#map1 = affine_map<(d0, d1) -> (0)>
module attributes {stable_mosaic.version = 14 : i64} {
  func.func @_scatter_body(%arg0: i32, %arg1: i32, %arg2: memref<320000x256xf32, #tpu.memory_space<hbm>>, %arg3: memref<320000x128xf32, #tpu.memory_space<hbm>>, %arg4: memref<320000xi32, #tpu.memory_space<hbm>>, %arg5: memref<10240x128xf32, #tpu.memory_space<hbm>>, %arg6: memref<10240x256xf32, #tpu.memory_space<hbm>>, %arg7: memref<1280x128xf32, #tpu.memory_space<hbm>>, %arg8: memref<80xi32, #tpu.memory_space<vmem>>, %arg9: memref<80xi32, #tpu.memory_space<vmem>>, %arg10: memref<80x128xf32, #tpu.memory_space<vmem>>, %arg11: memref<80x128xf32, #tpu.memory_space<vmem>>, %arg12: memref<10240x128xf32, #tpu.memory_space<vmem_shared>>, %arg13: memref<1280x128xf32, #tpu.memory_space<vmem_shared>>, %arg14: memref<!tpu.dma_semaphore, #tpu.memory_space<semaphore_mem>>) attributes {dimension_semantics = [#tpu.dimension_semantics<core_parallel>, #tpu.dimension_semantics<subcore_parallel>], iteration_bounds = array<i64: 2, 16>, scalar_prefetch = 0 : i64, scratch_operands = 7 : i64, tpu.core_type = #tpu.core_type<sc_vector_subcore>, window_params = [{transform_indices = #map}, {transform_indices = #map}, {transform_indices = #map1}, {transform_indices = #map}, {transform_indices = #map}, {transform_indices = #map}]} {
    %mul3A = arith.constant 640 : i32
    %mul3A_0 = arith.muli %arg1, %mul3A : i32
    %scan3A = arith.constant 0 : i32
    %scan3A_1 = arith.constant 0 : i32
    %scan3A_2 = arith.constant 8 : i32
    %scan3A_3 = arith.addi %scan3A_1, %scan3A_2 : i32
    %scan3A_4 = arith.constant 1 : i32
    scf.for %scan3A_25 = %scan3A_1 to %scan3A_3 step %scan3A_4  : i32 {
      %mul3A_26 = arith.constant 80 : i32
      %mul3A_27 = arith.muli %scan3A_25, %mul3A_26 : i32
      %add3A = arith.addi %mul3A_0, %mul3A_27 : i32
      "tpu.region"() ({
        %run_scoped3A = tpu.sem_alloc : memref<!tpu.dma_semaphore, #tpu.memory_space<semaphore_mem>>
        %dma_start3A = arith.constant 0 : i32
        %dma_start3A_28 = tpu.memref_slice %arg5[%add3A, %dma_start3A] : memref<10240x128xf32, #tpu.memory_space<hbm>> -> memref<80x128xf32, #tpu.memory_space<hbm>>
        %dma_start3A_29 = arith.constant 0 : i32
        %dma_start3A_30 = tpu.memref_slice %arg5[%add3A, %dma_start3A_29] : memref<10240x128xf32, #tpu.memory_space<hbm>> -> memref<80x128xf32, #tpu.memory_space<hbm>>
        tpu.enqueue_dma source(%dma_start3A_30 : memref<80x128xf32, #tpu.memory_space<hbm>>) target(%arg10 : memref<80x128xf32, #tpu.memory_space<vmem>>) target_semaphore(%run_scoped3A : memref<!tpu.dma_semaphore, #tpu.memory_space<semaphore_mem>>)
        %dma_wait3A = arith.constant 0 : i32
        %dma_wait3A_31 = tpu.memref_slice %arg5[%add3A, %dma_wait3A] : memref<10240x128xf32, #tpu.memory_space<hbm>> -> memref<80x128xf32, #tpu.memory_space<hbm>>
        %dma_wait3A_32 = arith.constant 0 : i32
        %dma_wait3A_33 = tpu.memref_slice %arg5[%add3A, %dma_wait3A_32] : memref<10240x128xf32, #tpu.memory_space<hbm>> -> memref<80x128xf32, #tpu.memory_space<hbm>>
        tpu.wait_dma2 semaphore(%run_scoped3A : memref<!tpu.dma_semaphore, #tpu.memory_space<semaphore_mem>>) src(%dma_wait3A_33 : memref<80x128xf32, #tpu.memory_space<hbm>>) dst(%arg10 : memref<80x128xf32, #tpu.memory_space<vmem>>)
        tpu.yield
      }) : () -> ()
      "tpu.region"() ({
        %run_scoped3A = tpu.sem_alloc : memref<!tpu.dma_semaphore, #tpu.memory_space<semaphore_mem>>
        %dma_start3A = arith.constant 0 : i32
        %dma_start3A_28 = tpu.memref_slice %arg12[%add3A, %dma_start3A] : memref<10240x128xf32, #tpu.memory_space<vmem_shared>> -> memref<80x128xf32, #tpu.memory_space<vmem_shared>>
        %dma_start3A_29 = arith.constant 0 : i32
        %dma_start3A_30 = tpu.memref_slice %arg12[%add3A, %dma_start3A_29] : memref<10240x128xf32, #tpu.memory_space<vmem_shared>> -> memref<80x128xf32, #tpu.memory_space<vmem_shared>>
        tpu.enqueue_dma source(%arg10 : memref<80x128xf32, #tpu.memory_space<vmem>>) target(%dma_start3A_30 : memref<80x128xf32, #tpu.memory_space<vmem_shared>>) target_semaphore(%run_scoped3A : memref<!tpu.dma_semaphore, #tpu.memory_space<semaphore_mem>>)
        %dma_wait3A = arith.constant 0 : i32
        %dma_wait3A_31 = tpu.memref_slice %arg12[%add3A, %dma_wait3A] : memref<10240x128xf32, #tpu.memory_space<vmem_shared>> -> memref<80x128xf32, #tpu.memory_space<vmem_shared>>
        %dma_wait3A_32 = arith.constant 0 : i32
        %dma_wait3A_33 = tpu.memref_slice %arg12[%add3A, %dma_wait3A_32] : memref<10240x128xf32, #tpu.memory_space<vmem_shared>> -> memref<80x128xf32, #tpu.memory_space<vmem_shared>>
        tpu.wait_dma2 semaphore(%run_scoped3A : memref<!tpu.dma_semaphore, #tpu.memory_space<semaphore_mem>>) src(%arg10 : memref<80x128xf32, #tpu.memory_space<vmem>>) dst(%dma_wait3A_33 : memref<80x128xf32, #tpu.memory_space<vmem_shared>>)
        tpu.yield
      }) : () -> ()
    }
    %scan3A_5 = arith.constant 8 : i32
    %mul3A_6 = arith.constant 80 : i32
    %mul3A_7 = arith.muli %arg1, %mul3A_6 : i32
    "tpu.region"() ({
      %run_scoped3A = tpu.sem_alloc : memref<!tpu.dma_semaphore, #tpu.memory_space<semaphore_mem>>
      %dma_start3A = arith.constant 0 : i32
      %dma_start3A_25 = tpu.memref_slice %arg5[%mul3A_7, %dma_start3A] : memref<10240x128xf32, #tpu.memory_space<hbm>> -> memref<80x128xf32, #tpu.memory_space<hbm>>
      %dma_start3A_26 = arith.constant 0 : i32
      %dma_start3A_27 = tpu.memref_slice %arg5[%mul3A_7, %dma_start3A_26] : memref<10240x128xf32, #tpu.memory_space<hbm>> -> memref<80x128xf32, #tpu.memory_space<hbm>>
      tpu.enqueue_dma source(%dma_start3A_27 : memref<80x128xf32, #tpu.memory_space<hbm>>) target(%arg11 : memref<80x128xf32, #tpu.memory_space<vmem>>) target_semaphore(%run_scoped3A : memref<!tpu.dma_semaphore, #tpu.memory_space<semaphore_mem>>)
      %dma_wait3A = arith.constant 0 : i32
      %dma_wait3A_28 = tpu.memref_slice %arg5[%mul3A_7, %dma_wait3A] : memref<10240x128xf32, #tpu.memory_space<hbm>> -> memref<80x128xf32, #tpu.memory_space<hbm>>
      %dma_wait3A_29 = arith.constant 0 : i32
      %dma_wait3A_30 = tpu.memref_slice %arg5[%mul3A_7, %dma_wait3A_29] : memref<10240x128xf32, #tpu.memory_space<hbm>> -> memref<80x128xf32, #tpu.memory_space<hbm>>
      tpu.wait_dma2 semaphore(%run_scoped3A : memref<!tpu.dma_semaphore, #tpu.memory_space<semaphore_mem>>) src(%dma_wait3A_30 : memref<80x128xf32, #tpu.memory_space<hbm>>) dst(%arg11 : memref<80x128xf32, #tpu.memory_space<vmem>>)
      tpu.yield
    }) : () -> ()
    %mul3A_8 = arith.constant 80 : i32
    %mul3A_9 = arith.muli %arg1, %mul3A_8 : i32
    "tpu.region"() ({
      %run_scoped3A = tpu.sem_alloc : memref<!tpu.dma_semaphore, #tpu.memory_space<semaphore_mem>>
      %dma_start3A = arith.constant 0 : i32
      %dma_start3A_25 = tpu.memref_slice %arg13[%mul3A_9, %dma_start3A] : memref<1280x128xf32, #tpu.memory_space<vmem_shared>> -> memref<80x128xf32, #tpu.memory_space<vmem_shared>>
      %dma_start3A_26 = arith.constant 0 : i32
      %dma_start3A_27 = tpu.memref_slice %arg13[%mul3A_9, %dma_start3A_26] : memref<1280x128xf32, #tpu.memory_space<vmem_shared>> -> memref<80x128xf32, #tpu.memory_space<vmem_shared>>
      tpu.enqueue_dma source(%arg11 : memref<80x128xf32, #tpu.memory_space<vmem>>) target(%dma_start3A_27 : memref<80x128xf32, #tpu.memory_space<vmem_shared>>) target_semaphore(%run_scoped3A : memref<!tpu.dma_semaphore, #tpu.memory_space<semaphore_mem>>)
      %dma_wait3A = arith.constant 0 : i32
      %dma_wait3A_28 = tpu.memref_slice %arg13[%mul3A_9, %dma_wait3A] : memref<1280x128xf32, #tpu.memory_space<vmem_shared>> -> memref<80x128xf32, #tpu.memory_space<vmem_shared>>
      %dma_wait3A_29 = arith.constant 0 : i32
      %dma_wait3A_30 = tpu.memref_slice %arg13[%mul3A_9, %dma_wait3A_29] : memref<1280x128xf32, #tpu.memory_space<vmem_shared>> -> memref<80x128xf32, #tpu.memory_space<vmem_shared>>
      tpu.wait_dma2 semaphore(%run_scoped3A : memref<!tpu.dma_semaphore, #tpu.memory_space<semaphore_mem>>) src(%arg11 : memref<80x128xf32, #tpu.memory_space<vmem>>) dst(%dma_wait3A_30 : memref<80x128xf32, #tpu.memory_space<vmem_shared>>)
      tpu.yield
    }) : () -> ()
    %barrier3A = arith.constant 0 : index
    tpu.barrier barrier_id(%barrier3A)
    %scan3A_10 = arith.constant 0 : i32
    %scan3A_11 = arith.constant 0 : i32
    %scan3A_12 = arith.constant 250 : i32
    %scan3A_13 = arith.addi %scan3A_11, %scan3A_12 : i32
    %scan3A_14 = arith.constant 1 : i32
    scf.for %scan3A_25 = %scan3A_11 to %scan3A_13 step %scan3A_14  : i32 {
      %mul3A_26 = arith.constant 20000 : i32
      %mul3A_27 = arith.muli %arg1, %mul3A_26 : i32
      %mul3A_28 = arith.constant 80 : i32
      %mul3A_29 = arith.muli %scan3A_25, %mul3A_28 : i32
      %add3A = arith.addi %mul3A_27, %mul3A_29 : i32
      "tpu.region"() ({
        %run_scoped3A = tpu.sem_alloc : memref<!tpu.dma_semaphore, #tpu.memory_space<semaphore_mem>>
        %dma_start3A = tpu.memref_slice %arg4[%add3A] : memref<320000xi32, #tpu.memory_space<hbm>> -> memref<80xi32, #tpu.memory_space<hbm>>
        %dma_start3A_37 = tpu.memref_slice %arg4[%add3A] : memref<320000xi32, #tpu.memory_space<hbm>> -> memref<80xi32, #tpu.memory_space<hbm>>
        tpu.enqueue_dma source(%dma_start3A_37 : memref<80xi32, #tpu.memory_space<hbm>>) target(%arg8 : memref<80xi32, #tpu.memory_space<vmem>>) target_semaphore(%run_scoped3A : memref<!tpu.dma_semaphore, #tpu.memory_space<semaphore_mem>>)
        %dma_wait3A = tpu.memref_slice %arg4[%add3A] : memref<320000xi32, #tpu.memory_space<hbm>> -> memref<80xi32, #tpu.memory_space<hbm>>
        %dma_wait3A_38 = tpu.memref_slice %arg4[%add3A] : memref<320000xi32, #tpu.memory_space<hbm>> -> memref<80xi32, #tpu.memory_space<hbm>>
        tpu.wait_dma2 semaphore(%run_scoped3A : memref<!tpu.dma_semaphore, #tpu.memory_space<semaphore_mem>>) src(%dma_wait3A_38 : memref<80xi32, #tpu.memory_space<hbm>>) dst(%arg8 : memref<80xi32, #tpu.memory_space<vmem>>)
        tpu.yield
      }) : () -> ()
      %mul3A_30 = arith.constant 128 : i32
      %mul3A_31 = arith.muli %arg0, %mul3A_30 : i32
      "tpu.region"() ({
        %run_scoped3A = tpu.sem_alloc : memref<!tpu.dma_semaphore, #tpu.memory_space<semaphore_mem>>
        %dma_start3A = tpu.memref_slice %arg2[%add3A, %mul3A_31] : memref<320000x256xf32, #tpu.memory_space<hbm>> -> memref<80x128xf32, #tpu.memory_space<hbm>>
        %dma_start3A_37 = tpu.memref_slice %arg2[%add3A, %mul3A_31] : memref<320000x256xf32, #tpu.memory_space<hbm>> -> memref<80x128xf32, #tpu.memory_space<hbm>>
        tpu.enqueue_dma source(%dma_start3A_37 : memref<80x128xf32, #tpu.memory_space<hbm>>) target(%arg10 : memref<80x128xf32, #tpu.memory_space<vmem>>) target_semaphore(%run_scoped3A : memref<!tpu.dma_semaphore, #tpu.memory_space<semaphore_mem>>)
        %dma_wait3A = tpu.memref_slice %arg2[%add3A, %mul3A_31] : memref<320000x256xf32, #tpu.memory_space<hbm>> -> memref<80x128xf32, #tpu.memory_space<hbm>>
        %dma_wait3A_38 = tpu.memref_slice %arg2[%add3A, %mul3A_31] : memref<320000x256xf32, #tpu.memory_space<hbm>> -> memref<80x128xf32, #tpu.memory_space<hbm>>
        tpu.wait_dma2 semaphore(%run_scoped3A : memref<!tpu.dma_semaphore, #tpu.memory_space<semaphore_mem>>) src(%dma_wait3A_38 : memref<80x128xf32, #tpu.memory_space<hbm>>) dst(%arg10 : memref<80x128xf32, #tpu.memory_space<vmem>>)
        tpu.yield
      }) : () -> ()
      "tpu.region"() ({
        %run_scoped3A = tpu.sem_alloc : memref<!tpu.dma_semaphore, #tpu.memory_space<semaphore_mem>>
        %dma_start3A = arith.constant 0 : i32
        %dma_start3A_37 = arith.constant 0 : i32
        %dma_start3A_38 = tpu.memref_slice %arg12[%dma_start3A, %dma_start3A_37] : memref<10240x128xf32, #tpu.memory_space<vmem_shared>> -> memref<10240x128xf32, #tpu.memory_space<vmem_shared>>
        tpu.enqueue_indirect_dma source(%arg10 : memref<80x128xf32, #tpu.memory_space<vmem>>) target(%dma_start3A_38 : memref<10240x128xf32, #tpu.memory_space<vmem_shared>>) offsets(%arg8 : memref<80xi32, #tpu.memory_space<vmem>>) semaphore(%run_scoped3A : memref<!tpu.dma_semaphore, #tpu.memory_space<semaphore_mem>>) {add = true}
        %dma_wait3A = arith.constant 0 : i32
        %dma_wait3A_39 = arith.constant 0 : i32
        %dma_wait3A_40 = tpu.memref_slice %arg12[%dma_wait3A, %dma_wait3A_39] : memref<10240x128xf32, #tpu.memory_space<vmem_shared>> -> memref<10240x128xf32, #tpu.memory_space<vmem_shared>>
        tpu.wait_indirect_dma semaphore(%run_scoped3A : memref<!tpu.dma_semaphore, #tpu.memory_space<semaphore_mem>>) src(%arg10 : memref<80x128xf32, #tpu.memory_space<vmem>>) dst(%dma_wait3A_40 : memref<10240x128xf32, #tpu.memory_space<vmem_shared>>)
        tpu.yield
      }) : () -> ()
      %eq3A_32 = arith.constant 0 : i32
      %eq3A_33 = arith.cmpi eq, %arg0, %eq3A_32 : i32
      %convert_element_type3A_34 = arith.extui %eq3A_33 : i1 to i32
      %cond3A_35 = arith.constant 0 : i32
      %cond3A_36 = arith.cmpi ne, %convert_element_type3A_34, %cond3A_35 : i32
      scf.if %cond3A_36 {
        "tpu.region"() ({
          %run_scoped3A = tpu.sem_alloc : memref<!tpu.dma_semaphore, #tpu.memory_space<semaphore_mem>>
          %dma_start3A = arith.constant 0 : i32
          %dma_start3A_84 = tpu.memref_slice %arg3[%add3A, %dma_start3A] : memref<320000x128xf32, #tpu.memory_space<hbm>> -> memref<80x128xf32, #tpu.memory_space<hbm>>
          %dma_start3A_85 = arith.constant 0 : i32
          %dma_start3A_86 = tpu.memref_slice %arg3[%add3A, %dma_start3A_85] : memref<320000x128xf32, #tpu.memory_space<hbm>> -> memref<80x128xf32, #tpu.memory_space<hbm>>
          tpu.enqueue_dma source(%dma_start3A_86 : memref<80x128xf32, #tpu.memory_space<hbm>>) target(%arg11 : memref<80x128xf32, #tpu.memory_space<vmem>>) target_semaphore(%run_scoped3A : memref<!tpu.dma_semaphore, #tpu.memory_space<semaphore_mem>>)
          %dma_wait3A = arith.constant 0 : i32
          %dma_wait3A_87 = tpu.memref_slice %arg3[%add3A, %dma_wait3A] : memref<320000x128xf32, #tpu.memory_space<hbm>> -> memref<80x128xf32, #tpu.memory_space<hbm>>
          %dma_wait3A_88 = arith.constant 0 : i32
          %dma_wait3A_89 = tpu.memref_slice %arg3[%add3A, %dma_wait3A_88] : memref<320000x128xf32, #tpu.memory_space<hbm>> -> memref<80x128xf32, #tpu.memory_space<hbm>>
          tpu.wait_dma2 semaphore(%run_scoped3A : memref<!tpu.dma_semaphore, #tpu.memory_space<semaphore_mem>>) src(%dma_wait3A_89 : memref<80x128xf32, #tpu.memory_space<hbm>>) dst(%arg11 : memref<80x128xf32, #tpu.memory_space<vmem>>)
          tpu.yield
        }) : () -> ()
        %get3A = arith.constant 0 : index
        %get3A_37 = tpu.vector_load %arg8[%get3A] {strides = array<i32>} : memref<80xi32, #tpu.memory_space<vmem>>, vector<16xi32>,
        %get3A_38 = vector.shape_cast %get3A_37 : vector<16xi32> to vector<16xi32>
        %shift_right_logical3A = arith.constant 3 : i32
        %shift_right_logical3A_39 = vector.broadcast %shift_right_logical3A : i32 to vector<16xi32>
        %shift_right_logical3A_40 = arith.shrui %get3A_38, %shift_right_logical3A_39 : vector<16xi32>
        %swap3A = arith.constant 0 : index
        %swap3A_41 = tpu.vector_load %arg9[%swap3A] {strides = array<i32>} : memref<80xi32, #tpu.memory_space<vmem>>, vector<16xi32>,
        %swap3A_42 = vector.shape_cast %swap3A_41 : vector<16xi32> to vector<16xi32>
        %swap3A_43 = vector.shape_cast %shift_right_logical3A_40 : vector<16xi32> to vector<16xi32>
        tpu.vector_store %arg9[%swap3A], %swap3A_43 {strides = array<i32>} : memref<80xi32, #tpu.memory_space<vmem>>, vector<16xi32>,
        %get3A_44 = arith.constant 16 : index
        %get3A_45 = tpu.vector_load %arg8[%get3A_44] {strides = array<i32>} : memref<80xi32, #tpu.memory_space<vmem>>, vector<16xi32>,
        %get3A_46 = vector.shape_cast %get3A_45 : vector<16xi32> to vector<16xi32>
        %shift_right_logical3A_47 = arith.constant 3 : i32
        %shift_right_logical3A_48 = vector.broadcast %shift_right_logical3A_47 : i32 to vector<16xi32>
        %shift_right_logical3A_49 = arith.shrui %get3A_46, %shift_right_logical3A_48 : vector<16xi32>
        %swap3A_50 = arith.constant 16 : index
        %swap3A_51 = tpu.vector_load %arg9[%swap3A_50] {strides = array<i32>} : memref<80xi32, #tpu.memory_space<vmem>>, vector<16xi32>,
        %swap3A_52 = vector.shape_cast %swap3A_51 : vector<16xi32> to vector<16xi32>
        %swap3A_53 = vector.shape_cast %shift_right_logical3A_49 : vector<16xi32> to vector<16xi32>
        tpu.vector_store %arg9[%swap3A_50], %swap3A_53 {strides = array<i32>} : memref<80xi32, #tpu.memory_space<vmem>>, vector<16xi32>,
        %get3A_54 = arith.constant 32 : index
        %get3A_55 = tpu.vector_load %arg8[%get3A_54] {strides = array<i32>} : memref<80xi32, #tpu.memory_space<vmem>>, vector<16xi32>,
        %get3A_56 = vector.shape_cast %get3A_55 : vector<16xi32> to vector<16xi32>
        %shift_right_logical3A_57 = arith.constant 3 : i32
        %shift_right_logical3A_58 = vector.broadcast %shift_right_logical3A_57 : i32 to vector<16xi32>
        %shift_right_logical3A_59 = arith.shrui %get3A_56, %shift_right_logical3A_58 : vector<16xi32>
        %swap3A_60 = arith.constant 32 : index
        %swap3A_61 = tpu.vector_load %arg9[%swap3A_60] {strides = array<i32>} : memref<80xi32, #tpu.memory_space<vmem>>, vector<16xi32>,
        %swap3A_62 = vector.shape_cast %swap3A_61 : vector<16xi32> to vector<16xi32>
        %swap3A_63 = vector.shape_cast %shift_right_logical3A_59 : vector<16xi32> to vector<16xi32>
        tpu.vector_store %arg9[%swap3A_60], %swap3A_63 {strides = array<i32>} : memref<80xi32, #tpu.memory_space<vmem>>, vector<16xi32>,
        %get3A_64 = arith.constant 48 : index
        %get3A_65 = tpu.vector_load %arg8[%get3A_64] {strides = array<i32>} : memref<80xi32, #tpu.memory_space<vmem>>, vector<16xi32>,
        %get3A_66 = vector.shape_cast %get3A_65 : vector<16xi32> to vector<16xi32>
        %shift_right_logical3A_67 = arith.constant 3 : i32
        %shift_right_logical3A_68 = vector.broadcast %shift_right_logical3A_67 : i32 to vector<16xi32>
        %shift_right_logical3A_69 = arith.shrui %get3A_66, %shift_right_logical3A_68 : vector<16xi32>
        %swap3A_70 = arith.constant 48 : index
        %swap3A_71 = tpu.vector_load %arg9[%swap3A_70] {strides = array<i32>} : memref<80xi32, #tpu.memory_space<vmem>>, vector<16xi32>,
        %swap3A_72 = vector.shape_cast %swap3A_71 : vector<16xi32> to vector<16xi32>
        %swap3A_73 = vector.shape_cast %shift_right_logical3A_69 : vector<16xi32> to vector<16xi32>
        tpu.vector_store %arg9[%swap3A_70], %swap3A_73 {strides = array<i32>} : memref<80xi32, #tpu.memory_space<vmem>>, vector<16xi32>,
        %get3A_74 = arith.constant 64 : index
        %get3A_75 = tpu.vector_load %arg8[%get3A_74] {strides = array<i32>} : memref<80xi32, #tpu.memory_space<vmem>>, vector<16xi32>,
        %get3A_76 = vector.shape_cast %get3A_75 : vector<16xi32> to vector<16xi32>
        %shift_right_logical3A_77 = arith.constant 3 : i32
        %shift_right_logical3A_78 = vector.broadcast %shift_right_logical3A_77 : i32 to vector<16xi32>
        %shift_right_logical3A_79 = arith.shrui %get3A_76, %shift_right_logical3A_78 : vector<16xi32>
        %swap3A_80 = arith.constant 64 : index
        %swap3A_81 = tpu.vector_load %arg9[%swap3A_80] {strides = array<i32>} : memref<80xi32, #tpu.memory_space<vmem>>, vector<16xi32>,
        %swap3A_82 = vector.shape_cast %swap3A_81 : vector<16xi32> to vector<16xi32>
        %swap3A_83 = vector.shape_cast %shift_right_logical3A_79 : vector<16xi32> to vector<16xi32>
        tpu.vector_store %arg9[%swap3A_80], %swap3A_83 {strides = array<i32>} : memref<80xi32, #tpu.memory_space<vmem>>, vector<16xi32>,
        "tpu.region"() ({
          %run_scoped3A = tpu.sem_alloc : memref<!tpu.dma_semaphore, #tpu.memory_space<semaphore_mem>>
          %dma_start3A = arith.constant 0 : i32
          %dma_start3A_84 = arith.constant 0 : i32
          %dma_start3A_85 = tpu.memref_slice %arg13[%dma_start3A, %dma_start3A_84] : memref<1280x128xf32, #tpu.memory_space<vmem_shared>> -> memref<1280x128xf32, #tpu.memory_space<vmem_shared>>
          tpu.enqueue_indirect_dma source(%arg11 : memref<80x128xf32, #tpu.memory_space<vmem>>) target(%dma_start3A_85 : memref<1280x128xf32, #tpu.memory_space<vmem_shared>>) offsets(%arg9 : memref<80xi32, #tpu.memory_space<vmem>>) semaphore(%run_scoped3A : memref<!tpu.dma_semaphore, #tpu.memory_space<semaphore_mem>>) {add = true}
          %dma_wait3A = arith.constant 0 : i32
          %dma_wait3A_86 = arith.constant 0 : i32
          %dma_wait3A_87 = tpu.memref_slice %arg13[%dma_wait3A, %dma_wait3A_86] : memref<1280x128xf32, #tpu.memory_space<vmem_shared>> -> memref<1280x128xf32, #tpu.memory_space<vmem_shared>>
          tpu.wait_indirect_dma semaphore(%run_scoped3A : memref<!tpu.dma_semaphore, #tpu.memory_space<semaphore_mem>>) src(%arg11 : memref<80x128xf32, #tpu.memory_space<vmem>>) dst(%dma_wait3A_87 : memref<1280x128xf32, #tpu.memory_space<vmem_shared>>)
          tpu.yield
        }) : () -> ()
      } else {
      }
    }
    %scan3A_15 = arith.constant 250 : i32
    %barrier3A_16 = arith.constant 0 : index
    tpu.barrier barrier_id(%barrier3A_16)
    %scan3A_17 = arith.constant 0 : i32
    %scan3A_18 = arith.constant 0 : i32
    %scan3A_19 = arith.constant 8 : i32
    %scan3A_20 = arith.addi %scan3A_18, %scan3A_19 : i32
    %scan3A_21 = arith.constant 1 : i32
    scf.for %scan3A_25 = %scan3A_18 to %scan3A_20 step %scan3A_21  : i32 {
      %mul3A_26 = arith.constant 80 : i32
      %mul3A_27 = arith.muli %scan3A_25, %mul3A_26 : i32
      %add3A = arith.addi %mul3A_0, %mul3A_27 : i32
      "tpu.region"() ({
        %run_scoped3A = tpu.sem_alloc : memref<!tpu.dma_semaphore, #tpu.memory_space<semaphore_mem>>
        %dma_start3A = arith.constant 0 : i32
        %dma_start3A_30 = tpu.memref_slice %arg12[%add3A, %dma_start3A] : memref<10240x128xf32, #tpu.memory_space<vmem_shared>> -> memref<80x128xf32, #tpu.memory_space<vmem_shared>>
        %dma_start3A_31 = arith.constant 0 : i32
        %dma_start3A_32 = tpu.memref_slice %arg12[%add3A, %dma_start3A_31] : memref<10240x128xf32, #tpu.memory_space<vmem_shared>> -> memref<80x128xf32, #tpu.memory_space<vmem_shared>>
        tpu.enqueue_dma source(%dma_start3A_32 : memref<80x128xf32, #tpu.memory_space<vmem_shared>>) target(%arg10 : memref<80x128xf32, #tpu.memory_space<vmem>>) target_semaphore(%run_scoped3A : memref<!tpu.dma_semaphore, #tpu.memory_space<semaphore_mem>>)
        %dma_wait3A = arith.constant 0 : i32
        %dma_wait3A_33 = tpu.memref_slice %arg12[%add3A, %dma_wait3A] : memref<10240x128xf32, #tpu.memory_space<vmem_shared>> -> memref<80x128xf32, #tpu.memory_space<vmem_shared>>
        %dma_wait3A_34 = arith.constant 0 : i32
        %dma_wait3A_35 = tpu.memref_slice %arg12[%add3A, %dma_wait3A_34] : memref<10240x128xf32, #tpu.memory_space<vmem_shared>> -> memref<80x128xf32, #tpu.memory_space<vmem_shared>>
        tpu.wait_dma2 semaphore(%run_scoped3A : memref<!tpu.dma_semaphore, #tpu.memory_space<semaphore_mem>>) src(%dma_wait3A_35 : memref<80x128xf32, #tpu.memory_space<vmem_shared>>) dst(%arg10 : memref<80x128xf32, #tpu.memory_space<vmem>>)
        tpu.yield
      }) : () -> ()
      %mul3A_28 = arith.constant 128 : i32
      %mul3A_29 = arith.muli %arg0, %mul3A_28 : i32
      "tpu.region"() ({
        %run_scoped3A = tpu.sem_alloc : memref<!tpu.dma_semaphore, #tpu.memory_space<semaphore_mem>>
        %dma_start3A = tpu.memref_slice %arg6[%add3A, %mul3A_29] : memref<10240x256xf32, #tpu.memory_space<hbm>> -> memref<80x128xf32, #tpu.memory_space<hbm>>
        %dma_start3A_30 = tpu.memref_slice %arg6[%add3A, %mul3A_29] : memref<10240x256xf32, #tpu.memory_space<hbm>> -> memref<80x128xf32, #tpu.memory_space<hbm>>
        tpu.enqueue_dma source(%arg10 : memref<80x128xf32, #tpu.memory_space<vmem>>) target(%dma_start3A_30 : memref<80x128xf32, #tpu.memory_space<hbm>>) target_semaphore(%run_scoped3A : memref<!tpu.dma_semaphore, #tpu.memory_space<semaphore_mem>>)
        %dma_wait3A = tpu.memref_slice %arg6[%add3A, %mul3A_29] : memref<10240x256xf32, #tpu.memory_space<hbm>> -> memref<80x128xf32, #tpu.memory_space<hbm>>
        %dma_wait3A_31 = tpu.memref_slice %arg6[%add3A, %mul3A_29] : memref<10240x256xf32, #tpu.memory_space<hbm>> -> memref<80x128xf32, #tpu.memory_space<hbm>>
        tpu.wait_dma2 semaphore(%run_scoped3A : memref<!tpu.dma_semaphore, #tpu.memory_space<semaphore_mem>>) src(%arg10 : memref<80x128xf32, #tpu.memory_space<vmem>>) dst(%dma_wait3A_31 : memref<80x128xf32, #tpu.memory_space<hbm>>)
        tpu.yield
      }) : () -> ()
    }
    %scan3A_22 = arith.constant 8 : i32
    %eq3A = arith.constant 0 : i32
    %eq3A_23 = arith.cmpi eq, %arg0, %eq3A : i32
    %convert_element_type3A = arith.extui %eq3A_23 : i1 to i32
    %cond3A = arith.constant 0 : i32
    %cond3A_24 = arith.cmpi ne, %convert_element_type3A, %cond3A : i32
    scf.if %cond3A_24 {
      %mul3A_25 = arith.constant 80 : i32
      %mul3A_26 = arith.muli %arg1, %mul3A_25 : i32
      "tpu.region"() ({
        %run_scoped3A = tpu.sem_alloc : memref<!tpu.dma_semaphore, #tpu.memory_space<semaphore_mem>>
        %dma_start3A = arith.constant 0 : i32
        %dma_start3A_29 = tpu.memref_slice %arg13[%mul3A_26, %dma_start3A] : memref<1280x128xf32, #tpu.memory_space<vmem_shared>> -> memref<80x128xf32, #tpu.memory_space<vmem_shared>>
        %dma_start3A_30 = arith.constant 0 : i32
        %dma_start3A_31 = tpu.memref_slice %arg13[%mul3A_26, %dma_start3A_30] : memref<1280x128xf32, #tpu.memory_space<vmem_shared>> -> memref<80x128xf32, #tpu.memory_space<vmem_shared>>
        tpu.enqueue_dma source(%dma_start3A_31 : memref<80x128xf32, #tpu.memory_space<vmem_shared>>) target(%arg11 : memref<80x128xf32, #tpu.memory_space<vmem>>) target_semaphore(%run_scoped3A : memref<!tpu.dma_semaphore, #tpu.memory_space<semaphore_mem>>)
        %dma_wait3A = arith.constant 0 : i32
        %dma_wait3A_32 = tpu.memref_slice %arg13[%mul3A_26, %dma_wait3A] : memref<1280x128xf32, #tpu.memory_space<vmem_shared>> -> memref<80x128xf32, #tpu.memory_space<vmem_shared>>
        %dma_wait3A_33 = arith.constant 0 : i32
        %dma_wait3A_34 = tpu.memref_slice %arg13[%mul3A_26, %dma_wait3A_33] : memref<1280x128xf32, #tpu.memory_space<vmem_shared>> -> memref<80x128xf32, #tpu.memory_space<vmem_shared>>
        tpu.wait_dma2 semaphore(%run_scoped3A : memref<!tpu.dma_semaphore, #tpu.memory_space<semaphore_mem>>) src(%dma_wait3A_34 : memref<80x128xf32, #tpu.memory_space<vmem_shared>>) dst(%arg11 : memref<80x128xf32, #tpu.memory_space<vmem>>)
        tpu.yield
      }) : () -> ()
      %mul3A_27 = arith.constant 80 : i32
      %mul3A_28 = arith.muli %arg1, %mul3A_27 : i32
      "tpu.region"() ({
        %run_scoped3A = tpu.sem_alloc : memref<!tpu.dma_semaphore, #tpu.memory_space<semaphore_mem>>
        %dma_start3A = arith.constant 0 : i32
        %dma_start3A_29 = tpu.memref_slice %arg7[%mul3A_28, %dma_start3A] : memref<1280x128xf32, #tpu.memory_space<hbm>> -> memref<80x128xf32, #tpu.memory_space<hbm>>
        %dma_start3A_30 = arith.constant 0 : i32
        %dma_start3A_31 = tpu.memref_slice %arg7[%mul3A_28, %dma_start3A_30] : memref<1280x128xf32, #tpu.memory_space<hbm>> -> memref<80x128xf32, #tpu.memory_space<hbm>>
        tpu.enqueue_dma source(%arg11 : memref<80x128xf32, #tpu.memory_space<vmem>>) target(%dma_start3A_31 : memref<80x128xf32, #tpu.memory_space<hbm>>) target_semaphore(%run_scoped3A : memref<!tpu.dma_semaphore, #tpu.memory_space<semaphore_mem>>)
        %dma_wait3A = arith.constant 0 : i32
        %dma_wait3A_32 = tpu.memref_slice %arg7[%mul3A_28, %dma_wait3A] : memref<1280x128xf32, #tpu.memory_space<hbm>> -> memref<80x128xf32, #tpu.memory_space<hbm>>
        %dma_wait3A_33 = arith.constant 0 : i32
        %dma_wait3A_34 = tpu.memref_slice %arg7[%mul3A_28, %dma_wait3A_33] : memref<1280x128xf32, #tpu.memory_space<hbm>> -> memref<80x128xf32, #tpu.memory_space<hbm>>
        tpu.wait_dma2 semaphore(%run_scoped3A : memref<!tpu.dma_semaphore, #tpu.memory_space<semaphore_mem>>) src(%arg11 : memref<80x128xf32, #tpu.memory_space<vmem>>) dst(%dma_wait3A_34 : memref<80x128xf32, #tpu.memory_space<hbm>>)
        tpu.yield
      }) : () -> ()
    } else {
    }
    return
  }
}

#map = affine_map<(d0, d1) -> (0, 0)>
#map1 = affine_map<(d0, d1) -> (0)>
module attributes {stable_mosaic.version = 14 : i64} {
  func.func @_gather_body(%arg0: i32, %arg1: i32, %arg2: memref<10000x256xf32, #tpu.memory_space<hbm>>, %arg3: memref<10000x256xf32, #tpu.memory_space<hbm>>, %arg4: memref<320000xi32, #tpu.memory_space<hbm>>, %arg5: memref<320000xi32, #tpu.memory_space<hbm>>, %arg6: memref<320000x256xf32, #tpu.memory_space<hbm>>, %arg7: memref<320000x256xf32, #tpu.memory_space<hbm>>, %arg8: memref<80xi32, #tpu.memory_space<vmem>>, %arg9: memref<80xi32, #tpu.memory_space<vmem>>, %arg10: memref<80x256xf32, #tpu.memory_space<vmem>>, %arg11: memref<80x256xf32, #tpu.memory_space<vmem>>, %arg12: memref<!tpu.dma_semaphore, #tpu.memory_space<semaphore_mem>>, %arg13: memref<!tpu.dma_semaphore, #tpu.memory_space<semaphore_mem>>) attributes {dimension_semantics = [#tpu.dimension_semantics<core_parallel>, #tpu.dimension_semantics<subcore_parallel>], iteration_bounds = array<i64: 2, 16>, scalar_prefetch = 0 : i64, scratch_operands = 6 : i64, tpu.core_type = #tpu.core_type<sc_vector_subcore>, window_params = [{transform_indices = #map}, {transform_indices = #map}, {transform_indices = #map1}, {transform_indices = #map1}, {transform_indices = #map}, {transform_indices = #map}]} {
    %mul3A = arith.constant 2 : i32
    %mul3A_0 = arith.muli %arg1, %mul3A : i32
    %add3A = arith.addi %mul3A_0, %arg0 : i32
    %scan3A = arith.constant 0 : i32
    %scan3A_1 = arith.constant 0 : i32
    %scan3A_2 = arith.constant 125 : i32
    %scan3A_3 = arith.addi %scan3A_1, %scan3A_2 : i32
    %scan3A_4 = arith.constant 1 : i32
    scf.for %scan3A_6 = %scan3A_1 to %scan3A_3 step %scan3A_4  : i32 {
      %mul3A_7 = arith.constant 10000 : i32
      %mul3A_8 = arith.muli %add3A, %mul3A_7 : i32
      %mul3A_9 = arith.constant 80 : i32
      %mul3A_10 = arith.muli %scan3A_6, %mul3A_9 : i32
      %add3A_11 = arith.addi %mul3A_8, %mul3A_10 : i32
      "tpu.region"() ({
        %run_scoped3A = tpu.sem_alloc : memref<!tpu.dma_semaphore, #tpu.memory_space<semaphore_mem>>
        %dma_start3A_22 = tpu.memref_slice %arg4[%add3A_11] : memref<320000xi32, #tpu.memory_space<hbm>> -> memref<80xi32, #tpu.memory_space<hbm>>
        %dma_start3A_23 = tpu.memref_slice %arg4[%add3A_11] : memref<320000xi32, #tpu.memory_space<hbm>> -> memref<80xi32, #tpu.memory_space<hbm>>
        tpu.enqueue_dma source(%dma_start3A_23 : memref<80xi32, #tpu.memory_space<hbm>>) target(%arg8 : memref<80xi32, #tpu.memory_space<vmem>>) target_semaphore(%run_scoped3A : memref<!tpu.dma_semaphore, #tpu.memory_space<semaphore_mem>>)
        %dma_wait3A_24 = tpu.memref_slice %arg4[%add3A_11] : memref<320000xi32, #tpu.memory_space<hbm>> -> memref<80xi32, #tpu.memory_space<hbm>>
        %dma_wait3A_25 = tpu.memref_slice %arg4[%add3A_11] : memref<320000xi32, #tpu.memory_space<hbm>> -> memref<80xi32, #tpu.memory_space<hbm>>
        tpu.wait_dma2 semaphore(%run_scoped3A : memref<!tpu.dma_semaphore, #tpu.memory_space<semaphore_mem>>) src(%dma_wait3A_25 : memref<80xi32, #tpu.memory_space<hbm>>) dst(%arg8 : memref<80xi32, #tpu.memory_space<vmem>>)
        tpu.yield
      }) : () -> ()
      "tpu.region"() ({
        %run_scoped3A = tpu.sem_alloc : memref<!tpu.dma_semaphore, #tpu.memory_space<semaphore_mem>>
        %dma_start3A_22 = tpu.memref_slice %arg5[%add3A_11] : memref<320000xi32, #tpu.memory_space<hbm>> -> memref<80xi32, #tpu.memory_space<hbm>>
        %dma_start3A_23 = tpu.memref_slice %arg5[%add3A_11] : memref<320000xi32, #tpu.memory_space<hbm>> -> memref<80xi32, #tpu.memory_space<hbm>>
        tpu.enqueue_dma source(%dma_start3A_23 : memref<80xi32, #tpu.memory_space<hbm>>) target(%arg9 : memref<80xi32, #tpu.memory_space<vmem>>) target_semaphore(%run_scoped3A : memref<!tpu.dma_semaphore, #tpu.memory_space<semaphore_mem>>)
        %dma_wait3A_24 = tpu.memref_slice %arg5[%add3A_11] : memref<320000xi32, #tpu.memory_space<hbm>> -> memref<80xi32, #tpu.memory_space<hbm>>
        %dma_wait3A_25 = tpu.memref_slice %arg5[%add3A_11] : memref<320000xi32, #tpu.memory_space<hbm>> -> memref<80xi32, #tpu.memory_space<hbm>>
        tpu.wait_dma2 semaphore(%run_scoped3A : memref<!tpu.dma_semaphore, #tpu.memory_space<semaphore_mem>>) src(%dma_wait3A_25 : memref<80xi32, #tpu.memory_space<hbm>>) dst(%arg9 : memref<80xi32, #tpu.memory_space<vmem>>)
        tpu.yield
      }) : () -> ()
      %dma_start3A = arith.constant 0 : i32
      %dma_start3A_12 = arith.constant 0 : i32
      %dma_start3A_13 = tpu.memref_slice %arg2[%dma_start3A, %dma_start3A_12] : memref<10000x256xf32, #tpu.memory_space<hbm>> -> memref<10000x256xf32, #tpu.memory_space<hbm>>
      tpu.enqueue_indirect_dma source(%dma_start3A_13 : memref<10000x256xf32, #tpu.memory_space<hbm>>) target(%arg10 : memref<80x256xf32, #tpu.memory_space<vmem>>) offsets(%arg8 : memref<80xi32, #tpu.memory_space<vmem>>) semaphore(%arg12 : memref<!tpu.dma_semaphore, #tpu.memory_space<semaphore_mem>>)
      %dma_start3A_14 = arith.constant 0 : i32
      %dma_start3A_15 = arith.constant 0 : i32
      %dma_start3A_16 = tpu.memref_slice %arg3[%dma_start3A_14, %dma_start3A_15] : memref<10000x256xf32, #tpu.memory_space<hbm>> -> memref<10000x256xf32, #tpu.memory_space<hbm>>
      tpu.enqueue_indirect_dma source(%dma_start3A_16 : memref<10000x256xf32, #tpu.memory_space<hbm>>) target(%arg11 : memref<80x256xf32, #tpu.memory_space<vmem>>) offsets(%arg9 : memref<80xi32, #tpu.memory_space<vmem>>) semaphore(%arg13 : memref<!tpu.dma_semaphore, #tpu.memory_space<semaphore_mem>>)
      %dma_wait3A = arith.constant 0 : i32
      %dma_wait3A_17 = arith.constant 0 : i32
      %dma_wait3A_18 = tpu.memref_slice %arg2[%dma_wait3A, %dma_wait3A_17] : memref<10000x256xf32, #tpu.memory_space<hbm>> -> memref<10000x256xf32, #tpu.memory_space<hbm>>
      tpu.wait_indirect_dma semaphore(%arg12 : memref<!tpu.dma_semaphore, #tpu.memory_space<semaphore_mem>>) src(%dma_wait3A_18 : memref<10000x256xf32, #tpu.memory_space<hbm>>) dst(%arg10 : memref<80x256xf32, #tpu.memory_space<vmem>>)
      %dma_wait3A_19 = arith.constant 0 : i32
      %dma_wait3A_20 = arith.constant 0 : i32
      %dma_wait3A_21 = tpu.memref_slice %arg3[%dma_wait3A_19, %dma_wait3A_20] : memref<10000x256xf32, #tpu.memory_space<hbm>> -> memref<10000x256xf32, #tpu.memory_space<hbm>>
      tpu.wait_indirect_dma semaphore(%arg13 : memref<!tpu.dma_semaphore, #tpu.memory_space<semaphore_mem>>) src(%dma_wait3A_21 : memref<10000x256xf32, #tpu.memory_space<hbm>>) dst(%arg11 : memref<80x256xf32, #tpu.memory_space<vmem>>)
      "tpu.region"() ({
        %run_scoped3A = tpu.sem_alloc : memref<!tpu.dma_semaphore, #tpu.memory_space<semaphore_mem>>
        %dma_start3A_22 = arith.constant 0 : i32
        %dma_start3A_23 = tpu.memref_slice %arg6[%add3A_11, %dma_start3A_22] : memref<320000x256xf32, #tpu.memory_space<hbm>> -> memref<80x256xf32, #tpu.memory_space<hbm>>
        %dma_start3A_24 = arith.constant 0 : i32
        %dma_start3A_25 = tpu.memref_slice %arg6[%add3A_11, %dma_start3A_24] : memref<320000x256xf32, #tpu.memory_space<hbm>> -> memref<80x256xf32, #tpu.memory_space<hbm>>
        tpu.enqueue_dma source(%arg10 : memref<80x256xf32, #tpu.memory_space<vmem>>) target(%dma_start3A_25 : memref<80x256xf32, #tpu.memory_space<hbm>>) target_semaphore(%run_scoped3A : memref<!tpu.dma_semaphore, #tpu.memory_space<semaphore_mem>>)
        %dma_wait3A_26 = arith.constant 0 : i32
        %dma_wait3A_27 = tpu.memref_slice %arg6[%add3A_11, %dma_wait3A_26] : memref<320000x256xf32, #tpu.memory_space<hbm>> -> memref<80x256xf32, #tpu.memory_space<hbm>>
        %dma_wait3A_28 = arith.constant 0 : i32
        %dma_wait3A_29 = tpu.memref_slice %arg6[%add3A_11, %dma_wait3A_28] : memref<320000x256xf32, #tpu.memory_space<hbm>> -> memref<80x256xf32, #tpu.memory_space<hbm>>
        tpu.wait_dma2 semaphore(%run_scoped3A : memref<!tpu.dma_semaphore, #tpu.memory_space<semaphore_mem>>) src(%arg10 : memref<80x256xf32, #tpu.memory_space<vmem>>) dst(%dma_wait3A_29 : memref<80x256xf32, #tpu.memory_space<hbm>>)
        tpu.yield
      }) : () -> ()
      "tpu.region"() ({
        %run_scoped3A = tpu.sem_alloc : memref<!tpu.dma_semaphore, #tpu.memory_space<semaphore_mem>>
        %dma_start3A_22 = arith.constant 0 : i32
        %dma_start3A_23 = tpu.memref_slice %arg7[%add3A_11, %dma_start3A_22] : memref<320000x256xf32, #tpu.memory_space<hbm>> -> memref<80x256xf32, #tpu.memory_space<hbm>>
        %dma_start3A_24 = arith.constant 0 : i32
        %dma_start3A_25 = tpu.memref_slice %arg7[%add3A_11, %dma_start3A_24] : memref<320000x256xf32, #tpu.memory_space<hbm>> -> memref<80x256xf32, #tpu.memory_space<hbm>>
        tpu.enqueue_dma source(%arg11 : memref<80x256xf32, #tpu.memory_space<vmem>>) target(%dma_start3A_25 : memref<80x256xf32, #tpu.memory_space<hbm>>) target_semaphore(%run_scoped3A : memref<!tpu.dma_semaphore, #tpu.memory_space<semaphore_mem>>)
        %dma_wait3A_26 = arith.constant 0 : i32
        %dma_wait3A_27 = tpu.memref_slice %arg7[%add3A_11, %dma_wait3A_26] : memref<320000x256xf32, #tpu.memory_space<hbm>> -> memref<80x256xf32, #tpu.memory_space<hbm>>
        %dma_wait3A_28 = arith.constant 0 : i32
        %dma_wait3A_29 = tpu.memref_slice %arg7[%add3A_11, %dma_wait3A_28] : memref<320000x256xf32, #tpu.memory_space<hbm>> -> memref<80x256xf32, #tpu.memory_space<hbm>>
        tpu.wait_dma2 semaphore(%run_scoped3A : memref<!tpu.dma_semaphore, #tpu.memory_space<semaphore_mem>>) src(%arg11 : memref<80x256xf32, #tpu.memory_space<vmem>>) dst(%dma_wait3A_29 : memref<80x256xf32, #tpu.memory_space<hbm>>)
        tpu.yield
      }) : () -> ()
    }
    %scan3A_5 = arith.constant 125 : i32
    return
  }
}

module attributes {stable_mosaic.version = 14 : i64} {
  func.func @_xlxr_body(%arg0: i32, %arg1: memref<1000x256xf32, #tpu.memory_space<vmem>>, %arg2: memref<256x256xf32, #tpu.memory_space<vmem>>, %arg3: memref<256x256xf32, #tpu.memory_space<vmem>>, %arg4: memref<1000x256xf32, #tpu.memory_space<vmem>>, %arg5: memref<1000x256xf32, #tpu.memory_space<vmem>>) attributes {dimension_semantics = [#tpu.dimension_semantics<arbitrary>], iteration_bounds = array<i64: 10>, scalar_prefetch = 0 : i64, scratch_operands = 0 : i64, tpu.core_type = #tpu.core_type<tc>, window_params = [{transform_indices = @transform_0, window_bounds = array<i64: 1000, 256>}, {pipeline_mode = #tpu.pipeline_mode<synchronous>, transform_indices = @transform_1, window_bounds = array<i64: 256, 256>}, {pipeline_mode = #tpu.pipeline_mode<synchronous>, transform_indices = @transform_2, window_bounds = array<i64: 256, 256>}, {transform_indices = @transform_3, window_bounds = array<i64: 1000, 256>}, {transform_indices = @transform_4, window_bounds = array<i64: 1000, 256>}]} {
    %get3A = arith.constant 0 : index
    %get3A_0 = arith.constant 0 : index
    %get3A_1 = vector.load %arg1[%get3A, %get3A_0] : memref<1000x256xf32, #tpu.memory_space<vmem>>, vector<1000x256xf32>
    %get3A_2 = arith.constant 0 : index
    %get3A_3 = arith.constant 0 : index
    %get3A_4 = vector.load %arg2[%get3A_2, %get3A_3] : memref<256x256xf32, #tpu.memory_space<vmem>>, vector<256x256xf32>
    %dot_general3A = arith.constant dense<0.000000e+00> : vector<1000x256xf32>
    %dot_general3A_5 = tpu.matmul %get3A_1, %get3A_4, %dot_general3A {dimension_numbers = #tpu.dot_dimension_numbers<[1], [0], [0], [1], [0, 0, 1, 1], [], []>, transpose_lhs_hint = false} : vector<1000x256xf32>, vector<256x256xf32>, vector<1000x256xf32> -> vector<1000x256xf32>
    %swap3A = arith.constant 0 : index
    %swap3A_6 = arith.constant 0 : index
    %swap3A_7 = vector.load %arg4[%swap3A, %swap3A_6] : memref<1000x256xf32, #tpu.memory_space<vmem>>, vector<1000x256xf32>
    tpu.vector_store %arg4[%swap3A, %swap3A_6], %dot_general3A_5 {strides = array<i32>} : memref<1000x256xf32, #tpu.memory_space<vmem>>, vector<1000x256xf32>,
    %get3A_8 = arith.constant 0 : index
    %get3A_9 = arith.constant 0 : index
    %get3A_10 = vector.load %arg3[%get3A_8, %get3A_9] : memref<256x256xf32, #tpu.memory_space<vmem>>, vector<256x256xf32>
    %dot_general3A_11 = arith.constant dense<0.000000e+00> : vector<1000x256xf32>
    %dot_general3A_12 = tpu.matmul %get3A_1, %get3A_10, %dot_general3A_11 {dimension_numbers = #tpu.dot_dimension_numbers<[1], [0], [0], [1], [0, 0, 1, 1], [], []>, transpose_lhs_hint = false} : vector<1000x256xf32>, vector<256x256xf32>, vector<1000x256xf32> -> vector<1000x256xf32>
    %swap3A_13 = arith.constant 0 : index
    %swap3A_14 = arith.constant 0 : index
    %swap3A_15 = vector.load %arg5[%swap3A_13, %swap3A_14] : memref<1000x256xf32, #tpu.memory_space<vmem>>, vector<1000x256xf32>
    tpu.vector_store %arg5[%swap3A_13, %swap3A_14], %dot_general3A_12 {strides = array<i32>} : memref<1000x256xf32, #tpu.memory_space<vmem>>, vector<1000x256xf32>,
    return
  }
  func.func @transform_0(%arg0: i32) -> (i32, i32) {
    %c0_i32 = arith.constant 0 : i32
    %c0_i32_0 = arith.constant 0 : i32
    return %arg0, %c0_i32 : i32, i32
  }
  func.func @transform_1(%arg0: i32) -> (i32, i32) {
    %c0_i32 = arith.constant 0 : i32
    %c0_i32_0 = arith.constant 0 : i32
    %c0_i32_1 = arith.constant 0 : i32
    return %c0_i32, %c0_i32_0 : i32, i32
  }
  func.func @transform_2(%arg0: i32) -> (i32, i32) {
    %c0_i32 = arith.constant 0 : i32
    %c0_i32_0 = arith.constant 0 : i32
    %c0_i32_1 = arith.constant 0 : i32
    return %c0_i32, %c0_i32_0 : i32, i32
  }
  func.func @transform_3(%arg0: i32) -> (i32, i32) {
    %c0_i32 = arith.constant 0 : i32
    %c0_i32_0 = arith.constant 0 : i32
    return %arg0, %c0_i32 : i32, i32
  }
  func.func @transform_4(%arg0: i32) -> (i32, i32) {
    %c0_i32 = arith.constant 0 : i32
    %c0_i32_0 = arith.constant 0 : i32
    return %arg0, %c0_i32 : i32, i32
  }
}

module attributes {stable_mosaic.version = 14 : i64} {
  func.func @_encoder_body(%arg0: i32, %arg1: memref<1000x128xf32, #tpu.memory_space<vmem>>, %arg2: memref<128x256xf32, #tpu.memory_space<vmem>>, %arg3: memref<1x256xf32, #tpu.memory_space<vmem>>, %arg4: memref<1x256xf32, #tpu.memory_space<vmem>>, %arg5: memref<1x256xf32, #tpu.memory_space<vmem>>, %arg6: memref<1000x256xf32, #tpu.memory_space<vmem>>) attributes {dimension_semantics = [#tpu.dimension_semantics<arbitrary>], iteration_bounds = array<i64: 10>, scalar_prefetch = 0 : i64, scratch_operands = 0 : i64, tpu.core_type = #tpu.core_type<tc>, window_params = [{transform_indices = @transform_0, window_bounds = array<i64: 1000, 128>}, {pipeline_mode = #tpu.pipeline_mode<synchronous>, transform_indices = @transform_1, window_bounds = array<i64: 128, 256>}, {pipeline_mode = #tpu.pipeline_mode<synchronous>, transform_indices = @transform_2, window_bounds = array<i64: 1, 256>}, {pipeline_mode = #tpu.pipeline_mode<synchronous>, transform_indices = @transform_3, window_bounds = array<i64: 1, 256>}, {pipeline_mode = #tpu.pipeline_mode<synchronous>, transform_indices = @transform_4, window_bounds = array<i64: 1, 256>}, {transform_indices = @transform_5, window_bounds = array<i64: 1000, 256>}]} {
    %get3A = arith.constant 0 : index
    %get3A_0 = arith.constant 0 : index
    %get3A_1 = vector.load %arg1[%get3A, %get3A_0] : memref<1000x128xf32, #tpu.memory_space<vmem>>, vector<1000x128xf32>
    %get3A_2 = arith.constant 0 : index
    %get3A_3 = arith.constant 0 : index
    %get3A_4 = vector.load %arg2[%get3A_2, %get3A_3] : memref<128x256xf32, #tpu.memory_space<vmem>>, vector<128x256xf32>
    %dot_general3A = arith.constant dense<0.000000e+00> : vector<1000x256xf32>
    %dot_general3A_5 = tpu.matmul %get3A_1, %get3A_4, %dot_general3A {dimension_numbers = #tpu.dot_dimension_numbers<[1], [0], [0], [1], [0, 0, 1, 1], [], []>, transpose_lhs_hint = false} : vector<1000x128xf32>, vector<128x256xf32>, vector<1000x256xf32> -> vector<1000x256xf32>
    %get3A_6 = arith.constant 0 : index
    %get3A_7 = arith.constant 0 : index
    %get3A_8 = vector.load %arg3[%get3A_6, %get3A_7] : memref<1x256xf32, #tpu.memory_space<vmem>>, vector<1x256xf32>
    %add3A = vector.broadcast %get3A_8 : vector<1x256xf32> to vector<1000x256xf32>
    %add3A_9 = arith.addf %dot_general3A_5, %add3A : vector<1000x256xf32>
    %get3A_10 = arith.constant 0 : index
    %get3A_11 = arith.constant 0 : index
    %get3A_12 = vector.load %arg4[%get3A_10, %get3A_11] : memref<1x256xf32, #tpu.memory_space<vmem>>, vector<1x256xf32>
    %get3A_13 = arith.constant 0 : index
    %get3A_14 = arith.constant 0 : index
    %get3A_15 = vector.load %arg5[%get3A_13, %get3A_14] : memref<1x256xf32, #tpu.memory_space<vmem>>, vector<1x256xf32>
    %reduce_sum3A = arith.constant dense<0.000000e+00> : vector<1000xf32>
    %reduce_sum3A_16 = vector.multi_reduction <add>, %add3A_9, %reduce_sum3A [1] : vector<1000x256xf32> to vector<1000xf32>
    %broadcast_in_dim3A = vector.shape_cast %reduce_sum3A_16 : vector<1000xf32> to vector<1000x1xf32>
    %div3A = arith.constant 2.560000e+02 : f32
    %div3A_17 = vector.broadcast %div3A : f32 to vector<1000x1xf32>
    %div3A_18 = arith.divf %broadcast_in_dim3A, %div3A_17 : vector<1000x1xf32>
    %sub3A = vector.broadcast %div3A_18 : vector<1000x1xf32> to vector<1000x256xf32>
    %sub3A_19 = arith.subf %add3A_9, %sub3A : vector<1000x256xf32>
    %integer_pow3A = arith.mulf %sub3A_19, %sub3A_19 : vector<1000x256xf32>
    %reduce_sum3A_20 = arith.constant dense<0.000000e+00> : vector<1000xf32>
    %reduce_sum3A_21 = vector.multi_reduction <add>, %integer_pow3A, %reduce_sum3A_20 [1] : vector<1000x256xf32> to vector<1000xf32>
    %broadcast_in_dim3A_22 = vector.shape_cast %reduce_sum3A_21 : vector<1000xf32> to vector<1000x1xf32>
    %div3A_23 = arith.constant 2.560000e+02 : f32
    %div3A_24 = vector.broadcast %div3A_23 : f32 to vector<1000x1xf32>
    %div3A_25 = arith.divf %broadcast_in_dim3A_22, %div3A_24 : vector<1000x1xf32>
    %sub3A_26 = vector.broadcast %div3A_18 : vector<1000x1xf32> to vector<1000x256xf32>
    %sub3A_27 = arith.subf %add3A_9, %sub3A_26 : vector<1000x256xf32>
    %add3A_28 = arith.constant 9.99999974E-6 : f32
    %add3A_29 = vector.broadcast %add3A_28 : f32 to vector<1000x1xf32>
    %add3A_30 = arith.addf %div3A_25, %add3A_29 : vector<1000x1xf32>
    %sqrt3A = math.sqrt %add3A_30 : vector<1000x1xf32>
    %div3A_31 = vector.broadcast %sqrt3A : vector<1000x1xf32> to vector<1000x256xf32>
    %div3A_32 = arith.divf %sub3A_27, %div3A_31 : vector<1000x256xf32>
    %mul3A = vector.broadcast %get3A_12 : vector<1x256xf32> to vector<1000x256xf32>
    %mul3A_33 = arith.mulf %div3A_32, %mul3A : vector<1000x256xf32>
    %add3A_34 = vector.broadcast %get3A_15 : vector<1x256xf32> to vector<1000x256xf32>
    %add3A_35 = arith.addf %mul3A_33, %add3A_34 : vector<1000x256xf32>
    %max3A = arith.constant 0.000000e+00 : f32
    %max3A_36 = vector.broadcast %max3A : f32 to vector<1000x256xf32>
    %max3A_37 = arith.maximumf %add3A_35, %max3A_36 : vector<1000x256xf32>
    %swap3A = arith.constant 0 : index
    %swap3A_38 = arith.constant 0 : index
    %swap3A_39 = vector.load %arg6[%swap3A, %swap3A_38] : memref<1000x256xf32, #tpu.memory_space<vmem>>, vector<1000x256xf32>
    tpu.vector_store %arg6[%swap3A, %swap3A_38], %max3A_37 {strides = array<i32>} : memref<1000x256xf32, #tpu.memory_space<vmem>>, vector<1000x256xf32>,
    return
  }
  func.func @transform_0(%arg0: i32) -> (i32, i32) {
    %c0_i32 = arith.constant 0 : i32
    %c0_i32_0 = arith.constant 0 : i32
    return %arg0, %c0_i32 : i32, i32
  }
  func.func @transform_1(%arg0: i32) -> (i32, i32) {
    %c0_i32 = arith.constant 0 : i32
    %c0_i32_0 = arith.constant 0 : i32
    %c0_i32_1 = arith.constant 0 : i32
    return %c0_i32, %c0_i32_0 : i32, i32
  }
  func.func @transform_2(%arg0: i32) -> (i32, i32) {
    %c0_i32 = arith.constant 0 : i32
    %c0_i32_0 = arith.constant 0 : i32
    %c0_i32_1 = arith.constant 0 : i32
    return %c0_i32, %c0_i32_0 : i32, i32
  }
  func.func @transform_3(%arg0: i32) -> (i32, i32) {
    %c0_i32 = arith.constant 0 : i32
    %c0_i32_0 = arith.constant 0 : i32
    %c0_i32_1 = arith.constant 0 : i32
    return %c0_i32, %c0_i32_0 : i32, i32
  }
  func.func @transform_4(%arg0: i32) -> (i32, i32) {
    %c0_i32 = arith.constant 0 : i32
    %c0_i32_0 = arith.constant 0 : i32
    %c0_i32_1 = arith.constant 0 : i32
    return %c0_i32, %c0_i32_0 : i32, i32
  }
  func.func @transform_5(%arg0: i32) -> (i32, i32) {
    %c0_i32 = arith.constant 0 : i32
    %c0_i32_0 = arith.constant 0 : i32
    return %arg0, %c0_i32 : i32, i32
  }
}

module attributes {stable_mosaic.version = 14 : i64} {
  func.func @_edge_body(%arg0: i32, %arg1: memref<1000x256xf32, #tpu.memory_space<vmem>>, %arg2: memref<1000x256xf32, #tpu.memory_space<vmem>>, %arg3: memref<1000x128xf32, #tpu.memory_space<vmem>>, %arg4: memref<1000x1xi32, #tpu.memory_space<vmem>>, %arg5: memref<128x256xf32, #tpu.memory_space<vmem>>, %arg6: memref<1x256xf32, #tpu.memory_space<vmem>>, %arg7: memref<1000x256xf32, #tpu.memory_space<vmem>>, %arg8: memref<1000x128xf32, #tpu.memory_space<vmem>>) attributes {dimension_semantics = [#tpu.dimension_semantics<arbitrary>], iteration_bounds = array<i64: 320>, scalar_prefetch = 0 : i64, scratch_operands = 0 : i64, tpu.core_type = #tpu.core_type<tc>, window_params = [{transform_indices = @transform_0, window_bounds = array<i64: 1000, 256>}, {transform_indices = @transform_1, window_bounds = array<i64: 1000, 256>}, {transform_indices = @transform_2, window_bounds = array<i64: 1000, 128>}, {transform_indices = @transform_3, window_bounds = array<i64: 1000, 1>}, {pipeline_mode = #tpu.pipeline_mode<synchronous>, transform_indices = @transform_4, window_bounds = array<i64: 128, 256>}, {pipeline_mode = #tpu.pipeline_mode<synchronous>, transform_indices = @transform_5, window_bounds = array<i64: 1, 256>}, {transform_indices = @transform_6, window_bounds = array<i64: 1000, 256>}, {transform_indices = @transform_7, window_bounds = array<i64: 1000, 128>}]} {
    %get3A = arith.constant 0 : index
    %get3A_0 = arith.constant 0 : index
    %get3A_1 = vector.load %arg3[%get3A, %get3A_0] : memref<1000x128xf32, #tpu.memory_space<vmem>>, vector<1000x128xf32>
    %get3A_2 = arith.constant 0 : index
    %get3A_3 = arith.constant 0 : index
    %get3A_4 = vector.load %arg5[%get3A_2, %get3A_3] : memref<128x256xf32, #tpu.memory_space<vmem>>, vector<128x256xf32>
    %dot_general3A = arith.constant dense<0.000000e+00> : vector<1000x256xf32>
    %dot_general3A_5 = tpu.matmul %get3A_1, %get3A_4, %dot_general3A {dimension_numbers = #tpu.dot_dimension_numbers<[1], [0], [0], [1], [0, 0, 1, 1], [], []>, transpose_lhs_hint = false} : vector<1000x128xf32>, vector<128x256xf32>, vector<1000x256xf32> -> vector<1000x256xf32>
    %get3A_6 = arith.constant 0 : index
    %get3A_7 = arith.constant 0 : index
    %get3A_8 = vector.load %arg1[%get3A_6, %get3A_7] : memref<1000x256xf32, #tpu.memory_space<vmem>>, vector<1000x256xf32>
    %get3A_9 = arith.constant 0 : index
    %get3A_10 = arith.constant 0 : index
    %get3A_11 = vector.load %arg2[%get3A_9, %get3A_10] : memref<1000x256xf32, #tpu.memory_space<vmem>>, vector<1000x256xf32>
    %add3A = arith.addf %get3A_8, %get3A_11 : vector<1000x256xf32>
    %add3A_12 = arith.addf %add3A, %dot_general3A_5 : vector<1000x256xf32>
    %gt3A = arith.constant 0.000000e+00 : f32
    %gt3A_13 = vector.broadcast %gt3A : f32 to vector<1000x256xf32>
    %gt3A_14 = arith.cmpf ogt, %add3A_12, %gt3A_13 : vector<1000x256xf32>
    %mul3A = arith.constant 2.000000e-01 : f32
    %mul3A_15 = vector.broadcast %mul3A : f32 to vector<1000x256xf32>
    %mul3A_16 = arith.mulf %mul3A_15, %add3A_12 : vector<1000x256xf32>
    %select_n3A = arith.select %gt3A_14, %add3A_12, %mul3A_16 : vector<1000x256xi1>, vector<1000x256xf32>
    %get3A_17 = arith.constant 0 : index
    %get3A_18 = arith.constant 0 : index
    %get3A_19 = vector.load %arg6[%get3A_17, %get3A_18] : memref<1x256xf32, #tpu.memory_space<vmem>>, vector<1x256xf32>
    %mul3A_20 = vector.broadcast %get3A_19 : vector<1x256xf32> to vector<1000x256xf32>
    %mul3A_21 = arith.mulf %select_n3A, %mul3A_20 : vector<1000x256xf32>
    %slice3A = vector.extract_strided_slice %mul3A_21 {offsets = [0, 0], sizes = [1000, 64], strides = [1, 1]} : vector<1000x256xf32> to vector<1000x64xf32>
    %reduce_sum3A = arith.constant dense<0.000000e+00> : vector<1000xf32>
    %reduce_sum3A_22 = vector.multi_reduction <add>, %slice3A, %reduce_sum3A [1] : vector<1000x64xf32> to vector<1000xf32>
    %broadcast_in_dim3A = vector.shape_cast %reduce_sum3A_22 : vector<1000xf32> to vector<1000x1xf32>
    %slice3A_23 = vector.extract_strided_slice %mul3A_21 {offsets = [0, 64], sizes = [1000, 64], strides = [1, 1]} : vector<1000x256xf32> to vector<1000x64xf32>
    %reduce_sum3A_24 = arith.constant dense<0.000000e+00> : vector<1000xf32>
    %reduce_sum3A_25 = vector.multi_reduction <add>, %slice3A_23, %reduce_sum3A_24 [1] : vector<1000x64xf32> to vector<1000xf32>
    %broadcast_in_dim3A_26 = vector.shape_cast %reduce_sum3A_25 : vector<1000xf32> to vector<1000x1xf32>
    %slice3A_27 = vector.extract_strided_slice %mul3A_21 {offsets = [0, 128], sizes = [1000, 64], strides = [1, 1]} : vector<1000x256xf32> to vector<1000x64xf32>
    %reduce_sum3A_28 = arith.constant dense<0.000000e+00> : vector<1000xf32>
    %reduce_sum3A_29 = vector.multi_reduction <add>, %slice3A_27, %reduce_sum3A_28 [1] : vector<1000x64xf32> to vector<1000xf32>
    %broadcast_in_dim3A_30 = vector.shape_cast %reduce_sum3A_29 : vector<1000xf32> to vector<1000x1xf32>
    %slice3A_31 = vector.extract_strided_slice %mul3A_21 {offsets = [0, 192], sizes = [1000, 64], strides = [1, 1]} : vector<1000x256xf32> to vector<1000x64xf32>
    %reduce_sum3A_32 = arith.constant dense<0.000000e+00> : vector<1000xf32>
    %reduce_sum3A_33 = vector.multi_reduction <add>, %slice3A_31, %reduce_sum3A_32 [1] : vector<1000x64xf32> to vector<1000xf32>
    %broadcast_in_dim3A_34 = vector.shape_cast %reduce_sum3A_33 : vector<1000xf32> to vector<1000x1xf32>
    %concatenate3A = tpu.concatenate %broadcast_in_dim3A, %broadcast_in_dim3A_26, %broadcast_in_dim3A_30, %broadcast_in_dim3A_34 in 1 : vector<1000x1xf32>, vector<1000x1xf32>, vector<1000x1xf32>, vector<1000x1xf32> -> vector<1000x4xf32>
    %exp3A = math.exp %concatenate3A : vector<1000x4xf32>
    %slice3A_35 = vector.extract_strided_slice %exp3A {offsets = [0, 0], sizes = [1000, 1], strides = [1, 1]} : vector<1000x4xf32> to vector<1000x1xf32>
    %broadcast_in_dim3A_36 = vector.shape_cast %slice3A_35 : vector<1000x1xf32> to vector<1000x1xf32>
    %broadcast_in_dim3A_37 = vector.broadcast %broadcast_in_dim3A_36 : vector<1000x1xf32> to vector<1000x64xf32>
    %slice3A_38 = vector.extract_strided_slice %exp3A {offsets = [0, 1], sizes = [1000, 1], strides = [1, 1]} : vector<1000x4xf32> to vector<1000x1xf32>
    %broadcast_in_dim3A_39 = vector.shape_cast %slice3A_38 : vector<1000x1xf32> to vector<1000x1xf32>
    %broadcast_in_dim3A_40 = vector.broadcast %broadcast_in_dim3A_39 : vector<1000x1xf32> to vector<1000x64xf32>
    %slice3A_41 = vector.extract_strided_slice %exp3A {offsets = [0, 2], sizes = [1000, 1], strides = [1, 1]} : vector<1000x4xf32> to vector<1000x1xf32>
    %broadcast_in_dim3A_42 = vector.shape_cast %slice3A_41 : vector<1000x1xf32> to vector<1000x1xf32>
    %broadcast_in_dim3A_43 = vector.broadcast %broadcast_in_dim3A_42 : vector<1000x1xf32> to vector<1000x64xf32>
    %slice3A_44 = vector.extract_strided_slice %exp3A {offsets = [0, 3], sizes = [1000, 1], strides = [1, 1]} : vector<1000x4xf32> to vector<1000x1xf32>
    %broadcast_in_dim3A_45 = vector.shape_cast %slice3A_44 : vector<1000x1xf32> to vector<1000x1xf32>
    %broadcast_in_dim3A_46 = vector.broadcast %broadcast_in_dim3A_45 : vector<1000x1xf32> to vector<1000x64xf32>
    %concatenate3A_47 = tpu.concatenate %broadcast_in_dim3A_37, %broadcast_in_dim3A_40, %broadcast_in_dim3A_43, %broadcast_in_dim3A_46 in 1 : vector<1000x64xf32>, vector<1000x64xf32>, vector<1000x64xf32>, vector<1000x64xf32> -> vector<1000x256xf32>
    %get3A_48 = arith.constant 0 : index
    %get3A_49 = arith.constant 0 : index
    %get3A_50 = vector.load %arg1[%get3A_48, %get3A_49] : memref<1000x256xf32, #tpu.memory_space<vmem>>, vector<1000x256xf32>
    %mul3A_51 = arith.mulf %get3A_50, %concatenate3A_47 : vector<1000x256xf32>
    %swap3A = arith.constant 0 : index
    %swap3A_52 = arith.constant 0 : index
    %swap3A_53 = vector.load %arg7[%swap3A, %swap3A_52] : memref<1000x256xf32, #tpu.memory_space<vmem>>, vector<1000x256xf32>
    tpu.vector_store %arg7[%swap3A, %swap3A_52], %mul3A_51 {strides = array<i32>} : memref<1000x256xf32, #tpu.memory_space<vmem>>, vector<1000x256xf32>,
    %broadcast_in_dim3A_54 = arith.constant 0.000000e+00 : f32
    %broadcast_in_dim3A_55 = vector.broadcast %broadcast_in_dim3A_54 : f32 to vector<1000x12xf32>
    %concatenate3A_56 = tpu.concatenate %exp3A, %broadcast_in_dim3A_55 in 1 : vector<1000x4xf32>, vector<1000x12xf32> -> vector<1000x16xf32>
    %concatenate3A_57 = tpu.concatenate %concatenate3A_56, %concatenate3A_56, %concatenate3A_56, %concatenate3A_56, %concatenate3A_56, %concatenate3A_56, %concatenate3A_56, %concatenate3A_56 in 1 : vector<1000x16xf32>, vector<1000x16xf32>, vector<1000x16xf32>, vector<1000x16xf32>, vector<1000x16xf32>, vector<1000x16xf32>, vector<1000x16xf32>, vector<1000x16xf32> -> vector<1000x128xf32>
    %get3A_58 = arith.constant 0 : index
    %get3A_59 = arith.constant 0 : index
    %get3A_60 = vector.load %arg4[%get3A_58, %get3A_59] : memref<1000x1xi32, #tpu.memory_space<vmem>>, vector<1000x1xi32>
    %and3A = arith.constant 7 : i32
    %and3A_61 = vector.broadcast %and3A : i32 to vector<1000x1xi32>
    %and3A_62 = arith.andi %get3A_60, %and3A_61 : vector<1000x1xi32>
    %iota3A = tpu.iota {dimensions = array<i32: 1>} : vector<1000x128xi32>
    %jit3A = arith.constant 16 : i32
    %div3A = vector.broadcast %jit3A : i32 to vector<1000x128xi32>
    %div3A_63 = arith.divsi %iota3A, %div3A : vector<1000x128xi32>
    %sign3A = arith.constant 0 : i32
    %sign3A_64 = vector.broadcast %sign3A : i32 to vector<1000x128xi32>
    %sign3A_65 = arith.cmpi sgt, %iota3A, %sign3A_64 : vector<1000x128xi32>
    %sign3A_66 = arith.extui %sign3A_65 : vector<1000x128xi1> to vector<1000x128xi32>
    %sign3A_67 = arith.constant 0 : i32
    %sign3A_68 = vector.broadcast %sign3A_67 : i32 to vector<1000x128xi32>
    %sign3A_69 = arith.cmpi slt, %iota3A, %sign3A_68 : vector<1000x128xi32>
    %sign3A_70 = arith.extui %sign3A_69 : vector<1000x128xi1> to vector<1000x128xi32>
    %sign3A_71 = arith.subi %sign3A_66, %sign3A_70 : vector<1000x128xi32>
    %sign3A_72 = arith.constant 0 : i32
    %sign3A_73 = arith.cmpi sgt, %jit3A, %sign3A_72 : i32
    %sign3A_74 = arith.extui %sign3A_73 : i1 to i32
    %sign3A_75 = arith.constant 0 : i32
    %sign3A_76 = arith.cmpi slt, %jit3A, %sign3A_75 : i32
    %sign3A_77 = arith.extui %sign3A_76 : i1 to i32
    %sign3A_78 = arith.subi %sign3A_74, %sign3A_77 : i32
    %ne3A = vector.broadcast %sign3A_78 : i32 to vector<1000x128xi32>
    %ne3A_79 = arith.cmpi ne, %sign3A_71, %ne3A : vector<1000x128xi32>
    %rem3A = vector.broadcast %jit3A : i32 to vector<1000x128xi32>
    %rem3A_80 = arith.remsi %iota3A, %rem3A : vector<1000x128xi32>
    %ne3A_81 = arith.constant 0 : i32
    %ne3A_82 = vector.broadcast %ne3A_81 : i32 to vector<1000x128xi32>
    %ne3A_83 = arith.cmpi ne, %rem3A_80, %ne3A_82 : vector<1000x128xi32>
    %and3A_84 = arith.andi %ne3A_79, %ne3A_83 : vector<1000x128xi1>
    %sub3A = arith.constant 1 : i32
    %sub3A_85 = vector.broadcast %sub3A : i32 to vector<1000x128xi32>
    %sub3A_86 = arith.subi %div3A_63, %sub3A_85 : vector<1000x128xi32>
    %select_n3A_87 = arith.select %and3A_84, %sub3A_86, %div3A_63 : vector<1000x128xi1>, vector<1000x128xi32>
    %eq3A = vector.broadcast %and3A_62 : vector<1000x1xi32> to vector<1000x128xi32>
    %eq3A_88 = arith.cmpi eq, %select_n3A_87, %eq3A : vector<1000x128xi32>
    %jit3A_89 = arith.constant 0.000000e+00 : f32
    %broadcast_in_dim3A_90 = vector.broadcast %jit3A_89 : f32 to vector<1000x128xf32>
    %select_n3A_91 = arith.select %eq3A_88, %concatenate3A_57, %broadcast_in_dim3A_90 : vector<1000x128xi1>, vector<1000x128xf32>
    %swap3A_92 = arith.constant 0 : index
    %swap3A_93 = arith.constant 0 : index
    %swap3A_94 = vector.load %arg8[%swap3A_92, %swap3A_93] : memref<1000x128xf32, #tpu.memory_space<vmem>>, vector<1000x128xf32>
    tpu.vector_store %arg8[%swap3A_92, %swap3A_93], %select_n3A_91 {strides = array<i32>} : memref<1000x128xf32, #tpu.memory_space<vmem>>, vector<1000x128xf32>,
    return
  }
  func.func @transform_0(%arg0: i32) -> (i32, i32) {
    %c0_i32 = arith.constant 0 : i32
    %c0_i32_0 = arith.constant 0 : i32
    return %arg0, %c0_i32 : i32, i32
  }
  func.func @transform_1(%arg0: i32) -> (i32, i32) {
    %c0_i32 = arith.constant 0 : i32
    %c0_i32_0 = arith.constant 0 : i32
    return %arg0, %c0_i32 : i32, i32
  }
  func.func @transform_2(%arg0: i32) -> (i32, i32) {
    %c0_i32 = arith.constant 0 : i32
    %c0_i32_0 = arith.constant 0 : i32
    return %arg0, %c0_i32 : i32, i32
  }
  func.func @transform_3(%arg0: i32) -> (i32, i32) {
    %c0_i32 = arith.constant 0 : i32
    %c0_i32_0 = arith.constant 0 : i32
    return %arg0, %c0_i32 : i32, i32
  }
  func.func @transform_4(%arg0: i32) -> (i32, i32) {
    %c0_i32 = arith.constant 0 : i32
    %c0_i32_0 = arith.constant 0 : i32
    %c0_i32_1 = arith.constant 0 : i32
    return %c0_i32, %c0_i32_0 : i32, i32
  }
  func.func @transform_5(%arg0: i32) -> (i32, i32) {
    %c0_i32 = arith.constant 0 : i32
    %c0_i32_0 = arith.constant 0 : i32
    %c0_i32_1 = arith.constant 0 : i32
    return %c0_i32, %c0_i32_0 : i32, i32
  }
  func.func @transform_6(%arg0: i32) -> (i32, i32) {
    %c0_i32 = arith.constant 0 : i32
    %c0_i32_0 = arith.constant 0 : i32
    return %arg0, %c0_i32 : i32, i32
  }
  func.func @transform_7(%arg0: i32) -> (i32, i32) {
    %c0_i32 = arith.constant 0 : i32
    %c0_i32_0 = arith.constant 0 : i32
    return %arg0, %c0_i32 : i32, i32
  }
}

module attributes {stable_mosaic.version = 14 : i64} {
  func.func @_finalize_body(%arg0: i32, %arg1: memref<1000x256xf32, #tpu.memory_space<vmem>>, %arg2: memref<1000x16xf32, #tpu.memory_space<vmem>>, %arg3: memref<1x256xf32, #tpu.memory_space<vmem>>, %arg4: memref<1x256xf32, #tpu.memory_space<vmem>>, %arg5: memref<1x256xf32, #tpu.memory_space<vmem>>, %arg6: memref<1000x256xf32, #tpu.memory_space<vmem>>, %arg7: memref<1000x256xf32, #tpu.memory_space<vmem>>) attributes {dimension_semantics = [#tpu.dimension_semantics<arbitrary>], iteration_bounds = array<i64: 10>, scalar_prefetch = 0 : i64, scratch_operands = 0 : i64, tpu.core_type = #tpu.core_type<tc>, window_params = [{transform_indices = @transform_0, window_bounds = array<i64: 1000, 256>}, {transform_indices = @transform_1, window_bounds = array<i64: 1000, 16>}, {pipeline_mode = #tpu.pipeline_mode<synchronous>, transform_indices = @transform_2, window_bounds = array<i64: 1, 256>}, {pipeline_mode = #tpu.pipeline_mode<synchronous>, transform_indices = @transform_3, window_bounds = array<i64: 1, 256>}, {pipeline_mode = #tpu.pipeline_mode<synchronous>, transform_indices = @transform_4, window_bounds = array<i64: 1, 256>}, {transform_indices = @transform_5, window_bounds = array<i64: 1000, 256>}, {transform_indices = @transform_6, window_bounds = array<i64: 1000, 256>}]} {
    %get3A = arith.constant 0 : index
    %get3A_0 = arith.constant 0 : index
    %get3A_1 = vector.load %arg2[%get3A, %get3A_0] : memref<1000x16xf32, #tpu.memory_space<vmem>>, vector<1000x16xf32>
    %slice3A = vector.extract_strided_slice %get3A_1 {offsets = [0, 0], sizes = [1000, 4], strides = [1, 1]} : vector<1000x16xf32> to vector<1000x4xf32>
    %add3A = arith.constant 1.000000e-16 : f32
    %add3A_2 = vector.broadcast %add3A : f32 to vector<1000x4xf32>
    %add3A_3 = arith.addf %slice3A, %add3A_2 : vector<1000x4xf32>
    %div3A = arith.constant 1.000000e+00 : f32
    %div3A_4 = vector.broadcast %div3A : f32 to vector<1000x4xf32>
    %div3A_5 = arith.divf %div3A_4, %add3A_3 : vector<1000x4xf32>
    %slice3A_6 = vector.extract_strided_slice %div3A_5 {offsets = [0, 0], sizes = [1000, 1], strides = [1, 1]} : vector<1000x4xf32> to vector<1000x1xf32>
    %broadcast_in_dim3A = vector.shape_cast %slice3A_6 : vector<1000x1xf32> to vector<1000x1xf32>
    %broadcast_in_dim3A_7 = vector.broadcast %broadcast_in_dim3A : vector<1000x1xf32> to vector<1000x64xf32>
    %slice3A_8 = vector.extract_strided_slice %div3A_5 {offsets = [0, 1], sizes = [1000, 1], strides = [1, 1]} : vector<1000x4xf32> to vector<1000x1xf32>
    %broadcast_in_dim3A_9 = vector.shape_cast %slice3A_8 : vector<1000x1xf32> to vector<1000x1xf32>
    %broadcast_in_dim3A_10 = vector.broadcast %broadcast_in_dim3A_9 : vector<1000x1xf32> to vector<1000x64xf32>
    %slice3A_11 = vector.extract_strided_slice %div3A_5 {offsets = [0, 2], sizes = [1000, 1], strides = [1, 1]} : vector<1000x4xf32> to vector<1000x1xf32>
    %broadcast_in_dim3A_12 = vector.shape_cast %slice3A_11 : vector<1000x1xf32> to vector<1000x1xf32>
    %broadcast_in_dim3A_13 = vector.broadcast %broadcast_in_dim3A_12 : vector<1000x1xf32> to vector<1000x64xf32>
    %slice3A_14 = vector.extract_strided_slice %div3A_5 {offsets = [0, 3], sizes = [1000, 1], strides = [1, 1]} : vector<1000x4xf32> to vector<1000x1xf32>
    %broadcast_in_dim3A_15 = vector.shape_cast %slice3A_14 : vector<1000x1xf32> to vector<1000x1xf32>
    %broadcast_in_dim3A_16 = vector.broadcast %broadcast_in_dim3A_15 : vector<1000x1xf32> to vector<1000x64xf32>
    %concatenate3A = tpu.concatenate %broadcast_in_dim3A_7, %broadcast_in_dim3A_10, %broadcast_in_dim3A_13, %broadcast_in_dim3A_16 in 1 : vector<1000x64xf32>, vector<1000x64xf32>, vector<1000x64xf32>, vector<1000x64xf32> -> vector<1000x256xf32>
    %get3A_17 = arith.constant 0 : index
    %get3A_18 = arith.constant 0 : index
    %get3A_19 = vector.load %arg1[%get3A_17, %get3A_18] : memref<1000x256xf32, #tpu.memory_space<vmem>>, vector<1000x256xf32>
    %mul3A = arith.mulf %get3A_19, %concatenate3A : vector<1000x256xf32>
    %get3A_20 = arith.constant 0 : index
    %get3A_21 = arith.constant 0 : index
    %get3A_22 = vector.load %arg3[%get3A_20, %get3A_21] : memref<1x256xf32, #tpu.memory_space<vmem>>, vector<1x256xf32>
    %add3A_23 = vector.broadcast %get3A_22 : vector<1x256xf32> to vector<1000x256xf32>
    %add3A_24 = arith.addf %mul3A, %add3A_23 : vector<1000x256xf32>
    %get3A_25 = arith.constant 0 : index
    %get3A_26 = arith.constant 0 : index
    %get3A_27 = vector.load %arg4[%get3A_25, %get3A_26] : memref<1x256xf32, #tpu.memory_space<vmem>>, vector<1x256xf32>
    %get3A_28 = arith.constant 0 : index
    %get3A_29 = arith.constant 0 : index
    %get3A_30 = vector.load %arg5[%get3A_28, %get3A_29] : memref<1x256xf32, #tpu.memory_space<vmem>>, vector<1x256xf32>
    %reduce_sum3A = arith.constant dense<0.000000e+00> : vector<1000xf32>
    %reduce_sum3A_31 = vector.multi_reduction <add>, %add3A_24, %reduce_sum3A [1] : vector<1000x256xf32> to vector<1000xf32>
    %broadcast_in_dim3A_32 = vector.shape_cast %reduce_sum3A_31 : vector<1000xf32> to vector<1000x1xf32>
    %div3A_33 = arith.constant 2.560000e+02 : f32
    %div3A_34 = vector.broadcast %div3A_33 : f32 to vector<1000x1xf32>
    %div3A_35 = arith.divf %broadcast_in_dim3A_32, %div3A_34 : vector<1000x1xf32>
    %sub3A = vector.broadcast %div3A_35 : vector<1000x1xf32> to vector<1000x256xf32>
    %sub3A_36 = arith.subf %add3A_24, %sub3A : vector<1000x256xf32>
    %integer_pow3A = arith.mulf %sub3A_36, %sub3A_36 : vector<1000x256xf32>
    %reduce_sum3A_37 = arith.constant dense<0.000000e+00> : vector<1000xf32>
    %reduce_sum3A_38 = vector.multi_reduction <add>, %integer_pow3A, %reduce_sum3A_37 [1] : vector<1000x256xf32> to vector<1000xf32>
    %broadcast_in_dim3A_39 = vector.shape_cast %reduce_sum3A_38 : vector<1000xf32> to vector<1000x1xf32>
    %div3A_40 = arith.constant 2.560000e+02 : f32
    %div3A_41 = vector.broadcast %div3A_40 : f32 to vector<1000x1xf32>
    %div3A_42 = arith.divf %broadcast_in_dim3A_39, %div3A_41 : vector<1000x1xf32>
    %sub3A_43 = vector.broadcast %div3A_35 : vector<1000x1xf32> to vector<1000x256xf32>
    %sub3A_44 = arith.subf %add3A_24, %sub3A_43 : vector<1000x256xf32>
    %add3A_45 = arith.constant 9.99999974E-6 : f32
    %add3A_46 = vector.broadcast %add3A_45 : f32 to vector<1000x1xf32>
    %add3A_47 = arith.addf %div3A_42, %add3A_46 : vector<1000x1xf32>
    %sqrt3A = math.sqrt %add3A_47 : vector<1000x1xf32>
    %div3A_48 = vector.broadcast %sqrt3A : vector<1000x1xf32> to vector<1000x256xf32>
    %div3A_49 = arith.divf %sub3A_44, %div3A_48 : vector<1000x256xf32>
    %mul3A_50 = vector.broadcast %get3A_27 : vector<1x256xf32> to vector<1000x256xf32>
    %mul3A_51 = arith.mulf %div3A_49, %mul3A_50 : vector<1000x256xf32>
    %add3A_52 = vector.broadcast %get3A_30 : vector<1x256xf32> to vector<1000x256xf32>
    %add3A_53 = arith.addf %mul3A_51, %add3A_52 : vector<1000x256xf32>
    %get3A_54 = arith.constant 0 : index
    %get3A_55 = arith.constant 0 : index
    %get3A_56 = vector.load %arg6[%get3A_54, %get3A_55] : memref<1000x256xf32, #tpu.memory_space<vmem>>, vector<1000x256xf32>
    %max3A = arith.constant 0.000000e+00 : f32
    %max3A_57 = vector.broadcast %max3A : f32 to vector<1000x256xf32>
    %max3A_58 = arith.maximumf %add3A_53, %max3A_57 : vector<1000x256xf32>
    %add3A_59 = arith.addf %get3A_56, %max3A_58 : vector<1000x256xf32>
    %swap3A = arith.constant 0 : index
    %swap3A_60 = arith.constant 0 : index
    %swap3A_61 = vector.load %arg7[%swap3A, %swap3A_60] : memref<1000x256xf32, #tpu.memory_space<vmem>>, vector<1000x256xf32>
    tpu.vector_store %arg7[%swap3A, %swap3A_60], %add3A_59 {strides = array<i32>} : memref<1000x256xf32, #tpu.memory_space<vmem>>, vector<1000x256xf32>,
    return
  }
  func.func @transform_0(%arg0: i32) -> (i32, i32) {
    %c0_i32 = arith.constant 0 : i32
    %c0_i32_0 = arith.constant 0 : i32
    return %arg0, %c0_i32 : i32, i32
  }
  func.func @transform_1(%arg0: i32) -> (i32, i32) {
    %c0_i32 = arith.constant 0 : i32
    %c0_i32_0 = arith.constant 0 : i32
    return %arg0, %c0_i32 : i32, i32
  }
  func.func @transform_2(%arg0: i32) -> (i32, i32) {
    %c0_i32 = arith.constant 0 : i32
    %c0_i32_0 = arith.constant 0 : i32
    %c0_i32_1 = arith.constant 0 : i32
    return %c0_i32, %c0_i32_0 : i32, i32
  }
  func.func @transform_3(%arg0: i32) -> (i32, i32) {
    %c0_i32 = arith.constant 0 : i32
    %c0_i32_0 = arith.constant 0 : i32
    %c0_i32_1 = arith.constant 0 : i32
    return %c0_i32, %c0_i32_0 : i32, i32
  }
  func.func @transform_4(%arg0: i32) -> (i32, i32) {
    %c0_i32 = arith.constant 0 : i32
    %c0_i32_0 = arith.constant 0 : i32
    %c0_i32_1 = arith.constant 0 : i32
    return %c0_i32, %c0_i32_0 : i32, i32
  }
  func.func @transform_5(%arg0: i32) -> (i32, i32) {
    %c0_i32 = arith.constant 0 : i32
    %c0_i32_0 = arith.constant 0 : i32
    return %arg0, %c0_i32 : i32, i32
  }
  func.func @transform_6(%arg0: i32) -> (i32, i32) {
    %c0_i32 = arith.constant 0 : i32
    %c0_i32_0 = arith.constant 0 : i32
    return %arg0, %c0_i32 : i32, i32
  }
}

module attributes {stable_mosaic.version = 14 : i64} {
  func.func @_pool_body(%arg0: i32, %arg1: memref<1000x256xf32, #tpu.memory_space<vmem>>, %arg2: memref<1000x1xi32, #tpu.memory_space<vmem>>, %arg3: memref<64x256xf32, #tpu.memory_space<vmem>>, %arg4: memref<64x256xf32, #tpu.memory_space<vmem>>, %arg5: memref<1x64xf32, #tpu.memory_space<vmem>>) attributes {dimension_semantics = [#tpu.dimension_semantics<arbitrary>], iteration_bounds = array<i64: 10>, scalar_prefetch = 0 : i64, scratch_operands = 2 : i64, tpu.core_type = #tpu.core_type<tc>, window_params = [{transform_indices = @transform_0, window_bounds = array<i64: 1000, 256>}, {transform_indices = @transform_1, window_bounds = array<i64: 1000, 1>}, {pipeline_mode = #tpu.pipeline_mode<synchronous>, transform_indices = @transform_2, window_bounds = array<i64: 64, 256>}]} {
    %eq3A = arith.constant 0 : i32
    %eq3A_0 = arith.cmpi eq, %arg0, %eq3A : i32
    %convert_element_type3A = arith.extui %eq3A_0 : i1 to i32
    %cond3A = arith.constant 0 : i32
    %cond3A_1 = arith.cmpi ne, %convert_element_type3A, %cond3A : i32
    scf.if %cond3A_1 {
      %broadcast_in_dim3A_30 = arith.constant 0.000000e+00 : f32
      %broadcast_in_dim3A_31 = vector.broadcast %broadcast_in_dim3A_30 : f32 to vector<64x256xf32>
      %swap3A_32 = arith.constant 0 : index
      %swap3A_33 = arith.constant 0 : index
      %swap3A_34 = vector.load %arg4[%swap3A_32, %swap3A_33] : memref<64x256xf32, #tpu.memory_space<vmem>>, vector<64x256xf32>
      tpu.vector_store %arg4[%swap3A_32, %swap3A_33], %broadcast_in_dim3A_31 {strides = array<i32>} : memref<64x256xf32, #tpu.memory_space<vmem>>, vector<64x256xf32>,
      %broadcast_in_dim3A_35 = arith.constant 0.000000e+00 : f32
      %broadcast_in_dim3A_36 = vector.broadcast %broadcast_in_dim3A_35 : f32 to vector<1x64xf32>
      %swap3A_37 = arith.constant 0 : index
      %swap3A_38 = arith.constant 0 : index
      %swap3A_39 = vector.load %arg5[%swap3A_37, %swap3A_38] : memref<1x64xf32, #tpu.memory_space<vmem>>, vector<1x64xf32>
      tpu.vector_store %arg5[%swap3A_37, %swap3A_38], %broadcast_in_dim3A_36 {strides = array<i32>} : memref<1x64xf32, #tpu.memory_space<vmem>>, vector<1x64xf32>,
    } else {
    }
    %get3A = arith.constant 0 : index
    %get3A_2 = arith.constant 0 : index
    %get3A_3 = vector.load %arg2[%get3A, %get3A_2] : memref<1000x1xi32, #tpu.memory_space<vmem>>, vector<1000x1xi32>
    %iota3A = tpu.iota {dimensions = array<i32: 1>} : vector<1000x64xi32>
    %eq3A_4 = vector.broadcast %get3A_3 : vector<1000x1xi32> to vector<1000x64xi32>
    %eq3A_5 = arith.cmpi eq, %eq3A_4, %iota3A : vector<1000x64xi32>
    %convert_element_type3A_6 = arith.extui %eq3A_5 : vector<1000x64xi1> to vector<1000x64xi32>
    %convert_element_type3A_7 = arith.sitofp %convert_element_type3A_6 : vector<1000x64xi32> to vector<1000x64xf32>
    %get3A_8 = arith.constant 0 : index
    %get3A_9 = arith.constant 0 : index
    %get3A_10 = vector.load %arg4[%get3A_8, %get3A_9] : memref<64x256xf32, #tpu.memory_space<vmem>>, vector<64x256xf32>
    %get3A_11 = arith.constant 0 : index
    %get3A_12 = arith.constant 0 : index
    %get3A_13 = vector.load %arg1[%get3A_11, %get3A_12] : memref<1000x256xf32, #tpu.memory_space<vmem>>, vector<1000x256xf32>
    %dot_general3A = arith.constant dense<0.000000e+00> : vector<64x256xf32>
    %dot_general3A_14 = tpu.matmul %convert_element_type3A_7, %get3A_13, %dot_general3A {dimension_numbers = #tpu.dot_dimension_numbers<[0], [0], [1], [1], [0, 1, 1, 1], [], []>, transpose_lhs_hint = false} : vector<1000x64xf32>, vector<1000x256xf32>, vector<64x256xf32> -> vector<64x256xf32>
    %add3A = arith.addf %get3A_10, %dot_general3A_14 : vector<64x256xf32>
    %swap3A = arith.constant 0 : index
    %swap3A_15 = arith.constant 0 : index
    %swap3A_16 = vector.load %arg4[%swap3A, %swap3A_15] : memref<64x256xf32, #tpu.memory_space<vmem>>, vector<64x256xf32>
    tpu.vector_store %arg4[%swap3A, %swap3A_15], %add3A {strides = array<i32>} : memref<64x256xf32, #tpu.memory_space<vmem>>, vector<64x256xf32>,
    %get3A_17 = arith.constant 0 : index
    %get3A_18 = arith.constant 0 : index
    %get3A_19 = vector.load %arg5[%get3A_17, %get3A_18] : memref<1x64xf32, #tpu.memory_space<vmem>>, vector<1x64xf32>
    %reduce_sum3A = arith.constant dense<0.000000e+00> : vector<64xf32>
    %reduce_sum3A_20 = vector.multi_reduction <add>, %convert_element_type3A_7, %reduce_sum3A [0] : vector<1000x64xf32> to vector<64xf32>
    %broadcast_in_dim3A = vector.shape_cast %reduce_sum3A_20 : vector<64xf32> to vector<1x64xf32>
    %add3A_21 = arith.addf %get3A_19, %broadcast_in_dim3A : vector<1x64xf32>
    %swap3A_22 = arith.constant 0 : index
    %swap3A_23 = arith.constant 0 : index
    %swap3A_24 = vector.load %arg5[%swap3A_22, %swap3A_23] : memref<1x64xf32, #tpu.memory_space<vmem>>, vector<1x64xf32>
    tpu.vector_store %arg5[%swap3A_22, %swap3A_23], %add3A_21 {strides = array<i32>} : memref<1x64xf32, #tpu.memory_space<vmem>>, vector<1x64xf32>,
    %eq3A_25 = arith.constant 9 : i32
    %eq3A_26 = arith.cmpi eq, %arg0, %eq3A_25 : i32
    %convert_element_type3A_27 = arith.extui %eq3A_26 : i1 to i32
    %cond3A_28 = arith.constant 0 : i32
    %cond3A_29 = arith.cmpi ne, %convert_element_type3A_27, %cond3A_28 : i32
    scf.if %cond3A_29 {
      %get3A_30 = arith.constant 0 : index
      %get3A_31 = arith.constant 0 : index
      %get3A_32 = vector.load %arg4[%get3A_30, %get3A_31] : memref<64x256xf32, #tpu.memory_space<vmem>>, vector<64x256xf32>
      %get3A_33 = arith.constant 0 : index
      %get3A_34 = arith.constant 0 : index
      %get3A_35 = vector.load %arg5[%get3A_33, %get3A_34] : memref<1x64xf32, #tpu.memory_space<vmem>>, vector<1x64xf32>
      %max3A = arith.constant 1.000000e+00 : f32
      %max3A_36 = vector.broadcast %max3A : f32 to vector<1x64xf32>
      %max3A_37 = arith.maximumf %get3A_35, %max3A_36 : vector<1x64xf32>
      %reshape3A = vector.shape_cast %max3A_37 : vector<1x64xf32> to vector<64x1xf32>
      %div3A = vector.broadcast %reshape3A : vector<64x1xf32> to vector<64x256xf32>
      %div3A_38 = arith.divf %get3A_32, %div3A : vector<64x256xf32>
      %swap3A_39 = arith.constant 0 : index
      %swap3A_40 = arith.constant 0 : index
      %swap3A_41 = vector.load %arg3[%swap3A_39, %swap3A_40] : memref<64x256xf32, #tpu.memory_space<vmem>>, vector<64x256xf32>
      tpu.vector_store %arg3[%swap3A_39, %swap3A_40], %div3A_38 {strides = array<i32>} : memref<64x256xf32, #tpu.memory_space<vmem>>, vector<64x256xf32>,
    } else {
    }
    return
  }
  func.func @transform_0(%arg0: i32) -> (i32, i32) {
    %c0_i32 = arith.constant 0 : i32
    %c0_i32_0 = arith.constant 0 : i32
    return %arg0, %c0_i32 : i32, i32
  }
  func.func @transform_1(%arg0: i32) -> (i32, i32) {
    %c0_i32 = arith.constant 0 : i32
    %c0_i32_0 = arith.constant 0 : i32
    return %arg0, %c0_i32 : i32, i32
  }
  func.func @transform_2(%arg0: i32) -> (i32, i32) {
    %c0_i32 = arith.constant 0 : i32
    %c0_i32_0 = arith.constant 0 : i32
    %c0_i32_1 = arith.constant 0 : i32
    return %c0_i32, %c0_i32_0 : i32, i32
  }
}

</mosaic_0001>

<sc_bundles>
// kernel: kernel.19.cloned.1.call-start
scs
__scs_entry_jumppad:
0x0: {  	(pc) =	sbr.rel $0x88, $3  }
0x1: {  	(tag) =	ssettag $0x0;
	lr =	simm.s32 $0x1  }
0x2: {  	[smem:$0x3F92] =	sst lr;
	_ =	strace $0xD0000000  }
0x3: {  	_ = 	snop  }
0x4: {  	_ = 	snop  }
0x5: {  	_ = 	snop  }
0x6: {  	_ = 	snop  }
0x7: {  	_ = 	snop  }
__scs_overlays_trampoline_lowered:
0x8: {  	[smem:$0x3FA1] =	sst s0  }
0x9: {  	[smem:$0x3FA2] =	sst s1  }
0xa: {  	[smem:$0x3FA3] =	sst s2  }
0xb: {  	[smem:$0x3FA4] =	sst s3  }
0xc: {  	[smem:$0x3FA5] =	sst s4  }
0xd: {  	[smem:$0x3FA6] =	sst s5  }
0xe: {  	[smem:$0x3FA7] =	sst s6  }
0xf: {  	[smem:$0x3FA8] =	sst s7  }
0x10: {  	[smem:$0x3FA9] =	sst s8  }
0x11: {  	[smem:$0x3FAA] =	sst s9;
	s0 =	simm.s32 @!p0 $0x0  }
0x12: {  	s1 =	sld [smem:$0x3F90];
	s0 =	simm.s32 @p0 $0x1  }
0x13: {  	[smem:$0x3FAB] =	sst s0;
	s0 =	simm.s32 @!p1 $0x0  }
0x14: {  	s2 =	sld [smem:$0x3F8F];
	s0 =	simm.s32 @p1 $0x1  }
0x15: {  	[smem:$0x3FAC] =	sst s0;
	s0 =	simm.s32 @!p2 $0x0  }
0x16: {  	s3 =	sld [smem:$0x3FDB];
	s0 =	simm.s32 @p2 $0x1  }
0x17: {  	s4 =	simm.s32 $0x1BF5;
	[smem:$0x3FAE] =	sst s0  }
0x18: {  	s0 =	sld [smem:$0x3F91];
	_ =	swait.ge [sflag:s4], $0x0  }
0x19: {  	s7 =	sld [smem:$0x3F92]  }
0x1a: {  	s8 =	sadd.s32 $0xFFFFE003, lr  }
0x1b: {  	s9 =	sadd.s32 $0xFFFFFEF7, lr;
	s5 =	simm.s32 $0xFFFFFFFF;
	p2 =	slt.u32 s8, $0xFFFFF086  }
0x1c: {  	p1 =	slt.u32 s9, $0xF7A;
	s5 =	simm.s32 @!p2 $0x0  }
0x1d: {  	s5 =	simm.s32 @p1 $0x1;
	p0 =	seq.s32 s7, s2  }
0x1e: {  	s7 =	smul.u32 @!p0 $0xF7A, s2;
	p2 =	seq.s32 @!p0 s5, $0x0  }
0x1f: {  	s9 =	smul.u32 $0xF7A, s1;
	s8 =	simm.s32 @!p0 $0x1BF5;
	p2 =	por !p2, p0  }
0x20: {  	[sflag:s8] =	ssyncset.s32 @!p0 $0xFFFFF086;
	s6 =	sadd.s32 @!p0 s3, s7;
	s7 =	simm.s32 @!p0 $0x108  }
0x21: {  	s3 =	sadd.s32 s3, s9;
	s6 =	sadd.s32 @!p0 $0x88, s6;
	s7 =	simm.s32 @p2 $0x1082  }
0x22: {  	[simem:s7], [sflag:s8] =	dma.local @!p0 [hbm:s6], $0xF7A  }
0x23: {  	s9 =	sor.u32 $0xD0000000, s2;
	s6 =	simm.s32 $0x108;
	_ =	swait.ge @!p0 [sflag:s8], $0x0  }
0x24: {  	s3 =	sadd.s32 $0x88, s3;
	s6 =	simm.s32 @!p1 $0x1082;
	[sflag:s4] =	ssyncset.s32 $0xFFFFF086  }
0x25: {  	[simem:s6], [sflag:s4] =	dma.local [hbm:s3], $0xF7A  }
0x26: {  	[smem:$0x3F92] =	sst s1;
	(tag) =	ssettag s2;
	_ =	strace s9  }
0x27: {  	s1 =	sld [smem:$0x3FA2]  }
0x28: {  	s2 =	sld [smem:$0x3FA3]  }
0x29: {  	s4 =	sld [smem:$0x3FA5]  }
0x2a: {  	p0 =	seq.s32 s5, $0x0;
	s5 =	sld [smem:$0x3FA6]  }
0x2b: {  	s6 =	sld [smem:$0x3FA7]  }
0x2c: {  	s7 =	sld [smem:$0x3FA8]  }
0x2d: {  	s3 =	simm.s32 $0x108;
	s8 =	sld [smem:$0x3FA9]  }
0x2e: {  	s3 =	simm.s32 @!p0 $0x1082;
	s9 =	sld [smem:$0x3FAA]  }
0x2f: {  	lr =	sadd.s32 s0, s3;
	s0 =	sld [smem:$0x3FA1]  }
0x30: {  	s3 =	sld [smem:$0x3FA4]  }
0x31: {  	[smem:$0x3FAD] =	sst s10  }
0x32: {  	s10 =	sld [smem:$0x3FAB];
	_ =	sdelay $0x3  }
0x33: {  	p0 =	seq.s32 s10, $0x1;
	s10 =	sld [smem:$0x3FAD];
	_ =	sdelay $0x3  }
0x34: {  	[smem:$0x3FAD] =	sst s10  }
0x35: {  	s10 =	sld [smem:$0x3FAC];
	_ =	sdelay $0x3  }
0x36: {  	p1 =	seq.s32 s10, $0x1;
	s10 =	sld [smem:$0x3FAD];
	_ =	sdelay $0x3  }
0x37: {  	[smem:$0x3FAD] =	sst s10  }
0x38: {  	s10 =	sld [smem:$0x3FAE]  }
0x39: {  	_ = 	snop;
	(pc) =	sbr.ind lr, $3  }
0x3a: {  	_ = 	snop  }
0x3b: {  	_ = 	snop  }
0x3c: {  	p2 =	seq.s32 s10, $0x1;
	s10 =	sld [smem:$0x3FAD]  }
0x3d: {  	_ =	shalt  }
0x3e: {  	_ =	shalt  }
0x3f: {  	_ =	shalt  }
0x40: {  	_ =	shalt  }
0x41: {  	_ =	shalt  }
0x42: {  	_ =	shalt  }
0x43: {  	_ =	shalt  }
0x44: {  	_ =	shalt  }
0x45: {  	_ =	shalt  }
0x46: {  	_ =	shalt  }
0x47: {  	_ =	shalt  }
0x48: {  	_ =	shalt  }
0x49: {  	_ =	shalt  }
0x4a: {  	_ =	shalt  }
0x4b: {  	_ =	shalt  }
0x4c: {  	_ =	shalt  }
0x4d: {  	_ =	shalt  }
0x4e: {  	_ =	shalt  }
0x4f: {  	_ =	shalt  }
0x50: {  	_ =	shalt  }
0x51: {  	_ =	shalt  }
0x52: {  	_ =	shalt  }
0x53: {  	_ =	shalt  }
0x54: {  	_ =	shalt  }
0x55: {  	_ =	shalt  }
0x56: {  	_ =	shalt  }
0x57: {  	_ =	shalt  }
0x58: {  	_ =	shalt  }
0x59: {  	_ =	shalt  }
0x5a: {  	_ =	shalt  }
0x5b: {  	_ =	shalt  }
0x5c: {  	_ =	shalt  }
0x5d: {  	_ =	shalt  }
0x5e: {  	_ =	shalt  }
0x5f: {  	_ =	shalt  }
0x60: {  	_ =	shalt  }
0x61: {  	_ =	shalt  }
0x62: {  	_ =	shalt  }
0x63: {  	_ =	shalt  }
0x64: {  	_ =	shalt  }
0x65: {  	_ =	shalt  }
0x66: {  	_ =	shalt  }
0x67: {  	_ =	shalt  }
0x68: {  	_ =	shalt  }
0x69: {  	_ =	shalt  }
0x6a: {  	_ =	shalt  }
0x6b: {  	_ =	shalt  }
0x6c: {  	_ =	shalt  }
0x6d: {  	_ =	shalt  }
0x6e: {  	_ =	shalt  }
0x6f: {  	_ =	shalt  }
0x70: {  	_ =	shalt  }
0x71: {  	_ =	shalt  }
0x72: {  	_ =	shalt  }
0x73: {  	_ =	shalt  }
0x74: {  	_ =	shalt  }
0x75: {  	_ =	shalt  }
0x76: {  	_ =	shalt  }
0x77: {  	_ =	shalt  }
0x78: {  	_ =	shalt  }
0x79: {  	_ =	shalt  }
0x7a: {  	_ =	shalt  }
0x7b: {  	_ =	shalt  }
0x7c: {  	_ =	shalt  }
0x7d: {  	_ =	shalt  }
0x7e: {  	_ =	shalt  }
0x7f: {  	_ =	shalt  }
0x80: {  	_ =	shalt  }
0x81: {  	_ =	shalt  }
0x82: {  	_ =	shalt  }
0x83: {  	_ =	shalt  }
0x84: {  	_ =	shalt  }
0x85: {  	_ =	shalt  }
0x86: {  	_ =	shalt  }
0x87: {  	_ =	shalt  }
.Lfunc_end0:
.L_simem_size_0:
called_computation_lowered:
.L_overlay_start_0:
0x88: {  	s2 =	sld [smem:$0x3FD9]  }
0x89: {  	s3 =	sld [smem:$0x3FFE];
	_ =	sdelay $0x1  }
0x8a: {  	s1 =	srdreg.scid  }
0x8b: {  	s0 =	sand.u32 $0x1, s1  }
0x8c: {  	s16 =	sshll.u32 s0, $0xA;
	s2 =	sadd.s32 s3, s2  }
0x8d: {  	s2 =	sadd.s32 s2, s16  }
0x8e: {  	[smem:$0x3FB9] =	sst s2  }
0x8f: {  	_ = 	snop  }
0x90: {  	(tm) =	ssettm $0x1  }
0x91: {  	s17 =	sld [smem:$0x3FFB];
	_ =	sdelay $0x3  }
0x92: {  	_ =	strace s17  }
0x93: {  	s2 =	sld [smem:$0x3FFC];
	_ =	sdelay $0x3  }
0x94: {  	_ =	strace s2  }
0x95: {  	s2 =	sld [smem:$0x3FFD];
	_ =	sdelay $0x3  }
0x96: {  	_ =	strace s2  }
0x97: {  	_ =	strace $0x8FFFFFFF  }
0x98: {  	s18 =	sld [smem:$0x3FDB];
	_ =	sdelay $0x1  }
0x99: {  	s19 =	simm.s32 $_scs_section_size  }
0x9a: {  	s4 =	simm.s32 $_size__tile_overlayer_lowered;
	s5 =	simm.s32 $_tile_overlayer_lowered  }
0x9b: {  	s22 =	simm.s32 $0x1BFF;
	s21 =	sshll.u32 s5, $0x1;
	s2 =	sadd.s32 s19, s18  }
0x9c: {  	s6 =	simm.s32 $0x0;
	s20 =	sshll.u32 s4, $0x1;
	s4 =	sadd.s32 s21, s2  }
0x9d: {  	[timem:s6], [sflag:s22] =	dma.local [hbm:s4], s20  }
0x9e: {  	_ =	swait.ge [sflag:s22], s20  }
0x9f: {  	s3 =	ssub.s32 $0x0, s20;
	[sflag:s22] =	ssyncset.done $0x0  }
0xa0: {  	[sflag:s22] =	ssyncadd.s32 s3;
	_ =	sdelay $0x1  }
0xa1: {  	s23 =	simm.s32 $0x1B8B  }
0xa2: {  	_ =	swait.ge [sflag:s23], $0x1  }
0xa3: {  	[sflag:s23] =	ssyncset.done $0x0  }
0xa4: {  	s25 =	simm.s32 $0x1B8E;
	s24 =	sld [smem:$0x3FFE];
	[sflag:s23] =	ssyncadd.s32 $0xFFFFFFFF  }
0xa5: {  	s26 =	simm.s32 $execute0_lowered;
	[smem:$0x3FD2] =	sst s25  }
0xa6: {  	s4 =	sshll.u32 s26, $0x1;
	_ =	strace $0x80000046;
	[dreg:$0x1] =	wrdreg $0xFFFFFFFF  }
0xa7: {  	s28 =	simm.s32 $_size_execute0_lowered;
	s2 =	sadd.s32 s2, s4;
	[dreg:$0x0] =	wrdreg $0x0  }
0xa8: {  	s4 =	sshll.u32 s28, $0x1;
	[dreg:$0x2] =	wrdreg s2  }
0xa9: {  	[dreg:$0x3] =	wrdreg s4  }
0xaa: {  	[dreg:$0x4] =	wrdreg $0xC0  }
0xab: {  	_ =	task [dreg:s6], $0x5FFFF  }
0xac: {  	[dreg:$0x1] =	wrdreg $0xFFFFFFFF  }
0xad: {  	[dreg:$0x0] =	wrdreg $0x60  }
0xae: {  	[dreg:$0x2] =	wrdreg s24  }
0xaf: {  	[dreg:$0x3] =	wrdreg $0x9  }
0xb0: {  	_ =	task.clear_ibuf [dreg:s6], $0x4FFFF;
	_ =	strace $0x90000046  }
0xb1: {  	s29 =	simm.s32 $0x9;
	_ =	strace $0x80000048  }
0xb2: {  	_ =	swait.ge [sflag:s29], $0x1  }
0xb3: {  	[sflag:s29] =	ssyncadd.s32 $0xFFFFFFFF  }
0xb4: {  	_ =	strace $0x90000048  }
0xb5: {  	_ =	sfence  }
0xb6: {  	s30 =	sld [smem:$0x0];
	_ =	sdelay $0x2  }
0xb7: {  	s31 =	sshll.u32 s1, $0xD;
	s1 =	sshrl.u32 s1, $0x2  }
0xb8: {  	s3 =	sand.u32 $0x4000, s31;
	s1 =	sadd.s32 s1, s30  }
0xb9: {  	s0 =	sor.u32 s3, s0;
	s1 =	sshll.u32 s1, $0x11  }
0xba: {  	s0 =	sor.u32 s1, s0  }
0xbb: {  	s0 =	sadd.s32 $0x8F2B, s0  }
0xbc: {  	[sflag:s0] =	ssyncadd.remote.s32 $0x1  }
0xbd: {  	_ =	sfence.sel $0xFFFF  }
0xbe: {  	[dreg:$0x0] =	wrdreg $0xFFFFFFFF;
	(pc) =	sbr.abs _section_cstart, $3  }
0xbf: {  	[dreg:$0x1] =	wrdreg $0xFFFFFFFF  }
0xc0: {  	_ =	task.clear_ibuf [dreg:s6], $0x2FFFF;
	_ =	strace $0x9FFFFFFF  }
0xc1: {  	(tm) =	ssettm $0x7FFFFFFF  }
tec
execute0_lowered:
.L_overlay_start_1:
0x0: {  	(tag) =	ssettag $0x1  }
0x1: {  	s0 =	rddreg [dreg:$0x0]  }
0x2: {  	s3 =	srdreg.scid;
	s1 =	stileid.u32;
	s2 =	simm.s32 $0x0  }
0x3: {  	s25 =	simm.s32 $0x80;
	s26 =	simm.s32 $0x900;
	s30 =	simm.s32 $0x1100  }
0x4: {  	s31 =	simm.s32 $0x1900;
	s10 =	simm.s32 $0x2100;
	s11 =	simm.s32 $0x2900  }
0x5: {  	s12 =	simm.s32 $0x3100;
	s13 =	simm.s32 $0x3900;
	s14 =	simm.s32 $0x4100  }
0x6: {  	s15 =	simm.s32 $0x4900;
	s16 =	simm.s32 $0x5100;
	s17 =	simm.s32 $0x5900  }
0x7: {  	s18 =	simm.s32 $0x6100;
	s19 =	simm.s32 $0x6900;
	s20 =	simm.s32 $0x7100  }
0x8: {  	s21 =	simm.s32 $0x7900;
	s28 =	simm.s32 $0x2;
	s29 =	simm.s32 $0x0  }
0x9: {  	s5 =	sand.u32 $0x1, s3;
	s4 =	smul.u32 $0x4E20, s1;
	[smem:$0x7FF] =	sst s2  }
0xa: {  	s7 =	smul.u32 $0x9C400, s1;
	_ =	strace $0x80000047;
	[dreg:$0x4] =	wrdreg s25  }
0xb: {  	s3 =	sadd.s32 $0x72C00, s0;
	s6 =	smul.u32 $0x2710, s5;
	[dreg:$0x5] =	wrdreg s26  }
0xc: {  	s8 =	ssub.s32 $0x2, s5;
	s23 =	smul.u32 $0x4E200, s5;
	[dreg:$0x6] =	wrdreg s30  }
0xd: {  	[dreg:$0x7] =	wrdreg s31;
	s25 =	simm.s32 $0x9900;
	s6 =	sadd.s32 s6, s4  }
0xe: {  	s22 =	sshrl.u32 s8, $0x1;
	s4 =	sadd.s32 $0xC0E00, s0;
	s6 =	sshrl.u32 s6, $0x3  }
0xf: {  	s6 =	sadd.s32 s6, s0;
	s0 =	sadd.s32 s7, s0;
	s7 =	ssub.s32 s8, s22  }
0x10: {  	s26 =	simm.s32 $0x1;
	s8 =	simm.s32 $0x3;
	s24 =	smax.u32 s7, $0x1  }
0x11: {  	s22 =	simm.s32 $0x8100;
	s9 =	sadd.s32 $0x12C00, s6;
	[dreg:$0x8] =	wrdreg s24  }
0x12: {  	v2 =	vlaneseq.u32;
	s6 =	sadd.s32 $0x8E00, s6;
	s0 =	sadd.s32 s23, s0;
	[dreg:$0x2] =	wrdreg s9  }
0x13: {  	vm0 =	vmmov $0xffff;
	v1 =	vshrl.u32 v2, $0x3;
	s23 =	simm.s32 $0x8900;
	[dreg:$0x3] =	wrdreg s6;
	s6 =	sadd.s32 $0x10F000, s0  }
0x14: {  	v0 =	vand.u32 $0x7, v2;
	v2 =	vor.u32 $0x8, v2;
	v1 =	vmul.u32 $0x8, v1;
	s7 =	sadd.s32 $0xAD3000, s0;
	s9 =	simm.s32 $0x100;
	s24 =	simm.s32 $0x9100  }
.LBB2_1:
0x15: {  	s30 =	smov.u32 s7;
	s31 =	smov.u32 s6;
	s0 =	simm.s32 $0x0  }
.LBB2_2:
0x16: {  	s1 =	rddreg [dreg:$0x3]  }
0x17: {  	s1 =	sadd.s32 s0, s1  }
0x18: {  	[tilespmem:s2], [sflag:$0x3] =	stream.linear.gather [hbm4b:s1+s2], $0x50, $0x38;
	[tilespmem:$0xA100] =	vst v63  }
0x19: {  	_ =	swait.ge [sflag:s8], $0x50  }
0x1a: {  	s1 =	rddreg [dreg:$0x2];
	[sflag:s8] =	ssyncset.done $0x0  }
0x1b: {  	s5 =	rddreg [dreg:$0x4];
	[sflag:s8] =	ssyncadd.s32 $0xFFFFFFB0;
	s1 =	sadd.s32 s0, s1  }
0x1c: {  	[tilespmem:s5], [sflag:$0x3] =	stream.linear.gather [hbm4b:s1+s2], $0x50, $0x38;
	[tilespmem:$0xA100] =	vst v63  }
0x1d: {  	_ =	swait.ge [sflag:s8], $0x50  }
0x1e: {  	[sflag:s8] =	ssyncset.done $0x0  }
0x1f: {  	[sflag:s8] =	ssyncadd.s32 $0xFFFFFFB0  }
0x20: {  	v3 =	vld [tilespmem:$0x0];
	_ =	sdelay $0x4  }
0x21: {  	v4 =	vshll.u32 v3, $0x1  }
0x22: {  	v3 =	vand.u32 $0x7, v3;
	v4 =	vand.u32 $0xFFFFFFF0, v4  }
0x23: {  	v3 =	vor.u32 v3, v4  }
0x24: {  	v4 =	vperm.xlane v3, v0;
	_ =	sdelay $0x1  }
0x25: {  	v3 =	vperm.xlane v3, v2;
	v4 =	vadd.s32 v1, v4;
	_ =	sdelay $0x1  }
0x26: {  	v3 =	vadd.s32 v1, v3;
	_ =	sdelay $0x2  }
0x27: {  	[tilespmem:s9], [sflag:$0x1] =	stream.indirect_vreg.gather [hbm4b:s3+s2], $0x80, v4, vm0, $0xb8;
	[tilespmem:$0xA100] =	vst v63  }
0x28: {  	s5 =	rddreg [dreg:$0x5]  }
0x29: {  	[tilespmem:s5], [sflag:$0x1] =	stream.indirect_vreg.gather [hbm4b:s3+s2], $0x80, v3, vm0, $0xb8;
	[tilespmem:$0xA100] =	vst v63  }
0x2a: {  	v3 =	vld [tilespmem:$0x10];
	_ =	sdelay $0x4  }
0x2b: {  	v55 =	vshll.u32 v3, $0x1  }
0x2c: {  	v3 =	vand.u32 $0x7, v3;
	v4 =	vand.u32 $0xFFFFFFF0, v55  }
0x2d: {  	v3 =	vor.u32 v3, v4  }
0x2e: {  	v4 =	vperm.xlane v3, v0;
	_ =	sdelay $0x1  }
0x2f: {  	v3 =	vperm.xlane v3, v2;
	v4 =	vadd.s32 v1, v4;
	_ =	sdelay $0x1  }
0x30: {  	v3 =	vadd.s32 v1, v3;
	_ =	sdelay $0x1  }
0x31: {  	s1 =	rddreg [dreg:$0x6]  }
0x32: {  	[tilespmem:s1], [sflag:$0x1] =	stream.indirect_vreg.gather [hbm4b:s3+s2], $0x80, v4, vm0, $0xb8;
	[tilespmem:$0xA100] =	vst v63  }
0x33: {  	s5 =	rddreg [dreg:$0x7]  }
0x34: {  	[tilespmem:s5], [sflag:$0x1] =	stream.indirect_vreg.gather [hbm4b:s3+s2], $0x80, v3, vm0, $0xb8;
	[tilespmem:$0xA100] =	vst v63  }
0x35: {  	v3 =	vld [tilespmem:$0x20];
	_ =	sdelay $0x4  }
0x36: {  	v56 =	vshll.u32 v3, $0x1  }
0x37: {  	v3 =	vand.u32 $0x7, v3;
	v4 =	vand.u32 $0xFFFFFFF0, v56  }
0x38: {  	v3 =	vor.u32 v3, v4  }
0x39: {  	v4 =	vperm.xlane v3, v0;
	_ =	sdelay $0x1  }
0x3a: {  	v3 =	vperm.xlane v3, v2;
	v4 =	vadd.s32 v1, v4;
	_ =	sdelay $0x1  }
0x3b: {  	v3 =	vadd.s32 v1, v3;
	_ =	sdelay $0x2  }
0x3c: {  	[tilespmem:s10], [sflag:$0x1] =	stream.indirect_vreg.gather [hbm4b:s3+s2], $0x80, v4, vm0, $0xb8;
	[tilespmem:$0xA100] =	vst v63  }
0x3d: {  	_ = 	snop  }
0x3e: {  	[tilespmem:s11], [sflag:$0x1] =	stream.indirect_vreg.gather [hbm4b:s3+s2], $0x80, v3, vm0, $0xb8;
	[tilespmem:$0xA100] =	vst v63  }
0x3f: {  	v3 =	vld [tilespmem:$0x30];
	_ =	sdelay $0x4  }
0x40: {  	v57 =	vshll.u32 v3, $0x1  }
0x41: {  	v3 =	vand.u32 $0x7, v3;
	v4 =	vand.u32 $0xFFFFFFF0, v57  }
0x42: {  	v3 =	vor.u32 v3, v4  }
0x43: {  	v4 =	vperm.xlane v3, v0;
	_ =	sdelay $0x1  }
0x44: {  	v3 =	vperm.xlane v3, v2;
	v4 =	vadd.s32 v1, v4;
	_ =	sdelay $0x1  }
0x45: {  	v3 =	vadd.s32 v1, v3;
	_ =	sdelay $0x2  }
0x46: {  	[tilespmem:s12], [sflag:$0x1] =	stream.indirect_vreg.gather [hbm4b:s3+s2], $0x80, v4, vm0, $0xb8;
	[tilespmem:$0xA100] =	vst v63  }
0x47: {  	_ = 	snop  }
0x48: {  	[tilespmem:s13], [sflag:$0x1] =	stream.indirect_vreg.gather [hbm4b:s3+s2], $0x80, v3, vm0, $0xb8;
	[tilespmem:$0xA100] =	vst v63  }
0x49: {  	v3 =	vld [tilespmem:$0x40];
	_ =	sdelay $0x4  }
0x4a: {  	v58 =	vshll.u32 v3, $0x1  }
0x4b: {  	v3 =	vand.u32 $0x7, v3;
	v4 =	vand.u32 $0xFFFFFFF0, v58  }
0x4c: {  	v3 =	vor.u32 v3, v4  }
0x4d: {  	v4 =	vperm.xlane v3, v0;
	_ =	sdelay $0x1  }
0x4e: {  	v3 =	vperm.xlane v3, v2;
	v4 =	vadd.s32 v1, v4;
	_ =	sdelay $0x1  }
0x4f: {  	v3 =	vadd.s32 v1, v3;
	_ =	sdelay $0x2  }
0x50: {  	[tilespmem:s14], [sflag:$0x1] =	stream.indirect_vreg.gather [hbm4b:s3+s2], $0x80, v4, vm0, $0xb8;
	[tilespmem:$0xA100] =	vst v63  }
0x51: {  	_ = 	snop  }
0x52: {  	[tilespmem:s15], [sflag:$0x1] =	stream.indirect_vreg.gather [hbm4b:s3+s2], $0x80, v3, vm0, $0xb8;
	[tilespmem:$0xA100] =	vst v63  }
0x53: {  	v3 =	vld [tilespmem:$0x80];
	_ =	sdelay $0x4  }
0x54: {  	v59 =	vshll.u32 v3, $0x1  }
0x55: {  	v3 =	vand.u32 $0x7, v3;
	v4 =	vand.u32 $0xFFFFFFF0, v59  }
0x56: {  	v3 =	vor.u32 v3, v4  }
0x57: {  	v4 =	vperm.xlane v3, v0;
	_ =	sdelay $0x1  }
0x58: {  	v3 =	vperm.xlane v3, v2;
	v4 =	vadd.s32 v1, v4;
	_ =	sdelay $0x1  }
0x59: {  	v3 =	vadd.s32 v1, v3;
	_ =	sdelay $0x2  }
0x5a: {  	[tilespmem:s16], [sflag:$0x2] =	stream.indirect_vreg.gather [hbm4b:s4+s2], $0x80, v4, vm0, $0xb8;
	[tilespmem:$0xA100] =	vst v63  }
0x5b: {  	_ = 	snop  }
0x5c: {  	[tilespmem:s17], [sflag:$0x2] =	stream.indirect_vreg.gather [hbm4b:s4+s2], $0x80, v3, vm0, $0xb8;
	[tilespmem:$0xA100] =	vst v63  }
0x5d: {  	v3 =	vld [tilespmem:$0x90];
	_ =	sdelay $0x4  }
0x5e: {  	v60 =	vshll.u32 v3, $0x1  }
0x5f: {  	v3 =	vand.u32 $0x7, v3;
	v4 =	vand.u32 $0xFFFFFFF0, v60  }
0x60: {  	v3 =	vor.u32 v3, v4  }
0x61: {  	v4 =	vperm.xlane v3, v0;
	_ =	sdelay $0x1  }
0x62: {  	v3 =	vperm.xlane v3, v2;
	v4 =	vadd.s32 v1, v4;
	_ =	sdelay $0x1  }
0x63: {  	v3 =	vadd.s32 v1, v3;
	_ =	sdelay $0x2  }
0x64: {  	[tilespmem:s18], [sflag:$0x2] =	stream.indirect_vreg.gather [hbm4b:s4+s2], $0x80, v4, vm0, $0xb8;
	[tilespmem:$0xA100] =	vst v63  }
0x65: {  	_ = 	snop  }
0x66: {  	[tilespmem:s19], [sflag:$0x2] =	stream.indirect_vreg.gather [hbm4b:s4+s2], $0x80, v3, vm0, $0xb8;
	[tilespmem:$0xA100] =	vst v63  }
0x67: {  	v3 =	vld [tilespmem:$0xA0];
	_ =	sdelay $0x4  }
0x68: {  	v61 =	vshll.u32 v3, $0x1  }
0x69: {  	v3 =	vand.u32 $0x7, v3;
	v4 =	vand.u32 $0xFFFFFFF0, v61  }
0x6a: {  	v3 =	vor.u32 v3, v4  }
0x6b: {  	v4 =	vperm.xlane v3, v0;
	_ =	sdelay $0x1  }
0x6c: {  	v3 =	vperm.xlane v3, v2;
	v4 =	vadd.s32 v1, v4;
	_ =	sdelay $0x1  }
0x6d: {  	v3 =	vadd.s32 v1, v3;
	_ =	sdelay $0x2  }
0x6e: {  	[tilespmem:s20], [sflag:$0x2] =	stream.indirect_vreg.gather [hbm4b:s4+s2], $0x80, v4, vm0, $0xb8;
	[tilespmem:$0xA100] =	vst v63  }
0x6f: {  	_ = 	snop  }
0x70: {  	[tilespmem:s21], [sflag:$0x2] =	stream.indirect_vreg.gather [hbm4b:s4+s2], $0x80, v3, vm0, $0xb8;
	[tilespmem:$0xA100] =	vst v63  }
0x71: {  	v3 =	vld [tilespmem:$0xB0];
	_ =	sdelay $0x4  }
0x72: {  	v62 =	vshll.u32 v3, $0x1  }
0x73: {  	v3 =	vand.u32 $0x7, v3;
	v4 =	vand.u32 $0xFFFFFFF0, v62  }
0x74: {  	v3 =	vor.u32 v3, v4  }
0x75: {  	v4 =	vperm.xlane v3, v0;
	_ =	sdelay $0x1  }
0x76: {  	v3 =	vperm.xlane v3, v2;
	v4 =	vadd.s32 v1, v4;
	_ =	sdelay $0x1  }
0x77: {  	v3 =	vadd.s32 v1, v3;
	_ =	sdelay $0x2  }
0x78: {  	[tilespmem:s22], [sflag:$0x2] =	stream.indirect_vreg.gather [hbm4b:s4+s2], $0x80, v4, vm0, $0xb8;
	[tilespmem:$0xA100] =	vst v63  }
0x79: {  	_ = 	snop  }
0x7a: {  	[tilespmem:s23], [sflag:$0x2] =	stream.indirect_vreg.gather [hbm4b:s4+s2], $0x80, v3, vm0, $0xb8;
	[tilespmem:$0xA100] =	vst v63  }
0x7b: {  	v3 =	vld [tilespmem:$0xC0];
	_ =	sdelay $0x4  }
0x7c: {  	v63 =	vshll.u32 v3, $0x1  }
0x7d: {  	v3 =	vand.u32 $0x7, v3;
	v4 =	vand.u32 $0xFFFFFFF0, v63  }
0x7e: {  	v3 =	vor.u32 v3, v4  }
0x7f: {  	v4 =	vperm.xlane v3, v0;
	_ =	sdelay $0x1  }
0x80: {  	v3 =	vperm.xlane v3, v2;
	v4 =	vadd.s32 v1, v4;
	_ =	sdelay $0x1  }
0x81: {  	v3 =	vadd.s32 v1, v3;
	_ =	sdelay $0x2  }
0x82: {  	[tilespmem:s24], [sflag:$0x2] =	stream.indirect_vreg.gather [hbm4b:s4+s2], $0x80, v4, vm0, $0xb8;
	[tilespmem:$0xA100] =	vst v63  }
0x83: {  	_ = 	snop  }
0x84: {  	[tilespmem:s25], [sflag:$0x2] =	stream.indirect_vreg.gather [hbm4b:s4+s2], $0x80, v3, vm0, $0xb8;
	[tilespmem:$0xA100] =	vst v63  }
0x85: {  	_ =	swait.ge [sflag:s26], $0x5000  }
0x86: {  	[sflag:s26] =	ssyncset.done $0x0  }
0x87: {  	[sflag:s26] =	ssyncadd.s32 $0xFFFFB000  }
0x88: {  	_ =	swait.ge [sflag:s28], $0x5000  }
0x89: {  	[sflag:s28] =	ssyncset.done $0x0  }
0x8a: {  	[sflag:s28] =	ssyncadd.s32 $0xFFFFB000  }
0x8b: {  	[hbm4b:s31+s2] =	stream.linear.scatter [tilespmem:s9], [sflag:$0x3], $0x5000, $0x38;
	[tilespmem:$0xA100] =	vst v63  }
0x8c: {  	_ =	swait.ge [sflag:s8], $0x5000  }
0x8d: {  	p0 =	sne.s32 s0, $0x4D8;
	[sflag:s8] =	ssyncset.done $0x0  }
.Ltmp0:
0x8e: {  	[sflag:s8] =	ssyncadd.s32 $0xFFFFB000;
	(pc) =	sbr.rel @p0 .LBB2_2-.Ltmp0, $4  }
0x8f: {  	[hbm4b:s30+s2] =	stream.linear.scatter [tilespmem:s16], [sflag:$0x3], $0x5000, $0x38;
	[tilespmem:$0xA100] =	vst v63  }
0x90: {  	_ =	swait.ge [sflag:s8], $0x5000  }
0x91: {  	s0 =	sadd.s32 $0xA, s0;
	[sflag:s8] =	ssyncset.done $0x0  }
0x92: {  	s31 =	sadd.s32 $0xA00, s31;
	s30 =	sadd.s32 $0xA00, s30;
	[sflag:s8] =	ssyncadd.s32 $0xFFFFB000  }
0x93: {  	s29 =	sadd.s32 $0x1, s29;
	s0 =	rddreg [dreg:$0x8]  }
0x94: {  	p0 =	sne.s32 s29, s0  }
.Ltmp1:
0x95: {  	_ = 	snop;
	(pc) =	sbr.rel @p0 .LBB2_1-.Ltmp1, $1  }
0x96: {  	_ =	sdelay $0x3  }
0x97: {  	_ =	sfence.sel $0x180000  }
0x98: {  	[bflag:$0x0] =	sbarrier.arrive $0xFFFF  }
0x99: {  	_ =	strace $0x90000047  }
0x9a: {  	s0 =	stileid.u32;
	[bflag:$0x2] =	sbarrier.arrive $0xFFFF  }
0x9b: {  	p0 =	sne.s32 s0, $0x0;
	s0 =	rddreg [dreg:$0x1]  }
0x9c: {  	s0 =	sadd.s32 @!p0 $0x100000, s0  }
0x9d: {  	[sflag:s0] =	ssyncadd.tile.s32 @!p0 $0x1;
	_ =	shalt  }
.Lfunc_end2:
_tile_overlayer_lowered:
.L_overlay_start_2:
0x9e: {  	(tag) =	ssettag $0x2  }
0x9f: {  	s0 =	rddreg [dreg:$0x0];
	s2 =	stileid.u32  }
0xa0: {  	s1 =	rddreg [dreg:$0x1];
	p0 =	sne.s32 s2, $0x0  }
0xa1: {  	s3 =	rddreg [dreg:$0x2];
	[bflag:$0x3] =	sbarrier.arrive $0xFFFF;
	s2 =	simm.s32 @!p0 $0x1C03  }
0xa2: {  	[timem:s3], [sflag:s2] =	dma.local @!p0 [hbm:s0], s1  }
0xa3: {  	s0 =	simm.s32 @!p0 $0x3  }
0xa4: {  	_ =	swait.ge @!p0 [sflag:s0], s1  }
0xa5: {  	s1 =	ssub.s32 @!p0 $0x0, s1;
	[sflag:s0] =	ssyncset.done @!p0 $0x0  }
0xa6: {  	[sflag:s0] =	ssyncadd.s32 @!p0 s1  }
0xa7: {  	[bflag:$0x3] =	sbarrier.arrive $0xFFFF  }
0xa8: {  	_ =	shalt  }

// kernel: kernel.22.cloned.1.call-start
scs
__scs_entry_jumppad:
0x0: {  	(pc) =	sbr.rel $0x88, $3  }
0x1: {  	(tag) =	ssettag $0x0;
	lr =	simm.s32 $0x1  }
0x2: {  	[smem:$0x3F92] =	sst lr;
	_ =	strace $0xD0000000  }
0x3: {  	_ = 	snop  }
0x4: {  	_ = 	snop  }
0x5: {  	_ = 	snop  }
0x6: {  	_ = 	snop  }
0x7: {  	_ = 	snop  }
__scs_overlays_trampoline_lowered:
0x8: {  	[smem:$0x3FA1] =	sst s0  }
0x9: {  	[smem:$0x3FA2] =	sst s1  }
0xa: {  	[smem:$0x3FA3] =	sst s2  }
0xb: {  	[smem:$0x3FA4] =	sst s3  }
0xc: {  	[smem:$0x3FA5] =	sst s4  }
0xd: {  	[smem:$0x3FA6] =	sst s5  }
0xe: {  	[smem:$0x3FA7] =	sst s6  }
0xf: {  	[smem:$0x3FA8] =	sst s7  }
0x10: {  	[smem:$0x3FA9] =	sst s8  }
0x11: {  	[smem:$0x3FAA] =	sst s9;
	s0 =	simm.s32 @!p0 $0x0  }
0x12: {  	s1 =	sld [smem:$0x3F90];
	s0 =	simm.s32 @p0 $0x1  }
0x13: {  	[smem:$0x3FAB] =	sst s0;
	s0 =	simm.s32 @!p1 $0x0  }
0x14: {  	s2 =	sld [smem:$0x3F8F];
	s0 =	simm.s32 @p1 $0x1  }
0x15: {  	[smem:$0x3FAC] =	sst s0;
	s0 =	simm.s32 @!p2 $0x0  }
0x16: {  	s3 =	sld [smem:$0x3FDB];
	s0 =	simm.s32 @p2 $0x1  }
0x17: {  	s4 =	simm.s32 $0x1BF5;
	[smem:$0x3FAE] =	sst s0  }
0x18: {  	s0 =	sld [smem:$0x3F91];
	_ =	swait.ge [sflag:s4], $0x0  }
0x19: {  	s7 =	sld [smem:$0x3F92]  }
0x1a: {  	s8 =	sadd.s32 $0xFFFFE003, lr  }
0x1b: {  	s9 =	sadd.s32 $0xFFFFFEF7, lr;
	s5 =	simm.s32 $0xFFFFFFFF;
	p2 =	slt.u32 s8, $0xFFFFF086  }
0x1c: {  	p1 =	slt.u32 s9, $0xF7A;
	s5 =	simm.s32 @!p2 $0x0  }
0x1d: {  	s5 =	simm.s32 @p1 $0x1;
	p0 =	seq.s32 s7, s2  }
0x1e: {  	s7 =	smul.u32 @!p0 $0xF7A, s2;
	p2 =	seq.s32 @!p0 s5, $0x0  }
0x1f: {  	s9 =	smul.u32 $0xF7A, s1;
	s8 =	simm.s32 @!p0 $0x1BF5;
	p2 =	por !p2, p0  }
0x20: {  	[sflag:s8] =	ssyncset.s32 @!p0 $0xFFFFF086;
	s6 =	sadd.s32 @!p0 s3, s7;
	s7 =	simm.s32 @!p0 $0x108  }
0x21: {  	s3 =	sadd.s32 s3, s9;
	s6 =	sadd.s32 @!p0 $0x88, s6;
	s7 =	simm.s32 @p2 $0x1082  }
0x22: {  	[simem:s7], [sflag:s8] =	dma.local @!p0 [hbm:s6], $0xF7A  }
0x23: {  	s9 =	sor.u32 $0xD0000000, s2;
	s6 =	simm.s32 $0x108;
	_ =	swait.ge @!p0 [sflag:s8], $0x0  }
0x24: {  	s3 =	sadd.s32 $0x88, s3;
	s6 =	simm.s32 @!p1 $0x1082;
	[sflag:s4] =	ssyncset.s32 $0xFFFFF086  }
0x25: {  	[simem:s6], [sflag:s4] =	dma.local [hbm:s3], $0xF7A  }
0x26: {  	[smem:$0x3F92] =	sst s1;
	(tag) =	ssettag s2;
	_ =	strace s9  }
0x27: {  	s1 =	sld [smem:$0x3FA2]  }
0x28: {  	s2 =	sld [smem:$0x3FA3]  }
0x29: {  	s4 =	sld [smem:$0x3FA5]  }
0x2a: {  	p0 =	seq.s32 s5, $0x0;
	s5 =	sld [smem:$0x3FA6]  }
0x2b: {  	s6 =	sld [smem:$0x3FA7]  }
0x2c: {  	s7 =	sld [smem:$0x3FA8]  }
0x2d: {  	s3 =	simm.s32 $0x108;
	s8 =	sld [smem:$0x3FA9]  }
0x2e: {  	s3 =	simm.s32 @!p0 $0x1082;
	s9 =	sld [smem:$0x3FAA]  }
0x2f: {  	lr =	sadd.s32 s0, s3;
	s0 =	sld [smem:$0x3FA1]  }
0x30: {  	s3 =	sld [smem:$0x3FA4]  }
0x31: {  	[smem:$0x3FAD] =	sst s10  }
0x32: {  	s10 =	sld [smem:$0x3FAB];
	_ =	sdelay $0x3  }
0x33: {  	p0 =	seq.s32 s10, $0x1;
	s10 =	sld [smem:$0x3FAD];
	_ =	sdelay $0x3  }
0x34: {  	[smem:$0x3FAD] =	sst s10  }
0x35: {  	s10 =	sld [smem:$0x3FAC];
	_ =	sdelay $0x3  }
0x36: {  	p1 =	seq.s32 s10, $0x1;
	s10 =	sld [smem:$0x3FAD];
	_ =	sdelay $0x3  }
0x37: {  	[smem:$0x3FAD] =	sst s10  }
0x38: {  	s10 =	sld [smem:$0x3FAE]  }
0x39: {  	_ = 	snop;
	(pc) =	sbr.ind lr, $3  }
0x3a: {  	_ = 	snop  }
0x3b: {  	_ = 	snop  }
0x3c: {  	p2 =	seq.s32 s10, $0x1;
	s10 =	sld [smem:$0x3FAD]  }
0x3d: {  	_ =	shalt  }
0x3e: {  	_ =	shalt  }
0x3f: {  	_ =	shalt  }
0x40: {  	_ =	shalt  }
0x41: {  	_ =	shalt  }
0x42: {  	_ =	shalt  }
0x43: {  	_ =	shalt  }
0x44: {  	_ =	shalt  }
0x45: {  	_ =	shalt  }
0x46: {  	_ =	shalt  }
0x47: {  	_ =	shalt  }
0x48: {  	_ =	shalt  }
0x49: {  	_ =	shalt  }
0x4a: {  	_ =	shalt  }
0x4b: {  	_ =	shalt  }
0x4c: {  	_ =	shalt  }
0x4d: {  	_ =	shalt  }
0x4e: {  	_ =	shalt  }
0x4f: {  	_ =	shalt  }
0x50: {  	_ =	shalt  }
0x51: {  	_ =	shalt  }
0x52: {  	_ =	shalt  }
0x53: {  	_ =	shalt  }
0x54: {  	_ =	shalt  }
0x55: {  	_ =	shalt  }
0x56: {  	_ =	shalt  }
0x57: {  	_ =	shalt  }
0x58: {  	_ =	shalt  }
0x59: {  	_ =	shalt  }
0x5a: {  	_ =	shalt  }
0x5b: {  	_ =	shalt  }
0x5c: {  	_ =	shalt  }
0x5d: {  	_ =	shalt  }
0x5e: {  	_ =	shalt  }
0x5f: {  	_ =	shalt  }
0x60: {  	_ =	shalt  }
0x61: {  	_ =	shalt  }
0x62: {  	_ =	shalt  }
0x63: {  	_ =	shalt  }
0x64: {  	_ =	shalt  }
0x65: {  	_ =	shalt  }
0x66: {  	_ =	shalt  }
0x67: {  	_ =	shalt  }
0x68: {  	_ =	shalt  }
0x69: {  	_ =	shalt  }
0x6a: {  	_ =	shalt  }
0x6b: {  	_ =	shalt  }
0x6c: {  	_ =	shalt  }
0x6d: {  	_ =	shalt  }
0x6e: {  	_ =	shalt  }
0x6f: {  	_ =	shalt  }
0x70: {  	_ =	shalt  }
0x71: {  	_ =	shalt  }
0x72: {  	_ =	shalt  }
0x73: {  	_ =	shalt  }
0x74: {  	_ =	shalt  }
0x75: {  	_ =	shalt  }
0x76: {  	_ =	shalt  }
0x77: {  	_ =	shalt  }
0x78: {  	_ =	shalt  }
0x79: {  	_ =	shalt  }
0x7a: {  	_ =	shalt  }
0x7b: {  	_ =	shalt  }
0x7c: {  	_ =	shalt  }
0x7d: {  	_ =	shalt  }
0x7e: {  	_ =	shalt  }
0x7f: {  	_ =	shalt  }
0x80: {  	_ =	shalt  }
0x81: {  	_ =	shalt  }
0x82: {  	_ =	shalt  }
0x83: {  	_ =	shalt  }
0x84: {  	_ =	shalt  }
0x85: {  	_ =	shalt  }
0x86: {  	_ =	shalt  }
0x87: {  	_ =	shalt  }
.Lfunc_end0:
.L_simem_size_0:
called_computation.1_lowered:
.L_overlay_start_0:
0x88: {  	s2 =	sld [smem:$0x3FD9]  }
0x89: {  	s3 =	sld [smem:$0x3FFE];
	_ =	sdelay $0x1  }
0x8a: {  	s1 =	srdreg.scid  }
0x8b: {  	s0 =	sand.u32 $0x1, s1  }
0x8c: {  	s16 =	sshll.u32 s0, $0xA;
	s2 =	sadd.s32 s3, s2  }
0x8d: {  	s2 =	sadd.s32 s2, s16  }
0x8e: {  	[smem:$0x3FB9] =	sst s2  }
0x8f: {  	_ = 	snop  }
0x90: {  	(tm) =	ssettm $0x1  }
0x91: {  	s17 =	sld [smem:$0x3FFB];
	_ =	sdelay $0x3  }
0x92: {  	_ =	strace s17  }
0x93: {  	s2 =	sld [smem:$0x3FFC];
	_ =	sdelay $0x3  }
0x94: {  	_ =	strace s2  }
0x95: {  	s2 =	sld [smem:$0x3FFD];
	_ =	sdelay $0x3  }
0x96: {  	_ =	strace s2  }
0x97: {  	_ =	strace $0x8FFFFFFF  }
0x98: {  	s18 =	sld [smem:$0x3FDB];
	_ =	sdelay $0x1  }
0x99: {  	s19 =	simm.s32 $_scs_section_size  }
0x9a: {  	s4 =	simm.s32 $_size__tile_overlayer_lowered;
	s5 =	simm.s32 $_tile_overlayer_lowered  }
0x9b: {  	s22 =	simm.s32 $0x1BFF;
	s21 =	sshll.u32 s5, $0x1;
	s2 =	sadd.s32 s19, s18  }
0x9c: {  	s6 =	simm.s32 $0x0;
	s20 =	sshll.u32 s4, $0x1;
	s4 =	sadd.s32 s21, s2  }
0x9d: {  	[timem:s6], [sflag:s22] =	dma.local [hbm:s4], s20  }
0x9e: {  	_ =	swait.ge [sflag:s22], s20  }
0x9f: {  	s3 =	ssub.s32 $0x0, s20;
	[sflag:s22] =	ssyncset.done $0x0  }
0xa0: {  	[sflag:s22] =	ssyncadd.s32 s3;
	_ =	sdelay $0x1  }
0xa1: {  	s23 =	simm.s32 $0x1B8B  }
0xa2: {  	_ =	swait.ge [sflag:s23], $0x1  }
0xa3: {  	[sflag:s23] =	ssyncset.done $0x0  }
0xa4: {  	s25 =	simm.s32 $0x1B8E;
	s24 =	sld [smem:$0x3FFE];
	[sflag:s23] =	ssyncadd.s32 $0xFFFFFFFF  }
0xa5: {  	s26 =	simm.s32 $execute0_lowered;
	[smem:$0x3FD2] =	sst s25  }
0xa6: {  	s4 =	sshll.u32 s26, $0x1;
	_ =	strace $0x80000049;
	[dreg:$0x1] =	wrdreg $0xFFFFFFFF  }
0xa7: {  	s28 =	simm.s32 $_size_execute0_lowered;
	s2 =	sadd.s32 s2, s4;
	[dreg:$0x0] =	wrdreg $0x0  }
0xa8: {  	s4 =	sshll.u32 s28, $0x1;
	[dreg:$0x2] =	wrdreg s2  }
0xa9: {  	[dreg:$0x3] =	wrdreg s4  }
0xaa: {  	[dreg:$0x4] =	wrdreg $0xC0  }
0xab: {  	_ =	task [dreg:s6], $0x5FFFF  }
0xac: {  	[dreg:$0x1] =	wrdreg $0xFFFFFFFF  }
0xad: {  	[dreg:$0x0] =	wrdreg $0x60  }
0xae: {  	[dreg:$0x2] =	wrdreg s24  }
0xaf: {  	[dreg:$0x3] =	wrdreg $0x51000  }
0xb0: {  	[dreg:$0x4] =	wrdreg $0x191000  }
0xb1: {  	[dreg:$0x5] =	wrdreg $0x9  }
0xb2: {  	_ =	task.clear_ibuf [dreg:s6], $0x6FFFF;
	_ =	strace $0x90000049  }
0xb3: {  	s29 =	simm.s32 $0x9;
	_ =	strace $0x8000004B  }
0xb4: {  	_ =	swait.ge [sflag:s29], $0x1  }
0xb5: {  	[sflag:s29] =	ssyncadd.s32 $0xFFFFFFFF  }
0xb6: {  	_ =	strace $0x9000004B  }
0xb7: {  	_ =	sfence  }
0xb8: {  	s30 =	sld [smem:$0x0];
	_ =	sdelay $0x2  }
0xb9: {  	s31 =	sshll.u32 s1, $0xD;
	s1 =	sshrl.u32 s1, $0x2  }
0xba: {  	s3 =	sand.u32 $0x4000, s31;
	s1 =	sadd.s32 s1, s30  }
0xbb: {  	s0 =	sor.u32 s3, s0;
	s1 =	sshll.u32 s1, $0x11  }
0xbc: {  	s0 =	sor.u32 s1, s0  }
0xbd: {  	s0 =	sadd.s32 $0x8F2B, s0  }
0xbe: {  	[sflag:s0] =	ssyncadd.remote.s32 $0x1  }
0xbf: {  	_ =	sfence.sel $0xFFFF  }
0xc0: {  	[dreg:$0x0] =	wrdreg $0xFFFFFFFF;
	(pc) =	sbr.abs _section_cstart, $3  }
0xc1: {  	[dreg:$0x1] =	wrdreg $0xFFFFFFFF  }
0xc2: {  	_ =	task.clear_ibuf [dreg:s6], $0x2FFFF;
	_ =	strace $0x9FFFFFFF  }
0xc3: {  	(tm) =	ssettm $0x7FFFFFFF  }
tec
execute0_lowered:
.L_overlay_start_1:
0x0: {  	(tag) =	ssettag $0x1  }
0x1: {  	s19 =	stileid.u32  }
0x2: {  	s0 =	smul.u32 $0x4E200, s19  }
0x3: {  	s4 =	smul.u32 $0x9C4, s19  }
0x4: {  	s7 =	smul.u32 $0x500, s19  }
0x5: {  	s3 =	rddreg [dreg:$0x0];
	s10 =	smul.u32 $0x280, s19  }
0x6: {  	s1 =	simm.s32 $0x0;
	s22 =	srdreg.scid;
	s23 =	smul.u32 $0x2800, s19  }
0x7: {  	s5 =	sadd.s32 $0x72C00, s3;
	s18 =	smul.u32 $0x5000, s19;
	[smem:$0x7FF] =	sst s1  }
0x8: {  	s2 =	sadd.s32 s0, s3;
	s4 =	sadd.s32 s4, s3;
	s0 =	sand.u32 $0x1, s22  }
0x9: {  	s11 =	sor.u32 $0x50, s10;
	s12 =	sadd.s32 $0xA0, s10;
	s13 =	sadd.s32 $0xF0, s10  }
0xa: {  	s14 =	sadd.s32 $0x140, s10;
	s15 =	sadd.s32 $0x190, s10;
	s16 =	sadd.s32 $0x1E0, s10  }
0xb: {  	s10 =	sadd.s32 $0x230, s10;
	s6 =	sshll.u32 s0, $0x7;
	s8 =	ssub.s32 $0x2, s0  }
0xc: {  	s24 =	sshll.u32 s11, $0x4;
	s25 =	sshll.u32 s12, $0x4;
	s26 =	sshll.u32 s13, $0x4  }
0xd: {  	s28 =	sshll.u32 s14, $0x4;
	s29 =	sshll.u32 s15, $0x4;
	s17 =	sshll.u32 s16, $0x4  }
0xe: {  	s31 =	sshll.u32 s10, $0x4;
	s20 =	sshll.u32 s12, $0x5;
	s21 =	sshll.u32 s13, $0x5  }
0xf: {  	s6 =	sadd.s32 s6, s3;
	s3 =	sadd.s32 s7, s3;
	s7 =	sadd.s32 s5, s7  }
0x10: {  	s9 =	sshrl.u32 s8, $0x1;
	s30 =	sadd.s32 s5, s17;
	[dreg:$0x4] =	wrdreg s7  }
0x11: {  	s8 =	ssub.s32 s8, s9;
	s9 =	sadd.s32 s5, s23;
	[dreg:$0xb] =	wrdreg s30  }
0x12: {  	p0 =	sne.s32 s0, $0x0;
	s7 =	sadd.s32 $0x9AC00, s6;
	[dreg:$0x5] =	wrdreg s9  }
0x13: {  	s9 =	sadd.s32 s5, s24;
	s23 =	sadd.s32 s21, s7;
	s21 =	rddreg [dreg:$0x2]  }
0x14: {  	s2 =	sadd.s32 $0x233F200, s2;
	s17 =	sadd.s32 s18, s7;
	[dreg:$0x6] =	wrdreg s9  }
0x15: {  	s4 =	sadd.s32 $0x12C00, s4;
	s22 =	sadd.s32 s20, s7;
	[dreg:$0xd] =	wrdreg s17  }
0x16: {  	s30 =	sshll.u32 s10, $0x5;
	s18 =	sshll.u32 s11, $0x5;
	[dreg:$0xf] =	wrdreg s22  }
0x17: {  	s24 =	sshll.u32 s14, $0x5;
	s9 =	sadd.s32 s5, s25;
	[dreg:$0x10] =	wrdreg s23  }
0x18: {  	s25 =	sshll.u32 s15, $0x5;
	s22 =	smax.u32 s8, $0x1;
	s23 =	sshll.u32 s11, $0x7  }
0x19: {  	s8 =	simm.s32 $0x2;
	[dreg:$0x7] =	wrdreg s9;
	s9 =	sadd.s32 s5, s26  }
0x1a: {  	s11 =	simm.s32 $0x50;
	[dreg:$0x8] =	wrdreg s9;
	s9 =	sadd.s32 s5, s28  }
0x1b: {  	s26 =	sshll.u32 s16, $0x5;
	s28 =	sadd.s32 s25, s7;
	[dreg:$0x9] =	wrdreg s9  }
0x1c: {  	s25 =	sshll.u32 s13, $0x7;
	s9 =	sadd.s32 s5, s29;
	[dreg:$0x12] =	wrdreg s28  }
0x1d: {  	s5 =	sadd.s32 s5, s31;
	s29 =	sadd.s32 s26, s7;
	[dreg:$0xa] =	wrdreg s9  }
0x1e: {  	s31 =	smul.u32 $0x9C400, s19;
	s26 =	sshll.u32 s14, $0x7;
	[dreg:$0xc] =	wrdreg s5  }
0x1f: {  	s28 =	sshll.u32 s15, $0x7;
	s5 =	sadd.s32 s18, s7;
	[dreg:$0x13] =	wrdreg s29  }
0x20: {  	s18 =	rddreg [dreg:$0x1];
	s9 =	smul.u32 $0x50000, s19;
	s29 =	sshll.u32 s16, $0x7  }
0x21: {  	[dreg:$0xe] =	wrdreg s5;
	s5 =	sadd.s32 s24, s7;
	s6 =	sadd.s32 s31, s6  }
0x22: {  	s24 =	sshll.u32 s12, $0x7;
	s16 =	sadd.s32 s28, s18;
	s12 =	simm.s32 $0x0  }
0x23: {  	[dreg:$0x11] =	wrdreg s5;
	s5 =	sadd.s32 s30, s7;
	s7 =	smul.u32 $0xA000, s19  }
0x24: {  	s19 =	sadd.s32 $0xEAC00, s3;
	s20 =	sshrl.u32 s9, $0x2;
	s30 =	sshll.u32 s10, $0x7  }
0x25: {  	s31 =	sadd.s32 $0x197B200, s6;
	s6 =	simm.s32 $0x1;
	s9 =	simm.s32 $0x400  }
0x26: {  	s10 =	simm.s32 $0x800;
	[dreg:$0x14] =	wrdreg s5;
	s20 =	sadd.s32 s20, s18  }
0x27: {  	s0 =	sadd.s32 s30, s18;
	_ =	strace $0x8000004A;
	[dreg:$0x15] =	wrdreg s19  }
0x28: {  	s5 =	simm.s32 $0x100;
	s17 =	sshrl.u32 s7, $0x2;
	[dreg:$0x16] =	wrdreg s22  }
0x29: {  	s22 =	sadd.s32 s23, s18;
	s23 =	sadd.s32 s24, s18;
	[dreg:$0x18] =	wrdreg s2  }
0x2a: {  	s24 =	sadd.s32 s25, s18;
	s25 =	sadd.s32 s26, s18;
	[dreg:$0x19] =	wrdreg s31  }
0x2b: {  	s26 =	sadd.s32 s29, s18;
	[dreg:$0x17] =	wrdreg s0;
	s17 =	sadd.s32 s17, s21  }
.LBB2_1:
0x2c: {  	s7 =	rddreg [dreg:$0x5]  }
0x2d: {  	[tilespmem:s5], [sflag:$0x1] =	stream.linear.gather [hbm4b:s7+s1], $0x2800, $0x38;
	[tilespmem:$0x1B900] =	vst v63  }
0x2e: {  	_ =	swait.ge [sflag:s6], $0x2800  }
0x2f: {  	[sflag:s6] =	ssyncset.done $0x0  }
0x30: {  	[sflag:s6] =	ssyncadd.s32 $0xFFFFD800  }
0x31: {  	[spmem:s20] =	stream.linear.scatter [tilespmem:s5], [sflag:$0x1], $0x2800, $0x38;
	[tilespmem:$0x1B900] =	vst v63  }
0x32: {  	_ =	swait.ge [sflag:s6], $0x2800  }
0x33: {  	[sflag:s6] =	ssyncset.done $0x0  }
0x34: {  	s2 =	rddreg [dreg:$0x6];
	[sflag:s6] =	ssyncadd.s32 $0xFFFFD800  }
0x35: {  	[tilespmem:s5], [sflag:$0x1] =	stream.linear.gather [hbm4b:s2+s1], $0x2800, $0x38;
	[tilespmem:$0x1B900] =	vst v63  }
0x36: {  	_ =	swait.ge [sflag:s6], $0x2800  }
0x37: {  	[sflag:s6] =	ssyncset.done $0x0  }
0x38: {  	[sflag:s6] =	ssyncadd.s32 $0xFFFFD800  }
0x39: {  	[spmem:s22] =	stream.linear.scatter [tilespmem:s5], [sflag:$0x1], $0x2800, $0x38;
	[tilespmem:$0x1B900] =	vst v63  }
0x3a: {  	_ =	swait.ge [sflag:s6], $0x2800  }
0x3b: {  	[sflag:s6] =	ssyncset.done $0x0  }
0x3c: {  	s3 =	rddreg [dreg:$0x7];
	[sflag:s6] =	ssyncadd.s32 $0xFFFFD800  }
0x3d: {  	[tilespmem:s5], [sflag:$0x1] =	stream.linear.gather [hbm4b:s3+s1], $0x2800, $0x38;
	[tilespmem:$0x1B900] =	vst v63  }
0x3e: {  	_ =	swait.ge [sflag:s6], $0x2800  }
0x3f: {  	[sflag:s6] =	ssyncset.done $0x0  }
0x40: {  	[sflag:s6] =	ssyncadd.s32 $0xFFFFD800  }
0x41: {  	[spmem:s23] =	stream.linear.scatter [tilespmem:s5], [sflag:$0x1], $0x2800, $0x38;
	[tilespmem:$0x1B900] =	vst v63  }
0x42: {  	_ =	swait.ge [sflag:s6], $0x2800  }
0x43: {  	[sflag:s6] =	ssyncset.done $0x0  }
0x44: {  	s13 =	rddreg [dreg:$0x8];
	[sflag:s6] =	ssyncadd.s32 $0xFFFFD800  }
0x45: {  	[tilespmem:s5], [sflag:$0x1] =	stream.linear.gather [hbm4b:s13+s1], $0x2800, $0x38;
	[tilespmem:$0x1B900] =	vst v63  }
0x46: {  	_ =	swait.ge [sflag:s6], $0x2800  }
0x47: {  	[sflag:s6] =	ssyncset.done $0x0  }
0x48: {  	[sflag:s6] =	ssyncadd.s32 $0xFFFFD800  }
0x49: {  	[spmem:s24] =	stream.linear.scatter [tilespmem:s5], [sflag:$0x1], $0x2800, $0x38;
	[tilespmem:$0x1B900] =	vst v63  }
0x4a: {  	_ =	swait.ge [sflag:s6], $0x2800  }
0x4b: {  	[sflag:s6] =	ssyncset.done $0x0  }
0x4c: {  	s14 =	rddreg [dreg:$0x9];
	[sflag:s6] =	ssyncadd.s32 $0xFFFFD800  }
0x4d: {  	[tilespmem:s5], [sflag:$0x1] =	stream.linear.gather [hbm4b:s14+s1], $0x2800, $0x38;
	[tilespmem:$0x1B900] =	vst v63  }
0x4e: {  	_ =	swait.ge [sflag:s6], $0x2800  }
0x4f: {  	[sflag:s6] =	ssyncset.done $0x0  }
0x50: {  	[sflag:s6] =	ssyncadd.s32 $0xFFFFD800  }
0x51: {  	[spmem:s25] =	stream.linear.scatter [tilespmem:s5], [sflag:$0x1], $0x2800, $0x38;
	[tilespmem:$0x1B900] =	vst v63  }
0x52: {  	_ =	swait.ge [sflag:s6], $0x2800  }
0x53: {  	[sflag:s6] =	ssyncset.done $0x0  }
0x54: {  	s15 =	rddreg [dreg:$0xa];
	[sflag:s6] =	ssyncadd.s32 $0xFFFFD800  }
0x55: {  	[tilespmem:s5], [sflag:$0x1] =	stream.linear.gather [hbm4b:s15+s1], $0x2800, $0x38;
	[tilespmem:$0x1B900] =	vst v63  }
0x56: {  	_ =	swait.ge [sflag:s6], $0x2800  }
0x57: {  	[sflag:s6] =	ssyncset.done $0x0  }
0x58: {  	[sflag:s6] =	ssyncadd.s32 $0xFFFFD800  }
0x59: {  	[spmem:s16] =	stream.linear.scatter [tilespmem:s5], [sflag:$0x1], $0x2800, $0x38;
	[tilespmem:$0x1B900] =	vst v63  }
0x5a: {  	_ =	swait.ge [sflag:s6], $0x2800  }
0x5b: {  	[sflag:s6] =	ssyncset.done $0x0  }
0x5c: {  	s29 =	smov.u32 s20;
	s20 =	rddreg [dreg:$0xb];
	[sflag:s6] =	ssyncadd.s32 $0xFFFFD800  }
0x5d: {  	[tilespmem:s5], [sflag:$0x1] =	stream.linear.gather [hbm4b:s20+s1], $0x2800, $0x38;
	[tilespmem:$0x1B900] =	vst v63  }
0x5e: {  	_ =	swait.ge [sflag:s6], $0x2800  }
0x5f: {  	[sflag:s6] =	ssyncset.done $0x0  }
0x60: {  	[sflag:s6] =	ssyncadd.s32 $0xFFFFD800  }
0x61: {  	[spmem:s26] =	stream.linear.scatter [tilespmem:s5], [sflag:$0x1], $0x2800, $0x38;
	[tilespmem:$0x1B900] =	vst v63  }
0x62: {  	_ =	swait.ge [sflag:s6], $0x2800  }
0x63: {  	[sflag:s6] =	ssyncset.done $0x0  }
0x64: {  	s30 =	smov.u32 s22;
	s22 =	rddreg [dreg:$0xc];
	[sflag:s6] =	ssyncadd.s32 $0xFFFFD800  }
0x65: {  	[tilespmem:s5], [sflag:$0x1] =	stream.linear.gather [hbm4b:s22+s1], $0x2800, $0x38;
	[tilespmem:$0x1B900] =	vst v63  }
0x66: {  	_ =	swait.ge [sflag:s6], $0x2800  }
0x67: {  	[sflag:s6] =	ssyncset.done $0x0  }
0x68: {  	s13 =	smov.u32 s0;
	[sflag:s6] =	ssyncadd.s32 $0xFFFFD800  }
0x69: {  	[spmem:s13] =	stream.linear.scatter [tilespmem:s5], [sflag:$0x1], $0x2800, $0x38;
	[tilespmem:$0x1B900] =	vst v63  }
0x6a: {  	_ =	swait.ge [sflag:s6], $0x2800  }
0x6b: {  	s31 =	smov.u32 s23;
	s19 =	smov.u32 s24;
	[sflag:s6] =	ssyncset.done $0x0  }
0x6c: {  	s24 =	simm.s32 $0x2900;
	s23 =	rddreg [dreg:$0x4];
	[sflag:s6] =	ssyncadd.s32 $0xFFFFD800  }
0x6d: {  	[tilespmem:s24], [sflag:$0x1] =	stream.linear.gather [hbm4b:s23+s1], $0x2800, $0x38;
	[tilespmem:$0x1B900] =	vst v63  }
0x6e: {  	_ =	swait.ge [sflag:s6], $0x2800  }
0x6f: {  	[sflag:s6] =	ssyncset.done $0x0  }
0x70: {  	[sflag:s6] =	ssyncadd.s32 $0xFFFFD800  }
0x71: {  	[spmem:s17] =	stream.linear.scatter [tilespmem:s24], [sflag:$0x1], $0x2800, $0x38;
	[tilespmem:$0x1B900] =	vst v63  }
0x72: {  	_ =	swait.ge [sflag:s6], $0x2800  }
0x73: {  	[sflag:s6] =	ssyncset.done $0x0  }
0x74: {  	[sflag:s6] =	ssyncadd.s32 $0xFFFFD800  }
0x75: {  	s0 =	smov.u32 s25;
	s25 =	sadd.s32 $0x0, s4;
	[bflag:$0x0] =	sbarrier.arrive $0xFFFF  }
0x76: {  	[tilespmem:s1], [sflag:$0x2] =	stream.linear.gather [hbm4b:s25+s1], $0x50, $0x38;
	[tilespmem:$0x1B900] =	vst v63  }
0x77: {  	_ =	swait.ge [sflag:s8], $0x50  }
0x78: {  	[sflag:s8] =	ssyncset.done $0x0  }
0x79: {  	s3 =	smov.u32 s26;
	s26 =	rddreg [dreg:$0x19];
	[sflag:s8] =	ssyncadd.s32 $0xFFFFFFB0  }
0x7a: {  	[tilespmem:s5], [sflag:$0x2] =	stream.strided.gather [hbm4b:s26+s9], $0x2800, s10, s9, $0x38;
	[tilespmem:$0x1B900] =	vst v63  }
0x7b: {  	_ =	swait.ge [sflag:s8], $0x2800  }
0x7c: {  	[sflag:s8] =	ssyncset.done $0x0  }
0x7d: {  	[sflag:s8] =	ssyncadd.s32 $0xFFFFD800  }
0x7e: {  	[spmem:s18] =	stream.indirect.scatter.add.f32 [tilespmem:s5], [sflag:$0x2], $0x80, s1, s11, $0xb8;
	[tilespmem:$0x1B900] =	vst v63  }
0x7f: {  	s2 =	smov.u32 s16;
	_ =	swait.ge [sflag:s8], $0x2800  }
0x80: {  	s14 =	simm.s32 @!p0 $0x2900;
	s16 =	simm.s32 @!p0 $0x2;
	[sflag:s8] =	ssyncset.done $0x0  }
0x81: {  	s13 =	simm.s32 @!p0 $0x0;
	s7 =	rddreg [dreg:$0x18];
	[sflag:s8] =	ssyncadd.s32 $0xFFFFD800  }
0x82: {  	[tilespmem:s14], [sflag:$0x2] =	stream.linear.gather @!p0 [hbm4b:s7+s13], $0x2800, $0x38;
	[tilespmem:$0x1B900] =	vst v63  }
0x83: {  	_ =	swait.ge @!p0 [sflag:s16], $0x2800  }
0x84: {  	[sflag:s16] =	ssyncset.done @!p0 $0x0  }
0x85: {  	[sflag:s16] =	ssyncadd.s32 @!p0 $0xFFFFD800  }
0x86: {  	v0 =	vld @!p0 [tilespmem:$0x40]  }
0x87: {  	v1 =	vld @!p0 [tilespmem:$0x20]  }
0x88: {  	v2 =	vld @!p0 [tilespmem:$0x30]  }
0x89: {  	v3 =	vld @!p0 [tilespmem:$0x10]  }
0x8a: {  	v4 =	vld @!p0 [tilespmem:$0x0]  }
0x8b: {  	v0 =	vshrl.u32 @!p0 v0, $0x3  }
0x8c: {  	v1 =	vshrl.u32 @!p0 v1, $0x3;
	[tilespmem:$0xC0] =	vst @!p0 v0  }
0x8d: {  	s28 =	smov.u32 s17;
	s15 =	simm.s32 @!p0 $0x1;
	s20 =	simm.s32 @!p0 $0x80;
	[tilespmem:$0xA0] =	vst @!p0 v1;
	v0 =	vshrl.u32 @!p0 v2, $0x3  }
0x8e: {  	s22 =	simm.s32 @!p0 $0x50;
	s23 =	simm.s32 $0xA;
	s17 =	simm.s32 @!p0 $0x50;
	v1 =	vshrl.u32 @!p0 v3, $0x3;
	[tilespmem:$0xB0] =	vst @!p0 v0  }
0x8f: {  	s25 =	simm.s32 @!p0 $0x80;
	s24 =	sadd.s32 $0x500, s7;
	s7 =	sadd.s32 $0xA00, s26;
	v0 =	vshrl.u32 @!p0 v4, $0x3;
	[tilespmem:$0x90] =	vst @!p0 v1  }
.LBB2_2:
0x90: {  	[tilespmem:$0x80] =	vst @!p0 v0;
	s26 =	smov.u32 s23;
	s23 =	sadd.s32 $0xA, s23  }
0x91: {  	[spmem:s21] =	stream.indirect.scatter.add.f32 @!p0 [tilespmem:s14], [sflag:$0x1], $0x80, s25, s22, $0xb8;
	[tilespmem:$0x1B900] =	vst v63  }
0x92: {  	p1 =	sne.s32 s23, $0x9C4;
	s22 =	smov.u32 s17;
	_ =	swait.ge @!p0 [sflag:s15], $0x2800  }
0x93: {  	s25 =	smov.u32 s20;
	[sflag:s15] =	ssyncset.done @!p0 $0x0  }
0x94: {  	s26 =	sadd.s32 s26, s4;
	[sflag:s15] =	ssyncadd.s32 @!p0 $0xFFFFD800  }
0x95: {  	[tilespmem:s1], [sflag:$0x2] =	stream.linear.gather [hbm4b:s26+s1], $0x50, $0x38;
	[tilespmem:$0x1B900] =	vst v63  }
0x96: {  	_ =	swait.ge [sflag:s8], $0x50  }
0x97: {  	[sflag:s8] =	ssyncset.done $0x0  }
0x98: {  	[sflag:s8] =	ssyncadd.s32 $0xFFFFFFB0  }
0x99: {  	[tilespmem:s5], [sflag:$0x2] =	stream.strided.gather [hbm4b:s7+s9], $0x2800, s10, s9, $0x38;
	[tilespmem:$0x1B900] =	vst v63  }
0x9a: {  	_ =	swait.ge [sflag:s8], $0x2800  }
0x9b: {  	[sflag:s8] =	ssyncset.done $0x0  }
0x9c: {  	[sflag:s8] =	ssyncadd.s32 $0xFFFFD800  }
0x9d: {  	[spmem:s18] =	stream.indirect.scatter.add.f32 [tilespmem:s5], [sflag:$0x2], $0x80, s1, s11, $0xb8;
	[tilespmem:$0x1B900] =	vst v63  }
0x9e: {  	_ =	swait.ge [sflag:s8], $0x2800  }
0x9f: {  	[sflag:s8] =	ssyncset.done $0x0  }
0xa0: {  	[sflag:s8] =	ssyncadd.s32 $0xFFFFD800  }
0xa1: {  	[tilespmem:s14], [sflag:$0x2] =	stream.linear.gather @!p0 [hbm4b:s24+s13], $0x2800, $0x38;
	[tilespmem:$0x1B900] =	vst v63  }
0xa2: {  	_ =	swait.ge @!p0 [sflag:s16], $0x2800  }
0xa3: {  	[sflag:s16] =	ssyncset.done @!p0 $0x0  }
0xa4: {  	[sflag:s16] =	ssyncadd.s32 @!p0 $0xFFFFD800  }
0xa5: {  	v0 =	vld @!p0 [tilespmem:$0x40]  }
0xa6: {  	v1 =	vld @!p0 [tilespmem:$0x20]  }
0xa7: {  	v2 =	vld @!p0 [tilespmem:$0x30]  }
0xa8: {  	v3 =	vld @!p0 [tilespmem:$0x10]  }
0xa9: {  	v4 =	vld @!p0 [tilespmem:$0x0]  }
.Ltmp0:
0xaa: {  	v0 =	vshrl.u32 @!p0 v0, $0x3;
	(pc) =	sbr.rel @p1 .LBB2_2-.Ltmp0, $4  }
0xab: {  	v1 =	vshrl.u32 @!p0 v1, $0x3;
	[tilespmem:$0xC0] =	vst @!p0 v0  }
0xac: {  	[tilespmem:$0xA0] =	vst @!p0 v1;
	v0 =	vshrl.u32 @!p0 v2, $0x3  }
0xad: {  	v1 =	vshrl.u32 @!p0 v3, $0x3;
	[tilespmem:$0xB0] =	vst @!p0 v0  }
0xae: {  	s7 =	sadd.s32 $0xA00, s7;
	s24 =	sadd.s32 $0x500, s24;
	v0 =	vshrl.u32 @!p0 v4, $0x3;
	[tilespmem:$0x90] =	vst @!p0 v1  }
0xaf: {  	[tilespmem:$0x80] =	vst @!p0 v0  }
0xb0: {  	[spmem:s21] =	stream.indirect.scatter.add.f32 @!p0 [tilespmem:s14], [sflag:$0x1], $0x80, s25, s22, $0xb8;
	[tilespmem:$0x1B900] =	vst v63  }
0xb1: {  	_ =	swait.ge @!p0 [sflag:s15], $0x2800  }
0xb2: {  	[sflag:s15] =	ssyncset.done @!p0 $0x0  }
0xb3: {  	[sflag:s15] =	ssyncadd.s32 @!p0 $0xFFFFD800  }
0xb4: {  	[bflag:$0x0] =	sbarrier.arrive $0xFFFF  }
0xb5: {  	[tilespmem:s5], [sflag:$0x1] =	stream.linear.gather [spmem:s29], $0x2800, $0x38;
	[tilespmem:$0x1B900] =	vst v63  }
0xb6: {  	_ =	swait.ge [sflag:s6], $0x2800  }
0xb7: {  	[sflag:s6] =	ssyncset.done $0x0  }
0xb8: {  	s7 =	rddreg [dreg:$0xd];
	[sflag:s6] =	ssyncadd.s32 $0xFFFFD800  }
0xb9: {  	[hbm4b:s7+s9] =	stream.strided.scatter [tilespmem:s5], [sflag:$0x1], $0x2800, s10, s9, $0x38;
	[tilespmem:$0x1B900] =	vst v63  }
0xba: {  	_ =	swait.ge [sflag:s6], $0x2800  }
0xbb: {  	[sflag:s6] =	ssyncset.done $0x0  }
0xbc: {  	[sflag:s6] =	ssyncadd.s32 $0xFFFFD800  }
0xbd: {  	[tilespmem:s5], [sflag:$0x1] =	stream.linear.gather [spmem:s30], $0x2800, $0x38;
	[tilespmem:$0x1B900] =	vst v63  }
0xbe: {  	_ =	swait.ge [sflag:s6], $0x2800  }
0xbf: {  	[sflag:s6] =	ssyncset.done $0x0  }
0xc0: {  	s22 =	smov.u32 s30;
	s30 =	rddreg [dreg:$0xe];
	[sflag:s6] =	ssyncadd.s32 $0xFFFFD800  }
0xc1: {  	[hbm4b:s30+s9] =	stream.strided.scatter [tilespmem:s5], [sflag:$0x1], $0x2800, s10, s9, $0x38;
	[tilespmem:$0x1B900] =	vst v63  }
0xc2: {  	_ =	swait.ge [sflag:s6], $0x2800  }
0xc3: {  	[sflag:s6] =	ssyncset.done $0x0  }
0xc4: {  	[sflag:s6] =	ssyncadd.s32 $0xFFFFD800  }
0xc5: {  	[tilespmem:s5], [sflag:$0x1] =	stream.linear.gather [spmem:s31], $0x2800, $0x38;
	[tilespmem:$0x1B900] =	vst v63  }
0xc6: {  	_ =	swait.ge [sflag:s6], $0x2800  }
0xc7: {  	[sflag:s6] =	ssyncset.done $0x0  }
0xc8: {  	s16 =	rddreg [dreg:$0xf];
	[sflag:s6] =	ssyncadd.s32 $0xFFFFD800  }
0xc9: {  	[hbm4b:s16+s9] =	stream.strided.scatter [tilespmem:s5], [sflag:$0x1], $0x2800, s10, s9, $0x38;
	[tilespmem:$0x1B900] =	vst v63  }
0xca: {  	_ =	swait.ge [sflag:s6], $0x2800  }
0xcb: {  	[sflag:s6] =	ssyncset.done $0x0  }
0xcc: {  	[sflag:s6] =	ssyncadd.s32 $0xFFFFD800  }
0xcd: {  	[tilespmem:s5], [sflag:$0x1] =	stream.linear.gather [spmem:s19], $0x2800, $0x38;
	[tilespmem:$0x1B900] =	vst v63  }
0xce: {  	_ =	swait.ge [sflag:s6], $0x2800  }
0xcf: {  	[sflag:s6] =	ssyncset.done $0x0  }
0xd0: {  	s17 =	rddreg [dreg:$0x10];
	[sflag:s6] =	ssyncadd.s32 $0xFFFFD800  }
0xd1: {  	[hbm4b:s17+s9] =	stream.strided.scatter [tilespmem:s5], [sflag:$0x1], $0x2800, s10, s9, $0x38;
	[tilespmem:$0x1B900] =	vst v63  }
0xd2: {  	_ =	swait.ge [sflag:s6], $0x2800  }
0xd3: {  	[sflag:s6] =	ssyncset.done $0x0  }
0xd4: {  	[sflag:s6] =	ssyncadd.s32 $0xFFFFD800  }
0xd5: {  	[tilespmem:s5], [sflag:$0x1] =	stream.linear.gather [spmem:s0], $0x2800, $0x38;
	[tilespmem:$0x1B900] =	vst v63  }
0xd6: {  	_ =	swait.ge [sflag:s6], $0x2800  }
0xd7: {  	[sflag:s6] =	ssyncset.done $0x0  }
0xd8: {  	s24 =	smov.u32 s19;
	s19 =	rddreg [dreg:$0x11];
	[sflag:s6] =	ssyncadd.s32 $0xFFFFD800  }
0xd9: {  	[hbm4b:s19+s9] =	stream.strided.scatter [tilespmem:s5], [sflag:$0x1], $0x2800, s10, s9, $0x38;
	[tilespmem:$0x1B900] =	vst v63  }
0xda: {  	_ =	swait.ge [sflag:s6], $0x2800  }
0xdb: {  	[sflag:s6] =	ssyncset.done $0x0  }
0xdc: {  	[sflag:s6] =	ssyncadd.s32 $0xFFFFD800  }
0xdd: {  	[tilespmem:s5], [sflag:$0x1] =	stream.linear.gather [spmem:s2], $0x2800, $0x38;
	[tilespmem:$0x1B900] =	vst v63  }
0xde: {  	_ =	swait.ge [sflag:s6], $0x2800  }
0xdf: {  	[sflag:s6] =	ssyncset.done $0x0  }
0xe0: {  	s26 =	rddreg [dreg:$0x12];
	[sflag:s6] =	ssyncadd.s32 $0xFFFFD800  }
0xe1: {  	[hbm4b:s26+s9] =	stream.strided.scatter [tilespmem:s5], [sflag:$0x1], $0x2800, s10, s9, $0x38;
	[tilespmem:$0x1B900] =	vst v63  }
0xe2: {  	_ =	swait.ge [sflag:s6], $0x2800  }
0xe3: {  	[sflag:s6] =	ssyncset.done $0x0  }
0xe4: {  	[sflag:s6] =	ssyncadd.s32 $0xFFFFD800  }
0xe5: {  	[tilespmem:s5], [sflag:$0x1] =	stream.linear.gather [spmem:s3], $0x2800, $0x38;
	[tilespmem:$0x1B900] =	vst v63  }
0xe6: {  	_ =	swait.ge [sflag:s6], $0x2800  }
0xe7: {  	[sflag:s6] =	ssyncset.done $0x0  }
0xe8: {  	s20 =	smov.u32 s29;
	s29 =	rddreg [dreg:$0x13];
	[sflag:s6] =	ssyncadd.s32 $0xFFFFD800  }
0xe9: {  	[hbm4b:s29+s9] =	stream.strided.scatter [tilespmem:s5], [sflag:$0x1], $0x2800, s10, s9, $0x38;
	[tilespmem:$0x1B900] =	vst v63  }
0xea: {  	_ =	swait.ge [sflag:s6], $0x2800  }
0xeb: {  	[sflag:s6] =	ssyncset.done $0x0  }
0xec: {  	s25 =	smov.u32 s0;
	s0 =	rddreg [dreg:$0x17];
	[sflag:s6] =	ssyncadd.s32 $0xFFFFD800  }
0xed: {  	[tilespmem:s5], [sflag:$0x1] =	stream.linear.gather [spmem:s0], $0x2800, $0x38;
	[tilespmem:$0x1B900] =	vst v63  }
0xee: {  	_ =	swait.ge [sflag:s6], $0x2800  }
0xef: {  	[sflag:s6] =	ssyncset.done $0x0  }
0xf0: {  	s30 =	rddreg [dreg:$0x14];
	[sflag:s6] =	ssyncadd.s32 $0xFFFFD800  }
0xf1: {  	[hbm4b:s30+s9] =	stream.strided.scatter [tilespmem:s5], [sflag:$0x1], $0x2800, s10, s9, $0x38;
	[tilespmem:$0x1B900] =	vst v63  }
0xf2: {  	_ =	swait.ge [sflag:s6], $0x2800  }
0xf3: {  	[sflag:s6] =	ssyncset.done $0x0  }
0xf4: {  	[sflag:s6] =	ssyncadd.s32 $0xFFFFD800  }
0xf5: {  	[tilespmem:s14], [sflag:$0x1] =	stream.linear.gather @!p0 [spmem:s28], $0x2800, $0x38;
	[tilespmem:$0x1B900] =	vst v63  }
0xf6: {  	_ =	swait.ge @!p0 [sflag:s15], $0x2800  }
0xf7: {  	[sflag:s15] =	ssyncset.done @!p0 $0x0  }
0xf8: {  	s7 =	rddreg [dreg:$0x15];
	[sflag:s15] =	ssyncadd.s32 @!p0 $0xFFFFD800  }
0xf9: {  	[hbm4b:s7+s13] =	stream.linear.scatter @!p0 [tilespmem:s14], [sflag:$0x1], $0x2800, $0x38;
	[tilespmem:$0x1B900] =	vst v63  }
0xfa: {  	_ =	swait.ge @!p0 [sflag:s15], $0x2800  }
0xfb: {  	s23 =	smov.u32 s31;
	s12 =	sadd.s32 $0x1, s12;
	s31 =	rddreg [dreg:$0x16]  }
0xfc: {  	p1 =	sne.s32 s12, s31  }
.Ltmp1:
0xfd: {  	_ = 	snop;
	(pc) =	sbr.rel @p1 .LBB2_1-.Ltmp1, $3  }
0xfe: {  	_ =	sdelay $0x1  }
0xff: {  	s16 =	smov.u32 s2;
	[sflag:s15] =	ssyncset.done @!p0 $0x0  }
0x100: {  	s17 =	smov.u32 s28;
	s26 =	smov.u32 s3;
	[sflag:s15] =	ssyncadd.s32 @!p0 $0xFFFFD800  }
0x101: {  	_ =	sfence.sel $0x180000  }
0x102: {  	[bflag:$0x0] =	sbarrier.arrive $0xFFFF  }
0x103: {  	_ =	strace $0x9000004A  }
0x104: {  	s0 =	stileid.u32;
	[bflag:$0x2] =	sbarrier.arrive $0xFFFF  }
0x105: {  	p0 =	sne.s32 s0, $0x0;
	s0 =	rddreg [dreg:$0x3]  }
0x106: {  	s0 =	sadd.s32 @!p0 $0x100000, s0  }
0x107: {  	[sflag:s0] =	ssyncadd.tile.s32 @!p0 $0x1;
	_ =	shalt  }
.Lfunc_end2:
_tile_overlayer_lowered:
.L_overlay_start_2:
0x108: {  	(tag) =	ssettag $0x2  }
0x109: {  	s0 =	rddreg [dreg:$0x0];
	s2 =	stileid.u32  }
0x10a: {  	s1 =	rddreg [dreg:$0x1];
	p0 =	sne.s32 s2, $0x0  }
0x10b: {  	s3 =	rddreg [dreg:$0x2];
	[bflag:$0x3] =	sbarrier.arrive $0xFFFF;
	s2 =	simm.s32 @!p0 $0x1C01  }
0x10c: {  	[timem:s3], [sflag:s2] =	dma.local @!p0 [hbm:s0], s1  }
0x10d: {  	s0 =	simm.s32 @!p0 $0x1  }
0x10e: {  	_ =	swait.ge @!p0 [sflag:s0], s1  }
0x10f: {  	s1 =	ssub.s32 @!p0 $0x0, s1;
	[sflag:s0] =	ssyncset.done @!p0 $0x0  }
0x110: {  	[sflag:s0] =	ssyncadd.s32 @!p0 s1  }
0x111: {  	[bflag:$0x3] =	sbarrier.arrive $0xFFFF  }
0x112: {  	_ =	shalt  }

// kernel: kernel.25.cloned.1.call-start
scs
__scs_entry_jumppad:
0x0: {  	(pc) =	sbr.rel $0x88, $3  }
0x1: {  	(tag) =	ssettag $0x0;
	lr =	simm.s32 $0x1  }
0x2: {  	[smem:$0x3F92] =	sst lr;
	_ =	strace $0xD0000000  }
0x3: {  	_ = 	snop  }
0x4: {  	_ = 	snop  }
0x5: {  	_ = 	snop  }
0x6: {  	_ = 	snop  }
0x7: {  	_ = 	snop  }
__scs_overlays_trampoline_lowered:
0x8: {  	[smem:$0x3FA1] =	sst s0  }
0x9: {  	[smem:$0x3FA2] =	sst s1  }
0xa: {  	[smem:$0x3FA3] =	sst s2  }
0xb: {  	[smem:$0x3FA4] =	sst s3  }
0xc: {  	[smem:$0x3FA5] =	sst s4  }
0xd: {  	[smem:$0x3FA6] =	sst s5  }
0xe: {  	[smem:$0x3FA7] =	sst s6  }
0xf: {  	[smem:$0x3FA8] =	sst s7  }
0x10: {  	[smem:$0x3FA9] =	sst s8  }
0x11: {  	[smem:$0x3FAA] =	sst s9;
	s0 =	simm.s32 @!p0 $0x0  }
0x12: {  	s1 =	sld [smem:$0x3F90];
	s0 =	simm.s32 @p0 $0x1  }
0x13: {  	[smem:$0x3FAB] =	sst s0;
	s0 =	simm.s32 @!p1 $0x0  }
0x14: {  	s2 =	sld [smem:$0x3F8F];
	s0 =	simm.s32 @p1 $0x1  }
0x15: {  	[smem:$0x3FAC] =	sst s0;
	s0 =	simm.s32 @!p2 $0x0  }
0x16: {  	s3 =	sld [smem:$0x3FDB];
	s0 =	simm.s32 @p2 $0x1  }
0x17: {  	s4 =	simm.s32 $0x1BF5;
	[smem:$0x3FAE] =	sst s0  }
0x18: {  	s0 =	sld [smem:$0x3F91];
	_ =	swait.ge [sflag:s4], $0x0  }
0x19: {  	s7 =	sld [smem:$0x3F92]  }
0x1a: {  	s8 =	sadd.s32 $0xFFFFE003, lr  }
0x1b: {  	s9 =	sadd.s32 $0xFFFFFEF7, lr;
	s5 =	simm.s32 $0xFFFFFFFF;
	p2 =	slt.u32 s8, $0xFFFFF086  }
0x1c: {  	p1 =	slt.u32 s9, $0xF7A;
	s5 =	simm.s32 @!p2 $0x0  }
0x1d: {  	s5 =	simm.s32 @p1 $0x1;
	p0 =	seq.s32 s7, s2  }
0x1e: {  	s7 =	smul.u32 @!p0 $0xF7A, s2;
	p2 =	seq.s32 @!p0 s5, $0x0  }
0x1f: {  	s9 =	smul.u32 $0xF7A, s1;
	s8 =	simm.s32 @!p0 $0x1BF5;
	p2 =	por !p2, p0  }
0x20: {  	[sflag:s8] =	ssyncset.s32 @!p0 $0xFFFFF086;
	s6 =	sadd.s32 @!p0 s3, s7;
	s7 =	simm.s32 @!p0 $0x108  }
0x21: {  	s3 =	sadd.s32 s3, s9;
	s6 =	sadd.s32 @!p0 $0x88, s6;
	s7 =	simm.s32 @p2 $0x1082  }
0x22: {  	[simem:s7], [sflag:s8] =	dma.local @!p0 [hbm:s6], $0xF7A  }
0x23: {  	s9 =	sor.u32 $0xD0000000, s2;
	s6 =	simm.s32 $0x108;
	_ =	swait.ge @!p0 [sflag:s8], $0x0  }
0x24: {  	s3 =	sadd.s32 $0x88, s3;
	s6 =	simm.s32 @!p1 $0x1082;
	[sflag:s4] =	ssyncset.s32 $0xFFFFF086  }
0x25: {  	[simem:s6], [sflag:s4] =	dma.local [hbm:s3], $0xF7A  }
0x26: {  	[smem:$0x3F92] =	sst s1;
	(tag) =	ssettag s2;
	_ =	strace s9  }
0x27: {  	s1 =	sld [smem:$0x3FA2]  }
0x28: {  	s2 =	sld [smem:$0x3FA3]  }
0x29: {  	s4 =	sld [smem:$0x3FA5]  }
0x2a: {  	p0 =	seq.s32 s5, $0x0;
	s5 =	sld [smem:$0x3FA6]  }
0x2b: {  	s6 =	sld [smem:$0x3FA7]  }
0x2c: {  	s7 =	sld [smem:$0x3FA8]  }
0x2d: {  	s3 =	simm.s32 $0x108;
	s8 =	sld [smem:$0x3FA9]  }
0x2e: {  	s3 =	simm.s32 @!p0 $0x1082;
	s9 =	sld [smem:$0x3FAA]  }
0x2f: {  	lr =	sadd.s32 s0, s3;
	s0 =	sld [smem:$0x3FA1]  }
0x30: {  	s3 =	sld [smem:$0x3FA4]  }
0x31: {  	[smem:$0x3FAD] =	sst s10  }
0x32: {  	s10 =	sld [smem:$0x3FAB];
	_ =	sdelay $0x3  }
0x33: {  	p0 =	seq.s32 s10, $0x1;
	s10 =	sld [smem:$0x3FAD];
	_ =	sdelay $0x3  }
0x34: {  	[smem:$0x3FAD] =	sst s10  }
0x35: {  	s10 =	sld [smem:$0x3FAC];
	_ =	sdelay $0x3  }
0x36: {  	p1 =	seq.s32 s10, $0x1;
	s10 =	sld [smem:$0x3FAD];
	_ =	sdelay $0x3  }
0x37: {  	[smem:$0x3FAD] =	sst s10  }
0x38: {  	s10 =	sld [smem:$0x3FAE]  }
0x39: {  	_ = 	snop;
	(pc) =	sbr.ind lr, $3  }
0x3a: {  	_ = 	snop  }
0x3b: {  	_ = 	snop  }
0x3c: {  	p2 =	seq.s32 s10, $0x1;
	s10 =	sld [smem:$0x3FAD]  }
0x3d: {  	_ =	shalt  }
0x3e: {  	_ =	shalt  }
0x3f: {  	_ =	shalt  }
0x40: {  	_ =	shalt  }
0x41: {  	_ =	shalt  }
0x42: {  	_ =	shalt  }
0x43: {  	_ =	shalt  }
0x44: {  	_ =	shalt  }
0x45: {  	_ =	shalt  }
0x46: {  	_ =	shalt  }
0x47: {  	_ =	shalt  }
0x48: {  	_ =	shalt  }
0x49: {  	_ =	shalt  }
0x4a: {  	_ =	shalt  }
0x4b: {  	_ =	shalt  }
0x4c: {  	_ =	shalt  }
0x4d: {  	_ =	shalt  }
0x4e: {  	_ =	shalt  }
0x4f: {  	_ =	shalt  }
0x50: {  	_ =	shalt  }
0x51: {  	_ =	shalt  }
0x52: {  	_ =	shalt  }
0x53: {  	_ =	shalt  }
0x54: {  	_ =	shalt  }
0x55: {  	_ =	shalt  }
0x56: {  	_ =	shalt  }
0x57: {  	_ =	shalt  }
0x58: {  	_ =	shalt  }
0x59: {  	_ =	shalt  }
0x5a: {  	_ =	shalt  }
0x5b: {  	_ =	shalt  }
0x5c: {  	_ =	shalt  }
0x5d: {  	_ =	shalt  }
0x5e: {  	_ =	shalt  }
0x5f: {  	_ =	shalt  }
0x60: {  	_ =	shalt  }
0x61: {  	_ =	shalt  }
0x62: {  	_ =	shalt  }
0x63: {  	_ =	shalt  }
0x64: {  	_ =	shalt  }
0x65: {  	_ =	shalt  }
0x66: {  	_ =	shalt  }
0x67: {  	_ =	shalt  }
0x68: {  	_ =	shalt  }
0x69: {  	_ =	shalt  }
0x6a: {  	_ =	shalt  }
0x6b: {  	_ =	shalt  }
0x6c: {  	_ =	shalt  }
0x6d: {  	_ =	shalt  }
0x6e: {  	_ =	shalt  }
0x6f: {  	_ =	shalt  }
0x70: {  	_ =	shalt  }
0x71: {  	_ =	shalt  }
0x72: {  	_ =	shalt  }
0x73: {  	_ =	shalt  }
0x74: {  	_ =	shalt  }
0x75: {  	_ =	shalt  }
0x76: {  	_ =	shalt  }
0x77: {  	_ =	shalt  }
0x78: {  	_ =	shalt  }
0x79: {  	_ =	shalt  }
0x7a: {  	_ =	shalt  }
0x7b: {  	_ =	shalt  }
0x7c: {  	_ =	shalt  }
0x7d: {  	_ =	shalt  }
0x7e: {  	_ =	shalt  }
0x7f: {  	_ =	shalt  }
0x80: {  	_ =	shalt  }
0x81: {  	_ =	shalt  }
0x82: {  	_ =	shalt  }
0x83: {  	_ =	shalt  }
0x84: {  	_ =	shalt  }
0x85: {  	_ =	shalt  }
0x86: {  	_ =	shalt  }
0x87: {  	_ =	shalt  }
.Lfunc_end0:
.L_simem_size_0:
called_computation.2_lowered:
.L_overlay_start_0:
0x88: {  	s2 =	sld [smem:$0x3FD9]  }
0x89: {  	s3 =	sld [smem:$0x3FFE];
	_ =	sdelay $0x1  }
0x8a: {  	s1 =	srdreg.scid  }
0x8b: {  	s0 =	sand.u32 $0x1, s1  }
0x8c: {  	s16 =	sshll.u32 s0, $0xA;
	s2 =	sadd.s32 s3, s2  }
0x8d: {  	s2 =	sadd.s32 s2, s16  }
0x8e: {  	[smem:$0x3FB9] =	sst s2  }
0x8f: {  	_ = 	snop  }
0x90: {  	(tm) =	ssettm $0x1  }
0x91: {  	s17 =	sld [smem:$0x3FFB];
	_ =	sdelay $0x3  }
0x92: {  	_ =	strace s17  }
0x93: {  	s2 =	sld [smem:$0x3FFC];
	_ =	sdelay $0x3  }
0x94: {  	_ =	strace s2  }
0x95: {  	s2 =	sld [smem:$0x3FFD];
	_ =	sdelay $0x3  }
0x96: {  	_ =	strace s2  }
0x97: {  	_ =	strace $0x8FFFFFFF  }
0x98: {  	s18 =	sld [smem:$0x3FDB];
	_ =	sdelay $0x1  }
0x99: {  	s19 =	simm.s32 $_scs_section_size  }
0x9a: {  	s4 =	simm.s32 $_size__tile_overlayer_lowered;
	s5 =	simm.s32 $_tile_overlayer_lowered  }
0x9b: {  	s22 =	simm.s32 $0x1BFF;
	s21 =	sshll.u32 s5, $0x1;
	s2 =	sadd.s32 s19, s18  }
0x9c: {  	s6 =	simm.s32 $0x0;
	s20 =	sshll.u32 s4, $0x1;
	s4 =	sadd.s32 s21, s2  }
0x9d: {  	[timem:s6], [sflag:s22] =	dma.local [hbm:s4], s20  }
0x9e: {  	_ =	swait.ge [sflag:s22], s20  }
0x9f: {  	s3 =	ssub.s32 $0x0, s20;
	[sflag:s22] =	ssyncset.done $0x0  }
0xa0: {  	[sflag:s22] =	ssyncadd.s32 s3;
	_ =	sdelay $0x1  }
0xa1: {  	s23 =	simm.s32 $0x1B8B  }
0xa2: {  	_ =	swait.ge [sflag:s23], $0x1  }
0xa3: {  	[sflag:s23] =	ssyncset.done $0x0  }
0xa4: {  	s25 =	simm.s32 $0x1B8E;
	s24 =	sld [smem:$0x3FFE];
	[sflag:s23] =	ssyncadd.s32 $0xFFFFFFFF  }
0xa5: {  	s26 =	simm.s32 $execute0_lowered;
	[smem:$0x3FD2] =	sst s25  }
0xa6: {  	s4 =	sshll.u32 s26, $0x1;
	_ =	strace $0x8000004C;
	[dreg:$0x1] =	wrdreg $0xFFFFFFFF  }
0xa7: {  	s28 =	simm.s32 $_size_execute0_lowered;
	s2 =	sadd.s32 s2, s4;
	[dreg:$0x0] =	wrdreg $0x0  }
0xa8: {  	s4 =	sshll.u32 s28, $0x1;
	[dreg:$0x2] =	wrdreg s2  }
0xa9: {  	[dreg:$0x3] =	wrdreg s4  }
0xaa: {  	[dreg:$0x4] =	wrdreg $0xC0  }
0xab: {  	_ =	task [dreg:s6], $0x5FFFF  }
0xac: {  	[dreg:$0x1] =	wrdreg $0xFFFFFFFF  }
0xad: {  	[dreg:$0x0] =	wrdreg $0x60  }
0xae: {  	[dreg:$0x2] =	wrdreg s24  }
0xaf: {  	[dreg:$0x3] =	wrdreg $0x9  }
0xb0: {  	_ =	task.clear_ibuf [dreg:s6], $0x4FFFF;
	_ =	strace $0x9000004C  }
0xb1: {  	s29 =	simm.s32 $0x9;
	_ =	strace $0x8000004E  }
0xb2: {  	_ =	swait.ge [sflag:s29], $0x1  }
0xb3: {  	[sflag:s29] =	ssyncadd.s32 $0xFFFFFFFF  }
0xb4: {  	_ =	strace $0x9000004E  }
0xb5: {  	_ =	sfence  }
0xb6: {  	s30 =	sld [smem:$0x0];
	_ =	sdelay $0x2  }
0xb7: {  	s31 =	sshll.u32 s1, $0xD;
	s1 =	sshrl.u32 s1, $0x2  }
0xb8: {  	s3 =	sand.u32 $0x4000, s31;
	s1 =	sadd.s32 s1, s30  }
0xb9: {  	s0 =	sor.u32 s3, s0;
	s1 =	sshll.u32 s1, $0x11  }
0xba: {  	s0 =	sor.u32 s1, s0  }
0xbb: {  	s0 =	sadd.s32 $0x8F2B, s0  }
0xbc: {  	[sflag:s0] =	ssyncadd.remote.s32 $0x1  }
0xbd: {  	_ =	sfence.sel $0xFFFF  }
0xbe: {  	[dreg:$0x0] =	wrdreg $0xFFFFFFFF;
	(pc) =	sbr.abs _section_cstart, $3  }
0xbf: {  	[dreg:$0x1] =	wrdreg $0xFFFFFFFF  }
0xc0: {  	_ =	task.clear_ibuf [dreg:s6], $0x2FFFF;
	_ =	strace $0x9FFFFFFF  }
0xc1: {  	(tm) =	ssettm $0x7FFFFFFF  }
tec
execute0_lowered:
.L_overlay_start_1:
0x0: {  	(tag) =	ssettag $0x1  }
0x1: {  	s0 =	rddreg [dreg:$0x0]  }
0x2: {  	s3 =	srdreg.scid;
	s1 =	stileid.u32;
	s2 =	simm.s32 $0x0  }
0x3: {  	s25 =	simm.s32 $0x80;
	s26 =	simm.s32 $0x900;
	s30 =	simm.s32 $0x1100  }
0x4: {  	s31 =	simm.s32 $0x1900;
	s10 =	simm.s32 $0x2100;
	s11 =	simm.s32 $0x2900  }
0x5: {  	s12 =	simm.s32 $0x3100;
	s13 =	simm.s32 $0x3900;
	s14 =	simm.s32 $0x4100  }
0x6: {  	s15 =	simm.s32 $0x4900;
	s16 =	simm.s32 $0x5100;
	s17 =	simm.s32 $0x5900  }
0x7: {  	s18 =	simm.s32 $0x6100;
	s19 =	simm.s32 $0x6900;
	s20 =	simm.s32 $0x7100  }
0x8: {  	s21 =	simm.s32 $0x7900;
	s28 =	simm.s32 $0x2;
	s29 =	simm.s32 $0x0  }
0x9: {  	s5 =	sand.u32 $0x1, s3;
	s4 =	smul.u32 $0x4E20, s1;
	[smem:$0x7FF] =	sst s2  }
0xa: {  	s7 =	smul.u32 $0x9C400, s1;
	_ =	strace $0x8000004D;
	[dreg:$0x4] =	wrdreg s25  }
0xb: {  	s3 =	sadd.s32 $0x9AC00, s0;
	s6 =	smul.u32 $0x2710, s5;
	[dreg:$0x5] =	wrdreg s26  }
0xc: {  	s8 =	ssub.s32 $0x2, s5;
	s23 =	smul.u32 $0x4E200, s5;
	[dreg:$0x6] =	wrdreg s30  }
0xd: {  	[dreg:$0x7] =	wrdreg s31;
	s25 =	simm.s32 $0x9900;
	s6 =	sadd.s32 s6, s4  }
0xe: {  	s22 =	sshrl.u32 s8, $0x1;
	s4 =	sadd.s32 $0xF0800, s0;
	s6 =	sshrl.u32 s6, $0x3  }
0xf: {  	s6 =	sadd.s32 s6, s0;
	s0 =	sadd.s32 s7, s0;
	s7 =	ssub.s32 s8, s22  }
0x10: {  	s26 =	simm.s32 $0x1;
	s8 =	simm.s32 $0x3;
	s24 =	smax.u32 s7, $0x1  }
0x11: {  	s22 =	simm.s32 $0x8100;
	s9 =	sadd.s32 $0x12C00, s6;
	[dreg:$0x8] =	wrdreg s24  }
0x12: {  	v2 =	vlaneseq.u32;
	s6 =	sadd.s32 $0x8E00, s6;
	s0 =	sadd.s32 s23, s0;
	[dreg:$0x2] =	wrdreg s9  }
0x13: {  	vm0 =	vmmov $0xffff;
	v1 =	vshrl.u32 v2, $0x3;
	s23 =	simm.s32 $0x8900;
	[dreg:$0x3] =	wrdreg s6;
	s6 =	sadd.s32 $0x13EA00, s0  }
0x14: {  	v0 =	vand.u32 $0x7, v2;
	v2 =	vor.u32 $0x8, v2;
	v1 =	vmul.u32 $0x8, v1;
	s7 =	sadd.s32 $0x197B200, s0;
	s9 =	simm.s32 $0x100;
	s24 =	simm.s32 $0x9100  }
.LBB2_1:
0x15: {  	s30 =	smov.u32 s7;
	s31 =	smov.u32 s6;
	s0 =	simm.s32 $0x0  }
.LBB2_2:
0x16: {  	s1 =	rddreg [dreg:$0x3]  }
0x17: {  	s1 =	sadd.s32 s0, s1  }
0x18: {  	[tilespmem:s2], [sflag:$0x3] =	stream.linear.gather [hbm4b:s1+s2], $0x50, $0x38;
	[tilespmem:$0xA100] =	vst v63  }
0x19: {  	_ =	swait.ge [sflag:s8], $0x50  }
0x1a: {  	s1 =	rddreg [dreg:$0x2];
	[sflag:s8] =	ssyncset.done $0x0  }
0x1b: {  	s5 =	rddreg [dreg:$0x4];
	[sflag:s8] =	ssyncadd.s32 $0xFFFFFFB0;
	s1 =	sadd.s32 s0, s1  }
0x1c: {  	[tilespmem:s5], [sflag:$0x3] =	stream.linear.gather [hbm4b:s1+s2], $0x50, $0x38;
	[tilespmem:$0xA100] =	vst v63  }
0x1d: {  	_ =	swait.ge [sflag:s8], $0x50  }
0x1e: {  	[sflag:s8] =	ssyncset.done $0x0  }
0x1f: {  	[sflag:s8] =	ssyncadd.s32 $0xFFFFFFB0  }
0x20: {  	v3 =	vld [tilespmem:$0x0];
	_ =	sdelay $0x4  }
0x21: {  	v4 =	vshll.u32 v3, $0x1  }
0x22: {  	v3 =	vand.u32 $0x7, v3;
	v4 =	vand.u32 $0xFFFFFFF0, v4  }
0x23: {  	v3 =	vor.u32 v3, v4  }
0x24: {  	v4 =	vperm.xlane v3, v0;
	_ =	sdelay $0x1  }
0x25: {  	v3 =	vperm.xlane v3, v2;
	v4 =	vadd.s32 v1, v4;
	_ =	sdelay $0x1  }
0x26: {  	v3 =	vadd.s32 v1, v3;
	_ =	sdelay $0x2  }
0x27: {  	[tilespmem:s9], [sflag:$0x1] =	stream.indirect_vreg.gather [hbm4b:s3+s2], $0x80, v4, vm0, $0xb8;
	[tilespmem:$0xA100] =	vst v63  }
0x28: {  	s5 =	rddreg [dreg:$0x5]  }
0x29: {  	[tilespmem:s5], [sflag:$0x1] =	stream.indirect_vreg.gather [hbm4b:s3+s2], $0x80, v3, vm0, $0xb8;
	[tilespmem:$0xA100] =	vst v63  }
0x2a: {  	v3 =	vld [tilespmem:$0x10];
	_ =	sdelay $0x4  }
0x2b: {  	v55 =	vshll.u32 v3, $0x1  }
0x2c: {  	v3 =	vand.u32 $0x7, v3;
	v4 =	vand.u32 $0xFFFFFFF0, v55  }
0x2d: {  	v3 =	vor.u32 v3, v4  }
0x2e: {  	v4 =	vperm.xlane v3, v0;
	_ =	sdelay $0x1  }
0x2f: {  	v3 =	vperm.xlane v3, v2;
	v4 =	vadd.s32 v1, v4;
	_ =	sdelay $0x1  }
0x30: {  	v3 =	vadd.s32 v1, v3;
	_ =	sdelay $0x1  }
0x31: {  	s1 =	rddreg [dreg:$0x6]  }
0x32: {  	[tilespmem:s1], [sflag:$0x1] =	stream.indirect_vreg.gather [hbm4b:s3+s2], $0x80, v4, vm0, $0xb8;
	[tilespmem:$0xA100] =	vst v63  }
0x33: {  	s5 =	rddreg [dreg:$0x7]  }
0x34: {  	[tilespmem:s5], [sflag:$0x1] =	stream.indirect_vreg.gather [hbm4b:s3+s2], $0x80, v3, vm0, $0xb8;
	[tilespmem:$0xA100] =	vst v63  }
0x35: {  	v3 =	vld [tilespmem:$0x20];
	_ =	sdelay $0x4  }
0x36: {  	v56 =	vshll.u32 v3, $0x1  }
0x37: {  	v3 =	vand.u32 $0x7, v3;
	v4 =	vand.u32 $0xFFFFFFF0, v56  }
0x38: {  	v3 =	vor.u32 v3, v4  }
0x39: {  	v4 =	vperm.xlane v3, v0;
	_ =	sdelay $0x1  }
0x3a: {  	v3 =	vperm.xlane v3, v2;
	v4 =	vadd.s32 v1, v4;
	_ =	sdelay $0x1  }
0x3b: {  	v3 =	vadd.s32 v1, v3;
	_ =	sdelay $0x2  }
0x3c: {  	[tilespmem:s10], [sflag:$0x1] =	stream.indirect_vreg.gather [hbm4b:s3+s2], $0x80, v4, vm0, $0xb8;
	[tilespmem:$0xA100] =	vst v63  }
0x3d: {  	_ = 	snop  }
0x3e: {  	[tilespmem:s11], [sflag:$0x1] =	stream.indirect_vreg.gather [hbm4b:s3+s2], $0x80, v3, vm0, $0xb8;
	[tilespmem:$0xA100] =	vst v63  }
0x3f: {  	v3 =	vld [tilespmem:$0x30];
	_ =	sdelay $0x4  }
0x40: {  	v57 =	vshll.u32 v3, $0x1  }
0x41: {  	v3 =	vand.u32 $0x7, v3;
	v4 =	vand.u32 $0xFFFFFFF0, v57  }
0x42: {  	v3 =	vor.u32 v3, v4  }
0x43: {  	v4 =	vperm.xlane v3, v0;
	_ =	sdelay $0x1  }
0x44: {  	v3 =	vperm.xlane v3, v2;
	v4 =	vadd.s32 v1, v4;
	_ =	sdelay $0x1  }
0x45: {  	v3 =	vadd.s32 v1, v3;
	_ =	sdelay $0x2  }
0x46: {  	[tilespmem:s12], [sflag:$0x1] =	stream.indirect_vreg.gather [hbm4b:s3+s2], $0x80, v4, vm0, $0xb8;
	[tilespmem:$0xA100] =	vst v63  }
0x47: {  	_ = 	snop  }
0x48: {  	[tilespmem:s13], [sflag:$0x1] =	stream.indirect_vreg.gather [hbm4b:s3+s2], $0x80, v3, vm0, $0xb8;
	[tilespmem:$0xA100] =	vst v63  }
0x49: {  	v3 =	vld [tilespmem:$0x40];
	_ =	sdelay $0x4  }
0x4a: {  	v58 =	vshll.u32 v3, $0x1  }
0x4b: {  	v3 =	vand.u32 $0x7, v3;
	v4 =	vand.u32 $0xFFFFFFF0, v58  }
0x4c: {  	v3 =	vor.u32 v3, v4  }
0x4d: {  	v4 =	vperm.xlane v3, v0;
	_ =	sdelay $0x1  }
0x4e: {  	v3 =	vperm.xlane v3, v2;
	v4 =	vadd.s32 v1, v4;
	_ =	sdelay $0x1  }
0x4f: {  	v3 =	vadd.s32 v1, v3;
	_ =	sdelay $0x2  }
0x50: {  	[tilespmem:s14], [sflag:$0x1] =	stream.indirect_vreg.gather [hbm4b:s3+s2], $0x80, v4, vm0, $0xb8;
	[tilespmem:$0xA100] =	vst v63  }
0x51: {  	_ = 	snop  }
0x52: {  	[tilespmem:s15], [sflag:$0x1] =	stream.indirect_vreg.gather [hbm4b:s3+s2], $0x80, v3, vm0, $0xb8;
	[tilespmem:$0xA100] =	vst v63  }
0x53: {  	v3 =	vld [tilespmem:$0x80];
	_ =	sdelay $0x4  }
0x54: {  	v59 =	vshll.u32 v3, $0x1  }
0x55: {  	v3 =	vand.u32 $0x7, v3;
	v4 =	vand.u32 $0xFFFFFFF0, v59  }
0x56: {  	v3 =	vor.u32 v3, v4  }
0x57: {  	v4 =	vperm.xlane v3, v0;
	_ =	sdelay $0x1  }
0x58: {  	v3 =	vperm.xlane v3, v2;
	v4 =	vadd.s32 v1, v4;
	_ =	sdelay $0x1  }
0x59: {  	v3 =	vadd.s32 v1, v3;
	_ =	sdelay $0x2  }
0x5a: {  	[tilespmem:s16], [sflag:$0x2] =	stream.indirect_vreg.gather [hbm4b:s4+s2], $0x80, v4, vm0, $0xb8;
	[tilespmem:$0xA100] =	vst v63  }
0x5b: {  	_ = 	snop  }
0x5c: {  	[tilespmem:s17], [sflag:$0x2] =	stream.indirect_vreg.gather [hbm4b:s4+s2], $0x80, v3, vm0, $0xb8;
	[tilespmem:$0xA100] =	vst v63  }
0x5d: {  	v3 =	vld [tilespmem:$0x90];
	_ =	sdelay $0x4  }
0x5e: {  	v60 =	vshll.u32 v3, $0x1  }
0x5f: {  	v3 =	vand.u32 $0x7, v3;
	v4 =	vand.u32 $0xFFFFFFF0, v60  }
0x60: {  	v3 =	vor.u32 v3, v4  }
0x61: {  	v4 =	vperm.xlane v3, v0;
	_ =	sdelay $0x1  }
0x62: {  	v3 =	vperm.xlane v3, v2;
	v4 =	vadd.s32 v1, v4;
	_ =	sdelay $0x1  }
0x63: {  	v3 =	vadd.s32 v1, v3;
	_ =	sdelay $0x2  }
0x64: {  	[tilespmem:s18], [sflag:$0x2] =	stream.indirect_vreg.gather [hbm4b:s4+s2], $0x80, v4, vm0, $0xb8;
	[tilespmem:$0xA100] =	vst v63  }
0x65: {  	_ = 	snop  }
0x66: {  	[tilespmem:s19], [sflag:$0x2] =	stream.indirect_vreg.gather [hbm4b:s4+s2], $0x80, v3, vm0, $0xb8;
	[tilespmem:$0xA100] =	vst v63  }
0x67: {  	v3 =	vld [tilespmem:$0xA0];
	_ =	sdelay $0x4  }
0x68: {  	v61 =	vshll.u32 v3, $0x1  }
0x69: {  	v3 =	vand.u32 $0x7, v3;
	v4 =	vand.u32 $0xFFFFFFF0, v61  }
0x6a: {  	v3 =	vor.u32 v3, v4  }
0x6b: {  	v4 =	vperm.xlane v3, v0;
	_ =	sdelay $0x1  }
0x6c: {  	v3 =	vperm.xlane v3, v2;
	v4 =	vadd.s32 v1, v4;
	_ =	sdelay $0x1  }
0x6d: {  	v3 =	vadd.s32 v1, v3;
	_ =	sdelay $0x2  }
0x6e: {  	[tilespmem:s20], [sflag:$0x2] =	stream.indirect_vreg.gather [hbm4b:s4+s2], $0x80, v4, vm0, $0xb8;
	[tilespmem:$0xA100] =	vst v63  }
0x6f: {  	_ = 	snop  }
0x70: {  	[tilespmem:s21], [sflag:$0x2] =	stream.indirect_vreg.gather [hbm4b:s4+s2], $0x80, v3, vm0, $0xb8;
	[tilespmem:$0xA100] =	vst v63  }
0x71: {  	v3 =	vld [tilespmem:$0xB0];
	_ =	sdelay $0x4  }
0x72: {  	v62 =	vshll.u32 v3, $0x1  }
0x73: {  	v3 =	vand.u32 $0x7, v3;
	v4 =	vand.u32 $0xFFFFFFF0, v62  }
0x74: {  	v3 =	vor.u32 v3, v4  }
0x75: {  	v4 =	vperm.xlane v3, v0;
	_ =	sdelay $0x1  }
0x76: {  	v3 =	vperm.xlane v3, v2;
	v4 =	vadd.s32 v1, v4;
	_ =	sdelay $0x1  }
0x77: {  	v3 =	vadd.s32 v1, v3;
	_ =	sdelay $0x2  }
0x78: {  	[tilespmem:s22], [sflag:$0x2] =	stream.indirect_vreg.gather [hbm4b:s4+s2], $0x80, v4, vm0, $0xb8;
	[tilespmem:$0xA100] =	vst v63  }
0x79: {  	_ = 	snop  }
0x7a: {  	[tilespmem:s23], [sflag:$0x2] =	stream.indirect_vreg.gather [hbm4b:s4+s2], $0x80, v3, vm0, $0xb8;
	[tilespmem:$0xA100] =	vst v63  }
0x7b: {  	v3 =	vld [tilespmem:$0xC0];
	_ =	sdelay $0x4  }
0x7c: {  	v63 =	vshll.u32 v3, $0x1  }
0x7d: {  	v3 =	vand.u32 $0x7, v3;
	v4 =	vand.u32 $0xFFFFFFF0, v63  }
0x7e: {  	v3 =	vor.u32 v3, v4  }
0x7f: {  	v4 =	vperm.xlane v3, v0;
	_ =	sdelay $0x1  }
0x80: {  	v3 =	vperm.xlane v3, v2;
	v4 =	vadd.s32 v1, v4;
	_ =	sdelay $0x1  }
0x81: {  	v3 =	vadd.s32 v1, v3;
	_ =	sdelay $0x2  }
0x82: {  	[tilespmem:s24], [sflag:$0x2] =	stream.indirect_vreg.gather [hbm4b:s4+s2], $0x80, v4, vm0, $0xb8;
	[tilespmem:$0xA100] =	vst v63  }
0x83: {  	_ = 	snop  }
0x84: {  	[tilespmem:s25], [sflag:$0x2] =	stream.indirect_vreg.gather [hbm4b:s4+s2], $0x80, v3, vm0, $0xb8;
	[tilespmem:$0xA100] =	vst v63  }
0x85: {  	_ =	swait.ge [sflag:s26], $0x5000  }
0x86: {  	[sflag:s26] =	ssyncset.done $0x0  }
0x87: {  	[sflag:s26] =	ssyncadd.s32 $0xFFFFB000  }
0x88: {  	_ =	swait.ge [sflag:s28], $0x5000  }
0x89: {  	[sflag:s28] =	ssyncset.done $0x0  }
0x8a: {  	[sflag:s28] =	ssyncadd.s32 $0xFFFFB000  }
0x8b: {  	[hbm4b:s31+s2] =	stream.linear.scatter [tilespmem:s9], [sflag:$0x3], $0x5000, $0x38;
	[tilespmem:$0xA100] =	vst v63  }
0x8c: {  	_ =	swait.ge [sflag:s8], $0x5000  }
0x8d: {  	p0 =	sne.s32 s0, $0x4D8;
	[sflag:s8] =	ssyncset.done $0x0  }
.Ltmp0:
0x8e: {  	[sflag:s8] =	ssyncadd.s32 $0xFFFFB000;
	(pc) =	sbr.rel @p0 .LBB2_2-.Ltmp0, $4  }
0x8f: {  	[hbm4b:s30+s2] =	stream.linear.scatter [tilespmem:s16], [sflag:$0x3], $0x5000, $0x38;
	[tilespmem:$0xA100] =	vst v63  }
0x90: {  	_ =	swait.ge [sflag:s8], $0x5000  }
0x91: {  	s0 =	sadd.s32 $0xA, s0;
	[sflag:s8] =	ssyncset.done $0x0  }
0x92: {  	s31 =	sadd.s32 $0xA00, s31;
	s30 =	sadd.s32 $0xA00, s30;
	[sflag:s8] =	ssyncadd.s32 $0xFFFFB000  }
0x93: {  	s29 =	sadd.s32 $0x1, s29;
	s0 =	rddreg [dreg:$0x8]  }
0x94: {  	p0 =	sne.s32 s29, s0  }
.Ltmp1:
0x95: {  	_ = 	snop;
	(pc) =	sbr.rel @p0 .LBB2_1-.Ltmp1, $1  }
0x96: {  	_ =	sdelay $0x3  }
0x97: {  	_ =	sfence.sel $0x180000  }
0x98: {  	[bflag:$0x0] =	sbarrier.arrive $0xFFFF  }
0x99: {  	_ =	strace $0x9000004D  }
0x9a: {  	s0 =	stileid.u32;
	[bflag:$0x2] =	sbarrier.arrive $0xFFFF  }
0x9b: {  	p0 =	sne.s32 s0, $0x0;
	s0 =	rddreg [dreg:$0x1]  }
0x9c: {  	s0 =	sadd.s32 @!p0 $0x100000, s0  }
0x9d: {  	[sflag:s0] =	ssyncadd.tile.s32 @!p0 $0x1;
	_ =	shalt  }
.Lfunc_end2:
_tile_overlayer_lowered:
.L_overlay_start_2:
0x9e: {  	(tag) =	ssettag $0x2  }
0x9f: {  	s0 =	rddreg [dreg:$0x0];
	s2 =	stileid.u32  }
0xa0: {  	s1 =	rddreg [dreg:$0x1];
	p0 =	sne.s32 s2, $0x0  }
0xa1: {  	s3 =	rddreg [dreg:$0x2];
	[bflag:$0x3] =	sbarrier.arrive $0xFFFF;
	s2 =	simm.s32 @!p0 $0x1C03  }
0xa2: {  	[timem:s3], [sflag:s2] =	dma.local @!p0 [hbm:s0], s1  }
0xa3: {  	s0 =	simm.s32 @!p0 $0x3  }
0xa4: {  	_ =	swait.ge @!p0 [sflag:s0], s1  }
0xa5: {  	s1 =	ssub.s32 @!p0 $0x0, s1;
	[sflag:s0] =	ssyncset.done @!p0 $0x0  }
0xa6: {  	[sflag:s0] =	ssyncadd.s32 @!p0 s1  }
0xa7: {  	[bflag:$0x3] =	sbarrier.arrive $0xFFFF  }
0xa8: {  	_ =	shalt  }

// kernel: kernel.28.cloned.1.call-start
scs
__scs_entry_jumppad:
0x0: {  	(pc) =	sbr.rel $0x88, $3  }
0x1: {  	(tag) =	ssettag $0x0;
	lr =	simm.s32 $0x1  }
0x2: {  	[smem:$0x3F92] =	sst lr;
	_ =	strace $0xD0000000  }
0x3: {  	_ = 	snop  }
0x4: {  	_ = 	snop  }
0x5: {  	_ = 	snop  }
0x6: {  	_ = 	snop  }
0x7: {  	_ = 	snop  }
__scs_overlays_trampoline_lowered:
0x8: {  	[smem:$0x3FA1] =	sst s0  }
0x9: {  	[smem:$0x3FA2] =	sst s1  }
0xa: {  	[smem:$0x3FA3] =	sst s2  }
0xb: {  	[smem:$0x3FA4] =	sst s3  }
0xc: {  	[smem:$0x3FA5] =	sst s4  }
0xd: {  	[smem:$0x3FA6] =	sst s5  }
0xe: {  	[smem:$0x3FA7] =	sst s6  }
0xf: {  	[smem:$0x3FA8] =	sst s7  }
0x10: {  	[smem:$0x3FA9] =	sst s8  }
0x11: {  	[smem:$0x3FAA] =	sst s9;
	s0 =	simm.s32 @!p0 $0x0  }
0x12: {  	s1 =	sld [smem:$0x3F90];
	s0 =	simm.s32 @p0 $0x1  }
0x13: {  	[smem:$0x3FAB] =	sst s0;
	s0 =	simm.s32 @!p1 $0x0  }
0x14: {  	s2 =	sld [smem:$0x3F8F];
	s0 =	simm.s32 @p1 $0x1  }
0x15: {  	[smem:$0x3FAC] =	sst s0;
	s0 =	simm.s32 @!p2 $0x0  }
0x16: {  	s3 =	sld [smem:$0x3FDB];
	s0 =	simm.s32 @p2 $0x1  }
0x17: {  	s4 =	simm.s32 $0x1BF5;
	[smem:$0x3FAE] =	sst s0  }
0x18: {  	s0 =	sld [smem:$0x3F91];
	_ =	swait.ge [sflag:s4], $0x0  }
0x19: {  	s7 =	sld [smem:$0x3F92]  }
0x1a: {  	s8 =	sadd.s32 $0xFFFFE003, lr  }
0x1b: {  	s9 =	sadd.s32 $0xFFFFFEF7, lr;
	s5 =	simm.s32 $0xFFFFFFFF;
	p2 =	slt.u32 s8, $0xFFFFF086  }
0x1c: {  	p1 =	slt.u32 s9, $0xF7A;
	s5 =	simm.s32 @!p2 $0x0  }
0x1d: {  	s5 =	simm.s32 @p1 $0x1;
	p0 =	seq.s32 s7, s2  }
0x1e: {  	s7 =	smul.u32 @!p0 $0xF7A, s2;
	p2 =	seq.s32 @!p0 s5, $0x0  }
0x1f: {  	s9 =	smul.u32 $0xF7A, s1;
	s8 =	simm.s32 @!p0 $0x1BF5;
	p2 =	por !p2, p0  }
0x20: {  	[sflag:s8] =	ssyncset.s32 @!p0 $0xFFFFF086;
	s6 =	sadd.s32 @!p0 s3, s7;
	s7 =	simm.s32 @!p0 $0x108  }
0x21: {  	s3 =	sadd.s32 s3, s9;
	s6 =	sadd.s32 @!p0 $0x88, s6;
	s7 =	simm.s32 @p2 $0x1082  }
0x22: {  	[simem:s7], [sflag:s8] =	dma.local @!p0 [hbm:s6], $0xF7A  }
0x23: {  	s9 =	sor.u32 $0xD0000000, s2;
	s6 =	simm.s32 $0x108;
	_ =	swait.ge @!p0 [sflag:s8], $0x0  }
0x24: {  	s3 =	sadd.s32 $0x88, s3;
	s6 =	simm.s32 @!p1 $0x1082;
	[sflag:s4] =	ssyncset.s32 $0xFFFFF086  }
0x25: {  	[simem:s6], [sflag:s4] =	dma.local [hbm:s3], $0xF7A  }
0x26: {  	[smem:$0x3F92] =	sst s1;
	(tag) =	ssettag s2;
	_ =	strace s9  }
0x27: {  	s1 =	sld [smem:$0x3FA2]  }
0x28: {  	s2 =	sld [smem:$0x3FA3]  }
0x29: {  	s4 =	sld [smem:$0x3FA5]  }
0x2a: {  	p0 =	seq.s32 s5, $0x0;
	s5 =	sld [smem:$0x3FA6]  }
0x2b: {  	s6 =	sld [smem:$0x3FA7]  }
0x2c: {  	s7 =	sld [smem:$0x3FA8]  }
0x2d: {  	s3 =	simm.s32 $0x108;
	s8 =	sld [smem:$0x3FA9]  }
0x2e: {  	s3 =	simm.s32 @!p0 $0x1082;
	s9 =	sld [smem:$0x3FAA]  }
0x2f: {  	lr =	sadd.s32 s0, s3;
	s0 =	sld [smem:$0x3FA1]  }
0x30: {  	s3 =	sld [smem:$0x3FA4]  }
0x31: {  	[smem:$0x3FAD] =	sst s10  }
0x32: {  	s10 =	sld [smem:$0x3FAB];
	_ =	sdelay $0x3  }
0x33: {  	p0 =	seq.s32 s10, $0x1;
	s10 =	sld [smem:$0x3FAD];
	_ =	sdelay $0x3  }
0x34: {  	[smem:$0x3FAD] =	sst s10  }
0x35: {  	s10 =	sld [smem:$0x3FAC];
	_ =	sdelay $0x3  }
0x36: {  	p1 =	seq.s32 s10, $0x1;
	s10 =	sld [smem:$0x3FAD];
	_ =	sdelay $0x3  }
0x37: {  	[smem:$0x3FAD] =	sst s10  }
0x38: {  	s10 =	sld [smem:$0x3FAE]  }
0x39: {  	_ = 	snop;
	(pc) =	sbr.ind lr, $3  }
0x3a: {  	_ = 	snop  }
0x3b: {  	_ = 	snop  }
0x3c: {  	p2 =	seq.s32 s10, $0x1;
	s10 =	sld [smem:$0x3FAD]  }
0x3d: {  	_ =	shalt  }
0x3e: {  	_ =	shalt  }
0x3f: {  	_ =	shalt  }
0x40: {  	_ =	shalt  }
0x41: {  	_ =	shalt  }
0x42: {  	_ =	shalt  }
0x43: {  	_ =	shalt  }
0x44: {  	_ =	shalt  }
0x45: {  	_ =	shalt  }
0x46: {  	_ =	shalt  }
0x47: {  	_ =	shalt  }
0x48: {  	_ =	shalt  }
0x49: {  	_ =	shalt  }
0x4a: {  	_ =	shalt  }
0x4b: {  	_ =	shalt  }
0x4c: {  	_ =	shalt  }
0x4d: {  	_ =	shalt  }
0x4e: {  	_ =	shalt  }
0x4f: {  	_ =	shalt  }
0x50: {  	_ =	shalt  }
0x51: {  	_ =	shalt  }
0x52: {  	_ =	shalt  }
0x53: {  	_ =	shalt  }
0x54: {  	_ =	shalt  }
0x55: {  	_ =	shalt  }
0x56: {  	_ =	shalt  }
0x57: {  	_ =	shalt  }
0x58: {  	_ =	shalt  }
0x59: {  	_ =	shalt  }
0x5a: {  	_ =	shalt  }
0x5b: {  	_ =	shalt  }
0x5c: {  	_ =	shalt  }
0x5d: {  	_ =	shalt  }
0x5e: {  	_ =	shalt  }
0x5f: {  	_ =	shalt  }
0x60: {  	_ =	shalt  }
0x61: {  	_ =	shalt  }
0x62: {  	_ =	shalt  }
0x63: {  	_ =	shalt  }
0x64: {  	_ =	shalt  }
0x65: {  	_ =	shalt  }
0x66: {  	_ =	shalt  }
0x67: {  	_ =	shalt  }
0x68: {  	_ =	shalt  }
0x69: {  	_ =	shalt  }
0x6a: {  	_ =	shalt  }
0x6b: {  	_ =	shalt  }
0x6c: {  	_ =	shalt  }
0x6d: {  	_ =	shalt  }
0x6e: {  	_ =	shalt  }
0x6f: {  	_ =	shalt  }
0x70: {  	_ =	shalt  }
0x71: {  	_ =	shalt  }
0x72: {  	_ =	shalt  }
0x73: {  	_ =	shalt  }
0x74: {  	_ =	shalt  }
0x75: {  	_ =	shalt  }
0x76: {  	_ =	shalt  }
0x77: {  	_ =	shalt  }
0x78: {  	_ =	shalt  }
0x79: {  	_ =	shalt  }
0x7a: {  	_ =	shalt  }
0x7b: {  	_ =	shalt  }
0x7c: {  	_ =	shalt  }
0x7d: {  	_ =	shalt  }
0x7e: {  	_ =	shalt  }
0x7f: {  	_ =	shalt  }
0x80: {  	_ =	shalt  }
0x81: {  	_ =	shalt  }
0x82: {  	_ =	shalt  }
0x83: {  	_ =	shalt  }
0x84: {  	_ =	shalt  }
0x85: {  	_ =	shalt  }
0x86: {  	_ =	shalt  }
0x87: {  	_ =	shalt  }
.Lfunc_end0:
.L_simem_size_0:
called_computation.3_lowered:
.L_overlay_start_0:
0x88: {  	s2 =	sld [smem:$0x3FD9]  }
0x89: {  	s3 =	sld [smem:$0x3FFE];
	_ =	sdelay $0x1  }
0x8a: {  	s1 =	srdreg.scid  }
0x8b: {  	s0 =	sand.u32 $0x1, s1  }
0x8c: {  	s16 =	sshll.u32 s0, $0xA;
	s2 =	sadd.s32 s3, s2  }
0x8d: {  	s2 =	sadd.s32 s2, s16  }
0x8e: {  	[smem:$0x3FB9] =	sst s2  }
0x8f: {  	_ = 	snop  }
0x90: {  	(tm) =	ssettm $0x1  }
0x91: {  	s17 =	sld [smem:$0x3FFB];
	_ =	sdelay $0x3  }
0x92: {  	_ =	strace s17  }
0x93: {  	s2 =	sld [smem:$0x3FFC];
	_ =	sdelay $0x3  }
0x94: {  	_ =	strace s2  }
0x95: {  	s2 =	sld [smem:$0x3FFD];
	_ =	sdelay $0x3  }
0x96: {  	_ =	strace s2  }
0x97: {  	_ =	strace $0x8FFFFFFF  }
0x98: {  	s18 =	sld [smem:$0x3FDB];
	_ =	sdelay $0x1  }
0x99: {  	s19 =	simm.s32 $_scs_section_size  }
0x9a: {  	s4 =	simm.s32 $_size__tile_overlayer_lowered;
	s5 =	simm.s32 $_tile_overlayer_lowered  }
0x9b: {  	s22 =	simm.s32 $0x1BFF;
	s21 =	sshll.u32 s5, $0x1;
	s2 =	sadd.s32 s19, s18  }
0x9c: {  	s6 =	simm.s32 $0x0;
	s20 =	sshll.u32 s4, $0x1;
	s4 =	sadd.s32 s21, s2  }
0x9d: {  	[timem:s6], [sflag:s22] =	dma.local [hbm:s4], s20  }
0x9e: {  	_ =	swait.ge [sflag:s22], s20  }
0x9f: {  	s3 =	ssub.s32 $0x0, s20;
	[sflag:s22] =	ssyncset.done $0x0  }
0xa0: {  	[sflag:s22] =	ssyncadd.s32 s3;
	_ =	sdelay $0x1  }
0xa1: {  	s23 =	simm.s32 $0x1B8B  }
0xa2: {  	_ =	swait.ge [sflag:s23], $0x1  }
0xa3: {  	[sflag:s23] =	ssyncset.done $0x0  }
0xa4: {  	s25 =	simm.s32 $0x1B8E;
	s24 =	sld [smem:$0x3FFE];
	[sflag:s23] =	ssyncadd.s32 $0xFFFFFFFF  }
0xa5: {  	s26 =	simm.s32 $execute0_lowered;
	[smem:$0x3FD2] =	sst s25  }
0xa6: {  	s4 =	sshll.u32 s26, $0x1;
	_ =	strace $0x8000004F;
	[dreg:$0x1] =	wrdreg $0xFFFFFFFF  }
0xa7: {  	s28 =	simm.s32 $_size_execute0_lowered;
	s2 =	sadd.s32 s2, s4;
	[dreg:$0x0] =	wrdreg $0x0  }
0xa8: {  	s4 =	sshll.u32 s28, $0x1;
	[dreg:$0x2] =	wrdreg s2  }
0xa9: {  	[dreg:$0x3] =	wrdreg s4  }
0xaa: {  	[dreg:$0x4] =	wrdreg $0xC0  }
0xab: {  	_ =	task [dreg:s6], $0x5FFFF  }
0xac: {  	[dreg:$0x1] =	wrdreg $0xFFFFFFFF  }
0xad: {  	[dreg:$0x0] =	wrdreg $0x60  }
0xae: {  	[dreg:$0x2] =	wrdreg s24  }
0xaf: {  	[dreg:$0x3] =	wrdreg $0x51000  }
0xb0: {  	[dreg:$0x4] =	wrdreg $0x191000  }
0xb1: {  	[dreg:$0x5] =	wrdreg $0x9  }
0xb2: {  	_ =	task.clear_ibuf [dreg:s6], $0x6FFFF;
	_ =	strace $0x9000004F  }
0xb3: {  	s29 =	simm.s32 $0x9;
	_ =	strace $0x80000051  }
0xb4: {  	_ =	swait.ge [sflag:s29], $0x1  }
0xb5: {  	[sflag:s29] =	ssyncadd.s32 $0xFFFFFFFF  }
0xb6: {  	_ =	strace $0x90000051  }
0xb7: {  	_ =	sfence  }
0xb8: {  	s30 =	sld [smem:$0x0];
	_ =	sdelay $0x2  }
0xb9: {  	s31 =	sshll.u32 s1, $0xD;
	s1 =	sshrl.u32 s1, $0x2  }
0xba: {  	s3 =	sand.u32 $0x4000, s31;
	s1 =	sadd.s32 s1, s30  }
0xbb: {  	s0 =	sor.u32 s3, s0;
	s1 =	sshll.u32 s1, $0x11  }
0xbc: {  	s0 =	sor.u32 s1, s0  }
0xbd: {  	s0 =	sadd.s32 $0x8F2B, s0  }
0xbe: {  	[sflag:s0] =	ssyncadd.remote.s32 $0x1  }
0xbf: {  	_ =	sfence.sel $0xFFFF  }
0xc0: {  	[dreg:$0x0] =	wrdreg $0xFFFFFFFF;
	(pc) =	sbr.abs _section_cstart, $3  }
0xc1: {  	[dreg:$0x1] =	wrdreg $0xFFFFFFFF  }
0xc2: {  	_ =	task.clear_ibuf [dreg:s6], $0x2FFFF;
	_ =	strace $0x9FFFFFFF  }
0xc3: {  	(tm) =	ssettm $0x7FFFFFFF  }
tec
execute0_lowered:
.L_overlay_start_1:
0x0: {  	(tag) =	ssettag $0x1  }
0x1: {  	s19 =	stileid.u32  }
0x2: {  	s0 =	smul.u32 $0x4E200, s19  }
0x3: {  	s4 =	smul.u32 $0x9C4, s19  }
0x4: {  	s7 =	smul.u32 $0x500, s19  }
0x5: {  	s3 =	rddreg [dreg:$0x0];
	s10 =	smul.u32 $0x280, s19  }
0x6: {  	s1 =	simm.s32 $0x0;
	s22 =	srdreg.scid;
	s23 =	smul.u32 $0x2800, s19  }
0x7: {  	s5 =	sadd.s32 $0x72C00, s3;
	s18 =	smul.u32 $0x5000, s19;
	[smem:$0x7FF] =	sst s1  }
0x8: {  	s2 =	sadd.s32 s0, s3;
	s4 =	sadd.s32 s4, s3;
	s0 =	sand.u32 $0x1, s22  }
0x9: {  	s11 =	sor.u32 $0x50, s10;
	s12 =	sadd.s32 $0xA0, s10;
	s13 =	sadd.s32 $0xF0, s10  }
0xa: {  	s14 =	sadd.s32 $0x140, s10;
	s15 =	sadd.s32 $0x190, s10;
	s16 =	sadd.s32 $0x1E0, s10  }
0xb: {  	s10 =	sadd.s32 $0x230, s10;
	s6 =	sshll.u32 s0, $0x7;
	s8 =	ssub.s32 $0x2, s0  }
0xc: {  	s24 =	sshll.u32 s11, $0x4;
	s25 =	sshll.u32 s12, $0x4;
	s26 =	sshll.u32 s13, $0x4  }
0xd: {  	s28 =	sshll.u32 s14, $0x4;
	s29 =	sshll.u32 s15, $0x4;
	s17 =	sshll.u32 s16, $0x4  }
0xe: {  	s31 =	sshll.u32 s10, $0x4;
	s20 =	sshll.u32 s12, $0x5;
	s21 =	sshll.u32 s13, $0x5  }
0xf: {  	s6 =	sadd.s32 s6, s3;
	s3 =	sadd.s32 s7, s3;
	s7 =	sadd.s32 s5, s7  }
0x10: {  	s9 =	sshrl.u32 s8, $0x1;
	s30 =	sadd.s32 s5, s17;
	[dreg:$0x4] =	wrdreg s7  }
0x11: {  	s8 =	ssub.s32 s8, s9;
	s9 =	sadd.s32 s5, s23;
	[dreg:$0xb] =	wrdreg s30  }
0x12: {  	p0 =	sne.s32 s0, $0x0;
	s7 =	sadd.s32 $0x9AC00, s6;
	[dreg:$0x5] =	wrdreg s9  }
0x13: {  	s9 =	sadd.s32 s5, s24;
	s23 =	sadd.s32 s21, s7;
	s21 =	rddreg [dreg:$0x2]  }
0x14: {  	s2 =	sadd.s32 $0xB02A00, s2;
	s17 =	sadd.s32 s18, s7;
	[dreg:$0x6] =	wrdreg s9  }
0x15: {  	s4 =	sadd.s32 $0x12C00, s4;
	s22 =	sadd.s32 s20, s7;
	[dreg:$0xd] =	wrdreg s17  }
0x16: {  	s30 =	sshll.u32 s10, $0x5;
	s18 =	sshll.u32 s11, $0x5;
	[dreg:$0xf] =	wrdreg s22  }
0x17: {  	s24 =	sshll.u32 s14, $0x5;
	s9 =	sadd.s32 s5, s25;
	[dreg:$0x10] =	wrdreg s23  }
0x18: {  	s25 =	sshll.u32 s15, $0x5;
	s22 =	smax.u32 s8, $0x1;
	s23 =	sshll.u32 s11, $0x7  }
0x19: {  	s8 =	simm.s32 $0x2;
	[dreg:$0x7] =	wrdreg s9;
	s9 =	sadd.s32 s5, s26  }
0x1a: {  	s11 =	simm.s32 $0x50;
	[dreg:$0x8] =	wrdreg s9;
	s9 =	sadd.s32 s5, s28  }
0x1b: {  	s26 =	sshll.u32 s16, $0x5;
	s28 =	sadd.s32 s25, s7;
	[dreg:$0x9] =	wrdreg s9  }
0x1c: {  	s25 =	sshll.u32 s13, $0x7;
	s9 =	sadd.s32 s5, s29;
	[dreg:$0x12] =	wrdreg s28  }
0x1d: {  	s5 =	sadd.s32 s5, s31;
	s29 =	sadd.s32 s26, s7;
	[dreg:$0xa] =	wrdreg s9  }
0x1e: {  	s31 =	smul.u32 $0x9C400, s19;
	s26 =	sshll.u32 s14, $0x7;
	[dreg:$0xc] =	wrdreg s5  }
0x1f: {  	s28 =	sshll.u32 s15, $0x7;
	s5 =	sadd.s32 s18, s7;
	[dreg:$0x13] =	wrdreg s29  }
0x20: {  	s18 =	rddreg [dreg:$0x1];
	s9 =	smul.u32 $0x50000, s19;
	s29 =	sshll.u32 s16, $0x7  }
0x21: {  	[dreg:$0xe] =	wrdreg s5;
	s5 =	sadd.s32 s24, s7;
	s6 =	sadd.s32 s31, s6  }
0x22: {  	s24 =	sshll.u32 s12, $0x7;
	s16 =	sadd.s32 s28, s18;
	s12 =	simm.s32 $0x0  }
0x23: {  	[dreg:$0x11] =	wrdreg s5;
	s5 =	sadd.s32 s30, s7;
	s7 =	smul.u32 $0xA000, s19  }
0x24: {  	s19 =	sadd.s32 $0xEAC00, s3;
	s20 =	sshrl.u32 s9, $0x2;
	s30 =	sshll.u32 s10, $0x7  }
0x25: {  	s31 =	sadd.s32 $0x233F200, s6;
	s6 =	simm.s32 $0x1;
	s9 =	simm.s32 $0x400  }
0x26: {  	s10 =	simm.s32 $0x800;
	[dreg:$0x14] =	wrdreg s5;
	s20 =	sadd.s32 s20, s18  }
0x27: {  	s0 =	sadd.s32 s30, s18;
	_ =	strace $0x80000050;
	[dreg:$0x15] =	wrdreg s19  }
0x28: {  	s5 =	simm.s32 $0x100;
	s17 =	sshrl.u32 s7, $0x2;
	[dreg:$0x16] =	wrdreg s22  }
0x29: {  	s22 =	sadd.s32 s23, s18;
	s23 =	sadd.s32 s24, s18;
	[dreg:$0x18] =	wrdreg s2  }
0x2a: {  	s24 =	sadd.s32 s25, s18;
	s25 =	sadd.s32 s26, s18;
	[dreg:$0x19] =	wrdreg s31  }
0x2b: {  	s26 =	sadd.s32 s29, s18;
	[dreg:$0x17] =	wrdreg s0;
	s17 =	sadd.s32 s17, s21  }
.LBB2_1:
0x2c: {  	s7 =	rddreg [dreg:$0x5]  }
0x2d: {  	[tilespmem:s5], [sflag:$0x1] =	stream.linear.gather [hbm4b:s7+s1], $0x2800, $0x38;
	[tilespmem:$0x1B900] =	vst v63  }
0x2e: {  	_ =	swait.ge [sflag:s6], $0x2800  }
0x2f: {  	[sflag:s6] =	ssyncset.done $0x0  }
0x30: {  	[sflag:s6] =	ssyncadd.s32 $0xFFFFD800  }
0x31: {  	[spmem:s20] =	stream.linear.scatter [tilespmem:s5], [sflag:$0x1], $0x2800, $0x38;
	[tilespmem:$0x1B900] =	vst v63  }
0x32: {  	_ =	swait.ge [sflag:s6], $0x2800  }
0x33: {  	[sflag:s6] =	ssyncset.done $0x0  }
0x34: {  	s2 =	rddreg [dreg:$0x6];
	[sflag:s6] =	ssyncadd.s32 $0xFFFFD800  }
0x35: {  	[tilespmem:s5], [sflag:$0x1] =	stream.linear.gather [hbm4b:s2+s1], $0x2800, $0x38;
	[tilespmem:$0x1B900] =	vst v63  }
0x36: {  	_ =	swait.ge [sflag:s6], $0x2800  }
0x37: {  	[sflag:s6] =	ssyncset.done $0x0  }
0x38: {  	[sflag:s6] =	ssyncadd.s32 $0xFFFFD800  }
0x39: {  	[spmem:s22] =	stream.linear.scatter [tilespmem:s5], [sflag:$0x1], $0x2800, $0x38;
	[tilespmem:$0x1B900] =	vst v63  }
0x3a: {  	_ =	swait.ge [sflag:s6], $0x2800  }
0x3b: {  	[sflag:s6] =	ssyncset.done $0x0  }
0x3c: {  	s3 =	rddreg [dreg:$0x7];
	[sflag:s6] =	ssyncadd.s32 $0xFFFFD800  }
0x3d: {  	[tilespmem:s5], [sflag:$0x1] =	stream.linear.gather [hbm4b:s3+s1], $0x2800, $0x38;
	[tilespmem:$0x1B900] =	vst v63  }
0x3e: {  	_ =	swait.ge [sflag:s6], $0x2800  }
0x3f: {  	[sflag:s6] =	ssyncset.done $0x0  }
0x40: {  	[sflag:s6] =	ssyncadd.s32 $0xFFFFD800  }
0x41: {  	[spmem:s23] =	stream.linear.scatter [tilespmem:s5], [sflag:$0x1], $0x2800, $0x38;
	[tilespmem:$0x1B900] =	vst v63  }
0x42: {  	_ =	swait.ge [sflag:s6], $0x2800  }
0x43: {  	[sflag:s6] =	ssyncset.done $0x0  }
0x44: {  	s13 =	rddreg [dreg:$0x8];
	[sflag:s6] =	ssyncadd.s32 $0xFFFFD800  }
0x45: {  	[tilespmem:s5], [sflag:$0x1] =	stream.linear.gather [hbm4b:s13+s1], $0x2800, $0x38;
	[tilespmem:$0x1B900] =	vst v63  }
0x46: {  	_ =	swait.ge [sflag:s6], $0x2800  }
0x47: {  	[sflag:s6] =	ssyncset.done $0x0  }
0x48: {  	[sflag:s6] =	ssyncadd.s32 $0xFFFFD800  }
0x49: {  	[spmem:s24] =	stream.linear.scatter [tilespmem:s5], [sflag:$0x1], $0x2800, $0x38;
	[tilespmem:$0x1B900] =	vst v63  }
0x4a: {  	_ =	swait.ge [sflag:s6], $0x2800  }
0x4b: {  	[sflag:s6] =	ssyncset.done $0x0  }
0x4c: {  	s14 =	rddreg [dreg:$0x9];
	[sflag:s6] =	ssyncadd.s32 $0xFFFFD800  }
0x4d: {  	[tilespmem:s5], [sflag:$0x1] =	stream.linear.gather [hbm4b:s14+s1], $0x2800, $0x38;
	[tilespmem:$0x1B900] =	vst v63  }
0x4e: {  	_ =	swait.ge [sflag:s6], $0x2800  }
0x4f: {  	[sflag:s6] =	ssyncset.done $0x0  }
0x50: {  	[sflag:s6] =	ssyncadd.s32 $0xFFFFD800  }
0x51: {  	[spmem:s25] =	stream.linear.scatter [tilespmem:s5], [sflag:$0x1], $0x2800, $0x38;
	[tilespmem:$0x1B900] =	vst v63  }
0x52: {  	_ =	swait.ge [sflag:s6], $0x2800  }
0x53: {  	[sflag:s6] =	ssyncset.done $0x0  }
0x54: {  	s15 =	rddreg [dreg:$0xa];
	[sflag:s6] =	ssyncadd.s32 $0xFFFFD800  }
0x55: {  	[tilespmem:s5], [sflag:$0x1] =	stream.linear.gather [hbm4b:s15+s1], $0x2800, $0x38;
	[tilespmem:$0x1B900] =	vst v63  }
0x56: {  	_ =	swait.ge [sflag:s6], $0x2800  }
0x57: {  	[sflag:s6] =	ssyncset.done $0x0  }
0x58: {  	[sflag:s6] =	ssyncadd.s32 $0xFFFFD800  }
0x59: {  	[spmem:s16] =	stream.linear.scatter [tilespmem:s5], [sflag:$0x1], $0x2800, $0x38;
	[tilespmem:$0x1B900] =	vst v63  }
0x5a: {  	_ =	swait.ge [sflag:s6], $0x2800  }
0x5b: {  	[sflag:s6] =	ssyncset.done $0x0  }
0x5c: {  	s29 =	smov.u32 s20;
	s20 =	rddreg [dreg:$0xb];
	[sflag:s6] =	ssyncadd.s32 $0xFFFFD800  }
0x5d: {  	[tilespmem:s5], [sflag:$0x1] =	stream.linear.gather [hbm4b:s20+s1], $0x2800, $0x38;
	[tilespmem:$0x1B900] =	vst v63  }
0x5e: {  	_ =	swait.ge [sflag:s6], $0x2800  }
0x5f: {  	[sflag:s6] =	ssyncset.done $0x0  }
0x60: {  	[sflag:s6] =	ssyncadd.s32 $0xFFFFD800  }
0x61: {  	[spmem:s26] =	stream.linear.scatter [tilespmem:s5], [sflag:$0x1], $0x2800, $0x38;
	[tilespmem:$0x1B900] =	vst v63  }
0x62: {  	_ =	swait.ge [sflag:s6], $0x2800  }
0x63: {  	[sflag:s6] =	ssyncset.done $0x0  }
0x64: {  	s30 =	smov.u32 s22;
	s22 =	rddreg [dreg:$0xc];
	[sflag:s6] =	ssyncadd.s32 $0xFFFFD800  }
0x65: {  	[tilespmem:s5], [sflag:$0x1] =	stream.linear.gather [hbm4b:s22+s1], $0x2800, $0x38;
	[tilespmem:$0x1B900] =	vst v63  }
0x66: {  	_ =	swait.ge [sflag:s6], $0x2800  }
0x67: {  	[sflag:s6] =	ssyncset.done $0x0  }
0x68: {  	s13 =	smov.u32 s0;
	[sflag:s6] =	ssyncadd.s32 $0xFFFFD800  }
0x69: {  	[spmem:s13] =	stream.linear.scatter [tilespmem:s5], [sflag:$0x1], $0x2800, $0x38;
	[tilespmem:$0x1B900] =	vst v63  }
0x6a: {  	_ =	swait.ge [sflag:s6], $0x2800  }
0x6b: {  	s31 =	smov.u32 s23;
	s19 =	smov.u32 s24;
	[sflag:s6] =	ssyncset.done $0x0  }
0x6c: {  	s24 =	simm.s32 $0x2900;
	s23 =	rddreg [dreg:$0x4];
	[sflag:s6] =	ssyncadd.s32 $0xFFFFD800  }
0x6d: {  	[tilespmem:s24], [sflag:$0x1] =	stream.linear.gather [hbm4b:s23+s1], $0x2800, $0x38;
	[tilespmem:$0x1B900] =	vst v63  }
0x6e: {  	_ =	swait.ge [sflag:s6], $0x2800  }
0x6f: {  	[sflag:s6] =	ssyncset.done $0x0  }
0x70: {  	[sflag:s6] =	ssyncadd.s32 $0xFFFFD800  }
0x71: {  	[spmem:s17] =	stream.linear.scatter [tilespmem:s24], [sflag:$0x1], $0x2800, $0x38;
	[tilespmem:$0x1B900] =	vst v63  }
0x72: {  	_ =	swait.ge [sflag:s6], $0x2800  }
0x73: {  	[sflag:s6] =	ssyncset.done $0x0  }
0x74: {  	[sflag:s6] =	ssyncadd.s32 $0xFFFFD800  }
0x75: {  	s0 =	smov.u32 s25;
	s25 =	sadd.s32 $0x0, s4;
	[bflag:$0x0] =	sbarrier.arrive $0xFFFF  }
0x76: {  	[tilespmem:s1], [sflag:$0x2] =	stream.linear.gather [hbm4b:s25+s1], $0x50, $0x38;
	[tilespmem:$0x1B900] =	vst v63  }
0x77: {  	_ =	swait.ge [sflag:s8], $0x50  }
0x78: {  	[sflag:s8] =	ssyncset.done $0x0  }
0x79: {  	s3 =	smov.u32 s26;
	s26 =	rddreg [dreg:$0x19];
	[sflag:s8] =	ssyncadd.s32 $0xFFFFFFB0  }
0x7a: {  	[tilespmem:s5], [sflag:$0x2] =	stream.strided.gather [hbm4b:s26+s9], $0x2800, s10, s9, $0x38;
	[tilespmem:$0x1B900] =	vst v63  }
0x7b: {  	_ =	swait.ge [sflag:s8], $0x2800  }
0x7c: {  	[sflag:s8] =	ssyncset.done $0x0  }
0x7d: {  	[sflag:s8] =	ssyncadd.s32 $0xFFFFD800  }
0x7e: {  	[spmem:s18] =	stream.indirect.scatter.add.f32 [tilespmem:s5], [sflag:$0x2], $0x80, s1, s11, $0xb8;
	[tilespmem:$0x1B900] =	vst v63  }
0x7f: {  	s2 =	smov.u32 s16;
	_ =	swait.ge [sflag:s8], $0x2800  }
0x80: {  	s14 =	simm.s32 @!p0 $0x2900;
	s16 =	simm.s32 @!p0 $0x2;
	[sflag:s8] =	ssyncset.done $0x0  }
0x81: {  	s13 =	simm.s32 @!p0 $0x0;
	s7 =	rddreg [dreg:$0x18];
	[sflag:s8] =	ssyncadd.s32 $0xFFFFD800  }
0x82: {  	[tilespmem:s14], [sflag:$0x2] =	stream.linear.gather @!p0 [hbm4b:s7+s13], $0x2800, $0x38;
	[tilespmem:$0x1B900] =	vst v63  }
0x83: {  	_ =	swait.ge @!p0 [sflag:s16], $0x2800  }
0x84: {  	[sflag:s16] =	ssyncset.done @!p0 $0x0  }
0x85: {  	[sflag:s16] =	ssyncadd.s32 @!p0 $0xFFFFD800  }
0x86: {  	v0 =	vld @!p0 [tilespmem:$0x40]  }
0x87: {  	v1 =	vld @!p0 [tilespmem:$0x20]  }
0x88: {  	v2 =	vld @!p0 [tilespmem:$0x30]  }
0x89: {  	v3 =	vld @!p0 [tilespmem:$0x10]  }
0x8a: {  	v4 =	vld @!p0 [tilespmem:$0x0]  }
0x8b: {  	v0 =	vshrl.u32 @!p0 v0, $0x3  }
0x8c: {  	v1 =	vshrl.u32 @!p0 v1, $0x3;
	[tilespmem:$0xC0] =	vst @!p0 v0  }
0x8d: {  	s28 =	smov.u32 s17;
	s15 =	simm.s32 @!p0 $0x1;
	s20 =	simm.s32 @!p0 $0x80;
	[tilespmem:$0xA0] =	vst @!p0 v1;
	v0 =	vshrl.u32 @!p0 v2, $0x3  }
0x8e: {  	s22 =	simm.s32 @!p0 $0x50;
	s23 =	simm.s32 $0xA;
	s17 =	simm.s32 @!p0 $0x50;
	v1 =	vshrl.u32 @!p0 v3, $0x3;
	[tilespmem:$0xB0] =	vst @!p0 v0  }
0x8f: {  	s25 =	simm.s32 @!p0 $0x80;
	s24 =	sadd.s32 $0x500, s7;
	s7 =	sadd.s32 $0xA00, s26;
	v0 =	vshrl.u32 @!p0 v4, $0x3;
	[tilespmem:$0x90] =	vst @!p0 v1  }
.LBB2_2:
0x90: {  	[tilespmem:$0x80] =	vst @!p0 v0;
	s26 =	smov.u32 s23;
	s23 =	sadd.s32 $0xA, s23  }
0x91: {  	[spmem:s21] =	stream.indirect.scatter.add.f32 @!p0 [tilespmem:s14], [sflag:$0x1], $0x80, s25, s22, $0xb8;
	[tilespmem:$0x1B900] =	vst v63  }
0x92: {  	p1 =	sne.s32 s23, $0x9C4;
	s22 =	smov.u32 s17;
	_ =	swait.ge @!p0 [sflag:s15], $0x2800  }
0x93: {  	s25 =	smov.u32 s20;
	[sflag:s15] =	ssyncset.done @!p0 $0x0  }
0x94: {  	s26 =	sadd.s32 s26, s4;
	[sflag:s15] =	ssyncadd.s32 @!p0 $0xFFFFD800  }
0x95: {  	[tilespmem:s1], [sflag:$0x2] =	stream.linear.gather [hbm4b:s26+s1], $0x50, $0x38;
	[tilespmem:$0x1B900] =	vst v63  }
0x96: {  	_ =	swait.ge [sflag:s8], $0x50  }
0x97: {  	[sflag:s8] =	ssyncset.done $0x0  }
0x98: {  	[sflag:s8] =	ssyncadd.s32 $0xFFFFFFB0  }
0x99: {  	[tilespmem:s5], [sflag:$0x2] =	stream.strided.gather [hbm4b:s7+s9], $0x2800, s10, s9, $0x38;
	[tilespmem:$0x1B900] =	vst v63  }
0x9a: {  	_ =	swait.ge [sflag:s8], $0x2800  }
0x9b: {  	[sflag:s8] =	ssyncset.done $0x0  }
0x9c: {  	[sflag:s8] =	ssyncadd.s32 $0xFFFFD800  }
0x9d: {  	[spmem:s18] =	stream.indirect.scatter.add.f32 [tilespmem:s5], [sflag:$0x2], $0x80, s1, s11, $0xb8;
	[tilespmem:$0x1B900] =	vst v63  }
0x9e: {  	_ =	swait.ge [sflag:s8], $0x2800  }
0x9f: {  	[sflag:s8] =	ssyncset.done $0x0  }
0xa0: {  	[sflag:s8] =	ssyncadd.s32 $0xFFFFD800  }
0xa1: {  	[tilespmem:s14], [sflag:$0x2] =	stream.linear.gather @!p0 [hbm4b:s24+s13], $0x2800, $0x38;
	[tilespmem:$0x1B900] =	vst v63  }
0xa2: {  	_ =	swait.ge @!p0 [sflag:s16], $0x2800  }
0xa3: {  	[sflag:s16] =	ssyncset.done @!p0 $0x0  }
0xa4: {  	[sflag:s16] =	ssyncadd.s32 @!p0 $0xFFFFD800  }
0xa5: {  	v0 =	vld @!p0 [tilespmem:$0x40]  }
0xa6: {  	v1 =	vld @!p0 [tilespmem:$0x20]  }
0xa7: {  	v2 =	vld @!p0 [tilespmem:$0x30]  }
0xa8: {  	v3 =	vld @!p0 [tilespmem:$0x10]  }
0xa9: {  	v4 =	vld @!p0 [tilespmem:$0x0]  }
.Ltmp0:
0xaa: {  	v0 =	vshrl.u32 @!p0 v0, $0x3;
	(pc) =	sbr.rel @p1 .LBB2_2-.Ltmp0, $4  }
0xab: {  	v1 =	vshrl.u32 @!p0 v1, $0x3;
	[tilespmem:$0xC0] =	vst @!p0 v0  }
0xac: {  	[tilespmem:$0xA0] =	vst @!p0 v1;
	v0 =	vshrl.u32 @!p0 v2, $0x3  }
0xad: {  	v1 =	vshrl.u32 @!p0 v3, $0x3;
	[tilespmem:$0xB0] =	vst @!p0 v0  }
0xae: {  	s7 =	sadd.s32 $0xA00, s7;
	s24 =	sadd.s32 $0x500, s24;
	v0 =	vshrl.u32 @!p0 v4, $0x3;
	[tilespmem:$0x90] =	vst @!p0 v1  }
0xaf: {  	[tilespmem:$0x80] =	vst @!p0 v0  }
0xb0: {  	[spmem:s21] =	stream.indirect.scatter.add.f32 @!p0 [tilespmem:s14], [sflag:$0x1], $0x80, s25, s22, $0xb8;
	[tilespmem:$0x1B900] =	vst v63  }
0xb1: {  	_ =	swait.ge @!p0 [sflag:s15], $0x2800  }
0xb2: {  	[sflag:s15] =	ssyncset.done @!p0 $0x0  }
0xb3: {  	[sflag:s15] =	ssyncadd.s32 @!p0 $0xFFFFD800  }
0xb4: {  	[bflag:$0x0] =	sbarrier.arrive $0xFFFF  }
0xb5: {  	[tilespmem:s5], [sflag:$0x1] =	stream.linear.gather [spmem:s29], $0x2800, $0x38;
	[tilespmem:$0x1B900] =	vst v63  }
0xb6: {  	_ =	swait.ge [sflag:s6], $0x2800  }
0xb7: {  	[sflag:s6] =	ssyncset.done $0x0  }
0xb8: {  	s7 =	rddreg [dreg:$0xd];
	[sflag:s6] =	ssyncadd.s32 $0xFFFFD800  }
0xb9: {  	[hbm4b:s7+s9] =	stream.strided.scatter [tilespmem:s5], [sflag:$0x1], $0x2800, s10, s9, $0x38;
	[tilespmem:$0x1B900] =	vst v63  }
0xba: {  	_ =	swait.ge [sflag:s6], $0x2800  }
0xbb: {  	[sflag:s6] =	ssyncset.done $0x0  }
0xbc: {  	[sflag:s6] =	ssyncadd.s32 $0xFFFFD800  }
0xbd: {  	[tilespmem:s5], [sflag:$0x1] =	stream.linear.gather [spmem:s30], $0x2800, $0x38;
	[tilespmem:$0x1B900] =	vst v63  }
0xbe: {  	_ =	swait.ge [sflag:s6], $0x2800  }
0xbf: {  	[sflag:s6] =	ssyncset.done $0x0  }
0xc0: {  	s22 =	smov.u32 s30;
	s30 =	rddreg [dreg:$0xe];
	[sflag:s6] =	ssyncadd.s32 $0xFFFFD800  }
0xc1: {  	[hbm4b:s30+s9] =	stream.strided.scatter [tilespmem:s5], [sflag:$0x1], $0x2800, s10, s9, $0x38;
	[tilespmem:$0x1B900] =	vst v63  }
0xc2: {  	_ =	swait.ge [sflag:s6], $0x2800  }
0xc3: {  	[sflag:s6] =	ssyncset.done $0x0  }
0xc4: {  	[sflag:s6] =	ssyncadd.s32 $0xFFFFD800  }
0xc5: {  	[tilespmem:s5], [sflag:$0x1] =	stream.linear.gather [spmem:s31], $0x2800, $0x38;
	[tilespmem:$0x1B900] =	vst v63  }
0xc6: {  	_ =	swait.ge [sflag:s6], $0x2800  }
0xc7: {  	[sflag:s6] =	ssyncset.done $0x0  }
0xc8: {  	s16 =	rddreg [dreg:$0xf];
	[sflag:s6] =	ssyncadd.s32 $0xFFFFD800  }
0xc9: {  	[hbm4b:s16+s9] =	stream.strided.scatter [tilespmem:s5], [sflag:$0x1], $0x2800, s10, s9, $0x38;
	[tilespmem:$0x1B900] =	vst v63  }
0xca: {  	_ =	swait.ge [sflag:s6], $0x2800  }
0xcb: {  	[sflag:s6] =	ssyncset.done $0x0  }
0xcc: {  	[sflag:s6] =	ssyncadd.s32 $0xFFFFD800  }
0xcd: {  	[tilespmem:s5], [sflag:$0x1] =	stream.linear.gather [spmem:s19], $0x2800, $0x38;
	[tilespmem:$0x1B900] =	vst v63  }
0xce: {  	_ =	swait.ge [sflag:s6], $0x2800  }
0xcf: {  	[sflag:s6] =	ssyncset.done $0x0  }
0xd0: {  	s17 =	rddreg [dreg:$0x10];
	[sflag:s6] =	ssyncadd.s32 $0xFFFFD800  }
0xd1: {  	[hbm4b:s17+s9] =	stream.strided.scatter [tilespmem:s5], [sflag:$0x1], $0x2800, s10, s9, $0x38;
	[tilespmem:$0x1B900] =	vst v63  }
0xd2: {  	_ =	swait.ge [sflag:s6], $0x2800  }
0xd3: {  	[sflag:s6] =	ssyncset.done $0x0  }
0xd4: {  	[sflag:s6] =	ssyncadd.s32 $0xFFFFD800  }
0xd5: {  	[tilespmem:s5], [sflag:$0x1] =	stream.linear.gather [spmem:s0], $0x2800, $0x38;
	[tilespmem:$0x1B900] =	vst v63  }
0xd6: {  	_ =	swait.ge [sflag:s6], $0x2800  }
0xd7: {  	[sflag:s6] =	ssyncset.done $0x0  }
0xd8: {  	s24 =	smov.u32 s19;
	s19 =	rddreg [dreg:$0x11];
	[sflag:s6] =	ssyncadd.s32 $0xFFFFD800  }
0xd9: {  	[hbm4b:s19+s9] =	stream.strided.scatter [tilespmem:s5], [sflag:$0x1], $0x2800, s10, s9, $0x38;
	[tilespmem:$0x1B900] =	vst v63  }
0xda: {  	_ =	swait.ge [sflag:s6], $0x2800  }
0xdb: {  	[sflag:s6] =	ssyncset.done $0x0  }
0xdc: {  	[sflag:s6] =	ssyncadd.s32 $0xFFFFD800  }
0xdd: {  	[tilespmem:s5], [sflag:$0x1] =	stream.linear.gather [spmem:s2], $0x2800, $0x38;
	[tilespmem:$0x1B900] =	vst v63  }
0xde: {  	_ =	swait.ge [sflag:s6], $0x2800  }
0xdf: {  	[sflag:s6] =	ssyncset.done $0x0  }
0xe0: {  	s26 =	rddreg [dreg:$0x12];
	[sflag:s6] =	ssyncadd.s32 $0xFFFFD800  }
0xe1: {  	[hbm4b:s26+s9] =	stream.strided.scatter [tilespmem:s5], [sflag:$0x1], $0x2800, s10, s9, $0x38;
	[tilespmem:$0x1B900] =	vst v63  }
0xe2: {  	_ =	swait.ge [sflag:s6], $0x2800  }
0xe3: {  	[sflag:s6] =	ssyncset.done $0x0  }
0xe4: {  	[sflag:s6] =	ssyncadd.s32 $0xFFFFD800  }
0xe5: {  	[tilespmem:s5], [sflag:$0x1] =	stream.linear.gather [spmem:s3], $0x2800, $0x38;
	[tilespmem:$0x1B900] =	vst v63  }
0xe6: {  	_ =	swait.ge [sflag:s6], $0x2800  }
0xe7: {  	[sflag:s6] =	ssyncset.done $0x0  }
0xe8: {  	s20 =	smov.u32 s29;
	s29 =	rddreg [dreg:$0x13];
	[sflag:s6] =	ssyncadd.s32 $0xFFFFD800  }
0xe9: {  	[hbm4b:s29+s9] =	stream.strided.scatter [tilespmem:s5], [sflag:$0x1], $0x2800, s10, s9, $0x38;
	[tilespmem:$0x1B900] =	vst v63  }
0xea: {  	_ =	swait.ge [sflag:s6], $0x2800  }
0xeb: {  	[sflag:s6] =	ssyncset.done $0x0  }
0xec: {  	s25 =	smov.u32 s0;
	s0 =	rddreg [dreg:$0x17];
	[sflag:s6] =	ssyncadd.s32 $0xFFFFD800  }
0xed: {  	[tilespmem:s5], [sflag:$0x1] =	stream.linear.gather [spmem:s0], $0x2800, $0x38;
	[tilespmem:$0x1B900] =	vst v63  }
0xee: {  	_ =	swait.ge [sflag:s6], $0x2800  }
0xef: {  	[sflag:s6] =	ssyncset.done $0x0  }
0xf0: {  	s30 =	rddreg [dreg:$0x14];
	[sflag:s6] =	ssyncadd.s32 $0xFFFFD800  }
0xf1: {  	[hbm4b:s30+s9] =	stream.strided.scatter [tilespmem:s5], [sflag:$0x1], $0x2800, s10, s9, $0x38;
	[tilespmem:$0x1B900] =	vst v63  }
0xf2: {  	_ =	swait.ge [sflag:s6], $0x2800  }
0xf3: {  	[sflag:s6] =	ssyncset.done $0x0  }
0xf4: {  	[sflag:s6] =	ssyncadd.s32 $0xFFFFD800  }
0xf5: {  	[tilespmem:s14], [sflag:$0x1] =	stream.linear.gather @!p0 [spmem:s28], $0x2800, $0x38;
	[tilespmem:$0x1B900] =	vst v63  }
0xf6: {  	_ =	swait.ge @!p0 [sflag:s15], $0x2800  }
0xf7: {  	[sflag:s15] =	ssyncset.done @!p0 $0x0  }
0xf8: {  	s7 =	rddreg [dreg:$0x15];
	[sflag:s15] =	ssyncadd.s32 @!p0 $0xFFFFD800  }
0xf9: {  	[hbm4b:s7+s13] =	stream.linear.scatter @!p0 [tilespmem:s14], [sflag:$0x1], $0x2800, $0x38;
	[tilespmem:$0x1B900] =	vst v63  }
0xfa: {  	_ =	swait.ge @!p0 [sflag:s15], $0x2800  }
0xfb: {  	s23 =	smov.u32 s31;
	s12 =	sadd.s32 $0x1, s12;
	s31 =	rddreg [dreg:$0x16]  }
0xfc: {  	p1 =	sne.s32 s12, s31  }
.Ltmp1:
0xfd: {  	_ = 	snop;
	(pc) =	sbr.rel @p1 .LBB2_1-.Ltmp1, $3  }
0xfe: {  	_ =	sdelay $0x1  }
0xff: {  	s16 =	smov.u32 s2;
	[sflag:s15] =	ssyncset.done @!p0 $0x0  }
0x100: {  	s17 =	smov.u32 s28;
	s26 =	smov.u32 s3;
	[sflag:s15] =	ssyncadd.s32 @!p0 $0xFFFFD800  }
0x101: {  	_ =	sfence.sel $0x180000  }
0x102: {  	[bflag:$0x0] =	sbarrier.arrive $0xFFFF  }
0x103: {  	_ =	strace $0x90000050  }
0x104: {  	s0 =	stileid.u32;
	[bflag:$0x2] =	sbarrier.arrive $0xFFFF  }
0x105: {  	p0 =	sne.s32 s0, $0x0;
	s0 =	rddreg [dreg:$0x3]  }
0x106: {  	s0 =	sadd.s32 @!p0 $0x100000, s0  }
0x107: {  	[sflag:s0] =	ssyncadd.tile.s32 @!p0 $0x1;
	_ =	shalt  }
.Lfunc_end2:
_tile_overlayer_lowered:
.L_overlay_start_2:
0x108: {  	(tag) =	ssettag $0x2  }
0x109: {  	s0 =	rddreg [dreg:$0x0];
	s2 =	stileid.u32  }
0x10a: {  	s1 =	rddreg [dreg:$0x1];
	p0 =	sne.s32 s2, $0x0  }
0x10b: {  	s3 =	rddreg [dreg:$0x2];
	[bflag:$0x3] =	sbarrier.arrive $0xFFFF;
	s2 =	simm.s32 @!p0 $0x1C01  }
0x10c: {  	[timem:s3], [sflag:s2] =	dma.local @!p0 [hbm:s0], s1  }
0x10d: {  	s0 =	simm.s32 @!p0 $0x1  }
0x10e: {  	_ =	swait.ge @!p0 [sflag:s0], s1  }
0x10f: {  	s1 =	ssub.s32 @!p0 $0x0, s1;
	[sflag:s0] =	ssyncset.done @!p0 $0x0  }
0x110: {  	[sflag:s0] =	ssyncadd.s32 @!p0 s1  }
0x111: {  	[bflag:$0x3] =	sbarrier.arrive $0xFFFF  }
0x112: {  	_ =	shalt  }

// kernel: kernel.31.cloned.1.call-start
scs
__scs_entry_jumppad:
0x0: {  	(pc) =	sbr.rel $0x88, $3  }
0x1: {  	(tag) =	ssettag $0x0;
	lr =	simm.s32 $0x1  }
0x2: {  	[smem:$0x3F92] =	sst lr;
	_ =	strace $0xD0000000  }
0x3: {  	_ = 	snop  }
0x4: {  	_ = 	snop  }
0x5: {  	_ = 	snop  }
0x6: {  	_ = 	snop  }
0x7: {  	_ = 	snop  }
__scs_overlays_trampoline_lowered:
0x8: {  	[smem:$0x3FA1] =	sst s0  }
0x9: {  	[smem:$0x3FA2] =	sst s1  }
0xa: {  	[smem:$0x3FA3] =	sst s2  }
0xb: {  	[smem:$0x3FA4] =	sst s3  }
0xc: {  	[smem:$0x3FA5] =	sst s4  }
0xd: {  	[smem:$0x3FA6] =	sst s5  }
0xe: {  	[smem:$0x3FA7] =	sst s6  }
0xf: {  	[smem:$0x3FA8] =	sst s7  }
0x10: {  	[smem:$0x3FA9] =	sst s8  }
0x11: {  	[smem:$0x3FAA] =	sst s9;
	s0 =	simm.s32 @!p0 $0x0  }
0x12: {  	s1 =	sld [smem:$0x3F90];
	s0 =	simm.s32 @p0 $0x1  }
0x13: {  	[smem:$0x3FAB] =	sst s0;
	s0 =	simm.s32 @!p1 $0x0  }
0x14: {  	s2 =	sld [smem:$0x3F8F];
	s0 =	simm.s32 @p1 $0x1  }
0x15: {  	[smem:$0x3FAC] =	sst s0;
	s0 =	simm.s32 @!p2 $0x0  }
0x16: {  	s3 =	sld [smem:$0x3FDB];
	s0 =	simm.s32 @p2 $0x1  }
0x17: {  	s4 =	simm.s32 $0x1BF5;
	[smem:$0x3FAE] =	sst s0  }
0x18: {  	s0 =	sld [smem:$0x3F91];
	_ =	swait.ge [sflag:s4], $0x0  }
0x19: {  	s7 =	sld [smem:$0x3F92]  }
0x1a: {  	s8 =	sadd.s32 $0xFFFFE003, lr  }
0x1b: {  	s9 =	sadd.s32 $0xFFFFFEF7, lr;
	s5 =	simm.s32 $0xFFFFFFFF;
	p2 =	slt.u32 s8, $0xFFFFF086  }
0x1c: {  	p1 =	slt.u32 s9, $0xF7A;
	s5 =	simm.s32 @!p2 $0x0  }
0x1d: {  	s5 =	simm.s32 @p1 $0x1;
	p0 =	seq.s32 s7, s2  }
0x1e: {  	s7 =	smul.u32 @!p0 $0xF7A, s2;
	p2 =	seq.s32 @!p0 s5, $0x0  }
0x1f: {  	s9 =	smul.u32 $0xF7A, s1;
	s8 =	simm.s32 @!p0 $0x1BF5;
	p2 =	por !p2, p0  }
0x20: {  	[sflag:s8] =	ssyncset.s32 @!p0 $0xFFFFF086;
	s6 =	sadd.s32 @!p0 s3, s7;
	s7 =	simm.s32 @!p0 $0x108  }
0x21: {  	s3 =	sadd.s32 s3, s9;
	s6 =	sadd.s32 @!p0 $0x88, s6;
	s7 =	simm.s32 @p2 $0x1082  }
0x22: {  	[simem:s7], [sflag:s8] =	dma.local @!p0 [hbm:s6], $0xF7A  }
0x23: {  	s9 =	sor.u32 $0xD0000000, s2;
	s6 =	simm.s32 $0x108;
	_ =	swait.ge @!p0 [sflag:s8], $0x0  }
0x24: {  	s3 =	sadd.s32 $0x88, s3;
	s6 =	simm.s32 @!p1 $0x1082;
	[sflag:s4] =	ssyncset.s32 $0xFFFFF086  }
0x25: {  	[simem:s6], [sflag:s4] =	dma.local [hbm:s3], $0xF7A  }
0x26: {  	[smem:$0x3F92] =	sst s1;
	(tag) =	ssettag s2;
	_ =	strace s9  }
0x27: {  	s1 =	sld [smem:$0x3FA2]  }
0x28: {  	s2 =	sld [smem:$0x3FA3]  }
0x29: {  	s4 =	sld [smem:$0x3FA5]  }
0x2a: {  	p0 =	seq.s32 s5, $0x0;
	s5 =	sld [smem:$0x3FA6]  }
0x2b: {  	s6 =	sld [smem:$0x3FA7]  }
0x2c: {  	s7 =	sld [smem:$0x3FA8]  }
0x2d: {  	s3 =	simm.s32 $0x108;
	s8 =	sld [smem:$0x3FA9]  }
0x2e: {  	s3 =	simm.s32 @!p0 $0x1082;
	s9 =	sld [smem:$0x3FAA]  }
0x2f: {  	lr =	sadd.s32 s0, s3;
	s0 =	sld [smem:$0x3FA1]  }
0x30: {  	s3 =	sld [smem:$0x3FA4]  }
0x31: {  	[smem:$0x3FAD] =	sst s10  }
0x32: {  	s10 =	sld [smem:$0x3FAB];
	_ =	sdelay $0x3  }
0x33: {  	p0 =	seq.s32 s10, $0x1;
	s10 =	sld [smem:$0x3FAD];
	_ =	sdelay $0x3  }
0x34: {  	[smem:$0x3FAD] =	sst s10  }
0x35: {  	s10 =	sld [smem:$0x3FAC];
	_ =	sdelay $0x3  }
0x36: {  	p1 =	seq.s32 s10, $0x1;
	s10 =	sld [smem:$0x3FAD];
	_ =	sdelay $0x3  }
0x37: {  	[smem:$0x3FAD] =	sst s10  }
0x38: {  	s10 =	sld [smem:$0x3FAE]  }
0x39: {  	_ = 	snop;
	(pc) =	sbr.ind lr, $3  }
0x3a: {  	_ = 	snop  }
0x3b: {  	_ = 	snop  }
0x3c: {  	p2 =	seq.s32 s10, $0x1;
	s10 =	sld [smem:$0x3FAD]  }
0x3d: {  	_ =	shalt  }
0x3e: {  	_ =	shalt  }
0x3f: {  	_ =	shalt  }
0x40: {  	_ =	shalt  }
0x41: {  	_ =	shalt  }
0x42: {  	_ =	shalt  }
0x43: {  	_ =	shalt  }
0x44: {  	_ =	shalt  }
0x45: {  	_ =	shalt  }
0x46: {  	_ =	shalt  }
0x47: {  	_ =	shalt  }
0x48: {  	_ =	shalt  }
0x49: {  	_ =	shalt  }
0x4a: {  	_ =	shalt  }
0x4b: {  	_ =	shalt  }
0x4c: {  	_ =	shalt  }
0x4d: {  	_ =	shalt  }
0x4e: {  	_ =	shalt  }
0x4f: {  	_ =	shalt  }
0x50: {  	_ =	shalt  }
0x51: {  	_ =	shalt  }
0x52: {  	_ =	shalt  }
0x53: {  	_ =	shalt  }
0x54: {  	_ =	shalt  }
0x55: {  	_ =	shalt  }
0x56: {  	_ =	shalt  }
0x57: {  	_ =	shalt  }
0x58: {  	_ =	shalt  }
0x59: {  	_ =	shalt  }
0x5a: {  	_ =	shalt  }
0x5b: {  	_ =	shalt  }
0x5c: {  	_ =	shalt  }
0x5d: {  	_ =	shalt  }
0x5e: {  	_ =	shalt  }
0x5f: {  	_ =	shalt  }
0x60: {  	_ =	shalt  }
0x61: {  	_ =	shalt  }
0x62: {  	_ =	shalt  }
0x63: {  	_ =	shalt  }
0x64: {  	_ =	shalt  }
0x65: {  	_ =	shalt  }
0x66: {  	_ =	shalt  }
0x67: {  	_ =	shalt  }
0x68: {  	_ =	shalt  }
0x69: {  	_ =	shalt  }
0x6a: {  	_ =	shalt  }
0x6b: {  	_ =	shalt  }
0x6c: {  	_ =	shalt  }
0x6d: {  	_ =	shalt  }
0x6e: {  	_ =	shalt  }
0x6f: {  	_ =	shalt  }
0x70: {  	_ =	shalt  }
0x71: {  	_ =	shalt  }
0x72: {  	_ =	shalt  }
0x73: {  	_ =	shalt  }
0x74: {  	_ =	shalt  }
0x75: {  	_ =	shalt  }
0x76: {  	_ =	shalt  }
0x77: {  	_ =	shalt  }
0x78: {  	_ =	shalt  }
0x79: {  	_ =	shalt  }
0x7a: {  	_ =	shalt  }
0x7b: {  	_ =	shalt  }
0x7c: {  	_ =	shalt  }
0x7d: {  	_ =	shalt  }
0x7e: {  	_ =	shalt  }
0x7f: {  	_ =	shalt  }
0x80: {  	_ =	shalt  }
0x81: {  	_ =	shalt  }
0x82: {  	_ =	shalt  }
0x83: {  	_ =	shalt  }
0x84: {  	_ =	shalt  }
0x85: {  	_ =	shalt  }
0x86: {  	_ =	shalt  }
0x87: {  	_ =	shalt  }
.Lfunc_end0:
.L_simem_size_0:
called_computation.4_lowered:
.L_overlay_start_0:
0x88: {  	s2 =	sld [smem:$0x3FD9]  }
0x89: {  	s3 =	sld [smem:$0x3FFE];
	_ =	sdelay $0x1  }
0x8a: {  	s1 =	srdreg.scid  }
0x8b: {  	s0 =	sand.u32 $0x1, s1  }
0x8c: {  	s16 =	sshll.u32 s0, $0xA;
	s2 =	sadd.s32 s3, s2  }
0x8d: {  	s2 =	sadd.s32 s2, s16  }
0x8e: {  	[smem:$0x3FB9] =	sst s2  }
0x8f: {  	_ = 	snop  }
0x90: {  	(tm) =	ssettm $0x1  }
0x91: {  	s17 =	sld [smem:$0x3FFB];
	_ =	sdelay $0x3  }
0x92: {  	_ =	strace s17  }
0x93: {  	s2 =	sld [smem:$0x3FFC];
	_ =	sdelay $0x3  }
0x94: {  	_ =	strace s2  }
0x95: {  	s2 =	sld [smem:$0x3FFD];
	_ =	sdelay $0x3  }
0x96: {  	_ =	strace s2  }
0x97: {  	_ =	strace $0x8FFFFFFF  }
0x98: {  	s18 =	sld [smem:$0x3FDB];
	_ =	sdelay $0x1  }
0x99: {  	s19 =	simm.s32 $_scs_section_size  }
0x9a: {  	s4 =	simm.s32 $_size__tile_overlayer_lowered;
	s5 =	simm.s32 $_tile_overlayer_lowered  }
0x9b: {  	s22 =	simm.s32 $0x1BFF;
	s21 =	sshll.u32 s5, $0x1;
	s2 =	sadd.s32 s19, s18  }
0x9c: {  	s6 =	simm.s32 $0x0;
	s20 =	sshll.u32 s4, $0x1;
	s4 =	sadd.s32 s21, s2  }
0x9d: {  	[timem:s6], [sflag:s22] =	dma.local [hbm:s4], s20  }
0x9e: {  	_ =	swait.ge [sflag:s22], s20  }
0x9f: {  	s3 =	ssub.s32 $0x0, s20;
	[sflag:s22] =	ssyncset.done $0x0  }
0xa0: {  	[sflag:s22] =	ssyncadd.s32 s3;
	_ =	sdelay $0x1  }
0xa1: {  	s23 =	simm.s32 $0x1B8B  }
0xa2: {  	_ =	swait.ge [sflag:s23], $0x1  }
0xa3: {  	[sflag:s23] =	ssyncset.done $0x0  }
0xa4: {  	s25 =	simm.s32 $0x1B8E;
	s24 =	sld [smem:$0x3FFE];
	[sflag:s23] =	ssyncadd.s32 $0xFFFFFFFF  }
0xa5: {  	s26 =	simm.s32 $execute0_lowered;
	[smem:$0x3FD2] =	sst s25  }
0xa6: {  	s4 =	sshll.u32 s26, $0x1;
	_ =	strace $0x80000052;
	[dreg:$0x1] =	wrdreg $0xFFFFFFFF  }
0xa7: {  	s28 =	simm.s32 $_size_execute0_lowered;
	s2 =	sadd.s32 s2, s4;
	[dreg:$0x0] =	wrdreg $0x0  }
0xa8: {  	s4 =	sshll.u32 s28, $0x1;
	[dreg:$0x2] =	wrdreg s2  }
0xa9: {  	[dreg:$0x3] =	wrdreg s4  }
0xaa: {  	[dreg:$0x4] =	wrdreg $0xC0  }
0xab: {  	_ =	task [dreg:s6], $0x5FFFF  }
0xac: {  	[dreg:$0x1] =	wrdreg $0xFFFFFFFF  }
0xad: {  	[dreg:$0x0] =	wrdreg $0x60  }
0xae: {  	[dreg:$0x2] =	wrdreg s24  }
0xaf: {  	[dreg:$0x3] =	wrdreg $0x9  }
0xb0: {  	_ =	task.clear_ibuf [dreg:s6], $0x4FFFF;
	_ =	strace $0x90000052  }
0xb1: {  	s29 =	simm.s32 $0x9;
	_ =	strace $0x80000054  }
0xb2: {  	_ =	swait.ge [sflag:s29], $0x1  }
0xb3: {  	[sflag:s29] =	ssyncadd.s32 $0xFFFFFFFF  }
0xb4: {  	_ =	strace $0x90000054  }
0xb5: {  	_ =	sfence  }
0xb6: {  	s30 =	sld [smem:$0x0];
	_ =	sdelay $0x2  }
0xb7: {  	s31 =	sshll.u32 s1, $0xD;
	s1 =	sshrl.u32 s1, $0x2  }
0xb8: {  	s3 =	sand.u32 $0x4000, s31;
	s1 =	sadd.s32 s1, s30  }
0xb9: {  	s0 =	sor.u32 s3, s0;
	s1 =	sshll.u32 s1, $0x11  }
0xba: {  	s0 =	sor.u32 s1, s0  }
0xbb: {  	s0 =	sadd.s32 $0x8F2B, s0  }
0xbc: {  	[sflag:s0] =	ssyncadd.remote.s32 $0x1  }
0xbd: {  	_ =	sfence.sel $0xFFFF  }
0xbe: {  	[dreg:$0x0] =	wrdreg $0xFFFFFFFF;
	(pc) =	sbr.abs _section_cstart, $3  }
0xbf: {  	[dreg:$0x1] =	wrdreg $0xFFFFFFFF  }
0xc0: {  	_ =	task.clear_ibuf [dreg:s6], $0x2FFFF;
	_ =	strace $0x9FFFFFFF  }
0xc1: {  	(tm) =	ssettm $0x7FFFFFFF  }
tec
execute0_lowered:
.L_overlay_start_1:
0x0: {  	(tag) =	ssettag $0x1  }
0x1: {  	s0 =	rddreg [dreg:$0x0]  }
0x2: {  	s3 =	srdreg.scid;
	s1 =	stileid.u32;
	s2 =	simm.s32 $0x0  }
0x3: {  	s25 =	simm.s32 $0x80;
	s26 =	simm.s32 $0x900;
	s30 =	simm.s32 $0x1100  }
0x4: {  	s31 =	simm.s32 $0x1900;
	s10 =	simm.s32 $0x2100;
	s11 =	simm.s32 $0x2900  }
0x5: {  	s12 =	simm.s32 $0x3100;
	s13 =	simm.s32 $0x3900;
	s14 =	simm.s32 $0x4100  }
0x6: {  	s15 =	simm.s32 $0x4900;
	s16 =	simm.s32 $0x5100;
	s17 =	simm.s32 $0x5900  }
0x7: {  	s18 =	simm.s32 $0x6100;
	s19 =	simm.s32 $0x6900;
	s20 =	simm.s32 $0x7100  }
0x8: {  	s21 =	simm.s32 $0x7900;
	s28 =	simm.s32 $0x2;
	s29 =	simm.s32 $0x0  }
0x9: {  	s5 =	sand.u32 $0x1, s3;
	s4 =	smul.u32 $0x4E20, s1;
	[smem:$0x7FF] =	sst s2  }
0xa: {  	s7 =	smul.u32 $0x9C400, s1;
	_ =	strace $0x80000053;
	[dreg:$0x4] =	wrdreg s25  }
0xb: {  	s3 =	sadd.s32 $0x9AC00, s0;
	s6 =	smul.u32 $0x2710, s5;
	[dreg:$0x5] =	wrdreg s26  }
0xc: {  	s8 =	ssub.s32 $0x2, s5;
	s23 =	smul.u32 $0x4E200, s5;
	[dreg:$0x6] =	wrdreg s30  }
0xd: {  	[dreg:$0x7] =	wrdreg s31;
	s25 =	simm.s32 $0x9900;
	s6 =	sadd.s32 s6, s4  }
0xe: {  	s22 =	sshrl.u32 s8, $0x1;
	s4 =	sadd.s32 $0xF0800, s0;
	s6 =	sshrl.u32 s6, $0x3  }
0xf: {  	s6 =	sadd.s32 s6, s0;
	s0 =	sadd.s32 s7, s0;
	s7 =	ssub.s32 s8, s22  }
0x10: {  	s26 =	simm.s32 $0x1;
	s8 =	simm.s32 $0x3;
	s24 =	smax.u32 s7, $0x1  }
0x11: {  	s22 =	simm.s32 $0x8100;
	s9 =	sadd.s32 $0x12C00, s6;
	[dreg:$0x8] =	wrdreg s24  }
0x12: {  	v2 =	vlaneseq.u32;
	s6 =	sadd.s32 $0x8E00, s6;
	s0 =	sadd.s32 s23, s0;
	[dreg:$0x2] =	wrdreg s9  }
0x13: {  	vm0 =	vmmov $0xffff;
	v1 =	vshrl.u32 v2, $0x3;
	s23 =	simm.s32 $0x8900;
	[dreg:$0x3] =	wrdreg s6;
	s6 =	sadd.s32 $0x13EA00, s0  }
0x14: {  	v0 =	vand.u32 $0x7, v2;
	v2 =	vor.u32 $0x8, v2;
	v1 =	vmul.u32 $0x8, v1;
	s7 =	sadd.s32 $0x197B200, s0;
	s9 =	simm.s32 $0x100;
	s24 =	simm.s32 $0x9100  }
.LBB2_1:
0x15: {  	s30 =	smov.u32 s7;
	s31 =	smov.u32 s6;
	s0 =	simm.s32 $0x0  }
.LBB2_2:
0x16: {  	s1 =	rddreg [dreg:$0x3]  }
0x17: {  	s1 =	sadd.s32 s0, s1  }
0x18: {  	[tilespmem:s2], [sflag:$0x3] =	stream.linear.gather [hbm4b:s1+s2], $0x50, $0x38;
	[tilespmem:$0xA100] =	vst v63  }
0x19: {  	_ =	swait.ge [sflag:s8], $0x50  }
0x1a: {  	s1 =	rddreg [dreg:$0x2];
	[sflag:s8] =	ssyncset.done $0x0  }
0x1b: {  	s5 =	rddreg [dreg:$0x4];
	[sflag:s8] =	ssyncadd.s32 $0xFFFFFFB0;
	s1 =	sadd.s32 s0, s1  }
0x1c: {  	[tilespmem:s5], [sflag:$0x3] =	stream.linear.gather [hbm4b:s1+s2], $0x50, $0x38;
	[tilespmem:$0xA100] =	vst v63  }
0x1d: {  	_ =	swait.ge [sflag:s8], $0x50  }
0x1e: {  	[sflag:s8] =	ssyncset.done $0x0  }
0x1f: {  	[sflag:s8] =	ssyncadd.s32 $0xFFFFFFB0  }
0x20: {  	v3 =	vld [tilespmem:$0x0];
	_ =	sdelay $0x4  }
0x21: {  	v4 =	vshll.u32 v3, $0x1  }
0x22: {  	v3 =	vand.u32 $0x7, v3;
	v4 =	vand.u32 $0xFFFFFFF0, v4  }
0x23: {  	v3 =	vor.u32 v3, v4  }
0x24: {  	v4 =	vperm.xlane v3, v0;
	_ =	sdelay $0x1  }
0x25: {  	v3 =	vperm.xlane v3, v2;
	v4 =	vadd.s32 v1, v4;
	_ =	sdelay $0x1  }
0x26: {  	v3 =	vadd.s32 v1, v3;
	_ =	sdelay $0x2  }
0x27: {  	[tilespmem:s9], [sflag:$0x1] =	stream.indirect_vreg.gather [hbm4b:s3+s2], $0x80, v4, vm0, $0xb8;
	[tilespmem:$0xA100] =	vst v63  }
0x28: {  	s5 =	rddreg [dreg:$0x5]  }
0x29: {  	[tilespmem:s5], [sflag:$0x1] =	stream.indirect_vreg.gather [hbm4b:s3+s2], $0x80, v3, vm0, $0xb8;
	[tilespmem:$0xA100] =	vst v63  }
0x2a: {  	v3 =	vld [tilespmem:$0x10];
	_ =	sdelay $0x4  }
0x2b: {  	v55 =	vshll.u32 v3, $0x1  }
0x2c: {  	v3 =	vand.u32 $0x7, v3;
	v4 =	vand.u32 $0xFFFFFFF0, v55  }
0x2d: {  	v3 =	vor.u32 v3, v4  }
0x2e: {  	v4 =	vperm.xlane v3, v0;
	_ =	sdelay $0x1  }
0x2f: {  	v3 =	vperm.xlane v3, v2;
	v4 =	vadd.s32 v1, v4;
	_ =	sdelay $0x1  }
0x30: {  	v3 =	vadd.s32 v1, v3;
	_ =	sdelay $0x1  }
0x31: {  	s1 =	rddreg [dreg:$0x6]  }
0x32: {  	[tilespmem:s1], [sflag:$0x1] =	stream.indirect_vreg.gather [hbm4b:s3+s2], $0x80, v4, vm0, $0xb8;
	[tilespmem:$0xA100] =	vst v63  }
0x33: {  	s5 =	rddreg [dreg:$0x7]  }
0x34: {  	[tilespmem:s5], [sflag:$0x1] =	stream.indirect_vreg.gather [hbm4b:s3+s2], $0x80, v3, vm0, $0xb8;
	[tilespmem:$0xA100] =	vst v63  }
0x35: {  	v3 =	vld [tilespmem:$0x20];
	_ =	sdelay $0x4  }
0x36: {  	v56 =	vshll.u32 v3, $0x1  }
0x37: {  	v3 =	vand.u32 $0x7, v3;
	v4 =	vand.u32 $0xFFFFFFF0, v56  }
0x38: {  	v3 =	vor.u32 v3, v4  }
0x39: {  	v4 =	vperm.xlane v3, v0;
	_ =	sdelay $0x1  }
0x3a: {  	v3 =	vperm.xlane v3, v2;
	v4 =	vadd.s32 v1, v4;
	_ =	sdelay $0x1  }
0x3b: {  	v3 =	vadd.s32 v1, v3;
	_ =	sdelay $0x2  }
0x3c: {  	[tilespmem:s10], [sflag:$0x1] =	stream.indirect_vreg.gather [hbm4b:s3+s2], $0x80, v4, vm0, $0xb8;
	[tilespmem:$0xA100] =	vst v63  }
0x3d: {  	_ = 	snop  }
0x3e: {  	[tilespmem:s11], [sflag:$0x1] =	stream.indirect_vreg.gather [hbm4b:s3+s2], $0x80, v3, vm0, $0xb8;
	[tilespmem:$0xA100] =	vst v63  }
0x3f: {  	v3 =	vld [tilespmem:$0x30];
	_ =	sdelay $0x4  }
0x40: {  	v57 =	vshll.u32 v3, $0x1  }
0x41: {  	v3 =	vand.u32 $0x7, v3;
	v4 =	vand.u32 $0xFFFFFFF0, v57  }
0x42: {  	v3 =	vor.u32 v3, v4  }
0x43: {  	v4 =	vperm.xlane v3, v0;
	_ =	sdelay $0x1  }
0x44: {  	v3 =	vperm.xlane v3, v2;
	v4 =	vadd.s32 v1, v4;
	_ =	sdelay $0x1  }
0x45: {  	v3 =	vadd.s32 v1, v3;
	_ =	sdelay $0x2  }
0x46: {  	[tilespmem:s12], [sflag:$0x1] =	stream.indirect_vreg.gather [hbm4b:s3+s2], $0x80, v4, vm0, $0xb8;
	[tilespmem:$0xA100] =	vst v63  }
0x47: {  	_ = 	snop  }
0x48: {  	[tilespmem:s13], [sflag:$0x1] =	stream.indirect_vreg.gather [hbm4b:s3+s2], $0x80, v3, vm0, $0xb8;
	[tilespmem:$0xA100] =	vst v63  }
0x49: {  	v3 =	vld [tilespmem:$0x40];
	_ =	sdelay $0x4  }
0x4a: {  	v58 =	vshll.u32 v3, $0x1  }
0x4b: {  	v3 =	vand.u32 $0x7, v3;
	v4 =	vand.u32 $0xFFFFFFF0, v58  }
0x4c: {  	v3 =	vor.u32 v3, v4  }
0x4d: {  	v4 =	vperm.xlane v3, v0;
	_ =	sdelay $0x1  }
0x4e: {  	v3 =	vperm.xlane v3, v2;
	v4 =	vadd.s32 v1, v4;
	_ =	sdelay $0x1  }
0x4f: {  	v3 =	vadd.s32 v1, v3;
	_ =	sdelay $0x2  }
0x50: {  	[tilespmem:s14], [sflag:$0x1] =	stream.indirect_vreg.gather [hbm4b:s3+s2], $0x80, v4, vm0, $0xb8;
	[tilespmem:$0xA100] =	vst v63  }
0x51: {  	_ = 	snop  }
0x52: {  	[tilespmem:s15], [sflag:$0x1] =	stream.indirect_vreg.gather [hbm4b:s3+s2], $0x80, v3, vm0, $0xb8;
	[tilespmem:$0xA100] =	vst v63  }
0x53: {  	v3 =	vld [tilespmem:$0x80];
	_ =	sdelay $0x4  }
0x54: {  	v59 =	vshll.u32 v3, $0x1  }
0x55: {  	v3 =	vand.u32 $0x7, v3;
	v4 =	vand.u32 $0xFFFFFFF0, v59  }
0x56: {  	v3 =	vor.u32 v3, v4  }
0x57: {  	v4 =	vperm.xlane v3, v0;
	_ =	sdelay $0x1  }
0x58: {  	v3 =	vperm.xlane v3, v2;
	v4 =	vadd.s32 v1, v4;
	_ =	sdelay $0x1  }
0x59: {  	v3 =	vadd.s32 v1, v3;
	_ =	sdelay $0x2  }
0x5a: {  	[tilespmem:s16], [sflag:$0x2] =	stream.indirect_vreg.gather [hbm4b:s4+s2], $0x80, v4, vm0, $0xb8;
	[tilespmem:$0xA100] =	vst v63  }
0x5b: {  	_ = 	snop  }
0x5c: {  	[tilespmem:s17], [sflag:$0x2] =	stream.indirect_vreg.gather [hbm4b:s4+s2], $0x80, v3, vm0, $0xb8;
	[tilespmem:$0xA100] =	vst v63  }
0x5d: {  	v3 =	vld [tilespmem:$0x90];
	_ =	sdelay $0x4  }
0x5e: {  	v60 =	vshll.u32 v3, $0x1  }
0x5f: {  	v3 =	vand.u32 $0x7, v3;
	v4 =	vand.u32 $0xFFFFFFF0, v60  }
0x60: {  	v3 =	vor.u32 v3, v4  }
0x61: {  	v4 =	vperm.xlane v3, v0;
	_ =	sdelay $0x1  }
0x62: {  	v3 =	vperm.xlane v3, v2;
	v4 =	vadd.s32 v1, v4;
	_ =	sdelay $0x1  }
0x63: {  	v3 =	vadd.s32 v1, v3;
	_ =	sdelay $0x2  }
0x64: {  	[tilespmem:s18], [sflag:$0x2] =	stream.indirect_vreg.gather [hbm4b:s4+s2], $0x80, v4, vm0, $0xb8;
	[tilespmem:$0xA100] =	vst v63  }
0x65: {  	_ = 	snop  }
0x66: {  	[tilespmem:s19], [sflag:$0x2] =	stream.indirect_vreg.gather [hbm4b:s4+s2], $0x80, v3, vm0, $0xb8;
	[tilespmem:$0xA100] =	vst v63  }
0x67: {  	v3 =	vld [tilespmem:$0xA0];
	_ =	sdelay $0x4  }
0x68: {  	v61 =	vshll.u32 v3, $0x1  }
0x69: {  	v3 =	vand.u32 $0x7, v3;
	v4 =	vand.u32 $0xFFFFFFF0, v61  }
0x6a: {  	v3 =	vor.u32 v3, v4  }
0x6b: {  	v4 =	vperm.xlane v3, v0;
	_ =	sdelay $0x1  }
0x6c: {  	v3 =	vperm.xlane v3, v2;
	v4 =	vadd.s32 v1, v4;
	_ =	sdelay $0x1  }
0x6d: {  	v3 =	vadd.s32 v1, v3;
	_ =	sdelay $0x2  }
0x6e: {  	[tilespmem:s20], [sflag:$0x2] =	stream.indirect_vreg.gather [hbm4b:s4+s2], $0x80, v4, vm0, $0xb8;
	[tilespmem:$0xA100] =	vst v63  }
0x6f: {  	_ = 	snop  }
0x70: {  	[tilespmem:s21], [sflag:$0x2] =	stream.indirect_vreg.gather [hbm4b:s4+s2], $0x80, v3, vm0, $0xb8;
	[tilespmem:$0xA100] =	vst v63  }
0x71: {  	v3 =	vld [tilespmem:$0xB0];
	_ =	sdelay $0x4  }
0x72: {  	v62 =	vshll.u32 v3, $0x1  }
0x73: {  	v3 =	vand.u32 $0x7, v3;
	v4 =	vand.u32 $0xFFFFFFF0, v62  }
0x74: {  	v3 =	vor.u32 v3, v4  }
0x75: {  	v4 =	vperm.xlane v3, v0;
	_ =	sdelay $0x1  }
0x76: {  	v3 =	vperm.xlane v3, v2;
	v4 =	vadd.s32 v1, v4;
	_ =	sdelay $0x1  }
0x77: {  	v3 =	vadd.s32 v1, v3;
	_ =	sdelay $0x2  }
0x78: {  	[tilespmem:s22], [sflag:$0x2] =	stream.indirect_vreg.gather [hbm4b:s4+s2], $0x80, v4, vm0, $0xb8;
	[tilespmem:$0xA100] =	vst v63  }
0x79: {  	_ = 	snop  }
0x7a: {  	[tilespmem:s23], [sflag:$0x2] =	stream.indirect_vreg.gather [hbm4b:s4+s2], $0x80, v3, vm0, $0xb8;
	[tilespmem:$0xA100] =	vst v63  }
0x7b: {  	v3 =	vld [tilespmem:$0xC0];
	_ =	sdelay $0x4  }
0x7c: {  	v63 =	vshll.u32 v3, $0x1  }
0x7d: {  	v3 =	vand.u32 $0x7, v3;
	v4 =	vand.u32 $0xFFFFFFF0, v63  }
0x7e: {  	v3 =	vor.u32 v3, v4  }
0x7f: {  	v4 =	vperm.xlane v3, v0;
	_ =	sdelay $0x1  }
0x80: {  	v3 =	vperm.xlane v3, v2;
	v4 =	vadd.s32 v1, v4;
	_ =	sdelay $0x1  }
0x81: {  	v3 =	vadd.s32 v1, v3;
	_ =	sdelay $0x2  }
0x82: {  	[tilespmem:s24], [sflag:$0x2] =	stream.indirect_vreg.gather [hbm4b:s4+s2], $0x80, v4, vm0, $0xb8;
	[tilespmem:$0xA100] =	vst v63  }
0x83: {  	_ = 	snop  }
0x84: {  	[tilespmem:s25], [sflag:$0x2] =	stream.indirect_vreg.gather [hbm4b:s4+s2], $0x80, v3, vm0, $0xb8;
	[tilespmem:$0xA100] =	vst v63  }
0x85: {  	_ =	swait.ge [sflag:s26], $0x5000  }
0x86: {  	[sflag:s26] =	ssyncset.done $0x0  }
0x87: {  	[sflag:s26] =	ssyncadd.s32 $0xFFFFB000  }
0x88: {  	_ =	swait.ge [sflag:s28], $0x5000  }
0x89: {  	[sflag:s28] =	ssyncset.done $0x0  }
0x8a: {  	[sflag:s28] =	ssyncadd.s32 $0xFFFFB000  }
0x8b: {  	[hbm4b:s31+s2] =	stream.linear.scatter [tilespmem:s9], [sflag:$0x3], $0x5000, $0x38;
	[tilespmem:$0xA100] =	vst v63  }
0x8c: {  	_ =	swait.ge [sflag:s8], $0x5000  }
0x8d: {  	p0 =	sne.s32 s0, $0x4D8;
	[sflag:s8] =	ssyncset.done $0x0  }
.Ltmp0:
0x8e: {  	[sflag:s8] =	ssyncadd.s32 $0xFFFFB000;
	(pc) =	sbr.rel @p0 .LBB2_2-.Ltmp0, $4  }
0x8f: {  	[hbm4b:s30+s2] =	stream.linear.scatter [tilespmem:s16], [sflag:$0x3], $0x5000, $0x38;
	[tilespmem:$0xA100] =	vst v63  }
0x90: {  	_ =	swait.ge [sflag:s8], $0x5000  }
0x91: {  	s0 =	sadd.s32 $0xA, s0;
	[sflag:s8] =	ssyncset.done $0x0  }
0x92: {  	s31 =	sadd.s32 $0xA00, s31;
	s30 =	sadd.s32 $0xA00, s30;
	[sflag:s8] =	ssyncadd.s32 $0xFFFFB000  }
0x93: {  	s29 =	sadd.s32 $0x1, s29;
	s0 =	rddreg [dreg:$0x8]  }
0x94: {  	p0 =	sne.s32 s29, s0  }
.Ltmp1:
0x95: {  	_ = 	snop;
	(pc) =	sbr.rel @p0 .LBB2_1-.Ltmp1, $1  }
0x96: {  	_ =	sdelay $0x3  }
0x97: {  	_ =	sfence.sel $0x180000  }
0x98: {  	[bflag:$0x0] =	sbarrier.arrive $0xFFFF  }
0x99: {  	_ =	strace $0x90000053  }
0x9a: {  	s0 =	stileid.u32;
	[bflag:$0x2] =	sbarrier.arrive $0xFFFF  }
0x9b: {  	p0 =	sne.s32 s0, $0x0;
	s0 =	rddreg [dreg:$0x1]  }
0x9c: {  	s0 =	sadd.s32 @!p0 $0x100000, s0  }
0x9d: {  	[sflag:s0] =	ssyncadd.tile.s32 @!p0 $0x1;
	_ =	shalt  }
.Lfunc_end2:
_tile_overlayer_lowered:
.L_overlay_start_2:
0x9e: {  	(tag) =	ssettag $0x2  }
0x9f: {  	s0 =	rddreg [dreg:$0x0];
	s2 =	stileid.u32  }
0xa0: {  	s1 =	rddreg [dreg:$0x1];
	p0 =	sne.s32 s2, $0x0  }
0xa1: {  	s3 =	rddreg [dreg:$0x2];
	[bflag:$0x3] =	sbarrier.arrive $0xFFFF;
	s2 =	simm.s32 @!p0 $0x1C03  }
0xa2: {  	[timem:s3], [sflag:s2] =	dma.local @!p0 [hbm:s0], s1  }
0xa3: {  	s0 =	simm.s32 @!p0 $0x3  }
0xa4: {  	_ =	swait.ge @!p0 [sflag:s0], s1  }
0xa5: {  	s1 =	ssub.s32 @!p0 $0x0, s1;
	[sflag:s0] =	ssyncset.done @!p0 $0x0  }
0xa6: {  	[sflag:s0] =	ssyncadd.s32 @!p0 s1  }
0xa7: {  	[bflag:$0x3] =	sbarrier.arrive $0xFFFF  }
0xa8: {  	_ =	shalt  }

// kernel: kernel.34.cloned.1.call-start
scs
__scs_entry_jumppad:
0x0: {  	(pc) =	sbr.rel $0x88, $3  }
0x1: {  	(tag) =	ssettag $0x0;
	lr =	simm.s32 $0x1  }
0x2: {  	[smem:$0x3F92] =	sst lr;
	_ =	strace $0xD0000000  }
0x3: {  	_ = 	snop  }
0x4: {  	_ = 	snop  }
0x5: {  	_ = 	snop  }
0x6: {  	_ = 	snop  }
0x7: {  	_ = 	snop  }
__scs_overlays_trampoline_lowered:
0x8: {  	[smem:$0x3FA1] =	sst s0  }
0x9: {  	[smem:$0x3FA2] =	sst s1  }
0xa: {  	[smem:$0x3FA3] =	sst s2  }
0xb: {  	[smem:$0x3FA4] =	sst s3  }
0xc: {  	[smem:$0x3FA5] =	sst s4  }
0xd: {  	[smem:$0x3FA6] =	sst s5  }
0xe: {  	[smem:$0x3FA7] =	sst s6  }
0xf: {  	[smem:$0x3FA8] =	sst s7  }
0x10: {  	[smem:$0x3FA9] =	sst s8  }
0x11: {  	[smem:$0x3FAA] =	sst s9;
	s0 =	simm.s32 @!p0 $0x0  }
0x12: {  	s1 =	sld [smem:$0x3F90];
	s0 =	simm.s32 @p0 $0x1  }
0x13: {  	[smem:$0x3FAB] =	sst s0;
	s0 =	simm.s32 @!p1 $0x0  }
0x14: {  	s2 =	sld [smem:$0x3F8F];
	s0 =	simm.s32 @p1 $0x1  }
0x15: {  	[smem:$0x3FAC] =	sst s0;
	s0 =	simm.s32 @!p2 $0x0  }
0x16: {  	s3 =	sld [smem:$0x3FDB];
	s0 =	simm.s32 @p2 $0x1  }
0x17: {  	s4 =	simm.s32 $0x1BF5;
	[smem:$0x3FAE] =	sst s0  }
0x18: {  	s0 =	sld [smem:$0x3F91];
	_ =	swait.ge [sflag:s4], $0x0  }
0x19: {  	s7 =	sld [smem:$0x3F92]  }
0x1a: {  	s8 =	sadd.s32 $0xFFFFE003, lr  }
0x1b: {  	s9 =	sadd.s32 $0xFFFFFEF7, lr;
	s5 =	simm.s32 $0xFFFFFFFF;
	p2 =	slt.u32 s8, $0xFFFFF086  }
0x1c: {  	p1 =	slt.u32 s9, $0xF7A;
	s5 =	simm.s32 @!p2 $0x0  }
0x1d: {  	s5 =	simm.s32 @p1 $0x1;
	p0 =	seq.s32 s7, s2  }
0x1e: {  	s7 =	smul.u32 @!p0 $0xF7A, s2;
	p2 =	seq.s32 @!p0 s5, $0x0  }
0x1f: {  	s9 =	smul.u32 $0xF7A, s1;
	s8 =	simm.s32 @!p0 $0x1BF5;
	p2 =	por !p2, p0  }
0x20: {  	[sflag:s8] =	ssyncset.s32 @!p0 $0xFFFFF086;
	s6 =	sadd.s32 @!p0 s3, s7;
	s7 =	simm.s32 @!p0 $0x108  }
0x21: {  	s3 =	sadd.s32 s3, s9;
	s6 =	sadd.s32 @!p0 $0x88, s6;
	s7 =	simm.s32 @p2 $0x1082  }
0x22: {  	[simem:s7], [sflag:s8] =	dma.local @!p0 [hbm:s6], $0xF7A  }
0x23: {  	s9 =	sor.u32 $0xD0000000, s2;
	s6 =	simm.s32 $0x108;
	_ =	swait.ge @!p0 [sflag:s8], $0x0  }
0x24: {  	s3 =	sadd.s32 $0x88, s3;
	s6 =	simm.s32 @!p1 $0x1082;
	[sflag:s4] =	ssyncset.s32 $0xFFFFF086  }
0x25: {  	[simem:s6], [sflag:s4] =	dma.local [hbm:s3], $0xF7A  }
0x26: {  	[smem:$0x3F92] =	sst s1;
	(tag) =	ssettag s2;
	_ =	strace s9  }
0x27: {  	s1 =	sld [smem:$0x3FA2]  }
0x28: {  	s2 =	sld [smem:$0x3FA3]  }
0x29: {  	s4 =	sld [smem:$0x3FA5]  }
0x2a: {  	p0 =	seq.s32 s5, $0x0;
	s5 =	sld [smem:$0x3FA6]  }
0x2b: {  	s6 =	sld [smem:$0x3FA7]  }
0x2c: {  	s7 =	sld [smem:$0x3FA8]  }
0x2d: {  	s3 =	simm.s32 $0x108;
	s8 =	sld [smem:$0x3FA9]  }
0x2e: {  	s3 =	simm.s32 @!p0 $0x1082;
	s9 =	sld [smem:$0x3FAA]  }
0x2f: {  	lr =	sadd.s32 s0, s3;
	s0 =	sld [smem:$0x3FA1]  }
0x30: {  	s3 =	sld [smem:$0x3FA4]  }
0x31: {  	[smem:$0x3FAD] =	sst s10  }
0x32: {  	s10 =	sld [smem:$0x3FAB];
	_ =	sdelay $0x3  }
0x33: {  	p0 =	seq.s32 s10, $0x1;
	s10 =	sld [smem:$0x3FAD];
	_ =	sdelay $0x3  }
0x34: {  	[smem:$0x3FAD] =	sst s10  }
0x35: {  	s10 =	sld [smem:$0x3FAC];
	_ =	sdelay $0x3  }
0x36: {  	p1 =	seq.s32 s10, $0x1;
	s10 =	sld [smem:$0x3FAD];
	_ =	sdelay $0x3  }
0x37: {  	[smem:$0x3FAD] =	sst s10  }
0x38: {  	s10 =	sld [smem:$0x3FAE]  }
0x39: {  	_ = 	snop;
	(pc) =	sbr.ind lr, $3  }
0x3a: {  	_ = 	snop  }
0x3b: {  	_ = 	snop  }
0x3c: {  	p2 =	seq.s32 s10, $0x1;
	s10 =	sld [smem:$0x3FAD]  }
0x3d: {  	_ =	shalt  }
0x3e: {  	_ =	shalt  }
0x3f: {  	_ =	shalt  }
0x40: {  	_ =	shalt  }
0x41: {  	_ =	shalt  }
0x42: {  	_ =	shalt  }
0x43: {  	_ =	shalt  }
0x44: {  	_ =	shalt  }
0x45: {  	_ =	shalt  }
0x46: {  	_ =	shalt  }
0x47: {  	_ =	shalt  }
0x48: {  	_ =	shalt  }
0x49: {  	_ =	shalt  }
0x4a: {  	_ =	shalt  }
0x4b: {  	_ =	shalt  }
0x4c: {  	_ =	shalt  }
0x4d: {  	_ =	shalt  }
0x4e: {  	_ =	shalt  }
0x4f: {  	_ =	shalt  }
0x50: {  	_ =	shalt  }
0x51: {  	_ =	shalt  }
0x52: {  	_ =	shalt  }
0x53: {  	_ =	shalt  }
0x54: {  	_ =	shalt  }
0x55: {  	_ =	shalt  }
0x56: {  	_ =	shalt  }
0x57: {  	_ =	shalt  }
0x58: {  	_ =	shalt  }
0x59: {  	_ =	shalt  }
0x5a: {  	_ =	shalt  }
0x5b: {  	_ =	shalt  }
0x5c: {  	_ =	shalt  }
0x5d: {  	_ =	shalt  }
0x5e: {  	_ =	shalt  }
0x5f: {  	_ =	shalt  }
0x60: {  	_ =	shalt  }
0x61: {  	_ =	shalt  }
0x62: {  	_ =	shalt  }
0x63: {  	_ =	shalt  }
0x64: {  	_ =	shalt  }
0x65: {  	_ =	shalt  }
0x66: {  	_ =	shalt  }
0x67: {  	_ =	shalt  }
0x68: {  	_ =	shalt  }
0x69: {  	_ =	shalt  }
0x6a: {  	_ =	shalt  }
0x6b: {  	_ =	shalt  }
0x6c: {  	_ =	shalt  }
0x6d: {  	_ =	shalt  }
0x6e: {  	_ =	shalt  }
0x6f: {  	_ =	shalt  }
0x70: {  	_ =	shalt  }
0x71: {  	_ =	shalt  }
0x72: {  	_ =	shalt  }
0x73: {  	_ =	shalt  }
0x74: {  	_ =	shalt  }
0x75: {  	_ =	shalt  }
0x76: {  	_ =	shalt  }
0x77: {  	_ =	shalt  }
0x78: {  	_ =	shalt  }
0x79: {  	_ =	shalt  }
0x7a: {  	_ =	shalt  }
0x7b: {  	_ =	shalt  }
0x7c: {  	_ =	shalt  }
0x7d: {  	_ =	shalt  }
0x7e: {  	_ =	shalt  }
0x7f: {  	_ =	shalt  }
0x80: {  	_ =	shalt  }
0x81: {  	_ =	shalt  }
0x82: {  	_ =	shalt  }
0x83: {  	_ =	shalt  }
0x84: {  	_ =	shalt  }
0x85: {  	_ =	shalt  }
0x86: {  	_ =	shalt  }
0x87: {  	_ =	shalt  }
.Lfunc_end0:
.L_simem_size_0:
called_computation.5_lowered:
.L_overlay_start_0:
0x88: {  	s2 =	sld [smem:$0x3FD9]  }
0x89: {  	s3 =	sld [smem:$0x3FFE];
	_ =	sdelay $0x1  }
0x8a: {  	s1 =	srdreg.scid  }
0x8b: {  	s0 =	sand.u32 $0x1, s1  }
0x8c: {  	s16 =	sshll.u32 s0, $0xA;
	s2 =	sadd.s32 s3, s2  }
0x8d: {  	s2 =	sadd.s32 s2, s16  }
0x8e: {  	[smem:$0x3FB9] =	sst s2  }
0x8f: {  	_ = 	snop  }
0x90: {  	(tm) =	ssettm $0x1  }
0x91: {  	s17 =	sld [smem:$0x3FFB];
	_ =	sdelay $0x3  }
0x92: {  	_ =	strace s17  }
0x93: {  	s2 =	sld [smem:$0x3FFC];
	_ =	sdelay $0x3  }
0x94: {  	_ =	strace s2  }
0x95: {  	s2 =	sld [smem:$0x3FFD];
	_ =	sdelay $0x3  }
0x96: {  	_ =	strace s2  }
0x97: {  	_ =	strace $0x8FFFFFFF  }
0x98: {  	s18 =	sld [smem:$0x3FDB];
	_ =	sdelay $0x1  }
0x99: {  	s19 =	simm.s32 $_scs_section_size  }
0x9a: {  	s4 =	simm.s32 $_size__tile_overlayer_lowered;
	s5 =	simm.s32 $_tile_overlayer_lowered  }
0x9b: {  	s22 =	simm.s32 $0x1BFF;
	s21 =	sshll.u32 s5, $0x1;
	s2 =	sadd.s32 s19, s18  }
0x9c: {  	s6 =	simm.s32 $0x0;
	s20 =	sshll.u32 s4, $0x1;
	s4 =	sadd.s32 s21, s2  }
0x9d: {  	[timem:s6], [sflag:s22] =	dma.local [hbm:s4], s20  }
0x9e: {  	_ =	swait.ge [sflag:s22], s20  }
0x9f: {  	s3 =	ssub.s32 $0x0, s20;
	[sflag:s22] =	ssyncset.done $0x0  }
0xa0: {  	[sflag:s22] =	ssyncadd.s32 s3;
	_ =	sdelay $0x1  }
0xa1: {  	s23 =	simm.s32 $0x1B8B  }
0xa2: {  	_ =	swait.ge [sflag:s23], $0x1  }
0xa3: {  	[sflag:s23] =	ssyncset.done $0x0  }
0xa4: {  	s25 =	simm.s32 $0x1B8E;
	s24 =	sld [smem:$0x3FFE];
	[sflag:s23] =	ssyncadd.s32 $0xFFFFFFFF  }
0xa5: {  	s26 =	simm.s32 $execute0_lowered;
	[smem:$0x3FD2] =	sst s25  }
0xa6: {  	s4 =	sshll.u32 s26, $0x1;
	_ =	strace $0x80000055;
	[dreg:$0x1] =	wrdreg $0xFFFFFFFF  }
0xa7: {  	s28 =	simm.s32 $_size_execute0_lowered;
	s2 =	sadd.s32 s2, s4;
	[dreg:$0x0] =	wrdreg $0x0  }
0xa8: {  	s4 =	sshll.u32 s28, $0x1;
	[dreg:$0x2] =	wrdreg s2  }
0xa9: {  	[dreg:$0x3] =	wrdreg s4  }
0xaa: {  	[dreg:$0x4] =	wrdreg $0xC0  }
0xab: {  	_ =	task [dreg:s6], $0x5FFFF  }
0xac: {  	[dreg:$0x1] =	wrdreg $0xFFFFFFFF  }
0xad: {  	[dreg:$0x0] =	wrdreg $0x60  }
0xae: {  	[dreg:$0x2] =	wrdreg s24  }
0xaf: {  	[dreg:$0x3] =	wrdreg $0x51000  }
0xb0: {  	[dreg:$0x4] =	wrdreg $0x191000  }
0xb1: {  	[dreg:$0x5] =	wrdreg $0x9  }
0xb2: {  	_ =	task.clear_ibuf [dreg:s6], $0x6FFFF;
	_ =	strace $0x90000055  }
0xb3: {  	s29 =	simm.s32 $0x9;
	_ =	strace $0x80000057  }
0xb4: {  	_ =	swait.ge [sflag:s29], $0x1  }
0xb5: {  	[sflag:s29] =	ssyncadd.s32 $0xFFFFFFFF  }
0xb6: {  	_ =	strace $0x90000057  }
0xb7: {  	_ =	sfence  }
0xb8: {  	s30 =	sld [smem:$0x0];
	_ =	sdelay $0x2  }
0xb9: {  	s31 =	sshll.u32 s1, $0xD;
	s1 =	sshrl.u32 s1, $0x2  }
0xba: {  	s3 =	sand.u32 $0x4000, s31;
	s1 =	sadd.s32 s1, s30  }
0xbb: {  	s0 =	sor.u32 s3, s0;
	s1 =	sshll.u32 s1, $0x11  }
0xbc: {  	s0 =	sor.u32 s1, s0  }
0xbd: {  	s0 =	sadd.s32 $0x8F2B, s0  }
0xbe: {  	[sflag:s0] =	ssyncadd.remote.s32 $0x1  }
0xbf: {  	_ =	sfence.sel $0xFFFF  }
0xc0: {  	[dreg:$0x0] =	wrdreg $0xFFFFFFFF;
	(pc) =	sbr.abs _section_cstart, $3  }
0xc1: {  	[dreg:$0x1] =	wrdreg $0xFFFFFFFF  }
0xc2: {  	_ =	task.clear_ibuf [dreg:s6], $0x2FFFF;
	_ =	strace $0x9FFFFFFF  }
0xc3: {  	(tm) =	ssettm $0x7FFFFFFF  }
tec
execute0_lowered:
.L_overlay_start_1:
0x0: {  	(tag) =	ssettag $0x1  }
0x1: {  	s19 =	stileid.u32  }
0x2: {  	s0 =	smul.u32 $0x4E200, s19  }
0x3: {  	s4 =	smul.u32 $0x9C4, s19  }
0x4: {  	s7 =	smul.u32 $0x500, s19  }
0x5: {  	s3 =	rddreg [dreg:$0x0];
	s10 =	smul.u32 $0x280, s19  }
0x6: {  	s1 =	simm.s32 $0x0;
	s22 =	srdreg.scid;
	s23 =	smul.u32 $0x2800, s19  }
0x7: {  	s5 =	sadd.s32 $0x72C00, s3;
	s18 =	smul.u32 $0x5000, s19;
	[smem:$0x7FF] =	sst s1  }
0x8: {  	s2 =	sadd.s32 s0, s3;
	s4 =	sadd.s32 s4, s3;
	s0 =	sand.u32 $0x1, s22  }
0x9: {  	s11 =	sor.u32 $0x50, s10;
	s12 =	sadd.s32 $0xA0, s10;
	s13 =	sadd.s32 $0xF0, s10  }
0xa: {  	s14 =	sadd.s32 $0x140, s10;
	s15 =	sadd.s32 $0x190, s10;
	s16 =	sadd.s32 $0x1E0, s10  }
0xb: {  	s10 =	sadd.s32 $0x230, s10;
	s6 =	sshll.u32 s0, $0x7;
	s8 =	ssub.s32 $0x2, s0  }
0xc: {  	s24 =	sshll.u32 s11, $0x4;
	s25 =	sshll.u32 s12, $0x4;
	s26 =	sshll.u32 s13, $0x4  }
0xd: {  	s28 =	sshll.u32 s14, $0x4;
	s29 =	sshll.u32 s15, $0x4;
	s17 =	sshll.u32 s16, $0x4  }
0xe: {  	s31 =	sshll.u32 s10, $0x4;
	s20 =	sshll.u32 s12, $0x5;
	s21 =	sshll.u32 s13, $0x5  }
0xf: {  	s6 =	sadd.s32 s6, s3;
	s3 =	sadd.s32 s7, s3;
	s7 =	sadd.s32 s5, s7  }
0x10: {  	s9 =	sshrl.u32 s8, $0x1;
	s30 =	sadd.s32 s5, s17;
	[dreg:$0x4] =	wrdreg s7  }
0x11: {  	s8 =	ssub.s32 s8, s9;
	s9 =	sadd.s32 s5, s23;
	[dreg:$0xb] =	wrdreg s30  }
0x12: {  	p0 =	sne.s32 s0, $0x0;
	s7 =	sadd.s32 $0x9AC00, s6;
	[dreg:$0x5] =	wrdreg s9  }
0x13: {  	s9 =	sadd.s32 s5, s24;
	s23 =	sadd.s32 s21, s7;
	s21 =	rddreg [dreg:$0x2]  }
0x14: {  	s2 =	sadd.s32 $0xB02A00, s2;
	s17 =	sadd.s32 s18, s7;
	[dreg:$0x6] =	wrdreg s9  }
0x15: {  	s4 =	sadd.s32 $0x12C00, s4;
	s22 =	sadd.s32 s20, s7;
	[dreg:$0xd] =	wrdreg s17  }
0x16: {  	s30 =	sshll.u32 s10, $0x5;
	s18 =	sshll.u32 s11, $0x5;
	[dreg:$0xf] =	wrdreg s22  }
0x17: {  	s24 =	sshll.u32 s14, $0x5;
	s9 =	sadd.s32 s5, s25;
	[dreg:$0x10] =	wrdreg s23  }
0x18: {  	s25 =	sshll.u32 s15, $0x5;
	s22 =	smax.u32 s8, $0x1;
	s23 =	sshll.u32 s11, $0x7  }
0x19: {  	s8 =	simm.s32 $0x2;
	[dreg:$0x7] =	wrdreg s9;
	s9 =	sadd.s32 s5, s26  }
0x1a: {  	s11 =	simm.s32 $0x50;
	[dreg:$0x8] =	wrdreg s9;
	s9 =	sadd.s32 s5, s28  }
0x1b: {  	s26 =	sshll.u32 s16, $0x5;
	s28 =	sadd.s32 s25, s7;
	[dreg:$0x9] =	wrdreg s9  }
0x1c: {  	s25 =	sshll.u32 s13, $0x7;
	s9 =	sadd.s32 s5, s29;
	[dreg:$0x12] =	wrdreg s28  }
0x1d: {  	s5 =	sadd.s32 s5, s31;
	s29 =	sadd.s32 s26, s7;
	[dreg:$0xa] =	wrdreg s9  }
0x1e: {  	s31 =	smul.u32 $0x9C400, s19;
	s26 =	sshll.u32 s14, $0x7;
	[dreg:$0xc] =	wrdreg s5  }
0x1f: {  	s28 =	sshll.u32 s15, $0x7;
	s5 =	sadd.s32 s18, s7;
	[dreg:$0x13] =	wrdreg s29  }
0x20: {  	s18 =	rddreg [dreg:$0x1];
	s9 =	smul.u32 $0x50000, s19;
	s29 =	sshll.u32 s16, $0x7  }
0x21: {  	[dreg:$0xe] =	wrdreg s5;
	s5 =	sadd.s32 s24, s7;
	s6 =	sadd.s32 s31, s6  }
0x22: {  	s24 =	sshll.u32 s12, $0x7;
	s16 =	sadd.s32 s28, s18;
	s12 =	simm.s32 $0x0  }
0x23: {  	[dreg:$0x11] =	wrdreg s5;
	s5 =	sadd.s32 s30, s7;
	s7 =	smul.u32 $0xA000, s19  }
0x24: {  	s19 =	sadd.s32 $0xEAC00, s3;
	s20 =	sshrl.u32 s9, $0x2;
	s30 =	sshll.u32 s10, $0x7  }
0x25: {  	s31 =	sadd.s32 $0x233F200, s6;
	s6 =	simm.s32 $0x1;
	s9 =	simm.s32 $0x400  }
0x26: {  	s10 =	simm.s32 $0x800;
	[dreg:$0x14] =	wrdreg s5;
	s20 =	sadd.s32 s20, s18  }
0x27: {  	s0 =	sadd.s32 s30, s18;
	_ =	strace $0x80000056;
	[dreg:$0x15] =	wrdreg s19  }
0x28: {  	s5 =	simm.s32 $0x100;
	s17 =	sshrl.u32 s7, $0x2;
	[dreg:$0x16] =	wrdreg s22  }
0x29: {  	s22 =	sadd.s32 s23, s18;
	s23 =	sadd.s32 s24, s18;
	[dreg:$0x18] =	wrdreg s2  }
0x2a: {  	s24 =	sadd.s32 s25, s18;
	s25 =	sadd.s32 s26, s18;
	[dreg:$0x19] =	wrdreg s31  }
0x2b: {  	s26 =	sadd.s32 s29, s18;
	[dreg:$0x17] =	wrdreg s0;
	s17 =	sadd.s32 s17, s21  }
.LBB2_1:
0x2c: {  	s7 =	rddreg [dreg:$0x5]  }
0x2d: {  	[tilespmem:s5], [sflag:$0x1] =	stream.linear.gather [hbm4b:s7+s1], $0x2800, $0x38;
	[tilespmem:$0x1B900] =	vst v63  }
0x2e: {  	_ =	swait.ge [sflag:s6], $0x2800  }
0x2f: {  	[sflag:s6] =	ssyncset.done $0x0  }
0x30: {  	[sflag:s6] =	ssyncadd.s32 $0xFFFFD800  }
0x31: {  	[spmem:s20] =	stream.linear.scatter [tilespmem:s5], [sflag:$0x1], $0x2800, $0x38;
	[tilespmem:$0x1B900] =	vst v63  }
0x32: {  	_ =	swait.ge [sflag:s6], $0x2800  }
0x33: {  	[sflag:s6] =	ssyncset.done $0x0  }
0x34: {  	s2 =	rddreg [dreg:$0x6];
	[sflag:s6] =	ssyncadd.s32 $0xFFFFD800  }
0x35: {  	[tilespmem:s5], [sflag:$0x1] =	stream.linear.gather [hbm4b:s2+s1], $0x2800, $0x38;
	[tilespmem:$0x1B900] =	vst v63  }
0x36: {  	_ =	swait.ge [sflag:s6], $0x2800  }
0x37: {  	[sflag:s6] =	ssyncset.done $0x0  }
0x38: {  	[sflag:s6] =	ssyncadd.s32 $0xFFFFD800  }
0x39: {  	[spmem:s22] =	stream.linear.scatter [tilespmem:s5], [sflag:$0x1], $0x2800, $0x38;
	[tilespmem:$0x1B900] =	vst v63  }
0x3a: {  	_ =	swait.ge [sflag:s6], $0x2800  }
0x3b: {  	[sflag:s6] =	ssyncset.done $0x0  }
0x3c: {  	s3 =	rddreg [dreg:$0x7];
	[sflag:s6] =	ssyncadd.s32 $0xFFFFD800  }
0x3d: {  	[tilespmem:s5], [sflag:$0x1] =	stream.linear.gather [hbm4b:s3+s1], $0x2800, $0x38;
	[tilespmem:$0x1B900] =	vst v63  }
0x3e: {  	_ =	swait.ge [sflag:s6], $0x2800  }
0x3f: {  	[sflag:s6] =	ssyncset.done $0x0  }
0x40: {  	[sflag:s6] =	ssyncadd.s32 $0xFFFFD800  }
0x41: {  	[spmem:s23] =	stream.linear.scatter [tilespmem:s5], [sflag:$0x1], $0x2800, $0x38;
	[tilespmem:$0x1B900] =	vst v63  }
0x42: {  	_ =	swait.ge [sflag:s6], $0x2800  }
0x43: {  	[sflag:s6] =	ssyncset.done $0x0  }
0x44: {  	s13 =	rddreg [dreg:$0x8];
	[sflag:s6] =	ssyncadd.s32 $0xFFFFD800  }
0x45: {  	[tilespmem:s5], [sflag:$0x1] =	stream.linear.gather [hbm4b:s13+s1], $0x2800, $0x38;
	[tilespmem:$0x1B900] =	vst v63  }
0x46: {  	_ =	swait.ge [sflag:s6], $0x2800  }
0x47: {  	[sflag:s6] =	ssyncset.done $0x0  }
0x48: {  	[sflag:s6] =	ssyncadd.s32 $0xFFFFD800  }
0x49: {  	[spmem:s24] =	stream.linear.scatter [tilespmem:s5], [sflag:$0x1], $0x2800, $0x38;
	[tilespmem:$0x1B900] =	vst v63  }
0x4a: {  	_ =	swait.ge [sflag:s6], $0x2800  }
0x4b: {  	[sflag:s6] =	ssyncset.done $0x0  }
0x4c: {  	s14 =	rddreg [dreg:$0x9];
	[sflag:s6] =	ssyncadd.s32 $0xFFFFD800  }
0x4d: {  	[tilespmem:s5], [sflag:$0x1] =	stream.linear.gather [hbm4b:s14+s1], $0x2800, $0x38;
	[tilespmem:$0x1B900] =	vst v63  }
0x4e: {  	_ =	swait.ge [sflag:s6], $0x2800  }
0x4f: {  	[sflag:s6] =	ssyncset.done $0x0  }
0x50: {  	[sflag:s6] =	ssyncadd.s32 $0xFFFFD800  }
0x51: {  	[spmem:s25] =	stream.linear.scatter [tilespmem:s5], [sflag:$0x1], $0x2800, $0x38;
	[tilespmem:$0x1B900] =	vst v63  }
0x52: {  	_ =	swait.ge [sflag:s6], $0x2800  }
0x53: {  	[sflag:s6] =	ssyncset.done $0x0  }
0x54: {  	s15 =	rddreg [dreg:$0xa];
	[sflag:s6] =	ssyncadd.s32 $0xFFFFD800  }
0x55: {  	[tilespmem:s5], [sflag:$0x1] =	stream.linear.gather [hbm4b:s15+s1], $0x2800, $0x38;
	[tilespmem:$0x1B900] =	vst v63  }
0x56: {  	_ =	swait.ge [sflag:s6], $0x2800  }
0x57: {  	[sflag:s6] =	ssyncset.done $0x0  }
0x58: {  	[sflag:s6] =	ssyncadd.s32 $0xFFFFD800  }
0x59: {  	[spmem:s16] =	stream.linear.scatter [tilespmem:s5], [sflag:$0x1], $0x2800, $0x38;
	[tilespmem:$0x1B900] =	vst v63  }
0x5a: {  	_ =	swait.ge [sflag:s6], $0x2800  }
0x5b: {  	[sflag:s6] =	ssyncset.done $0x0  }
0x5c: {  	s29 =	smov.u32 s20;
	s20 =	rddreg [dreg:$0xb];
	[sflag:s6] =	ssyncadd.s32 $0xFFFFD800  }
0x5d: {  	[tilespmem:s5], [sflag:$0x1] =	stream.linear.gather [hbm4b:s20+s1], $0x2800, $0x38;
	[tilespmem:$0x1B900] =	vst v63  }
0x5e: {  	_ =	swait.ge [sflag:s6], $0x2800  }
0x5f: {  	[sflag:s6] =	ssyncset.done $0x0  }
0x60: {  	[sflag:s6] =	ssyncadd.s32 $0xFFFFD800  }
0x61: {  	[spmem:s26] =	stream.linear.scatter [tilespmem:s5], [sflag:$0x1], $0x2800, $0x38;
	[tilespmem:$0x1B900] =	vst v63  }
0x62: {  	_ =	swait.ge [sflag:s6], $0x2800  }
0x63: {  	[sflag:s6] =	ssyncset.done $0x0  }
0x64: {  	s30 =	smov.u32 s22;
	s22 =	rddreg [dreg:$0xc];
	[sflag:s6] =	ssyncadd.s32 $0xFFFFD800  }
0x65: {  	[tilespmem:s5], [sflag:$0x1] =	stream.linear.gather [hbm4b:s22+s1], $0x2800, $0x38;
	[tilespmem:$0x1B900] =	vst v63  }
0x66: {  	_ =	swait.ge [sflag:s6], $0x2800  }
0x67: {  	[sflag:s6] =	ssyncset.done $0x0  }
0x68: {  	s13 =	smov.u32 s0;
	[sflag:s6] =	ssyncadd.s32 $0xFFFFD800  }
0x69: {  	[spmem:s13] =	stream.linear.scatter [tilespmem:s5], [sflag:$0x1], $0x2800, $0x38;
	[tilespmem:$0x1B900] =	vst v63  }
0x6a: {  	_ =	swait.ge [sflag:s6], $0x2800  }
0x6b: {  	s31 =	smov.u32 s23;
	s19 =	smov.u32 s24;
	[sflag:s6] =	ssyncset.done $0x0  }
0x6c: {  	s24 =	simm.s32 $0x2900;
	s23 =	rddreg [dreg:$0x4];
	[sflag:s6] =	ssyncadd.s32 $0xFFFFD800  }
0x6d: {  	[tilespmem:s24], [sflag:$0x1] =	stream.linear.gather [hbm4b:s23+s1], $0x2800, $0x38;
	[tilespmem:$0x1B900] =	vst v63  }
0x6e: {  	_ =	swait.ge [sflag:s6], $0x2800  }
0x6f: {  	[sflag:s6] =	ssyncset.done $0x0  }
0x70: {  	[sflag:s6] =	ssyncadd.s32 $0xFFFFD800  }
0x71: {  	[spmem:s17] =	stream.linear.scatter [tilespmem:s24], [sflag:$0x1], $0x2800, $0x38;
	[tilespmem:$0x1B900] =	vst v63  }
0x72: {  	_ =	swait.ge [sflag:s6], $0x2800  }
0x73: {  	[sflag:s6] =	ssyncset.done $0x0  }
0x74: {  	[sflag:s6] =	ssyncadd.s32 $0xFFFFD800  }
0x75: {  	s0 =	smov.u32 s25;
	s25 =	sadd.s32 $0x0, s4;
	[bflag:$0x0] =	sbarrier.arrive $0xFFFF  }
0x76: {  	[tilespmem:s1], [sflag:$0x2] =	stream.linear.gather [hbm4b:s25+s1], $0x50, $0x38;
	[tilespmem:$0x1B900] =	vst v63  }
0x77: {  	_ =	swait.ge [sflag:s8], $0x50  }
0x78: {  	[sflag:s8] =	ssyncset.done $0x0  }
0x79: {  	s3 =	smov.u32 s26;
	s26 =	rddreg [dreg:$0x19];
	[sflag:s8] =	ssyncadd.s32 $0xFFFFFFB0  }
0x7a: {  	[tilespmem:s5], [sflag:$0x2] =	stream.strided.gather [hbm4b:s26+s9], $0x2800, s10, s9, $0x38;
	[tilespmem:$0x1B900] =	vst v63  }
0x7b: {  	_ =	swait.ge [sflag:s8], $0x2800  }
0x7c: {  	[sflag:s8] =	ssyncset.done $0x0  }
0x7d: {  	[sflag:s8] =	ssyncadd.s32 $0xFFFFD800  }
0x7e: {  	[spmem:s18] =	stream.indirect.scatter.add.f32 [tilespmem:s5], [sflag:$0x2], $0x80, s1, s11, $0xb8;
	[tilespmem:$0x1B900] =	vst v63  }
0x7f: {  	s2 =	smov.u32 s16;
	_ =	swait.ge [sflag:s8], $0x2800  }
0x80: {  	s14 =	simm.s32 @!p0 $0x2900;
	s16 =	simm.s32 @!p0 $0x2;
	[sflag:s8] =	ssyncset.done $0x0  }
0x81: {  	s13 =	simm.s32 @!p0 $0x0;
	s7 =	rddreg [dreg:$0x18];
	[sflag:s8] =	ssyncadd.s32 $0xFFFFD800  }
0x82: {  	[tilespmem:s14], [sflag:$0x2] =	stream.linear.gather @!p0 [hbm4b:s7+s13], $0x2800, $0x38;
	[tilespmem:$0x1B900] =	vst v63  }
0x83: {  	_ =	swait.ge @!p0 [sflag:s16], $0x2800  }
0x84: {  	[sflag:s16] =	ssyncset.done @!p0 $0x0  }
0x85: {  	[sflag:s16] =	ssyncadd.s32 @!p0 $0xFFFFD800  }
0x86: {  	v0 =	vld @!p0 [tilespmem:$0x40]  }
0x87: {  	v1 =	vld @!p0 [tilespmem:$0x20]  }
0x88: {  	v2 =	vld @!p0 [tilespmem:$0x30]  }
0x89: {  	v3 =	vld @!p0 [tilespmem:$0x10]  }
0x8a: {  	v4 =	vld @!p0 [tilespmem:$0x0]  }
0x8b: {  	v0 =	vshrl.u32 @!p0 v0, $0x3  }
0x8c: {  	v1 =	vshrl.u32 @!p0 v1, $0x3;
	[tilespmem:$0xC0] =	vst @!p0 v0  }
0x8d: {  	s28 =	smov.u32 s17;
	s15 =	simm.s32 @!p0 $0x1;
	s20 =	simm.s32 @!p0 $0x80;
	[tilespmem:$0xA0] =	vst @!p0 v1;
	v0 =	vshrl.u32 @!p0 v2, $0x3  }
0x8e: {  	s22 =	simm.s32 @!p0 $0x50;
	s23 =	simm.s32 $0xA;
	s17 =	simm.s32 @!p0 $0x50;
	v1 =	vshrl.u32 @!p0 v3, $0x3;
	[tilespmem:$0xB0] =	vst @!p0 v0  }
0x8f: {  	s25 =	simm.s32 @!p0 $0x80;
	s24 =	sadd.s32 $0x500, s7;
	s7 =	sadd.s32 $0xA00, s26;
	v0 =	vshrl.u32 @!p0 v4, $0x3;
	[tilespmem:$0x90] =	vst @!p0 v1  }
.LBB2_2:
0x90: {  	[tilespmem:$0x80] =	vst @!p0 v0;
	s26 =	smov.u32 s23;
	s23 =	sadd.s32 $0xA, s23  }
0x91: {  	[spmem:s21] =	stream.indirect.scatter.add.f32 @!p0 [tilespmem:s14], [sflag:$0x1], $0x80, s25, s22, $0xb8;
	[tilespmem:$0x1B900] =	vst v63  }
0x92: {  	p1 =	sne.s32 s23, $0x9C4;
	s22 =	smov.u32 s17;
	_ =	swait.ge @!p0 [sflag:s15], $0x2800  }
0x93: {  	s25 =	smov.u32 s20;
	[sflag:s15] =	ssyncset.done @!p0 $0x0  }
0x94: {  	s26 =	sadd.s32 s26, s4;
	[sflag:s15] =	ssyncadd.s32 @!p0 $0xFFFFD800  }
0x95: {  	[tilespmem:s1], [sflag:$0x2] =	stream.linear.gather [hbm4b:s26+s1], $0x50, $0x38;
	[tilespmem:$0x1B900] =	vst v63  }
0x96: {  	_ =	swait.ge [sflag:s8], $0x50  }
0x97: {  	[sflag:s8] =	ssyncset.done $0x0  }
0x98: {  	[sflag:s8] =	ssyncadd.s32 $0xFFFFFFB0  }
0x99: {  	[tilespmem:s5], [sflag:$0x2] =	stream.strided.gather [hbm4b:s7+s9], $0x2800, s10, s9, $0x38;
	[tilespmem:$0x1B900] =	vst v63  }
0x9a: {  	_ =	swait.ge [sflag:s8], $0x2800  }
0x9b: {  	[sflag:s8] =	ssyncset.done $0x0  }
0x9c: {  	[sflag:s8] =	ssyncadd.s32 $0xFFFFD800  }
0x9d: {  	[spmem:s18] =	stream.indirect.scatter.add.f32 [tilespmem:s5], [sflag:$0x2], $0x80, s1, s11, $0xb8;
	[tilespmem:$0x1B900] =	vst v63  }
0x9e: {  	_ =	swait.ge [sflag:s8], $0x2800  }
0x9f: {  	[sflag:s8] =	ssyncset.done $0x0  }
0xa0: {  	[sflag:s8] =	ssyncadd.s32 $0xFFFFD800  }
0xa1: {  	[tilespmem:s14], [sflag:$0x2] =	stream.linear.gather @!p0 [hbm4b:s24+s13], $0x2800, $0x38;
	[tilespmem:$0x1B900] =	vst v63  }
0xa2: {  	_ =	swait.ge @!p0 [sflag:s16], $0x2800  }
0xa3: {  	[sflag:s16] =	ssyncset.done @!p0 $0x0  }
0xa4: {  	[sflag:s16] =	ssyncadd.s32 @!p0 $0xFFFFD800  }
0xa5: {  	v0 =	vld @!p0 [tilespmem:$0x40]  }
0xa6: {  	v1 =	vld @!p0 [tilespmem:$0x20]  }
0xa7: {  	v2 =	vld @!p0 [tilespmem:$0x30]  }
0xa8: {  	v3 =	vld @!p0 [tilespmem:$0x10]  }
0xa9: {  	v4 =	vld @!p0 [tilespmem:$0x0]  }
.Ltmp0:
0xaa: {  	v0 =	vshrl.u32 @!p0 v0, $0x3;
	(pc) =	sbr.rel @p1 .LBB2_2-.Ltmp0, $4  }
0xab: {  	v1 =	vshrl.u32 @!p0 v1, $0x3;
	[tilespmem:$0xC0] =	vst @!p0 v0  }
0xac: {  	[tilespmem:$0xA0] =	vst @!p0 v1;
	v0 =	vshrl.u32 @!p0 v2, $0x3  }
0xad: {  	v1 =	vshrl.u32 @!p0 v3, $0x3;
	[tilespmem:$0xB0] =	vst @!p0 v0  }
0xae: {  	s7 =	sadd.s32 $0xA00, s7;
	s24 =	sadd.s32 $0x500, s24;
	v0 =	vshrl.u32 @!p0 v4, $0x3;
	[tilespmem:$0x90] =	vst @!p0 v1  }
0xaf: {  	[tilespmem:$0x80] =	vst @!p0 v0  }
0xb0: {  	[spmem:s21] =	stream.indirect.scatter.add.f32 @!p0 [tilespmem:s14], [sflag:$0x1], $0x80, s25, s22, $0xb8;
	[tilespmem:$0x1B900] =	vst v63  }
0xb1: {  	_ =	swait.ge @!p0 [sflag:s15], $0x2800  }
0xb2: {  	[sflag:s15] =	ssyncset.done @!p0 $0x0  }
0xb3: {  	[sflag:s15] =	ssyncadd.s32 @!p0 $0xFFFFD800  }
0xb4: {  	[bflag:$0x0] =	sbarrier.arrive $0xFFFF  }
0xb5: {  	[tilespmem:s5], [sflag:$0x1] =	stream.linear.gather [spmem:s29], $0x2800, $0x38;
	[tilespmem:$0x1B900] =	vst v63  }
0xb6: {  	_ =	swait.ge [sflag:s6], $0x2800  }
0xb7: {  	[sflag:s6] =	ssyncset.done $0x0  }
0xb8: {  	s7 =	rddreg [dreg:$0xd];
	[sflag:s6] =	ssyncadd.s32 $0xFFFFD800  }
0xb9: {  	[hbm4b:s7+s9] =	stream.strided.scatter [tilespmem:s5], [sflag:$0x1], $0x2800, s10, s9, $0x38;
	[tilespmem:$0x1B900] =	vst v63  }
0xba: {  	_ =	swait.ge [sflag:s6], $0x2800  }
0xbb: {  	[sflag:s6] =	ssyncset.done $0x0  }
0xbc: {  	[sflag:s6] =	ssyncadd.s32 $0xFFFFD800  }
0xbd: {  	[tilespmem:s5], [sflag:$0x1] =	stream.linear.gather [spmem:s30], $0x2800, $0x38;
	[tilespmem:$0x1B900] =	vst v63  }
0xbe: {  	_ =	swait.ge [sflag:s6], $0x2800  }
0xbf: {  	[sflag:s6] =	ssyncset.done $0x0  }
0xc0: {  	s22 =	smov.u32 s30;
	s30 =	rddreg [dreg:$0xe];
	[sflag:s6] =	ssyncadd.s32 $0xFFFFD800  }
0xc1: {  	[hbm4b:s30+s9] =	stream.strided.scatter [tilespmem:s5], [sflag:$0x1], $0x2800, s10, s9, $0x38;
	[tilespmem:$0x1B900] =	vst v63  }
0xc2: {  	_ =	swait.ge [sflag:s6], $0x2800  }
0xc3: {  	[sflag:s6] =	ssyncset.done $0x0  }
0xc4: {  	[sflag:s6] =	ssyncadd.s32 $0xFFFFD800  }
0xc5: {  	[tilespmem:s5], [sflag:$0x1] =	stream.linear.gather [spmem:s31], $0x2800, $0x38;
	[tilespmem:$0x1B900] =	vst v63  }
0xc6: {  	_ =	swait.ge [sflag:s6], $0x2800  }
0xc7: {  	[sflag:s6] =	ssyncset.done $0x0  }
0xc8: {  	s16 =	rddreg [dreg:$0xf];
	[sflag:s6] =	ssyncadd.s32 $0xFFFFD800  }
0xc9: {  	[hbm4b:s16+s9] =	stream.strided.scatter [tilespmem:s5], [sflag:$0x1], $0x2800, s10, s9, $0x38;
	[tilespmem:$0x1B900] =	vst v63  }
0xca: {  	_ =	swait.ge [sflag:s6], $0x2800  }
0xcb: {  	[sflag:s6] =	ssyncset.done $0x0  }
0xcc: {  	[sflag:s6] =	ssyncadd.s32 $0xFFFFD800  }
0xcd: {  	[tilespmem:s5], [sflag:$0x1] =	stream.linear.gather [spmem:s19], $0x2800, $0x38;
	[tilespmem:$0x1B900] =	vst v63  }
0xce: {  	_ =	swait.ge [sflag:s6], $0x2800  }
0xcf: {  	[sflag:s6] =	ssyncset.done $0x0  }
0xd0: {  	s17 =	rddreg [dreg:$0x10];
	[sflag:s6] =	ssyncadd.s32 $0xFFFFD800  }
0xd1: {  	[hbm4b:s17+s9] =	stream.strided.scatter [tilespmem:s5], [sflag:$0x1], $0x2800, s10, s9, $0x38;
	[tilespmem:$0x1B900] =	vst v63  }
0xd2: {  	_ =	swait.ge [sflag:s6], $0x2800  }
0xd3: {  	[sflag:s6] =	ssyncset.done $0x0  }
0xd4: {  	[sflag:s6] =	ssyncadd.s32 $0xFFFFD800  }
0xd5: {  	[tilespmem:s5], [sflag:$0x1] =	stream.linear.gather [spmem:s0], $0x2800, $0x38;
	[tilespmem:$0x1B900] =	vst v63  }
0xd6: {  	_ =	swait.ge [sflag:s6], $0x2800  }
0xd7: {  	[sflag:s6] =	ssyncset.done $0x0  }
0xd8: {  	s24 =	smov.u32 s19;
	s19 =	rddreg [dreg:$0x11];
	[sflag:s6] =	ssyncadd.s32 $0xFFFFD800  }
0xd9: {  	[hbm4b:s19+s9] =	stream.strided.scatter [tilespmem:s5], [sflag:$0x1], $0x2800, s10, s9, $0x38;
	[tilespmem:$0x1B900] =	vst v63  }
0xda: {  	_ =	swait.ge [sflag:s6], $0x2800  }
0xdb: {  	[sflag:s6] =	ssyncset.done $0x0  }
0xdc: {  	[sflag:s6] =	ssyncadd.s32 $0xFFFFD800  }
0xdd: {  	[tilespmem:s5], [sflag:$0x1] =	stream.linear.gather [spmem:s2], $0x2800, $0x38;
	[tilespmem:$0x1B900] =	vst v63  }
0xde: {  	_ =	swait.ge [sflag:s6], $0x2800  }
0xdf: {  	[sflag:s6] =	ssyncset.done $0x0  }
0xe0: {  	s26 =	rddreg [dreg:$0x12];
	[sflag:s6] =	ssyncadd.s32 $0xFFFFD800  }
0xe1: {  	[hbm4b:s26+s9] =	stream.strided.scatter [tilespmem:s5], [sflag:$0x1], $0x2800, s10, s9, $0x38;
	[tilespmem:$0x1B900] =	vst v63  }
0xe2: {  	_ =	swait.ge [sflag:s6], $0x2800  }
0xe3: {  	[sflag:s6] =	ssyncset.done $0x0  }
0xe4: {  	[sflag:s6] =	ssyncadd.s32 $0xFFFFD800  }
0xe5: {  	[tilespmem:s5], [sflag:$0x1] =	stream.linear.gather [spmem:s3], $0x2800, $0x38;
	[tilespmem:$0x1B900] =	vst v63  }
0xe6: {  	_ =	swait.ge [sflag:s6], $0x2800  }
0xe7: {  	[sflag:s6] =	ssyncset.done $0x0  }
0xe8: {  	s20 =	smov.u32 s29;
	s29 =	rddreg [dreg:$0x13];
	[sflag:s6] =	ssyncadd.s32 $0xFFFFD800  }
0xe9: {  	[hbm4b:s29+s9] =	stream.strided.scatter [tilespmem:s5], [sflag:$0x1], $0x2800, s10, s9, $0x38;
	[tilespmem:$0x1B900] =	vst v63  }
0xea: {  	_ =	swait.ge [sflag:s6], $0x2800  }
0xeb: {  	[sflag:s6] =	ssyncset.done $0x0  }
0xec: {  	s25 =	smov.u32 s0;
	s0 =	rddreg [dreg:$0x17];
	[sflag:s6] =	ssyncadd.s32 $0xFFFFD800  }
0xed: {  	[tilespmem:s5], [sflag:$0x1] =	stream.linear.gather [spmem:s0], $0x2800, $0x38;
	[tilespmem:$0x1B900] =	vst v63  }
0xee: {  	_ =	swait.ge [sflag:s6], $0x2800  }
0xef: {  	[sflag:s6] =	ssyncset.done $0x0  }
0xf0: {  	s30 =	rddreg [dreg:$0x14];
	[sflag:s6] =	ssyncadd.s32 $0xFFFFD800  }
0xf1: {  	[hbm4b:s30+s9] =	stream.strided.scatter [tilespmem:s5], [sflag:$0x1], $0x2800, s10, s9, $0x38;
	[tilespmem:$0x1B900] =	vst v63  }
0xf2: {  	_ =	swait.ge [sflag:s6], $0x2800  }
0xf3: {  	[sflag:s6] =	ssyncset.done $0x0  }
0xf4: {  	[sflag:s6] =	ssyncadd.s32 $0xFFFFD800  }
0xf5: {  	[tilespmem:s14], [sflag:$0x1] =	stream.linear.gather @!p0 [spmem:s28], $0x2800, $0x38;
	[tilespmem:$0x1B900] =	vst v63  }
0xf6: {  	_ =	swait.ge @!p0 [sflag:s15], $0x2800  }
0xf7: {  	[sflag:s15] =	ssyncset.done @!p0 $0x0  }
0xf8: {  	s7 =	rddreg [dreg:$0x15];
	[sflag:s15] =	ssyncadd.s32 @!p0 $0xFFFFD800  }
0xf9: {  	[hbm4b:s7+s13] =	stream.linear.scatter @!p0 [tilespmem:s14], [sflag:$0x1], $0x2800, $0x38;
	[tilespmem:$0x1B900] =	vst v63  }
0xfa: {  	_ =	swait.ge @!p0 [sflag:s15], $0x2800  }
0xfb: {  	s23 =	smov.u32 s31;
	s12 =	sadd.s32 $0x1, s12;
	s31 =	rddreg [dreg:$0x16]  }
0xfc: {  	p1 =	sne.s32 s12, s31  }
.Ltmp1:
0xfd: {  	_ = 	snop;
	(pc) =	sbr.rel @p1 .LBB2_1-.Ltmp1, $3  }
0xfe: {  	_ =	sdelay $0x1  }
0xff: {  	s16 =	smov.u32 s2;
	[sflag:s15] =	ssyncset.done @!p0 $0x0  }
0x100: {  	s17 =	smov.u32 s28;
	s26 =	smov.u32 s3;
	[sflag:s15] =	ssyncadd.s32 @!p0 $0xFFFFD800  }
0x101: {  	_ =	sfence.sel $0x180000  }
0x102: {  	[bflag:$0x0] =	sbarrier.arrive $0xFFFF  }
0x103: {  	_ =	strace $0x90000056  }
0x104: {  	s0 =	stileid.u32;
	[bflag:$0x2] =	sbarrier.arrive $0xFFFF  }
0x105: {  	p0 =	sne.s32 s0, $0x0;
	s0 =	rddreg [dreg:$0x3]  }
0x106: {  	s0 =	sadd.s32 @!p0 $0x100000, s0  }
0x107: {  	[sflag:s0] =	ssyncadd.tile.s32 @!p0 $0x1;
	_ =	shalt  }
.Lfunc_end2:
_tile_overlayer_lowered:
.L_overlay_start_2:
0x108: {  	(tag) =	ssettag $0x2  }
0x109: {  	s0 =	rddreg [dreg:$0x0];
	s2 =	stileid.u32  }
0x10a: {  	s1 =	rddreg [dreg:$0x1];
	p0 =	sne.s32 s2, $0x0  }
0x10b: {  	s3 =	rddreg [dreg:$0x2];
	[bflag:$0x3] =	sbarrier.arrive $0xFFFF;
	s2 =	simm.s32 @!p0 $0x1C01  }
0x10c: {  	[timem:s3], [sflag:s2] =	dma.local @!p0 [hbm:s0], s1  }
0x10d: {  	s0 =	simm.s32 @!p0 $0x1  }
0x10e: {  	_ =	swait.ge @!p0 [sflag:s0], s1  }
0x10f: {  	s1 =	ssub.s32 @!p0 $0x0, s1;
	[sflag:s0] =	ssyncset.done @!p0 $0x0  }
0x110: {  	[sflag:s0] =	ssyncadd.s32 @!p0 s1  }
0x111: {  	[bflag:$0x3] =	sbarrier.arrive $0xFFFF  }
0x112: {  	_ =	shalt  }

</sc_bundles>
